<compile_context>
chip_gen: v7x
topology: tpu7x:2x2x1
jax: 0.10.2.dev20260603
libtpu: 0.0.44.dev20260713+nightly
codegen_flags: <defaults>
</compile_context>

<pallas_src>
import functools

import jax
import jax.numpy as jnp
from jax import lax
from jax.experimental import pallas as pl
from jax.experimental.pallas import tpu as pltpu
from jax.experimental.pallas import tpu_sc as plsc

_EPS = 1e-5
_DEPS = 1e-12
_NW = 32


def _dot(a, b):
    return jnp.dot(a, b, preferred_element_type=jnp.float32)


_T = 200


def _sc_gather(table, idx_flat):
    V, D = table.shape
    B = idx_flat.shape[0]
    b_per_w = B // _NW
    ch = 400
    n_ch = b_per_w // ch
    mesh = plsc.VectorSubcoreMesh(core_axis_name="c", subcore_axis_name="s")

    @functools.partial(
        pl.kernel,
        mesh=mesh,
        compiler_params=pltpu.CompilerParams(use_tc_tiling_on_sc=False),
        out_type=jax.ShapeDtypeStruct((B, D), jnp.float32),
        scratch_types=[
            pltpu.VMEM((ch,), jnp.int32),
            pltpu.VMEM((ch, D), jnp.float32),
            pltpu.SemaphoreType.DMA,
        ],
    )
    def gk(table_hbm, idx_hbm, out_hbm, idx_v, rows_v, sem):
        wid = lax.axis_index("s") * 2 + lax.axis_index("c")
        base = wid * b_per_w
        for j in range(n_ch):
            off = base + j * ch
            pltpu.sync_copy(idx_hbm.at[pl.ds(off, ch)], idx_v)
            pltpu.async_copy(table_hbm.at[idx_v], rows_v, sem).wait()
            pltpu.sync_copy(rows_v, out_hbm.at[pl.ds(off, ch)])

    return gk(table, idx_flat)


def _tile_spec(bshape):
    nd = len(bshape)
    return pl.BlockSpec(bshape, lambda i: (i,) + (0,) * (nd - 1))


def _fix_spec(shape):
    nd = len(shape)
    return pl.BlockSpec(shape, lambda i: (0,) * nd)


def _rep_k(x, k):
    t, c = x.shape
    return jnp.broadcast_to(x[:, None, :], (t, k, c)).reshape(t * k, c)


def _pos_preact(xyzj, xi, wpt, bp, k):
    xi_rep = _rep_k(xi, k)
    diff = xyzj - xi_rep
    dist = jnp.sqrt(jnp.sum(diff * diff, axis=-1, keepdims=True) + _DEPS)
    geo = jnp.concatenate(
        [xi_rep[:, 0:3], xyzj[:, 0:3], diff[:, 0:3], dist], axis=-1)
    return _dot(geo, wpt) + bp


def _bn_apply(y, stats, m, g, beta):
    s = stats[...]
    mean = s[0:1, :] / m
    var = s[1:2, :] / m - mean * mean
    scale = g * lax.rsqrt(var + _EPS)
    return y * scale + (beta - mean * scale)


def _acc_stats(stat_ref, y):
    i = pl.program_id(0)
    s1 = jnp.sum(y, axis=0, keepdims=True)
    s2 = jnp.sum(y * y, axis=0, keepdims=True)
    part = jnp.concatenate([s1, s2], axis=0)

    @pl.when(i == 0)
    def _():
        stat_ref[...] = jnp.zeros_like(stat_ref)

    stat_ref[...] += part


def _table_build(feat, ptsr, sub_p, w2t):
    wt, b, g, beta = sub_p

    def body(f_ref, p_ref, w_ref, b_ref, g_ref, bt_ref, w2_ref, o_ref):
        y = _dot(f_ref[...], w_ref[...]) + b_ref[...]
        mean = jnp.mean(y, axis=0, keepdims=True)
        var = jnp.mean((y - mean) ** 2, axis=0, keepdims=True)
        sub = jax.nn.relu(
            g_ref[...] * (y - mean) * lax.rsqrt(var + _EPS) + bt_ref[...])
        t2 = _dot(sub, w2_ref[...])
        z = jnp.zeros_like(t2)
        o_ref[...] = jnp.concatenate(
            [t2, p_ref[...], z, z, z[:, 0:16]], axis=-1)

    n = feat.shape[0]
    return pl.pallas_call(
        body,
        out_shape=jax.ShapeDtypeStruct((n, 128), jnp.float32),
    )(feat, ptsr, wt, b, g, beta, w2t)


def _pos_stats(g0, ptsr, wpt, bp, n, k):
    def body(g_ref, pts_ref, wpt_ref, bp_ref, stat_ref):
        y = _pos_preact(g_ref[...][:, 32:48], pts_ref[...],
                        wpt_ref[...], bp_ref[...], k)
        _acc_stats(stat_ref, y)

    return pl.pallas_call(
        body,
        grid=(n // _T,),
        in_specs=[
            _tile_spec((_T * k, 128)),
            _tile_spec((_T, 16)),
            _fix_spec((10, 32)),
            _fix_spec((1, 32)),
        ],
        out_specs=_fix_spec((2, 32)),
        out_shape=jax.ShapeDtypeStruct((2, 32), jnp.float32),
    )(g0, ptsr, wpt, bp)


def _gcm_front(g, pts_ref_v, sp_ref, pos_p_refs, w1_ref, bg_ref, n, k):
    wpt_ref, bp_ref, gp_r, btp_r = pos_p_refs
    t2b = g[:, 0:32] + bg_ref[...]
    xyzj = g[:, 32:48]
    ypos = _pos_preact(xyzj, pts_ref_v, wpt_ref[...], bp_ref[...], k)
    ef = jax.nn.relu(
        _bn_apply(ypos, sp_ref, float(n * k), gp_r[...], btp_r[...]))
    return t2b + _dot(ef, w1_ref[...])


def _gcm_stats(gt, ptsr, stats_pos, pos_p, w1t, bg, n, k):
    wpt, bp, gpos, btpos = pos_p

    def body(g_ref, pts_ref, sp_ref, wpt_ref, bp_ref, gp_r, btp_r,
             w1_ref, bg_ref, stat_ref):
        y = _gcm_front(g_ref[...], pts_ref[...], sp_ref,
                       (wpt_ref, bp_ref, gp_r, btp_r),
                       w1_ref, bg_ref, n, k)
        _acc_stats(stat_ref, y)

    return pl.pallas_call(
        body,
        grid=(n // _T,),
        in_specs=[
            _tile_spec((_T * k, 128)),
            _tile_spec((_T, 16)),
            _fix_spec((2, 32)),
            _fix_spec((10, 32)),
            _fix_spec((1, 32)),
            _fix_spec((1, 32)),
            _fix_spec((1, 32)),
            _fix_spec((32, 32)),
            _fix_spec((1, 32)),
        ],
        out_specs=_fix_spec((2, 32)),
        out_shape=jax.ShapeDtypeStruct((2, 32), jnp.float32),
    )(gt, ptsr, stats_pos, wpt, bp, gpos, btpos, w1t, bg)


def _gcm_pool(gt, ptsr, stats_pos, stats_g, pos_p, w1t, bg, ggcm, btgcm,
              att_w, att_b, n, k):
    wpt, bp, gpos, btpos = pos_p

    def body(g_ref, pts_ref, sp_ref, sg_ref, wpt_ref, bp_ref, gp_r,
             btp_r, w1_ref, bg_ref, gg_r, btg_r, aw_ref, ab_ref, o_ref):
        y = _gcm_front(g_ref[...], pts_ref[...], sp_ref,
                       (wpt_ref, bp_ref, gp_r, btp_r),
                       w1_ref, bg_ref, n, k)
        c = jax.nn.relu(
            _bn_apply(y, sg_ref, float(n * k), gg_r[...], btg_r[...]))
        c3 = c.reshape(_T, k, 32)
        w3 = aw_ref[...].reshape(1, k, 1)
        score = jnp.sum(c3 * w3, axis=1) + ab_ref[...]
        mx = jnp.max(score, axis=-1, keepdims=True)
        e = jnp.exp(score - mx)
        sm = e / jnp.sum(e, axis=-1, keepdims=True)
        pooled = jnp.max(c3, axis=1)
        o_ref[...] = pooled * (1.0 + sm)

    return pl.pallas_call(
        body,
        grid=(n // _T,),
        in_specs=[
            _tile_spec((_T * k, 128)),
            _tile_spec((_T, 16)),
            _fix_spec((2, 32)),
            _fix_spec((2, 32)),
            _fix_spec((10, 32)),
            _fix_spec((1, 32)),
            _fix_spec((1, 32)),
            _fix_spec((1, 32)),
            _fix_spec((32, 32)),
            _fix_spec((1, 32)),
            _fix_spec((1, 32)),
            _fix_spec((1, 32)),
            _fix_spec((32, 1)),
            _fix_spec((1, 1)),
        ],
        out_specs=_tile_spec((_T, 32)),
        out_shape=jax.ShapeDtypeStruct((n, 32), jnp.float32),
    )(gt, ptsr, stats_pos, stats_g, wpt, bp, gpos, btpos, w1t, bg,
      ggcm, btgcm, att_w, att_b)


def _up_res(feat, pooled, up_p, res_p):
    wut, bu, gu, btu = up_p
    wrt, br, gr, btr = res_p

    def body(f_ref, p_ref, wu_ref, bu_ref, gu_r, btu_r, wr_ref, br_ref, gr_r,
             btr_r, o_ref):
        yu = _dot(p_ref[...], wu_ref[...]) + bu_ref[...]
        mu = jnp.mean(yu, axis=0, keepdims=True)
        vu = jnp.mean((yu - mu) ** 2, axis=0, keepdims=True)
        up = jax.nn.relu(
            gu_r[...] * (yu - mu) * lax.rsqrt(vu + _EPS) + btu_r[...])
        yr = _dot(f_ref[...], wr_ref[...]) + br_ref[...]
        mr = jnp.mean(yr, axis=0, keepdims=True)
        vr = jnp.mean((yr - mr) ** 2, axis=0, keepdims=True)
        res = jax.nn.relu(
            gr_r[...] * (yr - mr) * lax.rsqrt(vr + _EPS) + btr_r[...])
        o_ref[...] = res + up

    n = feat.shape[0]
    o = up_p[0].shape[1]
    return pl.pallas_call(
        body,
        out_shape=jax.ShapeDtypeStruct((n, o), jnp.float32),
    )(feat, pooled, wut, bu, gu, btu, wrt, br, gr, btr)


def _row(v):
    return v.reshape(1, -1).astype(jnp.float32)


def kernel(points, features, grouped_idx, params):
    n = points.shape[1]
    k = grouped_idx.shape[2]
    ptsr = jnp.pad(points[0].astype(jnp.float32), ((0, 0), (0, 13)))
    feat = features[0].astype(jnp.float32)
    idx = grouped_idx[0].reshape(-1).astype(jnp.int32)

    pp = params['pos']
    wpt = pp['W'].T.astype(jnp.float32)
    pos_p = (wpt, _row(pp['b']), _row(pp['g']), _row(pp['beta']))

    stats_pos = None
    f = feat
    for li, lp in enumerate(params['lme']):
        sp = lp['sub']
        sub_p = (sp['W'].T.astype(jnp.float32), _row(sp['b']), _row(sp['g']),
                 _row(sp['beta']))
        gg = lp['gcm']
        w1t = gg['W'][:, :32].T.astype(jnp.float32)
        w2t = gg['W'][:, 32:].T.astype(jnp.float32)
        bg = _row(gg['b'])

        table = _table_build(f, ptsr, sub_p, w2t)
        gt = _sc_gather(table, idx)
        if stats_pos is None:
            stats_pos = _pos_stats(gt, ptsr, wpt, pos_p[1], n, k)
        stats_g = _gcm_stats(gt, ptsr, stats_pos, pos_p, w1t, bg, n, k)
        att_w = lp['att']['W'][0].reshape(-1, 1).astype(jnp.float32)
        att_b = lp['att']['b'].reshape(1, 1).astype(jnp.float32)
        pooled = _gcm_pool(gt, ptsr, stats_pos, stats_g, pos_p, w1t, bg,
                           _row(gg['g']), _row(gg['beta']), att_w, att_b,
                           n, k)

        up = lp['up']
        res = lp['res']
        up_p = (up['W'].T.astype(jnp.float32), _row(up['b']), _row(up['g']),
                _row(up['beta']))
        res_p = (res['W'].T.astype(jnp.float32), _row(res['b']),
                 _row(res['g']), _row(res['beta']))
        f = _up_res(f, pooled, up_p, res_p)

    return f[None]

# --- scband reference (transcript-rebuilt; emitter-appended) ---
"""Pipeline reference for scband-bridge-net-ff-v2-37855841747268 (READ-ONLY COPY).

The authoritative reference and input builder live on the scoring server;
editing this copy changes nothing except your own understanding.
"""

import jax, jax.numpy as jnp
import numpy as np

B, N, K = 1, 10000, 32
IN_CH, OUT_CH, SAMPLE_CH, GEO_CH = 128, 128, 32, 10
N_LAYERS = 2


def _conv_bn_act(x, p):
    # 1x1 Conv2d over channel dim of x: [B, C, N, K] -> [B, O, N, K], then
    # BatchNorm2d (training-mode batch stats, per-channel affine) + ReLU.
    y = jnp.einsum('oc,bcnk->bonk', p['W'], x) + p['b'][None, :, None, None]
    mean = jnp.mean(y, axis=(0, 2, 3), keepdims=True)
    var = jnp.var(y, axis=(0, 2, 3), keepdims=True)
    y = (y - mean) / jnp.sqrt(var + 1e-5)
    y = p['g'][None, :, None, None] * y + p['beta'][None, :, None, None]
    return jax.nn.relu(y)


def _index_points(points, idx):
    # points: [B, N, C], idx: [B, S, K] -> [B, S, K, C] (gather)
    b = jnp.arange(points.shape[0])[:, None, None]
    return points[b, idx]


def _geo_feature_encoding(xyz, grouped_xyz):
    # [xi, xj, xj - xi, ||xj - xi||] -> geo_ch = 10
    tiled = jnp.broadcast_to(xyz[:, :, None, :], grouped_xyz.shape)
    diff = grouped_xyz - tiled
    dist = jnp.sqrt(jnp.sum(diff * diff, axis=-1, keepdims=True) + 1e-12)
    return jnp.concatenate([tiled, grouped_xyz, diff, dist], axis=-1)


def _loc_feacoding(expanded_f, feature, grouped_idx, p):
    # expanded_f: [B, sample_ch, N, K]; feature: [B, in_ch, N, 1]
    sub = _conv_bn_act(feature, p['sub'])            # [B, sample_ch, N, 1]
    sub = jnp.squeeze(sub, -1).transpose(0, 2, 1)     # [B, N, sample_ch]
    ef = expanded_f.transpose(0, 2, 3, 1)             # [B, N, K, sample_ch]
    grouped_sub = _index_points(sub, grouped_idx)     # [B, N, K, sample_ch]
    cat = jnp.concatenate([ef, grouped_sub], axis=-1) # [B, N, K, 2*sample_ch]
    cat = cat.transpose(0, 3, 1, 2)
    cat = _conv_bn_act(cat, p['gcm'])                 # [B, sample_ch, N, K]
    cat = cat.transpose(0, 2, 3, 1)                   # [B, N, K, ch]
    # attention score: Linear(nsample=K, 1) over the neighbor axis
    score = jnp.einsum('bnkc,k->bnc', cat, p['att']['W'][0]) + p['att']['b'][0]
    score = jax.nn.softmax(score, axis=-1)            # softmax over channels
    pooled = jnp.max(cat, axis=2, keepdims=True)      # maxpooling over K
    pooled = pooled + pooled * score[:, :, None, :]
    pooled = pooled.transpose(0, 3, 1, 2)             # [B, sample_ch, N, 1]
    up = _conv_bn_act(pooled, p['up'])                # [B, out_ch, N, 1]
    res = _conv_bn_act(feature, p['res'])             # [B, out_ch, N, 1]
    return res + up


def _forward(points, features, grouped_idx, params):
    grouped_points = _index_points(points, grouped_idx)       # [B, N, K, 3]
    ef = _geo_feature_encoding(points[..., :3], grouped_points[..., :3])
    ef = ef.transpose(0, 3, 1, 2)                             # [B, 10, N, K]
    ef = _conv_bn_act(ef, params['pos'])                      # [B, sample_ch, N, K]
    feat = features.transpose(0, 2, 1)[..., None]             # [B, in_ch, N, 1]
    for p in params['lme']:
        feat = _loc_feacoding(ef, feat, grouped_idx, p)
    return jnp.squeeze(feat, -1).transpose(0, 2, 1)           # [B, N, out_ch]


def _make_params(key):
    ks = iter(jax.random.split(key, 64))

    def cb(out_c, in_c):
        return {'W': jax.random.normal(next(ks), (out_c, in_c), jnp.float32) * 0.1,
                'b': jnp.zeros((out_c,), jnp.float32),
                'g': jnp.ones((out_c,), jnp.float32),
                'beta': jnp.zeros((out_c,), jnp.float32)}

    params = {'pos': cb(SAMPLE_CH, GEO_CH), 'lme': []}
    for _ in range(N_LAYERS):
        params['lme'].append({
            'sub': cb(SAMPLE_CH, IN_CH),
            'gcm': cb(SAMPLE_CH, SAMPLE_CH * 2),
            'up': cb(OUT_CH, SAMPLE_CH),
            'res': cb(OUT_CH, IN_CH),
            'att': {'W': jax.random.normal(next(ks), (1, K), jnp.float32) * 0.1,
                    'b': jnp.zeros((1,), jnp.float32)},
        })
    return params


def setup_inputs(seed: int = 0):
    key = jax.random.key(seed)
    k1, k2, k3, k4 = jax.random.split(key, 4)
    points = jax.random.normal(k1, (B, N, 3), jnp.float32)
    features = jax.random.normal(k2, (B, N, IN_CH), jnp.float32)
    grouped_idx = jax.random.randint(k3, (B, N, K), 0, N)
    params = _make_params(k4)
    return {'points': points, 'features': features,
            'grouped_idx': grouped_idx, 'params': params}


def reference(points, features, grouped_idx, params):
    return _forward(points, features, grouped_idx, params)

if __name__ == "__main__":
    import jax
    _d = setup_inputs()
    print(jax.jit(kernel)(*tuple(_d.values())))

</pallas_src>

<mosaic_0001>
#map = affine_map<(d0, d1) -> (0, 0)>
#map1 = affine_map<(d0, d1) -> (0)>
module attributes {stable_mosaic.version = 14 : i64} {
  func.func @gk(%arg0: i32, %arg1: i32, %arg2: memref<10000x128xf32, #tpu.memory_space<hbm>>, %arg3: memref<320000xi32, #tpu.memory_space<hbm>>, %arg4: memref<320000x128xf32, #tpu.memory_space<hbm>>, %arg5: memref<400xi32, #tpu.memory_space<vmem>>, %arg6: memref<400x128xf32, #tpu.memory_space<vmem>>, %arg7: memref<!tpu.dma_semaphore, #tpu.memory_space<semaphore_mem>>) attributes {dimension_semantics = [#tpu.dimension_semantics<core_parallel>, #tpu.dimension_semantics<subcore_parallel>], iteration_bounds = array<i64: 2, 16>, scalar_prefetch = 0 : i64, scratch_operands = 3 : i64, tpu.core_type = #tpu.core_type<sc_vector_subcore>, window_params = [{transform_indices = #map}, {transform_indices = #map1}, {transform_indices = #map}]} {
    %mul3A = arith.constant 2 : i32
    %mul3A_0 = arith.muli %arg1, %mul3A : i32
    %add3A = arith.addi %mul3A_0, %arg0 : i32
    %mul3A_1 = arith.constant 10000 : i32
    %mul3A_2 = arith.muli %add3A, %mul3A_1 : i32
    %add3A_3 = arith.constant 0 : i32
    %add3A_4 = arith.addi %mul3A_2, %add3A_3 : i32
    "tpu.region"() ({
      %run_scoped3A = tpu.sem_alloc : memref<!tpu.dma_semaphore, #tpu.memory_space<semaphore_mem>>
      %dma_start3A_201 = tpu.memref_slice %arg3[%add3A_4] : memref<320000xi32, #tpu.memory_space<hbm>> -> memref<400xi32, #tpu.memory_space<hbm>>
      %dma_start3A_202 = tpu.memref_slice %arg3[%add3A_4] : memref<320000xi32, #tpu.memory_space<hbm>> -> memref<400xi32, #tpu.memory_space<hbm>>
      tpu.enqueue_dma source(%dma_start3A_202 : memref<400xi32, #tpu.memory_space<hbm>>) target(%arg5 : memref<400xi32, #tpu.memory_space<vmem>>) target_semaphore(%run_scoped3A : memref<!tpu.dma_semaphore, #tpu.memory_space<semaphore_mem>>)
      %dma_wait3A_203 = tpu.memref_slice %arg3[%add3A_4] : memref<320000xi32, #tpu.memory_space<hbm>> -> memref<400xi32, #tpu.memory_space<hbm>>
      %dma_wait3A_204 = tpu.memref_slice %arg3[%add3A_4] : memref<320000xi32, #tpu.memory_space<hbm>> -> memref<400xi32, #tpu.memory_space<hbm>>
      tpu.wait_dma2 semaphore(%run_scoped3A : memref<!tpu.dma_semaphore, #tpu.memory_space<semaphore_mem>>) src(%dma_wait3A_204 : memref<400xi32, #tpu.memory_space<hbm>>) dst(%arg5 : memref<400xi32, #tpu.memory_space<vmem>>)
      tpu.yield
    }) : () -> ()
    %dma_start3A = arith.constant 0 : i32
    %dma_start3A_5 = arith.constant 0 : i32
    %dma_start3A_6 = tpu.memref_slice %arg2[%dma_start3A, %dma_start3A_5] : memref<10000x128xf32, #tpu.memory_space<hbm>> -> memref<10000x128xf32, #tpu.memory_space<hbm>>
    tpu.enqueue_indirect_dma source(%dma_start3A_6 : memref<10000x128xf32, #tpu.memory_space<hbm>>) target(%arg6 : memref<400x128xf32, #tpu.memory_space<vmem>>) offsets(%arg5 : memref<400xi32, #tpu.memory_space<vmem>>) semaphore(%arg7 : memref<!tpu.dma_semaphore, #tpu.memory_space<semaphore_mem>>)
    %dma_wait3A = arith.constant 0 : i32
    %dma_wait3A_7 = arith.constant 0 : i32
    %dma_wait3A_8 = tpu.memref_slice %arg2[%dma_wait3A, %dma_wait3A_7] : memref<10000x128xf32, #tpu.memory_space<hbm>> -> memref<10000x128xf32, #tpu.memory_space<hbm>>
    tpu.wait_indirect_dma semaphore(%arg7 : memref<!tpu.dma_semaphore, #tpu.memory_space<semaphore_mem>>) src(%dma_wait3A_8 : memref<10000x128xf32, #tpu.memory_space<hbm>>) dst(%arg6 : memref<400x128xf32, #tpu.memory_space<vmem>>)
    "tpu.region"() ({
      %run_scoped3A = tpu.sem_alloc : memref<!tpu.dma_semaphore, #tpu.memory_space<semaphore_mem>>
      %dma_start3A_201 = arith.constant 0 : i32
      %dma_start3A_202 = tpu.memref_slice %arg4[%add3A_4, %dma_start3A_201] : memref<320000x128xf32, #tpu.memory_space<hbm>> -> memref<400x128xf32, #tpu.memory_space<hbm>>
      %dma_start3A_203 = arith.constant 0 : i32
      %dma_start3A_204 = tpu.memref_slice %arg4[%add3A_4, %dma_start3A_203] : memref<320000x128xf32, #tpu.memory_space<hbm>> -> memref<400x128xf32, #tpu.memory_space<hbm>>
      tpu.enqueue_dma source(%arg6 : memref<400x128xf32, #tpu.memory_space<vmem>>) target(%dma_start3A_204 : memref<400x128xf32, #tpu.memory_space<hbm>>) target_semaphore(%run_scoped3A : memref<!tpu.dma_semaphore, #tpu.memory_space<semaphore_mem>>)
      %dma_wait3A_205 = arith.constant 0 : i32
      %dma_wait3A_206 = tpu.memref_slice %arg4[%add3A_4, %dma_wait3A_205] : memref<320000x128xf32, #tpu.memory_space<hbm>> -> memref<400x128xf32, #tpu.memory_space<hbm>>
      %dma_wait3A_207 = arith.constant 0 : i32
      %dma_wait3A_208 = tpu.memref_slice %arg4[%add3A_4, %dma_wait3A_207] : memref<320000x128xf32, #tpu.memory_space<hbm>> -> memref<400x128xf32, #tpu.memory_space<hbm>>
      tpu.wait_dma2 semaphore(%run_scoped3A : memref<!tpu.dma_semaphore, #tpu.memory_space<semaphore_mem>>) src(%arg6 : memref<400x128xf32, #tpu.memory_space<vmem>>) dst(%dma_wait3A_208 : memref<400x128xf32, #tpu.memory_space<hbm>>)
      tpu.yield
    }) : () -> ()
    %add3A_9 = arith.constant 400 : i32
    %add3A_10 = arith.addi %mul3A_2, %add3A_9 : i32
    "tpu.region"() ({
      %run_scoped3A = tpu.sem_alloc : memref<!tpu.dma_semaphore, #tpu.memory_space<semaphore_mem>>
      %dma_start3A_201 = tpu.memref_slice %arg3[%add3A_10] : memref<320000xi32, #tpu.memory_space<hbm>> -> memref<400xi32, #tpu.memory_space<hbm>>
      %dma_start3A_202 = tpu.memref_slice %arg3[%add3A_10] : memref<320000xi32, #tpu.memory_space<hbm>> -> memref<400xi32, #tpu.memory_space<hbm>>
      tpu.enqueue_dma source(%dma_start3A_202 : memref<400xi32, #tpu.memory_space<hbm>>) target(%arg5 : memref<400xi32, #tpu.memory_space<vmem>>) target_semaphore(%run_scoped3A : memref<!tpu.dma_semaphore, #tpu.memory_space<semaphore_mem>>)
      %dma_wait3A_203 = tpu.memref_slice %arg3[%add3A_10] : memref<320000xi32, #tpu.memory_space<hbm>> -> memref<400xi32, #tpu.memory_space<hbm>>
      %dma_wait3A_204 = tpu.memref_slice %arg3[%add3A_10] : memref<320000xi32, #tpu.memory_space<hbm>> -> memref<400xi32, #tpu.memory_space<hbm>>
      tpu.wait_dma2 semaphore(%run_scoped3A : memref<!tpu.dma_semaphore, #tpu.memory_space<semaphore_mem>>) src(%dma_wait3A_204 : memref<400xi32, #tpu.memory_space<hbm>>) dst(%arg5 : memref<400xi32, #tpu.memory_space<vmem>>)
      tpu.yield
    }) : () -> ()
    %dma_start3A_11 = arith.constant 0 : i32
    %dma_start3A_12 = arith.constant 0 : i32
    %dma_start3A_13 = tpu.memref_slice %arg2[%dma_start3A_11, %dma_start3A_12] : memref<10000x128xf32, #tpu.memory_space<hbm>> -> memref<10000x128xf32, #tpu.memory_space<hbm>>
    tpu.enqueue_indirect_dma source(%dma_start3A_13 : memref<10000x128xf32, #tpu.memory_space<hbm>>) target(%arg6 : memref<400x128xf32, #tpu.memory_space<vmem>>) offsets(%arg5 : memref<400xi32, #tpu.memory_space<vmem>>) semaphore(%arg7 : memref<!tpu.dma_semaphore, #tpu.memory_space<semaphore_mem>>)
    %dma_wait3A_14 = arith.constant 0 : i32
    %dma_wait3A_15 = arith.constant 0 : i32
    %dma_wait3A_16 = tpu.memref_slice %arg2[%dma_wait3A_14, %dma_wait3A_15] : memref<10000x128xf32, #tpu.memory_space<hbm>> -> memref<10000x128xf32, #tpu.memory_space<hbm>>
    tpu.wait_indirect_dma semaphore(%arg7 : memref<!tpu.dma_semaphore, #tpu.memory_space<semaphore_mem>>) src(%dma_wait3A_16 : memref<10000x128xf32, #tpu.memory_space<hbm>>) dst(%arg6 : memref<400x128xf32, #tpu.memory_space<vmem>>)
    "tpu.region"() ({
      %run_scoped3A = tpu.sem_alloc : memref<!tpu.dma_semaphore, #tpu.memory_space<semaphore_mem>>
      %dma_start3A_201 = arith.constant 0 : i32
      %dma_start3A_202 = tpu.memref_slice %arg4[%add3A_10, %dma_start3A_201] : memref<320000x128xf32, #tpu.memory_space<hbm>> -> memref<400x128xf32, #tpu.memory_space<hbm>>
      %dma_start3A_203 = arith.constant 0 : i32
      %dma_start3A_204 = tpu.memref_slice %arg4[%add3A_10, %dma_start3A_203] : memref<320000x128xf32, #tpu.memory_space<hbm>> -> memref<400x128xf32, #tpu.memory_space<hbm>>
      tpu.enqueue_dma source(%arg6 : memref<400x128xf32, #tpu.memory_space<vmem>>) target(%dma_start3A_204 : memref<400x128xf32, #tpu.memory_space<hbm>>) target_semaphore(%run_scoped3A : memref<!tpu.dma_semaphore, #tpu.memory_space<semaphore_mem>>)
      %dma_wait3A_205 = arith.constant 0 : i32
      %dma_wait3A_206 = tpu.memref_slice %arg4[%add3A_10, %dma_wait3A_205] : memref<320000x128xf32, #tpu.memory_space<hbm>> -> memref<400x128xf32, #tpu.memory_space<hbm>>
      %dma_wait3A_207 = arith.constant 0 : i32
      %dma_wait3A_208 = tpu.memref_slice %arg4[%add3A_10, %dma_wait3A_207] : memref<320000x128xf32, #tpu.memory_space<hbm>> -> memref<400x128xf32, #tpu.memory_space<hbm>>
      tpu.wait_dma2 semaphore(%run_scoped3A : memref<!tpu.dma_semaphore, #tpu.memory_space<semaphore_mem>>) src(%arg6 : memref<400x128xf32, #tpu.memory_space<vmem>>) dst(%dma_wait3A_208 : memref<400x128xf32, #tpu.memory_space<hbm>>)
      tpu.yield
    }) : () -> ()
    %add3A_17 = arith.constant 800 : i32
    %add3A_18 = arith.addi %mul3A_2, %add3A_17 : i32
    "tpu.region"() ({
      %run_scoped3A = tpu.sem_alloc : memref<!tpu.dma_semaphore, #tpu.memory_space<semaphore_mem>>
      %dma_start3A_201 = tpu.memref_slice %arg3[%add3A_18] : memref<320000xi32, #tpu.memory_space<hbm>> -> memref<400xi32, #tpu.memory_space<hbm>>
      %dma_start3A_202 = tpu.memref_slice %arg3[%add3A_18] : memref<320000xi32, #tpu.memory_space<hbm>> -> memref<400xi32, #tpu.memory_space<hbm>>
      tpu.enqueue_dma source(%dma_start3A_202 : memref<400xi32, #tpu.memory_space<hbm>>) target(%arg5 : memref<400xi32, #tpu.memory_space<vmem>>) target_semaphore(%run_scoped3A : memref<!tpu.dma_semaphore, #tpu.memory_space<semaphore_mem>>)
      %dma_wait3A_203 = tpu.memref_slice %arg3[%add3A_18] : memref<320000xi32, #tpu.memory_space<hbm>> -> memref<400xi32, #tpu.memory_space<hbm>>
      %dma_wait3A_204 = tpu.memref_slice %arg3[%add3A_18] : memref<320000xi32, #tpu.memory_space<hbm>> -> memref<400xi32, #tpu.memory_space<hbm>>
      tpu.wait_dma2 semaphore(%run_scoped3A : memref<!tpu.dma_semaphore, #tpu.memory_space<semaphore_mem>>) src(%dma_wait3A_204 : memref<400xi32, #tpu.memory_space<hbm>>) dst(%arg5 : memref<400xi32, #tpu.memory_space<vmem>>)
      tpu.yield
    }) : () -> ()
    %dma_start3A_19 = arith.constant 0 : i32
    %dma_start3A_20 = arith.constant 0 : i32
    %dma_start3A_21 = tpu.memref_slice %arg2[%dma_start3A_19, %dma_start3A_20] : memref<10000x128xf32, #tpu.memory_space<hbm>> -> memref<10000x128xf32, #tpu.memory_space<hbm>>
    tpu.enqueue_indirect_dma source(%dma_start3A_21 : memref<10000x128xf32, #tpu.memory_space<hbm>>) target(%arg6 : memref<400x128xf32, #tpu.memory_space<vmem>>) offsets(%arg5 : memref<400xi32, #tpu.memory_space<vmem>>) semaphore(%arg7 : memref<!tpu.dma_semaphore, #tpu.memory_space<semaphore_mem>>)
    %dma_wait3A_22 = arith.constant 0 : i32
    %dma_wait3A_23 = arith.constant 0 : i32
    %dma_wait3A_24 = tpu.memref_slice %arg2[%dma_wait3A_22, %dma_wait3A_23] : memref<10000x128xf32, #tpu.memory_space<hbm>> -> memref<10000x128xf32, #tpu.memory_space<hbm>>
    tpu.wait_indirect_dma semaphore(%arg7 : memref<!tpu.dma_semaphore, #tpu.memory_space<semaphore_mem>>) src(%dma_wait3A_24 : memref<10000x128xf32, #tpu.memory_space<hbm>>) dst(%arg6 : memref<400x128xf32, #tpu.memory_space<vmem>>)
    "tpu.region"() ({
      %run_scoped3A = tpu.sem_alloc : memref<!tpu.dma_semaphore, #tpu.memory_space<semaphore_mem>>
      %dma_start3A_201 = arith.constant 0 : i32
      %dma_start3A_202 = tpu.memref_slice %arg4[%add3A_18, %dma_start3A_201] : memref<320000x128xf32, #tpu.memory_space<hbm>> -> memref<400x128xf32, #tpu.memory_space<hbm>>
      %dma_start3A_203 = arith.constant 0 : i32
      %dma_start3A_204 = tpu.memref_slice %arg4[%add3A_18, %dma_start3A_203] : memref<320000x128xf32, #tpu.memory_space<hbm>> -> memref<400x128xf32, #tpu.memory_space<hbm>>
      tpu.enqueue_dma source(%arg6 : memref<400x128xf32, #tpu.memory_space<vmem>>) target(%dma_start3A_204 : memref<400x128xf32, #tpu.memory_space<hbm>>) target_semaphore(%run_scoped3A : memref<!tpu.dma_semaphore, #tpu.memory_space<semaphore_mem>>)
      %dma_wait3A_205 = arith.constant 0 : i32
      %dma_wait3A_206 = tpu.memref_slice %arg4[%add3A_18, %dma_wait3A_205] : memref<320000x128xf32, #tpu.memory_space<hbm>> -> memref<400x128xf32, #tpu.memory_space<hbm>>
      %dma_wait3A_207 = arith.constant 0 : i32
      %dma_wait3A_208 = tpu.memref_slice %arg4[%add3A_18, %dma_wait3A_207] : memref<320000x128xf32, #tpu.memory_space<hbm>> -> memref<400x128xf32, #tpu.memory_space<hbm>>
      tpu.wait_dma2 semaphore(%run_scoped3A : memref<!tpu.dma_semaphore, #tpu.memory_space<semaphore_mem>>) src(%arg6 : memref<400x128xf32, #tpu.memory_space<vmem>>) dst(%dma_wait3A_208 : memref<400x128xf32, #tpu.memory_space<hbm>>)
      tpu.yield
    }) : () -> ()
    %add3A_25 = arith.constant 1200 : i32
    %add3A_26 = arith.addi %mul3A_2, %add3A_25 : i32
    "tpu.region"() ({
      %run_scoped3A = tpu.sem_alloc : memref<!tpu.dma_semaphore, #tpu.memory_space<semaphore_mem>>
      %dma_start3A_201 = tpu.memref_slice %arg3[%add3A_26] : memref<320000xi32, #tpu.memory_space<hbm>> -> memref<400xi32, #tpu.memory_space<hbm>>
      %dma_start3A_202 = tpu.memref_slice %arg3[%add3A_26] : memref<320000xi32, #tpu.memory_space<hbm>> -> memref<400xi32, #tpu.memory_space<hbm>>
      tpu.enqueue_dma source(%dma_start3A_202 : memref<400xi32, #tpu.memory_space<hbm>>) target(%arg5 : memref<400xi32, #tpu.memory_space<vmem>>) target_semaphore(%run_scoped3A : memref<!tpu.dma_semaphore, #tpu.memory_space<semaphore_mem>>)
      %dma_wait3A_203 = tpu.memref_slice %arg3[%add3A_26] : memref<320000xi32, #tpu.memory_space<hbm>> -> memref<400xi32, #tpu.memory_space<hbm>>
      %dma_wait3A_204 = tpu.memref_slice %arg3[%add3A_26] : memref<320000xi32, #tpu.memory_space<hbm>> -> memref<400xi32, #tpu.memory_space<hbm>>
      tpu.wait_dma2 semaphore(%run_scoped3A : memref<!tpu.dma_semaphore, #tpu.memory_space<semaphore_mem>>) src(%dma_wait3A_204 : memref<400xi32, #tpu.memory_space<hbm>>) dst(%arg5 : memref<400xi32, #tpu.memory_space<vmem>>)
      tpu.yield
    }) : () -> ()
    %dma_start3A_27 = arith.constant 0 : i32
    %dma_start3A_28 = arith.constant 0 : i32
    %dma_start3A_29 = tpu.memref_slice %arg2[%dma_start3A_27, %dma_start3A_28] : memref<10000x128xf32, #tpu.memory_space<hbm>> -> memref<10000x128xf32, #tpu.memory_space<hbm>>
    tpu.enqueue_indirect_dma source(%dma_start3A_29 : memref<10000x128xf32, #tpu.memory_space<hbm>>) target(%arg6 : memref<400x128xf32, #tpu.memory_space<vmem>>) offsets(%arg5 : memref<400xi32, #tpu.memory_space<vmem>>) semaphore(%arg7 : memref<!tpu.dma_semaphore, #tpu.memory_space<semaphore_mem>>)
    %dma_wait3A_30 = arith.constant 0 : i32
    %dma_wait3A_31 = arith.constant 0 : i32
    %dma_wait3A_32 = tpu.memref_slice %arg2[%dma_wait3A_30, %dma_wait3A_31] : memref<10000x128xf32, #tpu.memory_space<hbm>> -> memref<10000x128xf32, #tpu.memory_space<hbm>>
    tpu.wait_indirect_dma semaphore(%arg7 : memref<!tpu.dma_semaphore, #tpu.memory_space<semaphore_mem>>) src(%dma_wait3A_32 : memref<10000x128xf32, #tpu.memory_space<hbm>>) dst(%arg6 : memref<400x128xf32, #tpu.memory_space<vmem>>)
    "tpu.region"() ({
      %run_scoped3A = tpu.sem_alloc : memref<!tpu.dma_semaphore, #tpu.memory_space<semaphore_mem>>
      %dma_start3A_201 = arith.constant 0 : i32
      %dma_start3A_202 = tpu.memref_slice %arg4[%add3A_26, %dma_start3A_201] : memref<320000x128xf32, #tpu.memory_space<hbm>> -> memref<400x128xf32, #tpu.memory_space<hbm>>
      %dma_start3A_203 = arith.constant 0 : i32
      %dma_start3A_204 = tpu.memref_slice %arg4[%add3A_26, %dma_start3A_203] : memref<320000x128xf32, #tpu.memory_space<hbm>> -> memref<400x128xf32, #tpu.memory_space<hbm>>
      tpu.enqueue_dma source(%arg6 : memref<400x128xf32, #tpu.memory_space<vmem>>) target(%dma_start3A_204 : memref<400x128xf32, #tpu.memory_space<hbm>>) target_semaphore(%run_scoped3A : memref<!tpu.dma_semaphore, #tpu.memory_space<semaphore_mem>>)
      %dma_wait3A_205 = arith.constant 0 : i32
      %dma_wait3A_206 = tpu.memref_slice %arg4[%add3A_26, %dma_wait3A_205] : memref<320000x128xf32, #tpu.memory_space<hbm>> -> memref<400x128xf32, #tpu.memory_space<hbm>>
      %dma_wait3A_207 = arith.constant 0 : i32
      %dma_wait3A_208 = tpu.memref_slice %arg4[%add3A_26, %dma_wait3A_207] : memref<320000x128xf32, #tpu.memory_space<hbm>> -> memref<400x128xf32, #tpu.memory_space<hbm>>
      tpu.wait_dma2 semaphore(%run_scoped3A : memref<!tpu.dma_semaphore, #tpu.memory_space<semaphore_mem>>) src(%arg6 : memref<400x128xf32, #tpu.memory_space<vmem>>) dst(%dma_wait3A_208 : memref<400x128xf32, #tpu.memory_space<hbm>>)
      tpu.yield
    }) : () -> ()
    %add3A_33 = arith.constant 1600 : i32
    %add3A_34 = arith.addi %mul3A_2, %add3A_33 : i32
    "tpu.region"() ({
      %run_scoped3A = tpu.sem_alloc : memref<!tpu.dma_semaphore, #tpu.memory_space<semaphore_mem>>
      %dma_start3A_201 = tpu.memref_slice %arg3[%add3A_34] : memref<320000xi32, #tpu.memory_space<hbm>> -> memref<400xi32, #tpu.memory_space<hbm>>
      %dma_start3A_202 = tpu.memref_slice %arg3[%add3A_34] : memref<320000xi32, #tpu.memory_space<hbm>> -> memref<400xi32, #tpu.memory_space<hbm>>
      tpu.enqueue_dma source(%dma_start3A_202 : memref<400xi32, #tpu.memory_space<hbm>>) target(%arg5 : memref<400xi32, #tpu.memory_space<vmem>>) target_semaphore(%run_scoped3A : memref<!tpu.dma_semaphore, #tpu.memory_space<semaphore_mem>>)
      %dma_wait3A_203 = tpu.memref_slice %arg3[%add3A_34] : memref<320000xi32, #tpu.memory_space<hbm>> -> memref<400xi32, #tpu.memory_space<hbm>>
      %dma_wait3A_204 = tpu.memref_slice %arg3[%add3A_34] : memref<320000xi32, #tpu.memory_space<hbm>> -> memref<400xi32, #tpu.memory_space<hbm>>
      tpu.wait_dma2 semaphore(%run_scoped3A : memref<!tpu.dma_semaphore, #tpu.memory_space<semaphore_mem>>) src(%dma_wait3A_204 : memref<400xi32, #tpu.memory_space<hbm>>) dst(%arg5 : memref<400xi32, #tpu.memory_space<vmem>>)
      tpu.yield
    }) : () -> ()
    %dma_start3A_35 = arith.constant 0 : i32
    %dma_start3A_36 = arith.constant 0 : i32
    %dma_start3A_37 = tpu.memref_slice %arg2[%dma_start3A_35, %dma_start3A_36] : memref<10000x128xf32, #tpu.memory_space<hbm>> -> memref<10000x128xf32, #tpu.memory_space<hbm>>
    tpu.enqueue_indirect_dma source(%dma_start3A_37 : memref<10000x128xf32, #tpu.memory_space<hbm>>) target(%arg6 : memref<400x128xf32, #tpu.memory_space<vmem>>) offsets(%arg5 : memref<400xi32, #tpu.memory_space<vmem>>) semaphore(%arg7 : memref<!tpu.dma_semaphore, #tpu.memory_space<semaphore_mem>>)
    %dma_wait3A_38 = arith.constant 0 : i32
    %dma_wait3A_39 = arith.constant 0 : i32
    %dma_wait3A_40 = tpu.memref_slice %arg2[%dma_wait3A_38, %dma_wait3A_39] : memref<10000x128xf32, #tpu.memory_space<hbm>> -> memref<10000x128xf32, #tpu.memory_space<hbm>>
    tpu.wait_indirect_dma semaphore(%arg7 : memref<!tpu.dma_semaphore, #tpu.memory_space<semaphore_mem>>) src(%dma_wait3A_40 : memref<10000x128xf32, #tpu.memory_space<hbm>>) dst(%arg6 : memref<400x128xf32, #tpu.memory_space<vmem>>)
    "tpu.region"() ({
      %run_scoped3A = tpu.sem_alloc : memref<!tpu.dma_semaphore, #tpu.memory_space<semaphore_mem>>
      %dma_start3A_201 = arith.constant 0 : i32
      %dma_start3A_202 = tpu.memref_slice %arg4[%add3A_34, %dma_start3A_201] : memref<320000x128xf32, #tpu.memory_space<hbm>> -> memref<400x128xf32, #tpu.memory_space<hbm>>
      %dma_start3A_203 = arith.constant 0 : i32
      %dma_start3A_204 = tpu.memref_slice %arg4[%add3A_34, %dma_start3A_203] : memref<320000x128xf32, #tpu.memory_space<hbm>> -> memref<400x128xf32, #tpu.memory_space<hbm>>
      tpu.enqueue_dma source(%arg6 : memref<400x128xf32, #tpu.memory_space<vmem>>) target(%dma_start3A_204 : memref<400x128xf32, #tpu.memory_space<hbm>>) target_semaphore(%run_scoped3A : memref<!tpu.dma_semaphore, #tpu.memory_space<semaphore_mem>>)
      %dma_wait3A_205 = arith.constant 0 : i32
      %dma_wait3A_206 = tpu.memref_slice %arg4[%add3A_34, %dma_wait3A_205] : memref<320000x128xf32, #tpu.memory_space<hbm>> -> memref<400x128xf32, #tpu.memory_space<hbm>>
      %dma_wait3A_207 = arith.constant 0 : i32
      %dma_wait3A_208 = tpu.memref_slice %arg4[%add3A_34, %dma_wait3A_207] : memref<320000x128xf32, #tpu.memory_space<hbm>> -> memref<400x128xf32, #tpu.memory_space<hbm>>
      tpu.wait_dma2 semaphore(%run_scoped3A : memref<!tpu.dma_semaphore, #tpu.memory_space<semaphore_mem>>) src(%arg6 : memref<400x128xf32, #tpu.memory_space<vmem>>) dst(%dma_wait3A_208 : memref<400x128xf32, #tpu.memory_space<hbm>>)
      tpu.yield
    }) : () -> ()
    %add3A_41 = arith.constant 2000 : i32
    %add3A_42 = arith.addi %mul3A_2, %add3A_41 : i32
    "tpu.region"() ({
      %run_scoped3A = tpu.sem_alloc : memref<!tpu.dma_semaphore, #tpu.memory_space<semaphore_mem>>
      %dma_start3A_201 = tpu.memref_slice %arg3[%add3A_42] : memref<320000xi32, #tpu.memory_space<hbm>> -> memref<400xi32, #tpu.memory_space<hbm>>
      %dma_start3A_202 = tpu.memref_slice %arg3[%add3A_42] : memref<320000xi32, #tpu.memory_space<hbm>> -> memref<400xi32, #tpu.memory_space<hbm>>
      tpu.enqueue_dma source(%dma_start3A_202 : memref<400xi32, #tpu.memory_space<hbm>>) target(%arg5 : memref<400xi32, #tpu.memory_space<vmem>>) target_semaphore(%run_scoped3A : memref<!tpu.dma_semaphore, #tpu.memory_space<semaphore_mem>>)
      %dma_wait3A_203 = tpu.memref_slice %arg3[%add3A_42] : memref<320000xi32, #tpu.memory_space<hbm>> -> memref<400xi32, #tpu.memory_space<hbm>>
      %dma_wait3A_204 = tpu.memref_slice %arg3[%add3A_42] : memref<320000xi32, #tpu.memory_space<hbm>> -> memref<400xi32, #tpu.memory_space<hbm>>
      tpu.wait_dma2 semaphore(%run_scoped3A : memref<!tpu.dma_semaphore, #tpu.memory_space<semaphore_mem>>) src(%dma_wait3A_204 : memref<400xi32, #tpu.memory_space<hbm>>) dst(%arg5 : memref<400xi32, #tpu.memory_space<vmem>>)
      tpu.yield
    }) : () -> ()
    %dma_start3A_43 = arith.constant 0 : i32
    %dma_start3A_44 = arith.constant 0 : i32
    %dma_start3A_45 = tpu.memref_slice %arg2[%dma_start3A_43, %dma_start3A_44] : memref<10000x128xf32, #tpu.memory_space<hbm>> -> memref<10000x128xf32, #tpu.memory_space<hbm>>
    tpu.enqueue_indirect_dma source(%dma_start3A_45 : memref<10000x128xf32, #tpu.memory_space<hbm>>) target(%arg6 : memref<400x128xf32, #tpu.memory_space<vmem>>) offsets(%arg5 : memref<400xi32, #tpu.memory_space<vmem>>) semaphore(%arg7 : memref<!tpu.dma_semaphore, #tpu.memory_space<semaphore_mem>>)
    %dma_wait3A_46 = arith.constant 0 : i32
    %dma_wait3A_47 = arith.constant 0 : i32
    %dma_wait3A_48 = tpu.memref_slice %arg2[%dma_wait3A_46, %dma_wait3A_47] : memref<10000x128xf32, #tpu.memory_space<hbm>> -> memref<10000x128xf32, #tpu.memory_space<hbm>>
    tpu.wait_indirect_dma semaphore(%arg7 : memref<!tpu.dma_semaphore, #tpu.memory_space<semaphore_mem>>) src(%dma_wait3A_48 : memref<10000x128xf32, #tpu.memory_space<hbm>>) dst(%arg6 : memref<400x128xf32, #tpu.memory_space<vmem>>)
    "tpu.region"() ({
      %run_scoped3A = tpu.sem_alloc : memref<!tpu.dma_semaphore, #tpu.memory_space<semaphore_mem>>
      %dma_start3A_201 = arith.constant 0 : i32
      %dma_start3A_202 = tpu.memref_slice %arg4[%add3A_42, %dma_start3A_201] : memref<320000x128xf32, #tpu.memory_space<hbm>> -> memref<400x128xf32, #tpu.memory_space<hbm>>
      %dma_start3A_203 = arith.constant 0 : i32
      %dma_start3A_204 = tpu.memref_slice %arg4[%add3A_42, %dma_start3A_203] : memref<320000x128xf32, #tpu.memory_space<hbm>> -> memref<400x128xf32, #tpu.memory_space<hbm>>
      tpu.enqueue_dma source(%arg6 : memref<400x128xf32, #tpu.memory_space<vmem>>) target(%dma_start3A_204 : memref<400x128xf32, #tpu.memory_space<hbm>>) target_semaphore(%run_scoped3A : memref<!tpu.dma_semaphore, #tpu.memory_space<semaphore_mem>>)
      %dma_wait3A_205 = arith.constant 0 : i32
      %dma_wait3A_206 = tpu.memref_slice %arg4[%add3A_42, %dma_wait3A_205] : memref<320000x128xf32, #tpu.memory_space<hbm>> -> memref<400x128xf32, #tpu.memory_space<hbm>>
      %dma_wait3A_207 = arith.constant 0 : i32
      %dma_wait3A_208 = tpu.memref_slice %arg4[%add3A_42, %dma_wait3A_207] : memref<320000x128xf32, #tpu.memory_space<hbm>> -> memref<400x128xf32, #tpu.memory_space<hbm>>
      tpu.wait_dma2 semaphore(%run_scoped3A : memref<!tpu.dma_semaphore, #tpu.memory_space<semaphore_mem>>) src(%arg6 : memref<400x128xf32, #tpu.memory_space<vmem>>) dst(%dma_wait3A_208 : memref<400x128xf32, #tpu.memory_space<hbm>>)
      tpu.yield
    }) : () -> ()
    %add3A_49 = arith.constant 2400 : i32
    %add3A_50 = arith.addi %mul3A_2, %add3A_49 : i32
    "tpu.region"() ({
      %run_scoped3A = tpu.sem_alloc : memref<!tpu.dma_semaphore, #tpu.memory_space<semaphore_mem>>
      %dma_start3A_201 = tpu.memref_slice %arg3[%add3A_50] : memref<320000xi32, #tpu.memory_space<hbm>> -> memref<400xi32, #tpu.memory_space<hbm>>
      %dma_start3A_202 = tpu.memref_slice %arg3[%add3A_50] : memref<320000xi32, #tpu.memory_space<hbm>> -> memref<400xi32, #tpu.memory_space<hbm>>
      tpu.enqueue_dma source(%dma_start3A_202 : memref<400xi32, #tpu.memory_space<hbm>>) target(%arg5 : memref<400xi32, #tpu.memory_space<vmem>>) target_semaphore(%run_scoped3A : memref<!tpu.dma_semaphore, #tpu.memory_space<semaphore_mem>>)
      %dma_wait3A_203 = tpu.memref_slice %arg3[%add3A_50] : memref<320000xi32, #tpu.memory_space<hbm>> -> memref<400xi32, #tpu.memory_space<hbm>>
      %dma_wait3A_204 = tpu.memref_slice %arg3[%add3A_50] : memref<320000xi32, #tpu.memory_space<hbm>> -> memref<400xi32, #tpu.memory_space<hbm>>
      tpu.wait_dma2 semaphore(%run_scoped3A : memref<!tpu.dma_semaphore, #tpu.memory_space<semaphore_mem>>) src(%dma_wait3A_204 : memref<400xi32, #tpu.memory_space<hbm>>) dst(%arg5 : memref<400xi32, #tpu.memory_space<vmem>>)
      tpu.yield
    }) : () -> ()
    %dma_start3A_51 = arith.constant 0 : i32
    %dma_start3A_52 = arith.constant 0 : i32
    %dma_start3A_53 = tpu.memref_slice %arg2[%dma_start3A_51, %dma_start3A_52] : memref<10000x128xf32, #tpu.memory_space<hbm>> -> memref<10000x128xf32, #tpu.memory_space<hbm>>
    tpu.enqueue_indirect_dma source(%dma_start3A_53 : memref<10000x128xf32, #tpu.memory_space<hbm>>) target(%arg6 : memref<400x128xf32, #tpu.memory_space<vmem>>) offsets(%arg5 : memref<400xi32, #tpu.memory_space<vmem>>) semaphore(%arg7 : memref<!tpu.dma_semaphore, #tpu.memory_space<semaphore_mem>>)
    %dma_wait3A_54 = arith.constant 0 : i32
    %dma_wait3A_55 = arith.constant 0 : i32
    %dma_wait3A_56 = tpu.memref_slice %arg2[%dma_wait3A_54, %dma_wait3A_55] : memref<10000x128xf32, #tpu.memory_space<hbm>> -> memref<10000x128xf32, #tpu.memory_space<hbm>>
    tpu.wait_indirect_dma semaphore(%arg7 : memref<!tpu.dma_semaphore, #tpu.memory_space<semaphore_mem>>) src(%dma_wait3A_56 : memref<10000x128xf32, #tpu.memory_space<hbm>>) dst(%arg6 : memref<400x128xf32, #tpu.memory_space<vmem>>)
    "tpu.region"() ({
      %run_scoped3A = tpu.sem_alloc : memref<!tpu.dma_semaphore, #tpu.memory_space<semaphore_mem>>
      %dma_start3A_201 = arith.constant 0 : i32
      %dma_start3A_202 = tpu.memref_slice %arg4[%add3A_50, %dma_start3A_201] : memref<320000x128xf32, #tpu.memory_space<hbm>> -> memref<400x128xf32, #tpu.memory_space<hbm>>
      %dma_start3A_203 = arith.constant 0 : i32
      %dma_start3A_204 = tpu.memref_slice %arg4[%add3A_50, %dma_start3A_203] : memref<320000x128xf32, #tpu.memory_space<hbm>> -> memref<400x128xf32, #tpu.memory_space<hbm>>
      tpu.enqueue_dma source(%arg6 : memref<400x128xf32, #tpu.memory_space<vmem>>) target(%dma_start3A_204 : memref<400x128xf32, #tpu.memory_space<hbm>>) target_semaphore(%run_scoped3A : memref<!tpu.dma_semaphore, #tpu.memory_space<semaphore_mem>>)
      %dma_wait3A_205 = arith.constant 0 : i32
      %dma_wait3A_206 = tpu.memref_slice %arg4[%add3A_50, %dma_wait3A_205] : memref<320000x128xf32, #tpu.memory_space<hbm>> -> memref<400x128xf32, #tpu.memory_space<hbm>>
      %dma_wait3A_207 = arith.constant 0 : i32
      %dma_wait3A_208 = tpu.memref_slice %arg4[%add3A_50, %dma_wait3A_207] : memref<320000x128xf32, #tpu.memory_space<hbm>> -> memref<400x128xf32, #tpu.memory_space<hbm>>
      tpu.wait_dma2 semaphore(%run_scoped3A : memref<!tpu.dma_semaphore, #tpu.memory_space<semaphore_mem>>) src(%arg6 : memref<400x128xf32, #tpu.memory_space<vmem>>) dst(%dma_wait3A_208 : memref<400x128xf32, #tpu.memory_space<hbm>>)
      tpu.yield
    }) : () -> ()
    %add3A_57 = arith.constant 2800 : i32
    %add3A_58 = arith.addi %mul3A_2, %add3A_57 : i32
    "tpu.region"() ({
      %run_scoped3A = tpu.sem_alloc : memref<!tpu.dma_semaphore, #tpu.memory_space<semaphore_mem>>
      %dma_start3A_201 = tpu.memref_slice %arg3[%add3A_58] : memref<320000xi32, #tpu.memory_space<hbm>> -> memref<400xi32, #tpu.memory_space<hbm>>
      %dma_start3A_202 = tpu.memref_slice %arg3[%add3A_58] : memref<320000xi32, #tpu.memory_space<hbm>> -> memref<400xi32, #tpu.memory_space<hbm>>
      tpu.enqueue_dma source(%dma_start3A_202 : memref<400xi32, #tpu.memory_space<hbm>>) target(%arg5 : memref<400xi32, #tpu.memory_space<vmem>>) target_semaphore(%run_scoped3A : memref<!tpu.dma_semaphore, #tpu.memory_space<semaphore_mem>>)
      %dma_wait3A_203 = tpu.memref_slice %arg3[%add3A_58] : memref<320000xi32, #tpu.memory_space<hbm>> -> memref<400xi32, #tpu.memory_space<hbm>>
      %dma_wait3A_204 = tpu.memref_slice %arg3[%add3A_58] : memref<320000xi32, #tpu.memory_space<hbm>> -> memref<400xi32, #tpu.memory_space<hbm>>
      tpu.wait_dma2 semaphore(%run_scoped3A : memref<!tpu.dma_semaphore, #tpu.memory_space<semaphore_mem>>) src(%dma_wait3A_204 : memref<400xi32, #tpu.memory_space<hbm>>) dst(%arg5 : memref<400xi32, #tpu.memory_space<vmem>>)
      tpu.yield
    }) : () -> ()
    %dma_start3A_59 = arith.constant 0 : i32
    %dma_start3A_60 = arith.constant 0 : i32
    %dma_start3A_61 = tpu.memref_slice %arg2[%dma_start3A_59, %dma_start3A_60] : memref<10000x128xf32, #tpu.memory_space<hbm>> -> memref<10000x128xf32, #tpu.memory_space<hbm>>
    tpu.enqueue_indirect_dma source(%dma_start3A_61 : memref<10000x128xf32, #tpu.memory_space<hbm>>) target(%arg6 : memref<400x128xf32, #tpu.memory_space<vmem>>) offsets(%arg5 : memref<400xi32, #tpu.memory_space<vmem>>) semaphore(%arg7 : memref<!tpu.dma_semaphore, #tpu.memory_space<semaphore_mem>>)
    %dma_wait3A_62 = arith.constant 0 : i32
    %dma_wait3A_63 = arith.constant 0 : i32
    %dma_wait3A_64 = tpu.memref_slice %arg2[%dma_wait3A_62, %dma_wait3A_63] : memref<10000x128xf32, #tpu.memory_space<hbm>> -> memref<10000x128xf32, #tpu.memory_space<hbm>>
    tpu.wait_indirect_dma semaphore(%arg7 : memref<!tpu.dma_semaphore, #tpu.memory_space<semaphore_mem>>) src(%dma_wait3A_64 : memref<10000x128xf32, #tpu.memory_space<hbm>>) dst(%arg6 : memref<400x128xf32, #tpu.memory_space<vmem>>)
    "tpu.region"() ({
      %run_scoped3A = tpu.sem_alloc : memref<!tpu.dma_semaphore, #tpu.memory_space<semaphore_mem>>
      %dma_start3A_201 = arith.constant 0 : i32
      %dma_start3A_202 = tpu.memref_slice %arg4[%add3A_58, %dma_start3A_201] : memref<320000x128xf32, #tpu.memory_space<hbm>> -> memref<400x128xf32, #tpu.memory_space<hbm>>
      %dma_start3A_203 = arith.constant 0 : i32
      %dma_start3A_204 = tpu.memref_slice %arg4[%add3A_58, %dma_start3A_203] : memref<320000x128xf32, #tpu.memory_space<hbm>> -> memref<400x128xf32, #tpu.memory_space<hbm>>
      tpu.enqueue_dma source(%arg6 : memref<400x128xf32, #tpu.memory_space<vmem>>) target(%dma_start3A_204 : memref<400x128xf32, #tpu.memory_space<hbm>>) target_semaphore(%run_scoped3A : memref<!tpu.dma_semaphore, #tpu.memory_space<semaphore_mem>>)
      %dma_wait3A_205 = arith.constant 0 : i32
      %dma_wait3A_206 = tpu.memref_slice %arg4[%add3A_58, %dma_wait3A_205] : memref<320000x128xf32, #tpu.memory_space<hbm>> -> memref<400x128xf32, #tpu.memory_space<hbm>>
      %dma_wait3A_207 = arith.constant 0 : i32
      %dma_wait3A_208 = tpu.memref_slice %arg4[%add3A_58, %dma_wait3A_207] : memref<320000x128xf32, #tpu.memory_space<hbm>> -> memref<400x128xf32, #tpu.memory_space<hbm>>
      tpu.wait_dma2 semaphore(%run_scoped3A : memref<!tpu.dma_semaphore, #tpu.memory_space<semaphore_mem>>) src(%arg6 : memref<400x128xf32, #tpu.memory_space<vmem>>) dst(%dma_wait3A_208 : memref<400x128xf32, #tpu.memory_space<hbm>>)
      tpu.yield
    }) : () -> ()
    %add3A_65 = arith.constant 3200 : i32
    %add3A_66 = arith.addi %mul3A_2, %add3A_65 : i32
    "tpu.region"() ({
      %run_scoped3A = tpu.sem_alloc : memref<!tpu.dma_semaphore, #tpu.memory_space<semaphore_mem>>
      %dma_start3A_201 = tpu.memref_slice %arg3[%add3A_66] : memref<320000xi32, #tpu.memory_space<hbm>> -> memref<400xi32, #tpu.memory_space<hbm>>
      %dma_start3A_202 = tpu.memref_slice %arg3[%add3A_66] : memref<320000xi32, #tpu.memory_space<hbm>> -> memref<400xi32, #tpu.memory_space<hbm>>
      tpu.enqueue_dma source(%dma_start3A_202 : memref<400xi32, #tpu.memory_space<hbm>>) target(%arg5 : memref<400xi32, #tpu.memory_space<vmem>>) target_semaphore(%run_scoped3A : memref<!tpu.dma_semaphore, #tpu.memory_space<semaphore_mem>>)
      %dma_wait3A_203 = tpu.memref_slice %arg3[%add3A_66] : memref<320000xi32, #tpu.memory_space<hbm>> -> memref<400xi32, #tpu.memory_space<hbm>>
      %dma_wait3A_204 = tpu.memref_slice %arg3[%add3A_66] : memref<320000xi32, #tpu.memory_space<hbm>> -> memref<400xi32, #tpu.memory_space<hbm>>
      tpu.wait_dma2 semaphore(%run_scoped3A : memref<!tpu.dma_semaphore, #tpu.memory_space<semaphore_mem>>) src(%dma_wait3A_204 : memref<400xi32, #tpu.memory_space<hbm>>) dst(%arg5 : memref<400xi32, #tpu.memory_space<vmem>>)
      tpu.yield
    }) : () -> ()
    %dma_start3A_67 = arith.constant 0 : i32
    %dma_start3A_68 = arith.constant 0 : i32
    %dma_start3A_69 = tpu.memref_slice %arg2[%dma_start3A_67, %dma_start3A_68] : memref<10000x128xf32, #tpu.memory_space<hbm>> -> memref<10000x128xf32, #tpu.memory_space<hbm>>
    tpu.enqueue_indirect_dma source(%dma_start3A_69 : memref<10000x128xf32, #tpu.memory_space<hbm>>) target(%arg6 : memref<400x128xf32, #tpu.memory_space<vmem>>) offsets(%arg5 : memref<400xi32, #tpu.memory_space<vmem>>) semaphore(%arg7 : memref<!tpu.dma_semaphore, #tpu.memory_space<semaphore_mem>>)
    %dma_wait3A_70 = arith.constant 0 : i32
    %dma_wait3A_71 = arith.constant 0 : i32
    %dma_wait3A_72 = tpu.memref_slice %arg2[%dma_wait3A_70, %dma_wait3A_71] : memref<10000x128xf32, #tpu.memory_space<hbm>> -> memref<10000x128xf32, #tpu.memory_space<hbm>>
    tpu.wait_indirect_dma semaphore(%arg7 : memref<!tpu.dma_semaphore, #tpu.memory_space<semaphore_mem>>) src(%dma_wait3A_72 : memref<10000x128xf32, #tpu.memory_space<hbm>>) dst(%arg6 : memref<400x128xf32, #tpu.memory_space<vmem>>)
    "tpu.region"() ({
      %run_scoped3A = tpu.sem_alloc : memref<!tpu.dma_semaphore, #tpu.memory_space<semaphore_mem>>
      %dma_start3A_201 = arith.constant 0 : i32
      %dma_start3A_202 = tpu.memref_slice %arg4[%add3A_66, %dma_start3A_201] : memref<320000x128xf32, #tpu.memory_space<hbm>> -> memref<400x128xf32, #tpu.memory_space<hbm>>
      %dma_start3A_203 = arith.constant 0 : i32
      %dma_start3A_204 = tpu.memref_slice %arg4[%add3A_66, %dma_start3A_203] : memref<320000x128xf32, #tpu.memory_space<hbm>> -> memref<400x128xf32, #tpu.memory_space<hbm>>
      tpu.enqueue_dma source(%arg6 : memref<400x128xf32, #tpu.memory_space<vmem>>) target(%dma_start3A_204 : memref<400x128xf32, #tpu.memory_space<hbm>>) target_semaphore(%run_scoped3A : memref<!tpu.dma_semaphore, #tpu.memory_space<semaphore_mem>>)
      %dma_wait3A_205 = arith.constant 0 : i32
      %dma_wait3A_206 = tpu.memref_slice %arg4[%add3A_66, %dma_wait3A_205] : memref<320000x128xf32, #tpu.memory_space<hbm>> -> memref<400x128xf32, #tpu.memory_space<hbm>>
      %dma_wait3A_207 = arith.constant 0 : i32
      %dma_wait3A_208 = tpu.memref_slice %arg4[%add3A_66, %dma_wait3A_207] : memref<320000x128xf32, #tpu.memory_space<hbm>> -> memref<400x128xf32, #tpu.memory_space<hbm>>
      tpu.wait_dma2 semaphore(%run_scoped3A : memref<!tpu.dma_semaphore, #tpu.memory_space<semaphore_mem>>) src(%arg6 : memref<400x128xf32, #tpu.memory_space<vmem>>) dst(%dma_wait3A_208 : memref<400x128xf32, #tpu.memory_space<hbm>>)
      tpu.yield
    }) : () -> ()
    %add3A_73 = arith.constant 3600 : i32
    %add3A_74 = arith.addi %mul3A_2, %add3A_73 : i32
    "tpu.region"() ({
      %run_scoped3A = tpu.sem_alloc : memref<!tpu.dma_semaphore, #tpu.memory_space<semaphore_mem>>
      %dma_start3A_201 = tpu.memref_slice %arg3[%add3A_74] : memref<320000xi32, #tpu.memory_space<hbm>> -> memref<400xi32, #tpu.memory_space<hbm>>
      %dma_start3A_202 = tpu.memref_slice %arg3[%add3A_74] : memref<320000xi32, #tpu.memory_space<hbm>> -> memref<400xi32, #tpu.memory_space<hbm>>
      tpu.enqueue_dma source(%dma_start3A_202 : memref<400xi32, #tpu.memory_space<hbm>>) target(%arg5 : memref<400xi32, #tpu.memory_space<vmem>>) target_semaphore(%run_scoped3A : memref<!tpu.dma_semaphore, #tpu.memory_space<semaphore_mem>>)
      %dma_wait3A_203 = tpu.memref_slice %arg3[%add3A_74] : memref<320000xi32, #tpu.memory_space<hbm>> -> memref<400xi32, #tpu.memory_space<hbm>>
      %dma_wait3A_204 = tpu.memref_slice %arg3[%add3A_74] : memref<320000xi32, #tpu.memory_space<hbm>> -> memref<400xi32, #tpu.memory_space<hbm>>
      tpu.wait_dma2 semaphore(%run_scoped3A : memref<!tpu.dma_semaphore, #tpu.memory_space<semaphore_mem>>) src(%dma_wait3A_204 : memref<400xi32, #tpu.memory_space<hbm>>) dst(%arg5 : memref<400xi32, #tpu.memory_space<vmem>>)
      tpu.yield
    }) : () -> ()
    %dma_start3A_75 = arith.constant 0 : i32
    %dma_start3A_76 = arith.constant 0 : i32
    %dma_start3A_77 = tpu.memref_slice %arg2[%dma_start3A_75, %dma_start3A_76] : memref<10000x128xf32, #tpu.memory_space<hbm>> -> memref<10000x128xf32, #tpu.memory_space<hbm>>
    tpu.enqueue_indirect_dma source(%dma_start3A_77 : memref<10000x128xf32, #tpu.memory_space<hbm>>) target(%arg6 : memref<400x128xf32, #tpu.memory_space<vmem>>) offsets(%arg5 : memref<400xi32, #tpu.memory_space<vmem>>) semaphore(%arg7 : memref<!tpu.dma_semaphore, #tpu.memory_space<semaphore_mem>>)
    %dma_wait3A_78 = arith.constant 0 : i32
    %dma_wait3A_79 = arith.constant 0 : i32
    %dma_wait3A_80 = tpu.memref_slice %arg2[%dma_wait3A_78, %dma_wait3A_79] : memref<10000x128xf32, #tpu.memory_space<hbm>> -> memref<10000x128xf32, #tpu.memory_space<hbm>>
    tpu.wait_indirect_dma semaphore(%arg7 : memref<!tpu.dma_semaphore, #tpu.memory_space<semaphore_mem>>) src(%dma_wait3A_80 : memref<10000x128xf32, #tpu.memory_space<hbm>>) dst(%arg6 : memref<400x128xf32, #tpu.memory_space<vmem>>)
    "tpu.region"() ({
      %run_scoped3A = tpu.sem_alloc : memref<!tpu.dma_semaphore, #tpu.memory_space<semaphore_mem>>
      %dma_start3A_201 = arith.constant 0 : i32
      %dma_start3A_202 = tpu.memref_slice %arg4[%add3A_74, %dma_start3A_201] : memref<320000x128xf32, #tpu.memory_space<hbm>> -> memref<400x128xf32, #tpu.memory_space<hbm>>
      %dma_start3A_203 = arith.constant 0 : i32
      %dma_start3A_204 = tpu.memref_slice %arg4[%add3A_74, %dma_start3A_203] : memref<320000x128xf32, #tpu.memory_space<hbm>> -> memref<400x128xf32, #tpu.memory_space<hbm>>
      tpu.enqueue_dma source(%arg6 : memref<400x128xf32, #tpu.memory_space<vmem>>) target(%dma_start3A_204 : memref<400x128xf32, #tpu.memory_space<hbm>>) target_semaphore(%run_scoped3A : memref<!tpu.dma_semaphore, #tpu.memory_space<semaphore_mem>>)
      %dma_wait3A_205 = arith.constant 0 : i32
      %dma_wait3A_206 = tpu.memref_slice %arg4[%add3A_74, %dma_wait3A_205] : memref<320000x128xf32, #tpu.memory_space<hbm>> -> memref<400x128xf32, #tpu.memory_space<hbm>>
      %dma_wait3A_207 = arith.constant 0 : i32
      %dma_wait3A_208 = tpu.memref_slice %arg4[%add3A_74, %dma_wait3A_207] : memref<320000x128xf32, #tpu.memory_space<hbm>> -> memref<400x128xf32, #tpu.memory_space<hbm>>
      tpu.wait_dma2 semaphore(%run_scoped3A : memref<!tpu.dma_semaphore, #tpu.memory_space<semaphore_mem>>) src(%arg6 : memref<400x128xf32, #tpu.memory_space<vmem>>) dst(%dma_wait3A_208 : memref<400x128xf32, #tpu.memory_space<hbm>>)
      tpu.yield
    }) : () -> ()
    %add3A_81 = arith.constant 4000 : i32
    %add3A_82 = arith.addi %mul3A_2, %add3A_81 : i32
    "tpu.region"() ({
      %run_scoped3A = tpu.sem_alloc : memref<!tpu.dma_semaphore, #tpu.memory_space<semaphore_mem>>
      %dma_start3A_201 = tpu.memref_slice %arg3[%add3A_82] : memref<320000xi32, #tpu.memory_space<hbm>> -> memref<400xi32, #tpu.memory_space<hbm>>
      %dma_start3A_202 = tpu.memref_slice %arg3[%add3A_82] : memref<320000xi32, #tpu.memory_space<hbm>> -> memref<400xi32, #tpu.memory_space<hbm>>
      tpu.enqueue_dma source(%dma_start3A_202 : memref<400xi32, #tpu.memory_space<hbm>>) target(%arg5 : memref<400xi32, #tpu.memory_space<vmem>>) target_semaphore(%run_scoped3A : memref<!tpu.dma_semaphore, #tpu.memory_space<semaphore_mem>>)
      %dma_wait3A_203 = tpu.memref_slice %arg3[%add3A_82] : memref<320000xi32, #tpu.memory_space<hbm>> -> memref<400xi32, #tpu.memory_space<hbm>>
      %dma_wait3A_204 = tpu.memref_slice %arg3[%add3A_82] : memref<320000xi32, #tpu.memory_space<hbm>> -> memref<400xi32, #tpu.memory_space<hbm>>
      tpu.wait_dma2 semaphore(%run_scoped3A : memref<!tpu.dma_semaphore, #tpu.memory_space<semaphore_mem>>) src(%dma_wait3A_204 : memref<400xi32, #tpu.memory_space<hbm>>) dst(%arg5 : memref<400xi32, #tpu.memory_space<vmem>>)
      tpu.yield
    }) : () -> ()
    %dma_start3A_83 = arith.constant 0 : i32
    %dma_start3A_84 = arith.constant 0 : i32
    %dma_start3A_85 = tpu.memref_slice %arg2[%dma_start3A_83, %dma_start3A_84] : memref<10000x128xf32, #tpu.memory_space<hbm>> -> memref<10000x128xf32, #tpu.memory_space<hbm>>
    tpu.enqueue_indirect_dma source(%dma_start3A_85 : memref<10000x128xf32, #tpu.memory_space<hbm>>) target(%arg6 : memref<400x128xf32, #tpu.memory_space<vmem>>) offsets(%arg5 : memref<400xi32, #tpu.memory_space<vmem>>) semaphore(%arg7 : memref<!tpu.dma_semaphore, #tpu.memory_space<semaphore_mem>>)
    %dma_wait3A_86 = arith.constant 0 : i32
    %dma_wait3A_87 = arith.constant 0 : i32
    %dma_wait3A_88 = tpu.memref_slice %arg2[%dma_wait3A_86, %dma_wait3A_87] : memref<10000x128xf32, #tpu.memory_space<hbm>> -> memref<10000x128xf32, #tpu.memory_space<hbm>>
    tpu.wait_indirect_dma semaphore(%arg7 : memref<!tpu.dma_semaphore, #tpu.memory_space<semaphore_mem>>) src(%dma_wait3A_88 : memref<10000x128xf32, #tpu.memory_space<hbm>>) dst(%arg6 : memref<400x128xf32, #tpu.memory_space<vmem>>)
    "tpu.region"() ({
      %run_scoped3A = tpu.sem_alloc : memref<!tpu.dma_semaphore, #tpu.memory_space<semaphore_mem>>
      %dma_start3A_201 = arith.constant 0 : i32
      %dma_start3A_202 = tpu.memref_slice %arg4[%add3A_82, %dma_start3A_201] : memref<320000x128xf32, #tpu.memory_space<hbm>> -> memref<400x128xf32, #tpu.memory_space<hbm>>
      %dma_start3A_203 = arith.constant 0 : i32
      %dma_start3A_204 = tpu.memref_slice %arg4[%add3A_82, %dma_start3A_203] : memref<320000x128xf32, #tpu.memory_space<hbm>> -> memref<400x128xf32, #tpu.memory_space<hbm>>
      tpu.enqueue_dma source(%arg6 : memref<400x128xf32, #tpu.memory_space<vmem>>) target(%dma_start3A_204 : memref<400x128xf32, #tpu.memory_space<hbm>>) target_semaphore(%run_scoped3A : memref<!tpu.dma_semaphore, #tpu.memory_space<semaphore_mem>>)
      %dma_wait3A_205 = arith.constant 0 : i32
      %dma_wait3A_206 = tpu.memref_slice %arg4[%add3A_82, %dma_wait3A_205] : memref<320000x128xf32, #tpu.memory_space<hbm>> -> memref<400x128xf32, #tpu.memory_space<hbm>>
      %dma_wait3A_207 = arith.constant 0 : i32
      %dma_wait3A_208 = tpu.memref_slice %arg4[%add3A_82, %dma_wait3A_207] : memref<320000x128xf32, #tpu.memory_space<hbm>> -> memref<400x128xf32, #tpu.memory_space<hbm>>
      tpu.wait_dma2 semaphore(%run_scoped3A : memref<!tpu.dma_semaphore, #tpu.memory_space<semaphore_mem>>) src(%arg6 : memref<400x128xf32, #tpu.memory_space<vmem>>) dst(%dma_wait3A_208 : memref<400x128xf32, #tpu.memory_space<hbm>>)
      tpu.yield
    }) : () -> ()
    %add3A_89 = arith.constant 4400 : i32
    %add3A_90 = arith.addi %mul3A_2, %add3A_89 : i32
    "tpu.region"() ({
      %run_scoped3A = tpu.sem_alloc : memref<!tpu.dma_semaphore, #tpu.memory_space<semaphore_mem>>
      %dma_start3A_201 = tpu.memref_slice %arg3[%add3A_90] : memref<320000xi32, #tpu.memory_space<hbm>> -> memref<400xi32, #tpu.memory_space<hbm>>
      %dma_start3A_202 = tpu.memref_slice %arg3[%add3A_90] : memref<320000xi32, #tpu.memory_space<hbm>> -> memref<400xi32, #tpu.memory_space<hbm>>
      tpu.enqueue_dma source(%dma_start3A_202 : memref<400xi32, #tpu.memory_space<hbm>>) target(%arg5 : memref<400xi32, #tpu.memory_space<vmem>>) target_semaphore(%run_scoped3A : memref<!tpu.dma_semaphore, #tpu.memory_space<semaphore_mem>>)
      %dma_wait3A_203 = tpu.memref_slice %arg3[%add3A_90] : memref<320000xi32, #tpu.memory_space<hbm>> -> memref<400xi32, #tpu.memory_space<hbm>>
      %dma_wait3A_204 = tpu.memref_slice %arg3[%add3A_90] : memref<320000xi32, #tpu.memory_space<hbm>> -> memref<400xi32, #tpu.memory_space<hbm>>
      tpu.wait_dma2 semaphore(%run_scoped3A : memref<!tpu.dma_semaphore, #tpu.memory_space<semaphore_mem>>) src(%dma_wait3A_204 : memref<400xi32, #tpu.memory_space<hbm>>) dst(%arg5 : memref<400xi32, #tpu.memory_space<vmem>>)
      tpu.yield
    }) : () -> ()
    %dma_start3A_91 = arith.constant 0 : i32
    %dma_start3A_92 = arith.constant 0 : i32
    %dma_start3A_93 = tpu.memref_slice %arg2[%dma_start3A_91, %dma_start3A_92] : memref<10000x128xf32, #tpu.memory_space<hbm>> -> memref<10000x128xf32, #tpu.memory_space<hbm>>
    tpu.enqueue_indirect_dma source(%dma_start3A_93 : memref<10000x128xf32, #tpu.memory_space<hbm>>) target(%arg6 : memref<400x128xf32, #tpu.memory_space<vmem>>) offsets(%arg5 : memref<400xi32, #tpu.memory_space<vmem>>) semaphore(%arg7 : memref<!tpu.dma_semaphore, #tpu.memory_space<semaphore_mem>>)
    %dma_wait3A_94 = arith.constant 0 : i32
    %dma_wait3A_95 = arith.constant 0 : i32
    %dma_wait3A_96 = tpu.memref_slice %arg2[%dma_wait3A_94, %dma_wait3A_95] : memref<10000x128xf32, #tpu.memory_space<hbm>> -> memref<10000x128xf32, #tpu.memory_space<hbm>>
    tpu.wait_indirect_dma semaphore(%arg7 : memref<!tpu.dma_semaphore, #tpu.memory_space<semaphore_mem>>) src(%dma_wait3A_96 : memref<10000x128xf32, #tpu.memory_space<hbm>>) dst(%arg6 : memref<400x128xf32, #tpu.memory_space<vmem>>)
    "tpu.region"() ({
      %run_scoped3A = tpu.sem_alloc : memref<!tpu.dma_semaphore, #tpu.memory_space<semaphore_mem>>
      %dma_start3A_201 = arith.constant 0 : i32
      %dma_start3A_202 = tpu.memref_slice %arg4[%add3A_90, %dma_start3A_201] : memref<320000x128xf32, #tpu.memory_space<hbm>> -> memref<400x128xf32, #tpu.memory_space<hbm>>
      %dma_start3A_203 = arith.constant 0 : i32
      %dma_start3A_204 = tpu.memref_slice %arg4[%add3A_90, %dma_start3A_203] : memref<320000x128xf32, #tpu.memory_space<hbm>> -> memref<400x128xf32, #tpu.memory_space<hbm>>
      tpu.enqueue_dma source(%arg6 : memref<400x128xf32, #tpu.memory_space<vmem>>) target(%dma_start3A_204 : memref<400x128xf32, #tpu.memory_space<hbm>>) target_semaphore(%run_scoped3A : memref<!tpu.dma_semaphore, #tpu.memory_space<semaphore_mem>>)
      %dma_wait3A_205 = arith.constant 0 : i32
      %dma_wait3A_206 = tpu.memref_slice %arg4[%add3A_90, %dma_wait3A_205] : memref<320000x128xf32, #tpu.memory_space<hbm>> -> memref<400x128xf32, #tpu.memory_space<hbm>>
      %dma_wait3A_207 = arith.constant 0 : i32
      %dma_wait3A_208 = tpu.memref_slice %arg4[%add3A_90, %dma_wait3A_207] : memref<320000x128xf32, #tpu.memory_space<hbm>> -> memref<400x128xf32, #tpu.memory_space<hbm>>
      tpu.wait_dma2 semaphore(%run_scoped3A : memref<!tpu.dma_semaphore, #tpu.memory_space<semaphore_mem>>) src(%arg6 : memref<400x128xf32, #tpu.memory_space<vmem>>) dst(%dma_wait3A_208 : memref<400x128xf32, #tpu.memory_space<hbm>>)
      tpu.yield
    }) : () -> ()
    %add3A_97 = arith.constant 4800 : i32
    %add3A_98 = arith.addi %mul3A_2, %add3A_97 : i32
    "tpu.region"() ({
      %run_scoped3A = tpu.sem_alloc : memref<!tpu.dma_semaphore, #tpu.memory_space<semaphore_mem>>
      %dma_start3A_201 = tpu.memref_slice %arg3[%add3A_98] : memref<320000xi32, #tpu.memory_space<hbm>> -> memref<400xi32, #tpu.memory_space<hbm>>
      %dma_start3A_202 = tpu.memref_slice %arg3[%add3A_98] : memref<320000xi32, #tpu.memory_space<hbm>> -> memref<400xi32, #tpu.memory_space<hbm>>
      tpu.enqueue_dma source(%dma_start3A_202 : memref<400xi32, #tpu.memory_space<hbm>>) target(%arg5 : memref<400xi32, #tpu.memory_space<vmem>>) target_semaphore(%run_scoped3A : memref<!tpu.dma_semaphore, #tpu.memory_space<semaphore_mem>>)
      %dma_wait3A_203 = tpu.memref_slice %arg3[%add3A_98] : memref<320000xi32, #tpu.memory_space<hbm>> -> memref<400xi32, #tpu.memory_space<hbm>>
      %dma_wait3A_204 = tpu.memref_slice %arg3[%add3A_98] : memref<320000xi32, #tpu.memory_space<hbm>> -> memref<400xi32, #tpu.memory_space<hbm>>
      tpu.wait_dma2 semaphore(%run_scoped3A : memref<!tpu.dma_semaphore, #tpu.memory_space<semaphore_mem>>) src(%dma_wait3A_204 : memref<400xi32, #tpu.memory_space<hbm>>) dst(%arg5 : memref<400xi32, #tpu.memory_space<vmem>>)
      tpu.yield
    }) : () -> ()
    %dma_start3A_99 = arith.constant 0 : i32
    %dma_start3A_100 = arith.constant 0 : i32
    %dma_start3A_101 = tpu.memref_slice %arg2[%dma_start3A_99, %dma_start3A_100] : memref<10000x128xf32, #tpu.memory_space<hbm>> -> memref<10000x128xf32, #tpu.memory_space<hbm>>
    tpu.enqueue_indirect_dma source(%dma_start3A_101 : memref<10000x128xf32, #tpu.memory_space<hbm>>) target(%arg6 : memref<400x128xf32, #tpu.memory_space<vmem>>) offsets(%arg5 : memref<400xi32, #tpu.memory_space<vmem>>) semaphore(%arg7 : memref<!tpu.dma_semaphore, #tpu.memory_space<semaphore_mem>>)
    %dma_wait3A_102 = arith.constant 0 : i32
    %dma_wait3A_103 = arith.constant 0 : i32
    %dma_wait3A_104 = tpu.memref_slice %arg2[%dma_wait3A_102, %dma_wait3A_103] : memref<10000x128xf32, #tpu.memory_space<hbm>> -> memref<10000x128xf32, #tpu.memory_space<hbm>>
    tpu.wait_indirect_dma semaphore(%arg7 : memref<!tpu.dma_semaphore, #tpu.memory_space<semaphore_mem>>) src(%dma_wait3A_104 : memref<10000x128xf32, #tpu.memory_space<hbm>>) dst(%arg6 : memref<400x128xf32, #tpu.memory_space<vmem>>)
    "tpu.region"() ({
      %run_scoped3A = tpu.sem_alloc : memref<!tpu.dma_semaphore, #tpu.memory_space<semaphore_mem>>
      %dma_start3A_201 = arith.constant 0 : i32
      %dma_start3A_202 = tpu.memref_slice %arg4[%add3A_98, %dma_start3A_201] : memref<320000x128xf32, #tpu.memory_space<hbm>> -> memref<400x128xf32, #tpu.memory_space<hbm>>
      %dma_start3A_203 = arith.constant 0 : i32
      %dma_start3A_204 = tpu.memref_slice %arg4[%add3A_98, %dma_start3A_203] : memref<320000x128xf32, #tpu.memory_space<hbm>> -> memref<400x128xf32, #tpu.memory_space<hbm>>
      tpu.enqueue_dma source(%arg6 : memref<400x128xf32, #tpu.memory_space<vmem>>) target(%dma_start3A_204 : memref<400x128xf32, #tpu.memory_space<hbm>>) target_semaphore(%run_scoped3A : memref<!tpu.dma_semaphore, #tpu.memory_space<semaphore_mem>>)
      %dma_wait3A_205 = arith.constant 0 : i32
      %dma_wait3A_206 = tpu.memref_slice %arg4[%add3A_98, %dma_wait3A_205] : memref<320000x128xf32, #tpu.memory_space<hbm>> -> memref<400x128xf32, #tpu.memory_space<hbm>>
      %dma_wait3A_207 = arith.constant 0 : i32
      %dma_wait3A_208 = tpu.memref_slice %arg4[%add3A_98, %dma_wait3A_207] : memref<320000x128xf32, #tpu.memory_space<hbm>> -> memref<400x128xf32, #tpu.memory_space<hbm>>
      tpu.wait_dma2 semaphore(%run_scoped3A : memref<!tpu.dma_semaphore, #tpu.memory_space<semaphore_mem>>) src(%arg6 : memref<400x128xf32, #tpu.memory_space<vmem>>) dst(%dma_wait3A_208 : memref<400x128xf32, #tpu.memory_space<hbm>>)
      tpu.yield
    }) : () -> ()
    %add3A_105 = arith.constant 5200 : i32
    %add3A_106 = arith.addi %mul3A_2, %add3A_105 : i32
    "tpu.region"() ({
      %run_scoped3A = tpu.sem_alloc : memref<!tpu.dma_semaphore, #tpu.memory_space<semaphore_mem>>
      %dma_start3A_201 = tpu.memref_slice %arg3[%add3A_106] : memref<320000xi32, #tpu.memory_space<hbm>> -> memref<400xi32, #tpu.memory_space<hbm>>
      %dma_start3A_202 = tpu.memref_slice %arg3[%add3A_106] : memref<320000xi32, #tpu.memory_space<hbm>> -> memref<400xi32, #tpu.memory_space<hbm>>
      tpu.enqueue_dma source(%dma_start3A_202 : memref<400xi32, #tpu.memory_space<hbm>>) target(%arg5 : memref<400xi32, #tpu.memory_space<vmem>>) target_semaphore(%run_scoped3A : memref<!tpu.dma_semaphore, #tpu.memory_space<semaphore_mem>>)
      %dma_wait3A_203 = tpu.memref_slice %arg3[%add3A_106] : memref<320000xi32, #tpu.memory_space<hbm>> -> memref<400xi32, #tpu.memory_space<hbm>>
      %dma_wait3A_204 = tpu.memref_slice %arg3[%add3A_106] : memref<320000xi32, #tpu.memory_space<hbm>> -> memref<400xi32, #tpu.memory_space<hbm>>
      tpu.wait_dma2 semaphore(%run_scoped3A : memref<!tpu.dma_semaphore, #tpu.memory_space<semaphore_mem>>) src(%dma_wait3A_204 : memref<400xi32, #tpu.memory_space<hbm>>) dst(%arg5 : memref<400xi32, #tpu.memory_space<vmem>>)
      tpu.yield
    }) : () -> ()
    %dma_start3A_107 = arith.constant 0 : i32
    %dma_start3A_108 = arith.constant 0 : i32
    %dma_start3A_109 = tpu.memref_slice %arg2[%dma_start3A_107, %dma_start3A_108] : memref<10000x128xf32, #tpu.memory_space<hbm>> -> memref<10000x128xf32, #tpu.memory_space<hbm>>
    tpu.enqueue_indirect_dma source(%dma_start3A_109 : memref<10000x128xf32, #tpu.memory_space<hbm>>) target(%arg6 : memref<400x128xf32, #tpu.memory_space<vmem>>) offsets(%arg5 : memref<400xi32, #tpu.memory_space<vmem>>) semaphore(%arg7 : memref<!tpu.dma_semaphore, #tpu.memory_space<semaphore_mem>>)
    %dma_wait3A_110 = arith.constant 0 : i32
    %dma_wait3A_111 = arith.constant 0 : i32
    %dma_wait3A_112 = tpu.memref_slice %arg2[%dma_wait3A_110, %dma_wait3A_111] : memref<10000x128xf32, #tpu.memory_space<hbm>> -> memref<10000x128xf32, #tpu.memory_space<hbm>>
    tpu.wait_indirect_dma semaphore(%arg7 : memref<!tpu.dma_semaphore, #tpu.memory_space<semaphore_mem>>) src(%dma_wait3A_112 : memref<10000x128xf32, #tpu.memory_space<hbm>>) dst(%arg6 : memref<400x128xf32, #tpu.memory_space<vmem>>)
    "tpu.region"() ({
      %run_scoped3A = tpu.sem_alloc : memref<!tpu.dma_semaphore, #tpu.memory_space<semaphore_mem>>
      %dma_start3A_201 = arith.constant 0 : i32
      %dma_start3A_202 = tpu.memref_slice %arg4[%add3A_106, %dma_start3A_201] : memref<320000x128xf32, #tpu.memory_space<hbm>> -> memref<400x128xf32, #tpu.memory_space<hbm>>
      %dma_start3A_203 = arith.constant 0 : i32
      %dma_start3A_204 = tpu.memref_slice %arg4[%add3A_106, %dma_start3A_203] : memref<320000x128xf32, #tpu.memory_space<hbm>> -> memref<400x128xf32, #tpu.memory_space<hbm>>
      tpu.enqueue_dma source(%arg6 : memref<400x128xf32, #tpu.memory_space<vmem>>) target(%dma_start3A_204 : memref<400x128xf32, #tpu.memory_space<hbm>>) target_semaphore(%run_scoped3A : memref<!tpu.dma_semaphore, #tpu.memory_space<semaphore_mem>>)
      %dma_wait3A_205 = arith.constant 0 : i32
      %dma_wait3A_206 = tpu.memref_slice %arg4[%add3A_106, %dma_wait3A_205] : memref<320000x128xf32, #tpu.memory_space<hbm>> -> memref<400x128xf32, #tpu.memory_space<hbm>>
      %dma_wait3A_207 = arith.constant 0 : i32
      %dma_wait3A_208 = tpu.memref_slice %arg4[%add3A_106, %dma_wait3A_207] : memref<320000x128xf32, #tpu.memory_space<hbm>> -> memref<400x128xf32, #tpu.memory_space<hbm>>
      tpu.wait_dma2 semaphore(%run_scoped3A : memref<!tpu.dma_semaphore, #tpu.memory_space<semaphore_mem>>) src(%arg6 : memref<400x128xf32, #tpu.memory_space<vmem>>) dst(%dma_wait3A_208 : memref<400x128xf32, #tpu.memory_space<hbm>>)
      tpu.yield
    }) : () -> ()
    %add3A_113 = arith.constant 5600 : i32
    %add3A_114 = arith.addi %mul3A_2, %add3A_113 : i32
    "tpu.region"() ({
      %run_scoped3A = tpu.sem_alloc : memref<!tpu.dma_semaphore, #tpu.memory_space<semaphore_mem>>
      %dma_start3A_201 = tpu.memref_slice %arg3[%add3A_114] : memref<320000xi32, #tpu.memory_space<hbm>> -> memref<400xi32, #tpu.memory_space<hbm>>
      %dma_start3A_202 = tpu.memref_slice %arg3[%add3A_114] : memref<320000xi32, #tpu.memory_space<hbm>> -> memref<400xi32, #tpu.memory_space<hbm>>
      tpu.enqueue_dma source(%dma_start3A_202 : memref<400xi32, #tpu.memory_space<hbm>>) target(%arg5 : memref<400xi32, #tpu.memory_space<vmem>>) target_semaphore(%run_scoped3A : memref<!tpu.dma_semaphore, #tpu.memory_space<semaphore_mem>>)
      %dma_wait3A_203 = tpu.memref_slice %arg3[%add3A_114] : memref<320000xi32, #tpu.memory_space<hbm>> -> memref<400xi32, #tpu.memory_space<hbm>>
      %dma_wait3A_204 = tpu.memref_slice %arg3[%add3A_114] : memref<320000xi32, #tpu.memory_space<hbm>> -> memref<400xi32, #tpu.memory_space<hbm>>
      tpu.wait_dma2 semaphore(%run_scoped3A : memref<!tpu.dma_semaphore, #tpu.memory_space<semaphore_mem>>) src(%dma_wait3A_204 : memref<400xi32, #tpu.memory_space<hbm>>) dst(%arg5 : memref<400xi32, #tpu.memory_space<vmem>>)
      tpu.yield
    }) : () -> ()
    %dma_start3A_115 = arith.constant 0 : i32
    %dma_start3A_116 = arith.constant 0 : i32
    %dma_start3A_117 = tpu.memref_slice %arg2[%dma_start3A_115, %dma_start3A_116] : memref<10000x128xf32, #tpu.memory_space<hbm>> -> memref<10000x128xf32, #tpu.memory_space<hbm>>
    tpu.enqueue_indirect_dma source(%dma_start3A_117 : memref<10000x128xf32, #tpu.memory_space<hbm>>) target(%arg6 : memref<400x128xf32, #tpu.memory_space<vmem>>) offsets(%arg5 : memref<400xi32, #tpu.memory_space<vmem>>) semaphore(%arg7 : memref<!tpu.dma_semaphore, #tpu.memory_space<semaphore_mem>>)
    %dma_wait3A_118 = arith.constant 0 : i32
    %dma_wait3A_119 = arith.constant 0 : i32
    %dma_wait3A_120 = tpu.memref_slice %arg2[%dma_wait3A_118, %dma_wait3A_119] : memref<10000x128xf32, #tpu.memory_space<hbm>> -> memref<10000x128xf32, #tpu.memory_space<hbm>>
    tpu.wait_indirect_dma semaphore(%arg7 : memref<!tpu.dma_semaphore, #tpu.memory_space<semaphore_mem>>) src(%dma_wait3A_120 : memref<10000x128xf32, #tpu.memory_space<hbm>>) dst(%arg6 : memref<400x128xf32, #tpu.memory_space<vmem>>)
    "tpu.region"() ({
      %run_scoped3A = tpu.sem_alloc : memref<!tpu.dma_semaphore, #tpu.memory_space<semaphore_mem>>
      %dma_start3A_201 = arith.constant 0 : i32
      %dma_start3A_202 = tpu.memref_slice %arg4[%add3A_114, %dma_start3A_201] : memref<320000x128xf32, #tpu.memory_space<hbm>> -> memref<400x128xf32, #tpu.memory_space<hbm>>
      %dma_start3A_203 = arith.constant 0 : i32
      %dma_start3A_204 = tpu.memref_slice %arg4[%add3A_114, %dma_start3A_203] : memref<320000x128xf32, #tpu.memory_space<hbm>> -> memref<400x128xf32, #tpu.memory_space<hbm>>
      tpu.enqueue_dma source(%arg6 : memref<400x128xf32, #tpu.memory_space<vmem>>) target(%dma_start3A_204 : memref<400x128xf32, #tpu.memory_space<hbm>>) target_semaphore(%run_scoped3A : memref<!tpu.dma_semaphore, #tpu.memory_space<semaphore_mem>>)
      %dma_wait3A_205 = arith.constant 0 : i32
      %dma_wait3A_206 = tpu.memref_slice %arg4[%add3A_114, %dma_wait3A_205] : memref<320000x128xf32, #tpu.memory_space<hbm>> -> memref<400x128xf32, #tpu.memory_space<hbm>>
      %dma_wait3A_207 = arith.constant 0 : i32
      %dma_wait3A_208 = tpu.memref_slice %arg4[%add3A_114, %dma_wait3A_207] : memref<320000x128xf32, #tpu.memory_space<hbm>> -> memref<400x128xf32, #tpu.memory_space<hbm>>
      tpu.wait_dma2 semaphore(%run_scoped3A : memref<!tpu.dma_semaphore, #tpu.memory_space<semaphore_mem>>) src(%arg6 : memref<400x128xf32, #tpu.memory_space<vmem>>) dst(%dma_wait3A_208 : memref<400x128xf32, #tpu.memory_space<hbm>>)
      tpu.yield
    }) : () -> ()
    %add3A_121 = arith.constant 6000 : i32
    %add3A_122 = arith.addi %mul3A_2, %add3A_121 : i32
    "tpu.region"() ({
      %run_scoped3A = tpu.sem_alloc : memref<!tpu.dma_semaphore, #tpu.memory_space<semaphore_mem>>
      %dma_start3A_201 = tpu.memref_slice %arg3[%add3A_122] : memref<320000xi32, #tpu.memory_space<hbm>> -> memref<400xi32, #tpu.memory_space<hbm>>
      %dma_start3A_202 = tpu.memref_slice %arg3[%add3A_122] : memref<320000xi32, #tpu.memory_space<hbm>> -> memref<400xi32, #tpu.memory_space<hbm>>
      tpu.enqueue_dma source(%dma_start3A_202 : memref<400xi32, #tpu.memory_space<hbm>>) target(%arg5 : memref<400xi32, #tpu.memory_space<vmem>>) target_semaphore(%run_scoped3A : memref<!tpu.dma_semaphore, #tpu.memory_space<semaphore_mem>>)
      %dma_wait3A_203 = tpu.memref_slice %arg3[%add3A_122] : memref<320000xi32, #tpu.memory_space<hbm>> -> memref<400xi32, #tpu.memory_space<hbm>>
      %dma_wait3A_204 = tpu.memref_slice %arg3[%add3A_122] : memref<320000xi32, #tpu.memory_space<hbm>> -> memref<400xi32, #tpu.memory_space<hbm>>
      tpu.wait_dma2 semaphore(%run_scoped3A : memref<!tpu.dma_semaphore, #tpu.memory_space<semaphore_mem>>) src(%dma_wait3A_204 : memref<400xi32, #tpu.memory_space<hbm>>) dst(%arg5 : memref<400xi32, #tpu.memory_space<vmem>>)
      tpu.yield
    }) : () -> ()
    %dma_start3A_123 = arith.constant 0 : i32
    %dma_start3A_124 = arith.constant 0 : i32
    %dma_start3A_125 = tpu.memref_slice %arg2[%dma_start3A_123, %dma_start3A_124] : memref<10000x128xf32, #tpu.memory_space<hbm>> -> memref<10000x128xf32, #tpu.memory_space<hbm>>
    tpu.enqueue_indirect_dma source(%dma_start3A_125 : memref<10000x128xf32, #tpu.memory_space<hbm>>) target(%arg6 : memref<400x128xf32, #tpu.memory_space<vmem>>) offsets(%arg5 : memref<400xi32, #tpu.memory_space<vmem>>) semaphore(%arg7 : memref<!tpu.dma_semaphore, #tpu.memory_space<semaphore_mem>>)
    %dma_wait3A_126 = arith.constant 0 : i32
    %dma_wait3A_127 = arith.constant 0 : i32
    %dma_wait3A_128 = tpu.memref_slice %arg2[%dma_wait3A_126, %dma_wait3A_127] : memref<10000x128xf32, #tpu.memory_space<hbm>> -> memref<10000x128xf32, #tpu.memory_space<hbm>>
    tpu.wait_indirect_dma semaphore(%arg7 : memref<!tpu.dma_semaphore, #tpu.memory_space<semaphore_mem>>) src(%dma_wait3A_128 : memref<10000x128xf32, #tpu.memory_space<hbm>>) dst(%arg6 : memref<400x128xf32, #tpu.memory_space<vmem>>)
    "tpu.region"() ({
      %run_scoped3A = tpu.sem_alloc : memref<!tpu.dma_semaphore, #tpu.memory_space<semaphore_mem>>
      %dma_start3A_201 = arith.constant 0 : i32
      %dma_start3A_202 = tpu.memref_slice %arg4[%add3A_122, %dma_start3A_201] : memref<320000x128xf32, #tpu.memory_space<hbm>> -> memref<400x128xf32, #tpu.memory_space<hbm>>
      %dma_start3A_203 = arith.constant 0 : i32
      %dma_start3A_204 = tpu.memref_slice %arg4[%add3A_122, %dma_start3A_203] : memref<320000x128xf32, #tpu.memory_space<hbm>> -> memref<400x128xf32, #tpu.memory_space<hbm>>
      tpu.enqueue_dma source(%arg6 : memref<400x128xf32, #tpu.memory_space<vmem>>) target(%dma_start3A_204 : memref<400x128xf32, #tpu.memory_space<hbm>>) target_semaphore(%run_scoped3A : memref<!tpu.dma_semaphore, #tpu.memory_space<semaphore_mem>>)
      %dma_wait3A_205 = arith.constant 0 : i32
      %dma_wait3A_206 = tpu.memref_slice %arg4[%add3A_122, %dma_wait3A_205] : memref<320000x128xf32, #tpu.memory_space<hbm>> -> memref<400x128xf32, #tpu.memory_space<hbm>>
      %dma_wait3A_207 = arith.constant 0 : i32
      %dma_wait3A_208 = tpu.memref_slice %arg4[%add3A_122, %dma_wait3A_207] : memref<320000x128xf32, #tpu.memory_space<hbm>> -> memref<400x128xf32, #tpu.memory_space<hbm>>
      tpu.wait_dma2 semaphore(%run_scoped3A : memref<!tpu.dma_semaphore, #tpu.memory_space<semaphore_mem>>) src(%arg6 : memref<400x128xf32, #tpu.memory_space<vmem>>) dst(%dma_wait3A_208 : memref<400x128xf32, #tpu.memory_space<hbm>>)
      tpu.yield
    }) : () -> ()
    %add3A_129 = arith.constant 6400 : i32
    %add3A_130 = arith.addi %mul3A_2, %add3A_129 : i32
    "tpu.region"() ({
      %run_scoped3A = tpu.sem_alloc : memref<!tpu.dma_semaphore, #tpu.memory_space<semaphore_mem>>
      %dma_start3A_201 = tpu.memref_slice %arg3[%add3A_130] : memref<320000xi32, #tpu.memory_space<hbm>> -> memref<400xi32, #tpu.memory_space<hbm>>
      %dma_start3A_202 = tpu.memref_slice %arg3[%add3A_130] : memref<320000xi32, #tpu.memory_space<hbm>> -> memref<400xi32, #tpu.memory_space<hbm>>
      tpu.enqueue_dma source(%dma_start3A_202 : memref<400xi32, #tpu.memory_space<hbm>>) target(%arg5 : memref<400xi32, #tpu.memory_space<vmem>>) target_semaphore(%run_scoped3A : memref<!tpu.dma_semaphore, #tpu.memory_space<semaphore_mem>>)
      %dma_wait3A_203 = tpu.memref_slice %arg3[%add3A_130] : memref<320000xi32, #tpu.memory_space<hbm>> -> memref<400xi32, #tpu.memory_space<hbm>>
      %dma_wait3A_204 = tpu.memref_slice %arg3[%add3A_130] : memref<320000xi32, #tpu.memory_space<hbm>> -> memref<400xi32, #tpu.memory_space<hbm>>
      tpu.wait_dma2 semaphore(%run_scoped3A : memref<!tpu.dma_semaphore, #tpu.memory_space<semaphore_mem>>) src(%dma_wait3A_204 : memref<400xi32, #tpu.memory_space<hbm>>) dst(%arg5 : memref<400xi32, #tpu.memory_space<vmem>>)
      tpu.yield
    }) : () -> ()
    %dma_start3A_131 = arith.constant 0 : i32
    %dma_start3A_132 = arith.constant 0 : i32
    %dma_start3A_133 = tpu.memref_slice %arg2[%dma_start3A_131, %dma_start3A_132] : memref<10000x128xf32, #tpu.memory_space<hbm>> -> memref<10000x128xf32, #tpu.memory_space<hbm>>
    tpu.enqueue_indirect_dma source(%dma_start3A_133 : memref<10000x128xf32, #tpu.memory_space<hbm>>) target(%arg6 : memref<400x128xf32, #tpu.memory_space<vmem>>) offsets(%arg5 : memref<400xi32, #tpu.memory_space<vmem>>) semaphore(%arg7 : memref<!tpu.dma_semaphore, #tpu.memory_space<semaphore_mem>>)
    %dma_wait3A_134 = arith.constant 0 : i32
    %dma_wait3A_135 = arith.constant 0 : i32
    %dma_wait3A_136 = tpu.memref_slice %arg2[%dma_wait3A_134, %dma_wait3A_135] : memref<10000x128xf32, #tpu.memory_space<hbm>> -> memref<10000x128xf32, #tpu.memory_space<hbm>>
    tpu.wait_indirect_dma semaphore(%arg7 : memref<!tpu.dma_semaphore, #tpu.memory_space<semaphore_mem>>) src(%dma_wait3A_136 : memref<10000x128xf32, #tpu.memory_space<hbm>>) dst(%arg6 : memref<400x128xf32, #tpu.memory_space<vmem>>)
    "tpu.region"() ({
      %run_scoped3A = tpu.sem_alloc : memref<!tpu.dma_semaphore, #tpu.memory_space<semaphore_mem>>
      %dma_start3A_201 = arith.constant 0 : i32
      %dma_start3A_202 = tpu.memref_slice %arg4[%add3A_130, %dma_start3A_201] : memref<320000x128xf32, #tpu.memory_space<hbm>> -> memref<400x128xf32, #tpu.memory_space<hbm>>
      %dma_start3A_203 = arith.constant 0 : i32
      %dma_start3A_204 = tpu.memref_slice %arg4[%add3A_130, %dma_start3A_203] : memref<320000x128xf32, #tpu.memory_space<hbm>> -> memref<400x128xf32, #tpu.memory_space<hbm>>
      tpu.enqueue_dma source(%arg6 : memref<400x128xf32, #tpu.memory_space<vmem>>) target(%dma_start3A_204 : memref<400x128xf32, #tpu.memory_space<hbm>>) target_semaphore(%run_scoped3A : memref<!tpu.dma_semaphore, #tpu.memory_space<semaphore_mem>>)
      %dma_wait3A_205 = arith.constant 0 : i32
      %dma_wait3A_206 = tpu.memref_slice %arg4[%add3A_130, %dma_wait3A_205] : memref<320000x128xf32, #tpu.memory_space<hbm>> -> memref<400x128xf32, #tpu.memory_space<hbm>>
      %dma_wait3A_207 = arith.constant 0 : i32
      %dma_wait3A_208 = tpu.memref_slice %arg4[%add3A_130, %dma_wait3A_207] : memref<320000x128xf32, #tpu.memory_space<hbm>> -> memref<400x128xf32, #tpu.memory_space<hbm>>
      tpu.wait_dma2 semaphore(%run_scoped3A : memref<!tpu.dma_semaphore, #tpu.memory_space<semaphore_mem>>) src(%arg6 : memref<400x128xf32, #tpu.memory_space<vmem>>) dst(%dma_wait3A_208 : memref<400x128xf32, #tpu.memory_space<hbm>>)
      tpu.yield
    }) : () -> ()
    %add3A_137 = arith.constant 6800 : i32
    %add3A_138 = arith.addi %mul3A_2, %add3A_137 : i32
    "tpu.region"() ({
      %run_scoped3A = tpu.sem_alloc : memref<!tpu.dma_semaphore, #tpu.memory_space<semaphore_mem>>
      %dma_start3A_201 = tpu.memref_slice %arg3[%add3A_138] : memref<320000xi32, #tpu.memory_space<hbm>> -> memref<400xi32, #tpu.memory_space<hbm>>
      %dma_start3A_202 = tpu.memref_slice %arg3[%add3A_138] : memref<320000xi32, #tpu.memory_space<hbm>> -> memref<400xi32, #tpu.memory_space<hbm>>
      tpu.enqueue_dma source(%dma_start3A_202 : memref<400xi32, #tpu.memory_space<hbm>>) target(%arg5 : memref<400xi32, #tpu.memory_space<vmem>>) target_semaphore(%run_scoped3A : memref<!tpu.dma_semaphore, #tpu.memory_space<semaphore_mem>>)
      %dma_wait3A_203 = tpu.memref_slice %arg3[%add3A_138] : memref<320000xi32, #tpu.memory_space<hbm>> -> memref<400xi32, #tpu.memory_space<hbm>>
      %dma_wait3A_204 = tpu.memref_slice %arg3[%add3A_138] : memref<320000xi32, #tpu.memory_space<hbm>> -> memref<400xi32, #tpu.memory_space<hbm>>
      tpu.wait_dma2 semaphore(%run_scoped3A : memref<!tpu.dma_semaphore, #tpu.memory_space<semaphore_mem>>) src(%dma_wait3A_204 : memref<400xi32, #tpu.memory_space<hbm>>) dst(%arg5 : memref<400xi32, #tpu.memory_space<vmem>>)
      tpu.yield
    }) : () -> ()
    %dma_start3A_139 = arith.constant 0 : i32
    %dma_start3A_140 = arith.constant 0 : i32
    %dma_start3A_141 = tpu.memref_slice %arg2[%dma_start3A_139, %dma_start3A_140] : memref<10000x128xf32, #tpu.memory_space<hbm>> -> memref<10000x128xf32, #tpu.memory_space<hbm>>
    tpu.enqueue_indirect_dma source(%dma_start3A_141 : memref<10000x128xf32, #tpu.memory_space<hbm>>) target(%arg6 : memref<400x128xf32, #tpu.memory_space<vmem>>) offsets(%arg5 : memref<400xi32, #tpu.memory_space<vmem>>) semaphore(%arg7 : memref<!tpu.dma_semaphore, #tpu.memory_space<semaphore_mem>>)
    %dma_wait3A_142 = arith.constant 0 : i32
    %dma_wait3A_143 = arith.constant 0 : i32
    %dma_wait3A_144 = tpu.memref_slice %arg2[%dma_wait3A_142, %dma_wait3A_143] : memref<10000x128xf32, #tpu.memory_space<hbm>> -> memref<10000x128xf32, #tpu.memory_space<hbm>>
    tpu.wait_indirect_dma semaphore(%arg7 : memref<!tpu.dma_semaphore, #tpu.memory_space<semaphore_mem>>) src(%dma_wait3A_144 : memref<10000x128xf32, #tpu.memory_space<hbm>>) dst(%arg6 : memref<400x128xf32, #tpu.memory_space<vmem>>)
    "tpu.region"() ({
      %run_scoped3A = tpu.sem_alloc : memref<!tpu.dma_semaphore, #tpu.memory_space<semaphore_mem>>
      %dma_start3A_201 = arith.constant 0 : i32
      %dma_start3A_202 = tpu.memref_slice %arg4[%add3A_138, %dma_start3A_201] : memref<320000x128xf32, #tpu.memory_space<hbm>> -> memref<400x128xf32, #tpu.memory_space<hbm>>
      %dma_start3A_203 = arith.constant 0 : i32
      %dma_start3A_204 = tpu.memref_slice %arg4[%add3A_138, %dma_start3A_203] : memref<320000x128xf32, #tpu.memory_space<hbm>> -> memref<400x128xf32, #tpu.memory_space<hbm>>
      tpu.enqueue_dma source(%arg6 : memref<400x128xf32, #tpu.memory_space<vmem>>) target(%dma_start3A_204 : memref<400x128xf32, #tpu.memory_space<hbm>>) target_semaphore(%run_scoped3A : memref<!tpu.dma_semaphore, #tpu.memory_space<semaphore_mem>>)
      %dma_wait3A_205 = arith.constant 0 : i32
      %dma_wait3A_206 = tpu.memref_slice %arg4[%add3A_138, %dma_wait3A_205] : memref<320000x128xf32, #tpu.memory_space<hbm>> -> memref<400x128xf32, #tpu.memory_space<hbm>>
      %dma_wait3A_207 = arith.constant 0 : i32
      %dma_wait3A_208 = tpu.memref_slice %arg4[%add3A_138, %dma_wait3A_207] : memref<320000x128xf32, #tpu.memory_space<hbm>> -> memref<400x128xf32, #tpu.memory_space<hbm>>
      tpu.wait_dma2 semaphore(%run_scoped3A : memref<!tpu.dma_semaphore, #tpu.memory_space<semaphore_mem>>) src(%arg6 : memref<400x128xf32, #tpu.memory_space<vmem>>) dst(%dma_wait3A_208 : memref<400x128xf32, #tpu.memory_space<hbm>>)
      tpu.yield
    }) : () -> ()
    %add3A_145 = arith.constant 7200 : i32
    %add3A_146 = arith.addi %mul3A_2, %add3A_145 : i32
    "tpu.region"() ({
      %run_scoped3A = tpu.sem_alloc : memref<!tpu.dma_semaphore, #tpu.memory_space<semaphore_mem>>
      %dma_start3A_201 = tpu.memref_slice %arg3[%add3A_146] : memref<320000xi32, #tpu.memory_space<hbm>> -> memref<400xi32, #tpu.memory_space<hbm>>
      %dma_start3A_202 = tpu.memref_slice %arg3[%add3A_146] : memref<320000xi32, #tpu.memory_space<hbm>> -> memref<400xi32, #tpu.memory_space<hbm>>
      tpu.enqueue_dma source(%dma_start3A_202 : memref<400xi32, #tpu.memory_space<hbm>>) target(%arg5 : memref<400xi32, #tpu.memory_space<vmem>>) target_semaphore(%run_scoped3A : memref<!tpu.dma_semaphore, #tpu.memory_space<semaphore_mem>>)
      %dma_wait3A_203 = tpu.memref_slice %arg3[%add3A_146] : memref<320000xi32, #tpu.memory_space<hbm>> -> memref<400xi32, #tpu.memory_space<hbm>>
      %dma_wait3A_204 = tpu.memref_slice %arg3[%add3A_146] : memref<320000xi32, #tpu.memory_space<hbm>> -> memref<400xi32, #tpu.memory_space<hbm>>
      tpu.wait_dma2 semaphore(%run_scoped3A : memref<!tpu.dma_semaphore, #tpu.memory_space<semaphore_mem>>) src(%dma_wait3A_204 : memref<400xi32, #tpu.memory_space<hbm>>) dst(%arg5 : memref<400xi32, #tpu.memory_space<vmem>>)
      tpu.yield
    }) : () -> ()
    %dma_start3A_147 = arith.constant 0 : i32
    %dma_start3A_148 = arith.constant 0 : i32
    %dma_start3A_149 = tpu.memref_slice %arg2[%dma_start3A_147, %dma_start3A_148] : memref<10000x128xf32, #tpu.memory_space<hbm>> -> memref<10000x128xf32, #tpu.memory_space<hbm>>
    tpu.enqueue_indirect_dma source(%dma_start3A_149 : memref<10000x128xf32, #tpu.memory_space<hbm>>) target(%arg6 : memref<400x128xf32, #tpu.memory_space<vmem>>) offsets(%arg5 : memref<400xi32, #tpu.memory_space<vmem>>) semaphore(%arg7 : memref<!tpu.dma_semaphore, #tpu.memory_space<semaphore_mem>>)
    %dma_wait3A_150 = arith.constant 0 : i32
    %dma_wait3A_151 = arith.constant 0 : i32
    %dma_wait3A_152 = tpu.memref_slice %arg2[%dma_wait3A_150, %dma_wait3A_151] : memref<10000x128xf32, #tpu.memory_space<hbm>> -> memref<10000x128xf32, #tpu.memory_space<hbm>>
    tpu.wait_indirect_dma semaphore(%arg7 : memref<!tpu.dma_semaphore, #tpu.memory_space<semaphore_mem>>) src(%dma_wait3A_152 : memref<10000x128xf32, #tpu.memory_space<hbm>>) dst(%arg6 : memref<400x128xf32, #tpu.memory_space<vmem>>)
    "tpu.region"() ({
      %run_scoped3A = tpu.sem_alloc : memref<!tpu.dma_semaphore, #tpu.memory_space<semaphore_mem>>
      %dma_start3A_201 = arith.constant 0 : i32
      %dma_start3A_202 = tpu.memref_slice %arg4[%add3A_146, %dma_start3A_201] : memref<320000x128xf32, #tpu.memory_space<hbm>> -> memref<400x128xf32, #tpu.memory_space<hbm>>
      %dma_start3A_203 = arith.constant 0 : i32
      %dma_start3A_204 = tpu.memref_slice %arg4[%add3A_146, %dma_start3A_203] : memref<320000x128xf32, #tpu.memory_space<hbm>> -> memref<400x128xf32, #tpu.memory_space<hbm>>
      tpu.enqueue_dma source(%arg6 : memref<400x128xf32, #tpu.memory_space<vmem>>) target(%dma_start3A_204 : memref<400x128xf32, #tpu.memory_space<hbm>>) target_semaphore(%run_scoped3A : memref<!tpu.dma_semaphore, #tpu.memory_space<semaphore_mem>>)
      %dma_wait3A_205 = arith.constant 0 : i32
      %dma_wait3A_206 = tpu.memref_slice %arg4[%add3A_146, %dma_wait3A_205] : memref<320000x128xf32, #tpu.memory_space<hbm>> -> memref<400x128xf32, #tpu.memory_space<hbm>>
      %dma_wait3A_207 = arith.constant 0 : i32
      %dma_wait3A_208 = tpu.memref_slice %arg4[%add3A_146, %dma_wait3A_207] : memref<320000x128xf32, #tpu.memory_space<hbm>> -> memref<400x128xf32, #tpu.memory_space<hbm>>
      tpu.wait_dma2 semaphore(%run_scoped3A : memref<!tpu.dma_semaphore, #tpu.memory_space<semaphore_mem>>) src(%arg6 : memref<400x128xf32, #tpu.memory_space<vmem>>) dst(%dma_wait3A_208 : memref<400x128xf32, #tpu.memory_space<hbm>>)
      tpu.yield
    }) : () -> ()
    %add3A_153 = arith.constant 7600 : i32
    %add3A_154 = arith.addi %mul3A_2, %add3A_153 : i32
    "tpu.region"() ({
      %run_scoped3A = tpu.sem_alloc : memref<!tpu.dma_semaphore, #tpu.memory_space<semaphore_mem>>
      %dma_start3A_201 = tpu.memref_slice %arg3[%add3A_154] : memref<320000xi32, #tpu.memory_space<hbm>> -> memref<400xi32, #tpu.memory_space<hbm>>
      %dma_start3A_202 = tpu.memref_slice %arg3[%add3A_154] : memref<320000xi32, #tpu.memory_space<hbm>> -> memref<400xi32, #tpu.memory_space<hbm>>
      tpu.enqueue_dma source(%dma_start3A_202 : memref<400xi32, #tpu.memory_space<hbm>>) target(%arg5 : memref<400xi32, #tpu.memory_space<vmem>>) target_semaphore(%run_scoped3A : memref<!tpu.dma_semaphore, #tpu.memory_space<semaphore_mem>>)
      %dma_wait3A_203 = tpu.memref_slice %arg3[%add3A_154] : memref<320000xi32, #tpu.memory_space<hbm>> -> memref<400xi32, #tpu.memory_space<hbm>>
      %dma_wait3A_204 = tpu.memref_slice %arg3[%add3A_154] : memref<320000xi32, #tpu.memory_space<hbm>> -> memref<400xi32, #tpu.memory_space<hbm>>
      tpu.wait_dma2 semaphore(%run_scoped3A : memref<!tpu.dma_semaphore, #tpu.memory_space<semaphore_mem>>) src(%dma_wait3A_204 : memref<400xi32, #tpu.memory_space<hbm>>) dst(%arg5 : memref<400xi32, #tpu.memory_space<vmem>>)
      tpu.yield
    }) : () -> ()
    %dma_start3A_155 = arith.constant 0 : i32
    %dma_start3A_156 = arith.constant 0 : i32
    %dma_start3A_157 = tpu.memref_slice %arg2[%dma_start3A_155, %dma_start3A_156] : memref<10000x128xf32, #tpu.memory_space<hbm>> -> memref<10000x128xf32, #tpu.memory_space<hbm>>
    tpu.enqueue_indirect_dma source(%dma_start3A_157 : memref<10000x128xf32, #tpu.memory_space<hbm>>) target(%arg6 : memref<400x128xf32, #tpu.memory_space<vmem>>) offsets(%arg5 : memref<400xi32, #tpu.memory_space<vmem>>) semaphore(%arg7 : memref<!tpu.dma_semaphore, #tpu.memory_space<semaphore_mem>>)
    %dma_wait3A_158 = arith.constant 0 : i32
    %dma_wait3A_159 = arith.constant 0 : i32
    %dma_wait3A_160 = tpu.memref_slice %arg2[%dma_wait3A_158, %dma_wait3A_159] : memref<10000x128xf32, #tpu.memory_space<hbm>> -> memref<10000x128xf32, #tpu.memory_space<hbm>>
    tpu.wait_indirect_dma semaphore(%arg7 : memref<!tpu.dma_semaphore, #tpu.memory_space<semaphore_mem>>) src(%dma_wait3A_160 : memref<10000x128xf32, #tpu.memory_space<hbm>>) dst(%arg6 : memref<400x128xf32, #tpu.memory_space<vmem>>)
    "tpu.region"() ({
      %run_scoped3A = tpu.sem_alloc : memref<!tpu.dma_semaphore, #tpu.memory_space<semaphore_mem>>
      %dma_start3A_201 = arith.constant 0 : i32
      %dma_start3A_202 = tpu.memref_slice %arg4[%add3A_154, %dma_start3A_201] : memref<320000x128xf32, #tpu.memory_space<hbm>> -> memref<400x128xf32, #tpu.memory_space<hbm>>
      %dma_start3A_203 = arith.constant 0 : i32
      %dma_start3A_204 = tpu.memref_slice %arg4[%add3A_154, %dma_start3A_203] : memref<320000x128xf32, #tpu.memory_space<hbm>> -> memref<400x128xf32, #tpu.memory_space<hbm>>
      tpu.enqueue_dma source(%arg6 : memref<400x128xf32, #tpu.memory_space<vmem>>) target(%dma_start3A_204 : memref<400x128xf32, #tpu.memory_space<hbm>>) target_semaphore(%run_scoped3A : memref<!tpu.dma_semaphore, #tpu.memory_space<semaphore_mem>>)
      %dma_wait3A_205 = arith.constant 0 : i32
      %dma_wait3A_206 = tpu.memref_slice %arg4[%add3A_154, %dma_wait3A_205] : memref<320000x128xf32, #tpu.memory_space<hbm>> -> memref<400x128xf32, #tpu.memory_space<hbm>>
      %dma_wait3A_207 = arith.constant 0 : i32
      %dma_wait3A_208 = tpu.memref_slice %arg4[%add3A_154, %dma_wait3A_207] : memref<320000x128xf32, #tpu.memory_space<hbm>> -> memref<400x128xf32, #tpu.memory_space<hbm>>
      tpu.wait_dma2 semaphore(%run_scoped3A : memref<!tpu.dma_semaphore, #tpu.memory_space<semaphore_mem>>) src(%arg6 : memref<400x128xf32, #tpu.memory_space<vmem>>) dst(%dma_wait3A_208 : memref<400x128xf32, #tpu.memory_space<hbm>>)
      tpu.yield
    }) : () -> ()
    %add3A_161 = arith.constant 8000 : i32
    %add3A_162 = arith.addi %mul3A_2, %add3A_161 : i32
    "tpu.region"() ({
      %run_scoped3A = tpu.sem_alloc : memref<!tpu.dma_semaphore, #tpu.memory_space<semaphore_mem>>
      %dma_start3A_201 = tpu.memref_slice %arg3[%add3A_162] : memref<320000xi32, #tpu.memory_space<hbm>> -> memref<400xi32, #tpu.memory_space<hbm>>
      %dma_start3A_202 = tpu.memref_slice %arg3[%add3A_162] : memref<320000xi32, #tpu.memory_space<hbm>> -> memref<400xi32, #tpu.memory_space<hbm>>
      tpu.enqueue_dma source(%dma_start3A_202 : memref<400xi32, #tpu.memory_space<hbm>>) target(%arg5 : memref<400xi32, #tpu.memory_space<vmem>>) target_semaphore(%run_scoped3A : memref<!tpu.dma_semaphore, #tpu.memory_space<semaphore_mem>>)
      %dma_wait3A_203 = tpu.memref_slice %arg3[%add3A_162] : memref<320000xi32, #tpu.memory_space<hbm>> -> memref<400xi32, #tpu.memory_space<hbm>>
      %dma_wait3A_204 = tpu.memref_slice %arg3[%add3A_162] : memref<320000xi32, #tpu.memory_space<hbm>> -> memref<400xi32, #tpu.memory_space<hbm>>
      tpu.wait_dma2 semaphore(%run_scoped3A : memref<!tpu.dma_semaphore, #tpu.memory_space<semaphore_mem>>) src(%dma_wait3A_204 : memref<400xi32, #tpu.memory_space<hbm>>) dst(%arg5 : memref<400xi32, #tpu.memory_space<vmem>>)
      tpu.yield
    }) : () -> ()
    %dma_start3A_163 = arith.constant 0 : i32
    %dma_start3A_164 = arith.constant 0 : i32
    %dma_start3A_165 = tpu.memref_slice %arg2[%dma_start3A_163, %dma_start3A_164] : memref<10000x128xf32, #tpu.memory_space<hbm>> -> memref<10000x128xf32, #tpu.memory_space<hbm>>
    tpu.enqueue_indirect_dma source(%dma_start3A_165 : memref<10000x128xf32, #tpu.memory_space<hbm>>) target(%arg6 : memref<400x128xf32, #tpu.memory_space<vmem>>) offsets(%arg5 : memref<400xi32, #tpu.memory_space<vmem>>) semaphore(%arg7 : memref<!tpu.dma_semaphore, #tpu.memory_space<semaphore_mem>>)
    %dma_wait3A_166 = arith.constant 0 : i32
    %dma_wait3A_167 = arith.constant 0 : i32
    %dma_wait3A_168 = tpu.memref_slice %arg2[%dma_wait3A_166, %dma_wait3A_167] : memref<10000x128xf32, #tpu.memory_space<hbm>> -> memref<10000x128xf32, #tpu.memory_space<hbm>>
    tpu.wait_indirect_dma semaphore(%arg7 : memref<!tpu.dma_semaphore, #tpu.memory_space<semaphore_mem>>) src(%dma_wait3A_168 : memref<10000x128xf32, #tpu.memory_space<hbm>>) dst(%arg6 : memref<400x128xf32, #tpu.memory_space<vmem>>)
    "tpu.region"() ({
      %run_scoped3A = tpu.sem_alloc : memref<!tpu.dma_semaphore, #tpu.memory_space<semaphore_mem>>
      %dma_start3A_201 = arith.constant 0 : i32
      %dma_start3A_202 = tpu.memref_slice %arg4[%add3A_162, %dma_start3A_201] : memref<320000x128xf32, #tpu.memory_space<hbm>> -> memref<400x128xf32, #tpu.memory_space<hbm>>
      %dma_start3A_203 = arith.constant 0 : i32
      %dma_start3A_204 = tpu.memref_slice %arg4[%add3A_162, %dma_start3A_203] : memref<320000x128xf32, #tpu.memory_space<hbm>> -> memref<400x128xf32, #tpu.memory_space<hbm>>
      tpu.enqueue_dma source(%arg6 : memref<400x128xf32, #tpu.memory_space<vmem>>) target(%dma_start3A_204 : memref<400x128xf32, #tpu.memory_space<hbm>>) target_semaphore(%run_scoped3A : memref<!tpu.dma_semaphore, #tpu.memory_space<semaphore_mem>>)
      %dma_wait3A_205 = arith.constant 0 : i32
      %dma_wait3A_206 = tpu.memref_slice %arg4[%add3A_162, %dma_wait3A_205] : memref<320000x128xf32, #tpu.memory_space<hbm>> -> memref<400x128xf32, #tpu.memory_space<hbm>>
      %dma_wait3A_207 = arith.constant 0 : i32
      %dma_wait3A_208 = tpu.memref_slice %arg4[%add3A_162, %dma_wait3A_207] : memref<320000x128xf32, #tpu.memory_space<hbm>> -> memref<400x128xf32, #tpu.memory_space<hbm>>
      tpu.wait_dma2 semaphore(%run_scoped3A : memref<!tpu.dma_semaphore, #tpu.memory_space<semaphore_mem>>) src(%arg6 : memref<400x128xf32, #tpu.memory_space<vmem>>) dst(%dma_wait3A_208 : memref<400x128xf32, #tpu.memory_space<hbm>>)
      tpu.yield
    }) : () -> ()
    %add3A_169 = arith.constant 8400 : i32
    %add3A_170 = arith.addi %mul3A_2, %add3A_169 : i32
    "tpu.region"() ({
      %run_scoped3A = tpu.sem_alloc : memref<!tpu.dma_semaphore, #tpu.memory_space<semaphore_mem>>
      %dma_start3A_201 = tpu.memref_slice %arg3[%add3A_170] : memref<320000xi32, #tpu.memory_space<hbm>> -> memref<400xi32, #tpu.memory_space<hbm>>
      %dma_start3A_202 = tpu.memref_slice %arg3[%add3A_170] : memref<320000xi32, #tpu.memory_space<hbm>> -> memref<400xi32, #tpu.memory_space<hbm>>
      tpu.enqueue_dma source(%dma_start3A_202 : memref<400xi32, #tpu.memory_space<hbm>>) target(%arg5 : memref<400xi32, #tpu.memory_space<vmem>>) target_semaphore(%run_scoped3A : memref<!tpu.dma_semaphore, #tpu.memory_space<semaphore_mem>>)
      %dma_wait3A_203 = tpu.memref_slice %arg3[%add3A_170] : memref<320000xi32, #tpu.memory_space<hbm>> -> memref<400xi32, #tpu.memory_space<hbm>>
      %dma_wait3A_204 = tpu.memref_slice %arg3[%add3A_170] : memref<320000xi32, #tpu.memory_space<hbm>> -> memref<400xi32, #tpu.memory_space<hbm>>
      tpu.wait_dma2 semaphore(%run_scoped3A : memref<!tpu.dma_semaphore, #tpu.memory_space<semaphore_mem>>) src(%dma_wait3A_204 : memref<400xi32, #tpu.memory_space<hbm>>) dst(%arg5 : memref<400xi32, #tpu.memory_space<vmem>>)
      tpu.yield
    }) : () -> ()
    %dma_start3A_171 = arith.constant 0 : i32
    %dma_start3A_172 = arith.constant 0 : i32
    %dma_start3A_173 = tpu.memref_slice %arg2[%dma_start3A_171, %dma_start3A_172] : memref<10000x128xf32, #tpu.memory_space<hbm>> -> memref<10000x128xf32, #tpu.memory_space<hbm>>
    tpu.enqueue_indirect_dma source(%dma_start3A_173 : memref<10000x128xf32, #tpu.memory_space<hbm>>) target(%arg6 : memref<400x128xf32, #tpu.memory_space<vmem>>) offsets(%arg5 : memref<400xi32, #tpu.memory_space<vmem>>) semaphore(%arg7 : memref<!tpu.dma_semaphore, #tpu.memory_space<semaphore_mem>>)
    %dma_wait3A_174 = arith.constant 0 : i32
    %dma_wait3A_175 = arith.constant 0 : i32
    %dma_wait3A_176 = tpu.memref_slice %arg2[%dma_wait3A_174, %dma_wait3A_175] : memref<10000x128xf32, #tpu.memory_space<hbm>> -> memref<10000x128xf32, #tpu.memory_space<hbm>>
    tpu.wait_indirect_dma semaphore(%arg7 : memref<!tpu.dma_semaphore, #tpu.memory_space<semaphore_mem>>) src(%dma_wait3A_176 : memref<10000x128xf32, #tpu.memory_space<hbm>>) dst(%arg6 : memref<400x128xf32, #tpu.memory_space<vmem>>)
    "tpu.region"() ({
      %run_scoped3A = tpu.sem_alloc : memref<!tpu.dma_semaphore, #tpu.memory_space<semaphore_mem>>
      %dma_start3A_201 = arith.constant 0 : i32
      %dma_start3A_202 = tpu.memref_slice %arg4[%add3A_170, %dma_start3A_201] : memref<320000x128xf32, #tpu.memory_space<hbm>> -> memref<400x128xf32, #tpu.memory_space<hbm>>
      %dma_start3A_203 = arith.constant 0 : i32
      %dma_start3A_204 = tpu.memref_slice %arg4[%add3A_170, %dma_start3A_203] : memref<320000x128xf32, #tpu.memory_space<hbm>> -> memref<400x128xf32, #tpu.memory_space<hbm>>
      tpu.enqueue_dma source(%arg6 : memref<400x128xf32, #tpu.memory_space<vmem>>) target(%dma_start3A_204 : memref<400x128xf32, #tpu.memory_space<hbm>>) target_semaphore(%run_scoped3A : memref<!tpu.dma_semaphore, #tpu.memory_space<semaphore_mem>>)
      %dma_wait3A_205 = arith.constant 0 : i32
      %dma_wait3A_206 = tpu.memref_slice %arg4[%add3A_170, %dma_wait3A_205] : memref<320000x128xf32, #tpu.memory_space<hbm>> -> memref<400x128xf32, #tpu.memory_space<hbm>>
      %dma_wait3A_207 = arith.constant 0 : i32
      %dma_wait3A_208 = tpu.memref_slice %arg4[%add3A_170, %dma_wait3A_207] : memref<320000x128xf32, #tpu.memory_space<hbm>> -> memref<400x128xf32, #tpu.memory_space<hbm>>
      tpu.wait_dma2 semaphore(%run_scoped3A : memref<!tpu.dma_semaphore, #tpu.memory_space<semaphore_mem>>) src(%arg6 : memref<400x128xf32, #tpu.memory_space<vmem>>) dst(%dma_wait3A_208 : memref<400x128xf32, #tpu.memory_space<hbm>>)
      tpu.yield
    }) : () -> ()
    %add3A_177 = arith.constant 8800 : i32
    %add3A_178 = arith.addi %mul3A_2, %add3A_177 : i32
    "tpu.region"() ({
      %run_scoped3A = tpu.sem_alloc : memref<!tpu.dma_semaphore, #tpu.memory_space<semaphore_mem>>
      %dma_start3A_201 = tpu.memref_slice %arg3[%add3A_178] : memref<320000xi32, #tpu.memory_space<hbm>> -> memref<400xi32, #tpu.memory_space<hbm>>
      %dma_start3A_202 = tpu.memref_slice %arg3[%add3A_178] : memref<320000xi32, #tpu.memory_space<hbm>> -> memref<400xi32, #tpu.memory_space<hbm>>
      tpu.enqueue_dma source(%dma_start3A_202 : memref<400xi32, #tpu.memory_space<hbm>>) target(%arg5 : memref<400xi32, #tpu.memory_space<vmem>>) target_semaphore(%run_scoped3A : memref<!tpu.dma_semaphore, #tpu.memory_space<semaphore_mem>>)
      %dma_wait3A_203 = tpu.memref_slice %arg3[%add3A_178] : memref<320000xi32, #tpu.memory_space<hbm>> -> memref<400xi32, #tpu.memory_space<hbm>>
      %dma_wait3A_204 = tpu.memref_slice %arg3[%add3A_178] : memref<320000xi32, #tpu.memory_space<hbm>> -> memref<400xi32, #tpu.memory_space<hbm>>
      tpu.wait_dma2 semaphore(%run_scoped3A : memref<!tpu.dma_semaphore, #tpu.memory_space<semaphore_mem>>) src(%dma_wait3A_204 : memref<400xi32, #tpu.memory_space<hbm>>) dst(%arg5 : memref<400xi32, #tpu.memory_space<vmem>>)
      tpu.yield
    }) : () -> ()
    %dma_start3A_179 = arith.constant 0 : i32
    %dma_start3A_180 = arith.constant 0 : i32
    %dma_start3A_181 = tpu.memref_slice %arg2[%dma_start3A_179, %dma_start3A_180] : memref<10000x128xf32, #tpu.memory_space<hbm>> -> memref<10000x128xf32, #tpu.memory_space<hbm>>
    tpu.enqueue_indirect_dma source(%dma_start3A_181 : memref<10000x128xf32, #tpu.memory_space<hbm>>) target(%arg6 : memref<400x128xf32, #tpu.memory_space<vmem>>) offsets(%arg5 : memref<400xi32, #tpu.memory_space<vmem>>) semaphore(%arg7 : memref<!tpu.dma_semaphore, #tpu.memory_space<semaphore_mem>>)
    %dma_wait3A_182 = arith.constant 0 : i32
    %dma_wait3A_183 = arith.constant 0 : i32
    %dma_wait3A_184 = tpu.memref_slice %arg2[%dma_wait3A_182, %dma_wait3A_183] : memref<10000x128xf32, #tpu.memory_space<hbm>> -> memref<10000x128xf32, #tpu.memory_space<hbm>>
    tpu.wait_indirect_dma semaphore(%arg7 : memref<!tpu.dma_semaphore, #tpu.memory_space<semaphore_mem>>) src(%dma_wait3A_184 : memref<10000x128xf32, #tpu.memory_space<hbm>>) dst(%arg6 : memref<400x128xf32, #tpu.memory_space<vmem>>)
    "tpu.region"() ({
      %run_scoped3A = tpu.sem_alloc : memref<!tpu.dma_semaphore, #tpu.memory_space<semaphore_mem>>
      %dma_start3A_201 = arith.constant 0 : i32
      %dma_start3A_202 = tpu.memref_slice %arg4[%add3A_178, %dma_start3A_201] : memref<320000x128xf32, #tpu.memory_space<hbm>> -> memref<400x128xf32, #tpu.memory_space<hbm>>
      %dma_start3A_203 = arith.constant 0 : i32
      %dma_start3A_204 = tpu.memref_slice %arg4[%add3A_178, %dma_start3A_203] : memref<320000x128xf32, #tpu.memory_space<hbm>> -> memref<400x128xf32, #tpu.memory_space<hbm>>
      tpu.enqueue_dma source(%arg6 : memref<400x128xf32, #tpu.memory_space<vmem>>) target(%dma_start3A_204 : memref<400x128xf32, #tpu.memory_space<hbm>>) target_semaphore(%run_scoped3A : memref<!tpu.dma_semaphore, #tpu.memory_space<semaphore_mem>>)
      %dma_wait3A_205 = arith.constant 0 : i32
      %dma_wait3A_206 = tpu.memref_slice %arg4[%add3A_178, %dma_wait3A_205] : memref<320000x128xf32, #tpu.memory_space<hbm>> -> memref<400x128xf32, #tpu.memory_space<hbm>>
      %dma_wait3A_207 = arith.constant 0 : i32
      %dma_wait3A_208 = tpu.memref_slice %arg4[%add3A_178, %dma_wait3A_207] : memref<320000x128xf32, #tpu.memory_space<hbm>> -> memref<400x128xf32, #tpu.memory_space<hbm>>
      tpu.wait_dma2 semaphore(%run_scoped3A : memref<!tpu.dma_semaphore, #tpu.memory_space<semaphore_mem>>) src(%arg6 : memref<400x128xf32, #tpu.memory_space<vmem>>) dst(%dma_wait3A_208 : memref<400x128xf32, #tpu.memory_space<hbm>>)
      tpu.yield
    }) : () -> ()
    %add3A_185 = arith.constant 9200 : i32
    %add3A_186 = arith.addi %mul3A_2, %add3A_185 : i32
    "tpu.region"() ({
      %run_scoped3A = tpu.sem_alloc : memref<!tpu.dma_semaphore, #tpu.memory_space<semaphore_mem>>
      %dma_start3A_201 = tpu.memref_slice %arg3[%add3A_186] : memref<320000xi32, #tpu.memory_space<hbm>> -> memref<400xi32, #tpu.memory_space<hbm>>
      %dma_start3A_202 = tpu.memref_slice %arg3[%add3A_186] : memref<320000xi32, #tpu.memory_space<hbm>> -> memref<400xi32, #tpu.memory_space<hbm>>
      tpu.enqueue_dma source(%dma_start3A_202 : memref<400xi32, #tpu.memory_space<hbm>>) target(%arg5 : memref<400xi32, #tpu.memory_space<vmem>>) target_semaphore(%run_scoped3A : memref<!tpu.dma_semaphore, #tpu.memory_space<semaphore_mem>>)
      %dma_wait3A_203 = tpu.memref_slice %arg3[%add3A_186] : memref<320000xi32, #tpu.memory_space<hbm>> -> memref<400xi32, #tpu.memory_space<hbm>>
      %dma_wait3A_204 = tpu.memref_slice %arg3[%add3A_186] : memref<320000xi32, #tpu.memory_space<hbm>> -> memref<400xi32, #tpu.memory_space<hbm>>
      tpu.wait_dma2 semaphore(%run_scoped3A : memref<!tpu.dma_semaphore, #tpu.memory_space<semaphore_mem>>) src(%dma_wait3A_204 : memref<400xi32, #tpu.memory_space<hbm>>) dst(%arg5 : memref<400xi32, #tpu.memory_space<vmem>>)
      tpu.yield
    }) : () -> ()
    %dma_start3A_187 = arith.constant 0 : i32
    %dma_start3A_188 = arith.constant 0 : i32
    %dma_start3A_189 = tpu.memref_slice %arg2[%dma_start3A_187, %dma_start3A_188] : memref<10000x128xf32, #tpu.memory_space<hbm>> -> memref<10000x128xf32, #tpu.memory_space<hbm>>
    tpu.enqueue_indirect_dma source(%dma_start3A_189 : memref<10000x128xf32, #tpu.memory_space<hbm>>) target(%arg6 : memref<400x128xf32, #tpu.memory_space<vmem>>) offsets(%arg5 : memref<400xi32, #tpu.memory_space<vmem>>) semaphore(%arg7 : memref<!tpu.dma_semaphore, #tpu.memory_space<semaphore_mem>>)
    %dma_wait3A_190 = arith.constant 0 : i32
    %dma_wait3A_191 = arith.constant 0 : i32
    %dma_wait3A_192 = tpu.memref_slice %arg2[%dma_wait3A_190, %dma_wait3A_191] : memref<10000x128xf32, #tpu.memory_space<hbm>> -> memref<10000x128xf32, #tpu.memory_space<hbm>>
    tpu.wait_indirect_dma semaphore(%arg7 : memref<!tpu.dma_semaphore, #tpu.memory_space<semaphore_mem>>) src(%dma_wait3A_192 : memref<10000x128xf32, #tpu.memory_space<hbm>>) dst(%arg6 : memref<400x128xf32, #tpu.memory_space<vmem>>)
    "tpu.region"() ({
      %run_scoped3A = tpu.sem_alloc : memref<!tpu.dma_semaphore, #tpu.memory_space<semaphore_mem>>
      %dma_start3A_201 = arith.constant 0 : i32
      %dma_start3A_202 = tpu.memref_slice %arg4[%add3A_186, %dma_start3A_201] : memref<320000x128xf32, #tpu.memory_space<hbm>> -> memref<400x128xf32, #tpu.memory_space<hbm>>
      %dma_start3A_203 = arith.constant 0 : i32
      %dma_start3A_204 = tpu.memref_slice %arg4[%add3A_186, %dma_start3A_203] : memref<320000x128xf32, #tpu.memory_space<hbm>> -> memref<400x128xf32, #tpu.memory_space<hbm>>
      tpu.enqueue_dma source(%arg6 : memref<400x128xf32, #tpu.memory_space<vmem>>) target(%dma_start3A_204 : memref<400x128xf32, #tpu.memory_space<hbm>>) target_semaphore(%run_scoped3A : memref<!tpu.dma_semaphore, #tpu.memory_space<semaphore_mem>>)
      %dma_wait3A_205 = arith.constant 0 : i32
      %dma_wait3A_206 = tpu.memref_slice %arg4[%add3A_186, %dma_wait3A_205] : memref<320000x128xf32, #tpu.memory_space<hbm>> -> memref<400x128xf32, #tpu.memory_space<hbm>>
      %dma_wait3A_207 = arith.constant 0 : i32
      %dma_wait3A_208 = tpu.memref_slice %arg4[%add3A_186, %dma_wait3A_207] : memref<320000x128xf32, #tpu.memory_space<hbm>> -> memref<400x128xf32, #tpu.memory_space<hbm>>
      tpu.wait_dma2 semaphore(%run_scoped3A : memref<!tpu.dma_semaphore, #tpu.memory_space<semaphore_mem>>) src(%arg6 : memref<400x128xf32, #tpu.memory_space<vmem>>) dst(%dma_wait3A_208 : memref<400x128xf32, #tpu.memory_space<hbm>>)
      tpu.yield
    }) : () -> ()
    %add3A_193 = arith.constant 9600 : i32
    %add3A_194 = arith.addi %mul3A_2, %add3A_193 : i32
    "tpu.region"() ({
      %run_scoped3A = tpu.sem_alloc : memref<!tpu.dma_semaphore, #tpu.memory_space<semaphore_mem>>
      %dma_start3A_201 = tpu.memref_slice %arg3[%add3A_194] : memref<320000xi32, #tpu.memory_space<hbm>> -> memref<400xi32, #tpu.memory_space<hbm>>
      %dma_start3A_202 = tpu.memref_slice %arg3[%add3A_194] : memref<320000xi32, #tpu.memory_space<hbm>> -> memref<400xi32, #tpu.memory_space<hbm>>
      tpu.enqueue_dma source(%dma_start3A_202 : memref<400xi32, #tpu.memory_space<hbm>>) target(%arg5 : memref<400xi32, #tpu.memory_space<vmem>>) target_semaphore(%run_scoped3A : memref<!tpu.dma_semaphore, #tpu.memory_space<semaphore_mem>>)
      %dma_wait3A_203 = tpu.memref_slice %arg3[%add3A_194] : memref<320000xi32, #tpu.memory_space<hbm>> -> memref<400xi32, #tpu.memory_space<hbm>>
      %dma_wait3A_204 = tpu.memref_slice %arg3[%add3A_194] : memref<320000xi32, #tpu.memory_space<hbm>> -> memref<400xi32, #tpu.memory_space<hbm>>
      tpu.wait_dma2 semaphore(%run_scoped3A : memref<!tpu.dma_semaphore, #tpu.memory_space<semaphore_mem>>) src(%dma_wait3A_204 : memref<400xi32, #tpu.memory_space<hbm>>) dst(%arg5 : memref<400xi32, #tpu.memory_space<vmem>>)
      tpu.yield
    }) : () -> ()
    %dma_start3A_195 = arith.constant 0 : i32
    %dma_start3A_196 = arith.constant 0 : i32
    %dma_start3A_197 = tpu.memref_slice %arg2[%dma_start3A_195, %dma_start3A_196] : memref<10000x128xf32, #tpu.memory_space<hbm>> -> memref<10000x128xf32, #tpu.memory_space<hbm>>
    tpu.enqueue_indirect_dma source(%dma_start3A_197 : memref<10000x128xf32, #tpu.memory_space<hbm>>) target(%arg6 : memref<400x128xf32, #tpu.memory_space<vmem>>) offsets(%arg5 : memref<400xi32, #tpu.memory_space<vmem>>) semaphore(%arg7 : memref<!tpu.dma_semaphore, #tpu.memory_space<semaphore_mem>>)
    %dma_wait3A_198 = arith.constant 0 : i32
    %dma_wait3A_199 = arith.constant 0 : i32
    %dma_wait3A_200 = tpu.memref_slice %arg2[%dma_wait3A_198, %dma_wait3A_199] : memref<10000x128xf32, #tpu.memory_space<hbm>> -> memref<10000x128xf32, #tpu.memory_space<hbm>>
    tpu.wait_indirect_dma semaphore(%arg7 : memref<!tpu.dma_semaphore, #tpu.memory_space<semaphore_mem>>) src(%dma_wait3A_200 : memref<10000x128xf32, #tpu.memory_space<hbm>>) dst(%arg6 : memref<400x128xf32, #tpu.memory_space<vmem>>)
    "tpu.region"() ({
      %run_scoped3A = tpu.sem_alloc : memref<!tpu.dma_semaphore, #tpu.memory_space<semaphore_mem>>
      %dma_start3A_201 = arith.constant 0 : i32
      %dma_start3A_202 = tpu.memref_slice %arg4[%add3A_194, %dma_start3A_201] : memref<320000x128xf32, #tpu.memory_space<hbm>> -> memref<400x128xf32, #tpu.memory_space<hbm>>
      %dma_start3A_203 = arith.constant 0 : i32
      %dma_start3A_204 = tpu.memref_slice %arg4[%add3A_194, %dma_start3A_203] : memref<320000x128xf32, #tpu.memory_space<hbm>> -> memref<400x128xf32, #tpu.memory_space<hbm>>
      tpu.enqueue_dma source(%arg6 : memref<400x128xf32, #tpu.memory_space<vmem>>) target(%dma_start3A_204 : memref<400x128xf32, #tpu.memory_space<hbm>>) target_semaphore(%run_scoped3A : memref<!tpu.dma_semaphore, #tpu.memory_space<semaphore_mem>>)
      %dma_wait3A_205 = arith.constant 0 : i32
      %dma_wait3A_206 = tpu.memref_slice %arg4[%add3A_194, %dma_wait3A_205] : memref<320000x128xf32, #tpu.memory_space<hbm>> -> memref<400x128xf32, #tpu.memory_space<hbm>>
      %dma_wait3A_207 = arith.constant 0 : i32
      %dma_wait3A_208 = tpu.memref_slice %arg4[%add3A_194, %dma_wait3A_207] : memref<320000x128xf32, #tpu.memory_space<hbm>> -> memref<400x128xf32, #tpu.memory_space<hbm>>
      tpu.wait_dma2 semaphore(%run_scoped3A : memref<!tpu.dma_semaphore, #tpu.memory_space<semaphore_mem>>) src(%arg6 : memref<400x128xf32, #tpu.memory_space<vmem>>) dst(%dma_wait3A_208 : memref<400x128xf32, #tpu.memory_space<hbm>>)
      tpu.yield
    }) : () -> ()
    return
  }
}

#map = affine_map<(d0, d1) -> (0, 0)>
#map1 = affine_map<(d0, d1) -> (0)>
module attributes {stable_mosaic.version = 14 : i64} {
  func.func @gk(%arg0: i32, %arg1: i32, %arg2: memref<10000x128xf32, #tpu.memory_space<hbm>>, %arg3: memref<320000xi32, #tpu.memory_space<hbm>>, %arg4: memref<320000x128xf32, #tpu.memory_space<hbm>>, %arg5: memref<400xi32, #tpu.memory_space<vmem>>, %arg6: memref<400x128xf32, #tpu.memory_space<vmem>>, %arg7: memref<!tpu.dma_semaphore, #tpu.memory_space<semaphore_mem>>) attributes {dimension_semantics = [#tpu.dimension_semantics<core_parallel>, #tpu.dimension_semantics<subcore_parallel>], iteration_bounds = array<i64: 2, 16>, scalar_prefetch = 0 : i64, scratch_operands = 3 : i64, tpu.core_type = #tpu.core_type<sc_vector_subcore>, window_params = [{transform_indices = #map}, {transform_indices = #map1}, {transform_indices = #map}]} {
    %mul3A = arith.constant 2 : i32
    %mul3A_0 = arith.muli %arg1, %mul3A : i32
    %add3A = arith.addi %mul3A_0, %arg0 : i32
    %mul3A_1 = arith.constant 10000 : i32
    %mul3A_2 = arith.muli %add3A, %mul3A_1 : i32
    %add3A_3 = arith.constant 0 : i32
    %add3A_4 = arith.addi %mul3A_2, %add3A_3 : i32
    "tpu.region"() ({
      %run_scoped3A = tpu.sem_alloc : memref<!tpu.dma_semaphore, #tpu.memory_space<semaphore_mem>>
      %dma_start3A_201 = tpu.memref_slice %arg3[%add3A_4] : memref<320000xi32, #tpu.memory_space<hbm>> -> memref<400xi32, #tpu.memory_space<hbm>>
      %dma_start3A_202 = tpu.memref_slice %arg3[%add3A_4] : memref<320000xi32, #tpu.memory_space<hbm>> -> memref<400xi32, #tpu.memory_space<hbm>>
      tpu.enqueue_dma source(%dma_start3A_202 : memref<400xi32, #tpu.memory_space<hbm>>) target(%arg5 : memref<400xi32, #tpu.memory_space<vmem>>) target_semaphore(%run_scoped3A : memref<!tpu.dma_semaphore, #tpu.memory_space<semaphore_mem>>)
      %dma_wait3A_203 = tpu.memref_slice %arg3[%add3A_4] : memref<320000xi32, #tpu.memory_space<hbm>> -> memref<400xi32, #tpu.memory_space<hbm>>
      %dma_wait3A_204 = tpu.memref_slice %arg3[%add3A_4] : memref<320000xi32, #tpu.memory_space<hbm>> -> memref<400xi32, #tpu.memory_space<hbm>>
      tpu.wait_dma2 semaphore(%run_scoped3A : memref<!tpu.dma_semaphore, #tpu.memory_space<semaphore_mem>>) src(%dma_wait3A_204 : memref<400xi32, #tpu.memory_space<hbm>>) dst(%arg5 : memref<400xi32, #tpu.memory_space<vmem>>)
      tpu.yield
    }) : () -> ()
    %dma_start3A = arith.constant 0 : i32
    %dma_start3A_5 = arith.constant 0 : i32
    %dma_start3A_6 = tpu.memref_slice %arg2[%dma_start3A, %dma_start3A_5] : memref<10000x128xf32, #tpu.memory_space<hbm>> -> memref<10000x128xf32, #tpu.memory_space<hbm>>
    tpu.enqueue_indirect_dma source(%dma_start3A_6 : memref<10000x128xf32, #tpu.memory_space<hbm>>) target(%arg6 : memref<400x128xf32, #tpu.memory_space<vmem>>) offsets(%arg5 : memref<400xi32, #tpu.memory_space<vmem>>) semaphore(%arg7 : memref<!tpu.dma_semaphore, #tpu.memory_space<semaphore_mem>>)
    %dma_wait3A = arith.constant 0 : i32
    %dma_wait3A_7 = arith.constant 0 : i32
    %dma_wait3A_8 = tpu.memref_slice %arg2[%dma_wait3A, %dma_wait3A_7] : memref<10000x128xf32, #tpu.memory_space<hbm>> -> memref<10000x128xf32, #tpu.memory_space<hbm>>
    tpu.wait_indirect_dma semaphore(%arg7 : memref<!tpu.dma_semaphore, #tpu.memory_space<semaphore_mem>>) src(%dma_wait3A_8 : memref<10000x128xf32, #tpu.memory_space<hbm>>) dst(%arg6 : memref<400x128xf32, #tpu.memory_space<vmem>>)
    "tpu.region"() ({
      %run_scoped3A = tpu.sem_alloc : memref<!tpu.dma_semaphore, #tpu.memory_space<semaphore_mem>>
      %dma_start3A_201 = arith.constant 0 : i32
      %dma_start3A_202 = tpu.memref_slice %arg4[%add3A_4, %dma_start3A_201] : memref<320000x128xf32, #tpu.memory_space<hbm>> -> memref<400x128xf32, #tpu.memory_space<hbm>>
      %dma_start3A_203 = arith.constant 0 : i32
      %dma_start3A_204 = tpu.memref_slice %arg4[%add3A_4, %dma_start3A_203] : memref<320000x128xf32, #tpu.memory_space<hbm>> -> memref<400x128xf32, #tpu.memory_space<hbm>>
      tpu.enqueue_dma source(%arg6 : memref<400x128xf32, #tpu.memory_space<vmem>>) target(%dma_start3A_204 : memref<400x128xf32, #tpu.memory_space<hbm>>) target_semaphore(%run_scoped3A : memref<!tpu.dma_semaphore, #tpu.memory_space<semaphore_mem>>)
      %dma_wait3A_205 = arith.constant 0 : i32
      %dma_wait3A_206 = tpu.memref_slice %arg4[%add3A_4, %dma_wait3A_205] : memref<320000x128xf32, #tpu.memory_space<hbm>> -> memref<400x128xf32, #tpu.memory_space<hbm>>
      %dma_wait3A_207 = arith.constant 0 : i32
      %dma_wait3A_208 = tpu.memref_slice %arg4[%add3A_4, %dma_wait3A_207] : memref<320000x128xf32, #tpu.memory_space<hbm>> -> memref<400x128xf32, #tpu.memory_space<hbm>>
      tpu.wait_dma2 semaphore(%run_scoped3A : memref<!tpu.dma_semaphore, #tpu.memory_space<semaphore_mem>>) src(%arg6 : memref<400x128xf32, #tpu.memory_space<vmem>>) dst(%dma_wait3A_208 : memref<400x128xf32, #tpu.memory_space<hbm>>)
      tpu.yield
    }) : () -> ()
    %add3A_9 = arith.constant 400 : i32
    %add3A_10 = arith.addi %mul3A_2, %add3A_9 : i32
    "tpu.region"() ({
      %run_scoped3A = tpu.sem_alloc : memref<!tpu.dma_semaphore, #tpu.memory_space<semaphore_mem>>
      %dma_start3A_201 = tpu.memref_slice %arg3[%add3A_10] : memref<320000xi32, #tpu.memory_space<hbm>> -> memref<400xi32, #tpu.memory_space<hbm>>
      %dma_start3A_202 = tpu.memref_slice %arg3[%add3A_10] : memref<320000xi32, #tpu.memory_space<hbm>> -> memref<400xi32, #tpu.memory_space<hbm>>
      tpu.enqueue_dma source(%dma_start3A_202 : memref<400xi32, #tpu.memory_space<hbm>>) target(%arg5 : memref<400xi32, #tpu.memory_space<vmem>>) target_semaphore(%run_scoped3A : memref<!tpu.dma_semaphore, #tpu.memory_space<semaphore_mem>>)
      %dma_wait3A_203 = tpu.memref_slice %arg3[%add3A_10] : memref<320000xi32, #tpu.memory_space<hbm>> -> memref<400xi32, #tpu.memory_space<hbm>>
      %dma_wait3A_204 = tpu.memref_slice %arg3[%add3A_10] : memref<320000xi32, #tpu.memory_space<hbm>> -> memref<400xi32, #tpu.memory_space<hbm>>
      tpu.wait_dma2 semaphore(%run_scoped3A : memref<!tpu.dma_semaphore, #tpu.memory_space<semaphore_mem>>) src(%dma_wait3A_204 : memref<400xi32, #tpu.memory_space<hbm>>) dst(%arg5 : memref<400xi32, #tpu.memory_space<vmem>>)
      tpu.yield
    }) : () -> ()
    %dma_start3A_11 = arith.constant 0 : i32
    %dma_start3A_12 = arith.constant 0 : i32
    %dma_start3A_13 = tpu.memref_slice %arg2[%dma_start3A_11, %dma_start3A_12] : memref<10000x128xf32, #tpu.memory_space<hbm>> -> memref<10000x128xf32, #tpu.memory_space<hbm>>
    tpu.enqueue_indirect_dma source(%dma_start3A_13 : memref<10000x128xf32, #tpu.memory_space<hbm>>) target(%arg6 : memref<400x128xf32, #tpu.memory_space<vmem>>) offsets(%arg5 : memref<400xi32, #tpu.memory_space<vmem>>) semaphore(%arg7 : memref<!tpu.dma_semaphore, #tpu.memory_space<semaphore_mem>>)
    %dma_wait3A_14 = arith.constant 0 : i32
    %dma_wait3A_15 = arith.constant 0 : i32
    %dma_wait3A_16 = tpu.memref_slice %arg2[%dma_wait3A_14, %dma_wait3A_15] : memref<10000x128xf32, #tpu.memory_space<hbm>> -> memref<10000x128xf32, #tpu.memory_space<hbm>>
    tpu.wait_indirect_dma semaphore(%arg7 : memref<!tpu.dma_semaphore, #tpu.memory_space<semaphore_mem>>) src(%dma_wait3A_16 : memref<10000x128xf32, #tpu.memory_space<hbm>>) dst(%arg6 : memref<400x128xf32, #tpu.memory_space<vmem>>)
    "tpu.region"() ({
      %run_scoped3A = tpu.sem_alloc : memref<!tpu.dma_semaphore, #tpu.memory_space<semaphore_mem>>
      %dma_start3A_201 = arith.constant 0 : i32
      %dma_start3A_202 = tpu.memref_slice %arg4[%add3A_10, %dma_start3A_201] : memref<320000x128xf32, #tpu.memory_space<hbm>> -> memref<400x128xf32, #tpu.memory_space<hbm>>
      %dma_start3A_203 = arith.constant 0 : i32
      %dma_start3A_204 = tpu.memref_slice %arg4[%add3A_10, %dma_start3A_203] : memref<320000x128xf32, #tpu.memory_space<hbm>> -> memref<400x128xf32, #tpu.memory_space<hbm>>
      tpu.enqueue_dma source(%arg6 : memref<400x128xf32, #tpu.memory_space<vmem>>) target(%dma_start3A_204 : memref<400x128xf32, #tpu.memory_space<hbm>>) target_semaphore(%run_scoped3A : memref<!tpu.dma_semaphore, #tpu.memory_space<semaphore_mem>>)
      %dma_wait3A_205 = arith.constant 0 : i32
      %dma_wait3A_206 = tpu.memref_slice %arg4[%add3A_10, %dma_wait3A_205] : memref<320000x128xf32, #tpu.memory_space<hbm>> -> memref<400x128xf32, #tpu.memory_space<hbm>>
      %dma_wait3A_207 = arith.constant 0 : i32
      %dma_wait3A_208 = tpu.memref_slice %arg4[%add3A_10, %dma_wait3A_207] : memref<320000x128xf32, #tpu.memory_space<hbm>> -> memref<400x128xf32, #tpu.memory_space<hbm>>
      tpu.wait_dma2 semaphore(%run_scoped3A : memref<!tpu.dma_semaphore, #tpu.memory_space<semaphore_mem>>) src(%arg6 : memref<400x128xf32, #tpu.memory_space<vmem>>) dst(%dma_wait3A_208 : memref<400x128xf32, #tpu.memory_space<hbm>>)
      tpu.yield
    }) : () -> ()
    %add3A_17 = arith.constant 800 : i32
    %add3A_18 = arith.addi %mul3A_2, %add3A_17 : i32
    "tpu.region"() ({
      %run_scoped3A = tpu.sem_alloc : memref<!tpu.dma_semaphore, #tpu.memory_space<semaphore_mem>>
      %dma_start3A_201 = tpu.memref_slice %arg3[%add3A_18] : memref<320000xi32, #tpu.memory_space<hbm>> -> memref<400xi32, #tpu.memory_space<hbm>>
      %dma_start3A_202 = tpu.memref_slice %arg3[%add3A_18] : memref<320000xi32, #tpu.memory_space<hbm>> -> memref<400xi32, #tpu.memory_space<hbm>>
      tpu.enqueue_dma source(%dma_start3A_202 : memref<400xi32, #tpu.memory_space<hbm>>) target(%arg5 : memref<400xi32, #tpu.memory_space<vmem>>) target_semaphore(%run_scoped3A : memref<!tpu.dma_semaphore, #tpu.memory_space<semaphore_mem>>)
      %dma_wait3A_203 = tpu.memref_slice %arg3[%add3A_18] : memref<320000xi32, #tpu.memory_space<hbm>> -> memref<400xi32, #tpu.memory_space<hbm>>
      %dma_wait3A_204 = tpu.memref_slice %arg3[%add3A_18] : memref<320000xi32, #tpu.memory_space<hbm>> -> memref<400xi32, #tpu.memory_space<hbm>>
      tpu.wait_dma2 semaphore(%run_scoped3A : memref<!tpu.dma_semaphore, #tpu.memory_space<semaphore_mem>>) src(%dma_wait3A_204 : memref<400xi32, #tpu.memory_space<hbm>>) dst(%arg5 : memref<400xi32, #tpu.memory_space<vmem>>)
      tpu.yield
    }) : () -> ()
    %dma_start3A_19 = arith.constant 0 : i32
    %dma_start3A_20 = arith.constant 0 : i32
    %dma_start3A_21 = tpu.memref_slice %arg2[%dma_start3A_19, %dma_start3A_20] : memref<10000x128xf32, #tpu.memory_space<hbm>> -> memref<10000x128xf32, #tpu.memory_space<hbm>>
    tpu.enqueue_indirect_dma source(%dma_start3A_21 : memref<10000x128xf32, #tpu.memory_space<hbm>>) target(%arg6 : memref<400x128xf32, #tpu.memory_space<vmem>>) offsets(%arg5 : memref<400xi32, #tpu.memory_space<vmem>>) semaphore(%arg7 : memref<!tpu.dma_semaphore, #tpu.memory_space<semaphore_mem>>)
    %dma_wait3A_22 = arith.constant 0 : i32
    %dma_wait3A_23 = arith.constant 0 : i32
    %dma_wait3A_24 = tpu.memref_slice %arg2[%dma_wait3A_22, %dma_wait3A_23] : memref<10000x128xf32, #tpu.memory_space<hbm>> -> memref<10000x128xf32, #tpu.memory_space<hbm>>
    tpu.wait_indirect_dma semaphore(%arg7 : memref<!tpu.dma_semaphore, #tpu.memory_space<semaphore_mem>>) src(%dma_wait3A_24 : memref<10000x128xf32, #tpu.memory_space<hbm>>) dst(%arg6 : memref<400x128xf32, #tpu.memory_space<vmem>>)
    "tpu.region"() ({
      %run_scoped3A = tpu.sem_alloc : memref<!tpu.dma_semaphore, #tpu.memory_space<semaphore_mem>>
      %dma_start3A_201 = arith.constant 0 : i32
      %dma_start3A_202 = tpu.memref_slice %arg4[%add3A_18, %dma_start3A_201] : memref<320000x128xf32, #tpu.memory_space<hbm>> -> memref<400x128xf32, #tpu.memory_space<hbm>>
      %dma_start3A_203 = arith.constant 0 : i32
      %dma_start3A_204 = tpu.memref_slice %arg4[%add3A_18, %dma_start3A_203] : memref<320000x128xf32, #tpu.memory_space<hbm>> -> memref<400x128xf32, #tpu.memory_space<hbm>>
      tpu.enqueue_dma source(%arg6 : memref<400x128xf32, #tpu.memory_space<vmem>>) target(%dma_start3A_204 : memref<400x128xf32, #tpu.memory_space<hbm>>) target_semaphore(%run_scoped3A : memref<!tpu.dma_semaphore, #tpu.memory_space<semaphore_mem>>)
      %dma_wait3A_205 = arith.constant 0 : i32
      %dma_wait3A_206 = tpu.memref_slice %arg4[%add3A_18, %dma_wait3A_205] : memref<320000x128xf32, #tpu.memory_space<hbm>> -> memref<400x128xf32, #tpu.memory_space<hbm>>
      %dma_wait3A_207 = arith.constant 0 : i32
      %dma_wait3A_208 = tpu.memref_slice %arg4[%add3A_18, %dma_wait3A_207] : memref<320000x128xf32, #tpu.memory_space<hbm>> -> memref<400x128xf32, #tpu.memory_space<hbm>>
      tpu.wait_dma2 semaphore(%run_scoped3A : memref<!tpu.dma_semaphore, #tpu.memory_space<semaphore_mem>>) src(%arg6 : memref<400x128xf32, #tpu.memory_space<vmem>>) dst(%dma_wait3A_208 : memref<400x128xf32, #tpu.memory_space<hbm>>)
      tpu.yield
    }) : () -> ()
    %add3A_25 = arith.constant 1200 : i32
    %add3A_26 = arith.addi %mul3A_2, %add3A_25 : i32
    "tpu.region"() ({
      %run_scoped3A = tpu.sem_alloc : memref<!tpu.dma_semaphore, #tpu.memory_space<semaphore_mem>>
      %dma_start3A_201 = tpu.memref_slice %arg3[%add3A_26] : memref<320000xi32, #tpu.memory_space<hbm>> -> memref<400xi32, #tpu.memory_space<hbm>>
      %dma_start3A_202 = tpu.memref_slice %arg3[%add3A_26] : memref<320000xi32, #tpu.memory_space<hbm>> -> memref<400xi32, #tpu.memory_space<hbm>>
      tpu.enqueue_dma source(%dma_start3A_202 : memref<400xi32, #tpu.memory_space<hbm>>) target(%arg5 : memref<400xi32, #tpu.memory_space<vmem>>) target_semaphore(%run_scoped3A : memref<!tpu.dma_semaphore, #tpu.memory_space<semaphore_mem>>)
      %dma_wait3A_203 = tpu.memref_slice %arg3[%add3A_26] : memref<320000xi32, #tpu.memory_space<hbm>> -> memref<400xi32, #tpu.memory_space<hbm>>
      %dma_wait3A_204 = tpu.memref_slice %arg3[%add3A_26] : memref<320000xi32, #tpu.memory_space<hbm>> -> memref<400xi32, #tpu.memory_space<hbm>>
      tpu.wait_dma2 semaphore(%run_scoped3A : memref<!tpu.dma_semaphore, #tpu.memory_space<semaphore_mem>>) src(%dma_wait3A_204 : memref<400xi32, #tpu.memory_space<hbm>>) dst(%arg5 : memref<400xi32, #tpu.memory_space<vmem>>)
      tpu.yield
    }) : () -> ()
    %dma_start3A_27 = arith.constant 0 : i32
    %dma_start3A_28 = arith.constant 0 : i32
    %dma_start3A_29 = tpu.memref_slice %arg2[%dma_start3A_27, %dma_start3A_28] : memref<10000x128xf32, #tpu.memory_space<hbm>> -> memref<10000x128xf32, #tpu.memory_space<hbm>>
    tpu.enqueue_indirect_dma source(%dma_start3A_29 : memref<10000x128xf32, #tpu.memory_space<hbm>>) target(%arg6 : memref<400x128xf32, #tpu.memory_space<vmem>>) offsets(%arg5 : memref<400xi32, #tpu.memory_space<vmem>>) semaphore(%arg7 : memref<!tpu.dma_semaphore, #tpu.memory_space<semaphore_mem>>)
    %dma_wait3A_30 = arith.constant 0 : i32
    %dma_wait3A_31 = arith.constant 0 : i32
    %dma_wait3A_32 = tpu.memref_slice %arg2[%dma_wait3A_30, %dma_wait3A_31] : memref<10000x128xf32, #tpu.memory_space<hbm>> -> memref<10000x128xf32, #tpu.memory_space<hbm>>
    tpu.wait_indirect_dma semaphore(%arg7 : memref<!tpu.dma_semaphore, #tpu.memory_space<semaphore_mem>>) src(%dma_wait3A_32 : memref<10000x128xf32, #tpu.memory_space<hbm>>) dst(%arg6 : memref<400x128xf32, #tpu.memory_space<vmem>>)
    "tpu.region"() ({
      %run_scoped3A = tpu.sem_alloc : memref<!tpu.dma_semaphore, #tpu.memory_space<semaphore_mem>>
      %dma_start3A_201 = arith.constant 0 : i32
      %dma_start3A_202 = tpu.memref_slice %arg4[%add3A_26, %dma_start3A_201] : memref<320000x128xf32, #tpu.memory_space<hbm>> -> memref<400x128xf32, #tpu.memory_space<hbm>>
      %dma_start3A_203 = arith.constant 0 : i32
      %dma_start3A_204 = tpu.memref_slice %arg4[%add3A_26, %dma_start3A_203] : memref<320000x128xf32, #tpu.memory_space<hbm>> -> memref<400x128xf32, #tpu.memory_space<hbm>>
      tpu.enqueue_dma source(%arg6 : memref<400x128xf32, #tpu.memory_space<vmem>>) target(%dma_start3A_204 : memref<400x128xf32, #tpu.memory_space<hbm>>) target_semaphore(%run_scoped3A : memref<!tpu.dma_semaphore, #tpu.memory_space<semaphore_mem>>)
      %dma_wait3A_205 = arith.constant 0 : i32
      %dma_wait3A_206 = tpu.memref_slice %arg4[%add3A_26, %dma_wait3A_205] : memref<320000x128xf32, #tpu.memory_space<hbm>> -> memref<400x128xf32, #tpu.memory_space<hbm>>
      %dma_wait3A_207 = arith.constant 0 : i32
      %dma_wait3A_208 = tpu.memref_slice %arg4[%add3A_26, %dma_wait3A_207] : memref<320000x128xf32, #tpu.memory_space<hbm>> -> memref<400x128xf32, #tpu.memory_space<hbm>>
      tpu.wait_dma2 semaphore(%run_scoped3A : memref<!tpu.dma_semaphore, #tpu.memory_space<semaphore_mem>>) src(%arg6 : memref<400x128xf32, #tpu.memory_space<vmem>>) dst(%dma_wait3A_208 : memref<400x128xf32, #tpu.memory_space<hbm>>)
      tpu.yield
    }) : () -> ()
    %add3A_33 = arith.constant 1600 : i32
    %add3A_34 = arith.addi %mul3A_2, %add3A_33 : i32
    "tpu.region"() ({
      %run_scoped3A = tpu.sem_alloc : memref<!tpu.dma_semaphore, #tpu.memory_space<semaphore_mem>>
      %dma_start3A_201 = tpu.memref_slice %arg3[%add3A_34] : memref<320000xi32, #tpu.memory_space<hbm>> -> memref<400xi32, #tpu.memory_space<hbm>>
      %dma_start3A_202 = tpu.memref_slice %arg3[%add3A_34] : memref<320000xi32, #tpu.memory_space<hbm>> -> memref<400xi32, #tpu.memory_space<hbm>>
      tpu.enqueue_dma source(%dma_start3A_202 : memref<400xi32, #tpu.memory_space<hbm>>) target(%arg5 : memref<400xi32, #tpu.memory_space<vmem>>) target_semaphore(%run_scoped3A : memref<!tpu.dma_semaphore, #tpu.memory_space<semaphore_mem>>)
      %dma_wait3A_203 = tpu.memref_slice %arg3[%add3A_34] : memref<320000xi32, #tpu.memory_space<hbm>> -> memref<400xi32, #tpu.memory_space<hbm>>
      %dma_wait3A_204 = tpu.memref_slice %arg3[%add3A_34] : memref<320000xi32, #tpu.memory_space<hbm>> -> memref<400xi32, #tpu.memory_space<hbm>>
      tpu.wait_dma2 semaphore(%run_scoped3A : memref<!tpu.dma_semaphore, #tpu.memory_space<semaphore_mem>>) src(%dma_wait3A_204 : memref<400xi32, #tpu.memory_space<hbm>>) dst(%arg5 : memref<400xi32, #tpu.memory_space<vmem>>)
      tpu.yield
    }) : () -> ()
    %dma_start3A_35 = arith.constant 0 : i32
    %dma_start3A_36 = arith.constant 0 : i32
    %dma_start3A_37 = tpu.memref_slice %arg2[%dma_start3A_35, %dma_start3A_36] : memref<10000x128xf32, #tpu.memory_space<hbm>> -> memref<10000x128xf32, #tpu.memory_space<hbm>>
    tpu.enqueue_indirect_dma source(%dma_start3A_37 : memref<10000x128xf32, #tpu.memory_space<hbm>>) target(%arg6 : memref<400x128xf32, #tpu.memory_space<vmem>>) offsets(%arg5 : memref<400xi32, #tpu.memory_space<vmem>>) semaphore(%arg7 : memref<!tpu.dma_semaphore, #tpu.memory_space<semaphore_mem>>)
    %dma_wait3A_38 = arith.constant 0 : i32
    %dma_wait3A_39 = arith.constant 0 : i32
    %dma_wait3A_40 = tpu.memref_slice %arg2[%dma_wait3A_38, %dma_wait3A_39] : memref<10000x128xf32, #tpu.memory_space<hbm>> -> memref<10000x128xf32, #tpu.memory_space<hbm>>
    tpu.wait_indirect_dma semaphore(%arg7 : memref<!tpu.dma_semaphore, #tpu.memory_space<semaphore_mem>>) src(%dma_wait3A_40 : memref<10000x128xf32, #tpu.memory_space<hbm>>) dst(%arg6 : memref<400x128xf32, #tpu.memory_space<vmem>>)
    "tpu.region"() ({
      %run_scoped3A = tpu.sem_alloc : memref<!tpu.dma_semaphore, #tpu.memory_space<semaphore_mem>>
      %dma_start3A_201 = arith.constant 0 : i32
      %dma_start3A_202 = tpu.memref_slice %arg4[%add3A_34, %dma_start3A_201] : memref<320000x128xf32, #tpu.memory_space<hbm>> -> memref<400x128xf32, #tpu.memory_space<hbm>>
      %dma_start3A_203 = arith.constant 0 : i32
      %dma_start3A_204 = tpu.memref_slice %arg4[%add3A_34, %dma_start3A_203] : memref<320000x128xf32, #tpu.memory_space<hbm>> -> memref<400x128xf32, #tpu.memory_space<hbm>>
      tpu.enqueue_dma source(%arg6 : memref<400x128xf32, #tpu.memory_space<vmem>>) target(%dma_start3A_204 : memref<400x128xf32, #tpu.memory_space<hbm>>) target_semaphore(%run_scoped3A : memref<!tpu.dma_semaphore, #tpu.memory_space<semaphore_mem>>)
      %dma_wait3A_205 = arith.constant 0 : i32
      %dma_wait3A_206 = tpu.memref_slice %arg4[%add3A_34, %dma_wait3A_205] : memref<320000x128xf32, #tpu.memory_space<hbm>> -> memref<400x128xf32, #tpu.memory_space<hbm>>
      %dma_wait3A_207 = arith.constant 0 : i32
      %dma_wait3A_208 = tpu.memref_slice %arg4[%add3A_34, %dma_wait3A_207] : memref<320000x128xf32, #tpu.memory_space<hbm>> -> memref<400x128xf32, #tpu.memory_space<hbm>>
      tpu.wait_dma2 semaphore(%run_scoped3A : memref<!tpu.dma_semaphore, #tpu.memory_space<semaphore_mem>>) src(%arg6 : memref<400x128xf32, #tpu.memory_space<vmem>>) dst(%dma_wait3A_208 : memref<400x128xf32, #tpu.memory_space<hbm>>)
      tpu.yield
    }) : () -> ()
    %add3A_41 = arith.constant 2000 : i32
    %add3A_42 = arith.addi %mul3A_2, %add3A_41 : i32
    "tpu.region"() ({
      %run_scoped3A = tpu.sem_alloc : memref<!tpu.dma_semaphore, #tpu.memory_space<semaphore_mem>>
      %dma_start3A_201 = tpu.memref_slice %arg3[%add3A_42] : memref<320000xi32, #tpu.memory_space<hbm>> -> memref<400xi32, #tpu.memory_space<hbm>>
      %dma_start3A_202 = tpu.memref_slice %arg3[%add3A_42] : memref<320000xi32, #tpu.memory_space<hbm>> -> memref<400xi32, #tpu.memory_space<hbm>>
      tpu.enqueue_dma source(%dma_start3A_202 : memref<400xi32, #tpu.memory_space<hbm>>) target(%arg5 : memref<400xi32, #tpu.memory_space<vmem>>) target_semaphore(%run_scoped3A : memref<!tpu.dma_semaphore, #tpu.memory_space<semaphore_mem>>)
      %dma_wait3A_203 = tpu.memref_slice %arg3[%add3A_42] : memref<320000xi32, #tpu.memory_space<hbm>> -> memref<400xi32, #tpu.memory_space<hbm>>
      %dma_wait3A_204 = tpu.memref_slice %arg3[%add3A_42] : memref<320000xi32, #tpu.memory_space<hbm>> -> memref<400xi32, #tpu.memory_space<hbm>>
      tpu.wait_dma2 semaphore(%run_scoped3A : memref<!tpu.dma_semaphore, #tpu.memory_space<semaphore_mem>>) src(%dma_wait3A_204 : memref<400xi32, #tpu.memory_space<hbm>>) dst(%arg5 : memref<400xi32, #tpu.memory_space<vmem>>)
      tpu.yield
    }) : () -> ()
    %dma_start3A_43 = arith.constant 0 : i32
    %dma_start3A_44 = arith.constant 0 : i32
    %dma_start3A_45 = tpu.memref_slice %arg2[%dma_start3A_43, %dma_start3A_44] : memref<10000x128xf32, #tpu.memory_space<hbm>> -> memref<10000x128xf32, #tpu.memory_space<hbm>>
    tpu.enqueue_indirect_dma source(%dma_start3A_45 : memref<10000x128xf32, #tpu.memory_space<hbm>>) target(%arg6 : memref<400x128xf32, #tpu.memory_space<vmem>>) offsets(%arg5 : memref<400xi32, #tpu.memory_space<vmem>>) semaphore(%arg7 : memref<!tpu.dma_semaphore, #tpu.memory_space<semaphore_mem>>)
    %dma_wait3A_46 = arith.constant 0 : i32
    %dma_wait3A_47 = arith.constant 0 : i32
    %dma_wait3A_48 = tpu.memref_slice %arg2[%dma_wait3A_46, %dma_wait3A_47] : memref<10000x128xf32, #tpu.memory_space<hbm>> -> memref<10000x128xf32, #tpu.memory_space<hbm>>
    tpu.wait_indirect_dma semaphore(%arg7 : memref<!tpu.dma_semaphore, #tpu.memory_space<semaphore_mem>>) src(%dma_wait3A_48 : memref<10000x128xf32, #tpu.memory_space<hbm>>) dst(%arg6 : memref<400x128xf32, #tpu.memory_space<vmem>>)
    "tpu.region"() ({
      %run_scoped3A = tpu.sem_alloc : memref<!tpu.dma_semaphore, #tpu.memory_space<semaphore_mem>>
      %dma_start3A_201 = arith.constant 0 : i32
      %dma_start3A_202 = tpu.memref_slice %arg4[%add3A_42, %dma_start3A_201] : memref<320000x128xf32, #tpu.memory_space<hbm>> -> memref<400x128xf32, #tpu.memory_space<hbm>>
      %dma_start3A_203 = arith.constant 0 : i32
      %dma_start3A_204 = tpu.memref_slice %arg4[%add3A_42, %dma_start3A_203] : memref<320000x128xf32, #tpu.memory_space<hbm>> -> memref<400x128xf32, #tpu.memory_space<hbm>>
      tpu.enqueue_dma source(%arg6 : memref<400x128xf32, #tpu.memory_space<vmem>>) target(%dma_start3A_204 : memref<400x128xf32, #tpu.memory_space<hbm>>) target_semaphore(%run_scoped3A : memref<!tpu.dma_semaphore, #tpu.memory_space<semaphore_mem>>)
      %dma_wait3A_205 = arith.constant 0 : i32
      %dma_wait3A_206 = tpu.memref_slice %arg4[%add3A_42, %dma_wait3A_205] : memref<320000x128xf32, #tpu.memory_space<hbm>> -> memref<400x128xf32, #tpu.memory_space<hbm>>
      %dma_wait3A_207 = arith.constant 0 : i32
      %dma_wait3A_208 = tpu.memref_slice %arg4[%add3A_42, %dma_wait3A_207] : memref<320000x128xf32, #tpu.memory_space<hbm>> -> memref<400x128xf32, #tpu.memory_space<hbm>>
      tpu.wait_dma2 semaphore(%run_scoped3A : memref<!tpu.dma_semaphore, #tpu.memory_space<semaphore_mem>>) src(%arg6 : memref<400x128xf32, #tpu.memory_space<vmem>>) dst(%dma_wait3A_208 : memref<400x128xf32, #tpu.memory_space<hbm>>)
      tpu.yield
    }) : () -> ()
    %add3A_49 = arith.constant 2400 : i32
    %add3A_50 = arith.addi %mul3A_2, %add3A_49 : i32
    "tpu.region"() ({
      %run_scoped3A = tpu.sem_alloc : memref<!tpu.dma_semaphore, #tpu.memory_space<semaphore_mem>>
      %dma_start3A_201 = tpu.memref_slice %arg3[%add3A_50] : memref<320000xi32, #tpu.memory_space<hbm>> -> memref<400xi32, #tpu.memory_space<hbm>>
      %dma_start3A_202 = tpu.memref_slice %arg3[%add3A_50] : memref<320000xi32, #tpu.memory_space<hbm>> -> memref<400xi32, #tpu.memory_space<hbm>>
      tpu.enqueue_dma source(%dma_start3A_202 : memref<400xi32, #tpu.memory_space<hbm>>) target(%arg5 : memref<400xi32, #tpu.memory_space<vmem>>) target_semaphore(%run_scoped3A : memref<!tpu.dma_semaphore, #tpu.memory_space<semaphore_mem>>)
      %dma_wait3A_203 = tpu.memref_slice %arg3[%add3A_50] : memref<320000xi32, #tpu.memory_space<hbm>> -> memref<400xi32, #tpu.memory_space<hbm>>
      %dma_wait3A_204 = tpu.memref_slice %arg3[%add3A_50] : memref<320000xi32, #tpu.memory_space<hbm>> -> memref<400xi32, #tpu.memory_space<hbm>>
      tpu.wait_dma2 semaphore(%run_scoped3A : memref<!tpu.dma_semaphore, #tpu.memory_space<semaphore_mem>>) src(%dma_wait3A_204 : memref<400xi32, #tpu.memory_space<hbm>>) dst(%arg5 : memref<400xi32, #tpu.memory_space<vmem>>)
      tpu.yield
    }) : () -> ()
    %dma_start3A_51 = arith.constant 0 : i32
    %dma_start3A_52 = arith.constant 0 : i32
    %dma_start3A_53 = tpu.memref_slice %arg2[%dma_start3A_51, %dma_start3A_52] : memref<10000x128xf32, #tpu.memory_space<hbm>> -> memref<10000x128xf32, #tpu.memory_space<hbm>>
    tpu.enqueue_indirect_dma source(%dma_start3A_53 : memref<10000x128xf32, #tpu.memory_space<hbm>>) target(%arg6 : memref<400x128xf32, #tpu.memory_space<vmem>>) offsets(%arg5 : memref<400xi32, #tpu.memory_space<vmem>>) semaphore(%arg7 : memref<!tpu.dma_semaphore, #tpu.memory_space<semaphore_mem>>)
    %dma_wait3A_54 = arith.constant 0 : i32
    %dma_wait3A_55 = arith.constant 0 : i32
    %dma_wait3A_56 = tpu.memref_slice %arg2[%dma_wait3A_54, %dma_wait3A_55] : memref<10000x128xf32, #tpu.memory_space<hbm>> -> memref<10000x128xf32, #tpu.memory_space<hbm>>
    tpu.wait_indirect_dma semaphore(%arg7 : memref<!tpu.dma_semaphore, #tpu.memory_space<semaphore_mem>>) src(%dma_wait3A_56 : memref<10000x128xf32, #tpu.memory_space<hbm>>) dst(%arg6 : memref<400x128xf32, #tpu.memory_space<vmem>>)
    "tpu.region"() ({
      %run_scoped3A = tpu.sem_alloc : memref<!tpu.dma_semaphore, #tpu.memory_space<semaphore_mem>>
      %dma_start3A_201 = arith.constant 0 : i32
      %dma_start3A_202 = tpu.memref_slice %arg4[%add3A_50, %dma_start3A_201] : memref<320000x128xf32, #tpu.memory_space<hbm>> -> memref<400x128xf32, #tpu.memory_space<hbm>>
      %dma_start3A_203 = arith.constant 0 : i32
      %dma_start3A_204 = tpu.memref_slice %arg4[%add3A_50, %dma_start3A_203] : memref<320000x128xf32, #tpu.memory_space<hbm>> -> memref<400x128xf32, #tpu.memory_space<hbm>>
      tpu.enqueue_dma source(%arg6 : memref<400x128xf32, #tpu.memory_space<vmem>>) target(%dma_start3A_204 : memref<400x128xf32, #tpu.memory_space<hbm>>) target_semaphore(%run_scoped3A : memref<!tpu.dma_semaphore, #tpu.memory_space<semaphore_mem>>)
      %dma_wait3A_205 = arith.constant 0 : i32
      %dma_wait3A_206 = tpu.memref_slice %arg4[%add3A_50, %dma_wait3A_205] : memref<320000x128xf32, #tpu.memory_space<hbm>> -> memref<400x128xf32, #tpu.memory_space<hbm>>
      %dma_wait3A_207 = arith.constant 0 : i32
      %dma_wait3A_208 = tpu.memref_slice %arg4[%add3A_50, %dma_wait3A_207] : memref<320000x128xf32, #tpu.memory_space<hbm>> -> memref<400x128xf32, #tpu.memory_space<hbm>>
      tpu.wait_dma2 semaphore(%run_scoped3A : memref<!tpu.dma_semaphore, #tpu.memory_space<semaphore_mem>>) src(%arg6 : memref<400x128xf32, #tpu.memory_space<vmem>>) dst(%dma_wait3A_208 : memref<400x128xf32, #tpu.memory_space<hbm>>)
      tpu.yield
    }) : () -> ()
    %add3A_57 = arith.constant 2800 : i32
    %add3A_58 = arith.addi %mul3A_2, %add3A_57 : i32
    "tpu.region"() ({
      %run_scoped3A = tpu.sem_alloc : memref<!tpu.dma_semaphore, #tpu.memory_space<semaphore_mem>>
      %dma_start3A_201 = tpu.memref_slice %arg3[%add3A_58] : memref<320000xi32, #tpu.memory_space<hbm>> -> memref<400xi32, #tpu.memory_space<hbm>>
      %dma_start3A_202 = tpu.memref_slice %arg3[%add3A_58] : memref<320000xi32, #tpu.memory_space<hbm>> -> memref<400xi32, #tpu.memory_space<hbm>>
      tpu.enqueue_dma source(%dma_start3A_202 : memref<400xi32, #tpu.memory_space<hbm>>) target(%arg5 : memref<400xi32, #tpu.memory_space<vmem>>) target_semaphore(%run_scoped3A : memref<!tpu.dma_semaphore, #tpu.memory_space<semaphore_mem>>)
      %dma_wait3A_203 = tpu.memref_slice %arg3[%add3A_58] : memref<320000xi32, #tpu.memory_space<hbm>> -> memref<400xi32, #tpu.memory_space<hbm>>
      %dma_wait3A_204 = tpu.memref_slice %arg3[%add3A_58] : memref<320000xi32, #tpu.memory_space<hbm>> -> memref<400xi32, #tpu.memory_space<hbm>>
      tpu.wait_dma2 semaphore(%run_scoped3A : memref<!tpu.dma_semaphore, #tpu.memory_space<semaphore_mem>>) src(%dma_wait3A_204 : memref<400xi32, #tpu.memory_space<hbm>>) dst(%arg5 : memref<400xi32, #tpu.memory_space<vmem>>)
      tpu.yield
    }) : () -> ()
    %dma_start3A_59 = arith.constant 0 : i32
    %dma_start3A_60 = arith.constant 0 : i32
    %dma_start3A_61 = tpu.memref_slice %arg2[%dma_start3A_59, %dma_start3A_60] : memref<10000x128xf32, #tpu.memory_space<hbm>> -> memref<10000x128xf32, #tpu.memory_space<hbm>>
    tpu.enqueue_indirect_dma source(%dma_start3A_61 : memref<10000x128xf32, #tpu.memory_space<hbm>>) target(%arg6 : memref<400x128xf32, #tpu.memory_space<vmem>>) offsets(%arg5 : memref<400xi32, #tpu.memory_space<vmem>>) semaphore(%arg7 : memref<!tpu.dma_semaphore, #tpu.memory_space<semaphore_mem>>)
    %dma_wait3A_62 = arith.constant 0 : i32
    %dma_wait3A_63 = arith.constant 0 : i32
    %dma_wait3A_64 = tpu.memref_slice %arg2[%dma_wait3A_62, %dma_wait3A_63] : memref<10000x128xf32, #tpu.memory_space<hbm>> -> memref<10000x128xf32, #tpu.memory_space<hbm>>
    tpu.wait_indirect_dma semaphore(%arg7 : memref<!tpu.dma_semaphore, #tpu.memory_space<semaphore_mem>>) src(%dma_wait3A_64 : memref<10000x128xf32, #tpu.memory_space<hbm>>) dst(%arg6 : memref<400x128xf32, #tpu.memory_space<vmem>>)
    "tpu.region"() ({
      %run_scoped3A = tpu.sem_alloc : memref<!tpu.dma_semaphore, #tpu.memory_space<semaphore_mem>>
      %dma_start3A_201 = arith.constant 0 : i32
      %dma_start3A_202 = tpu.memref_slice %arg4[%add3A_58, %dma_start3A_201] : memref<320000x128xf32, #tpu.memory_space<hbm>> -> memref<400x128xf32, #tpu.memory_space<hbm>>
      %dma_start3A_203 = arith.constant 0 : i32
      %dma_start3A_204 = tpu.memref_slice %arg4[%add3A_58, %dma_start3A_203] : memref<320000x128xf32, #tpu.memory_space<hbm>> -> memref<400x128xf32, #tpu.memory_space<hbm>>
      tpu.enqueue_dma source(%arg6 : memref<400x128xf32, #tpu.memory_space<vmem>>) target(%dma_start3A_204 : memref<400x128xf32, #tpu.memory_space<hbm>>) target_semaphore(%run_scoped3A : memref<!tpu.dma_semaphore, #tpu.memory_space<semaphore_mem>>)
      %dma_wait3A_205 = arith.constant 0 : i32
      %dma_wait3A_206 = tpu.memref_slice %arg4[%add3A_58, %dma_wait3A_205] : memref<320000x128xf32, #tpu.memory_space<hbm>> -> memref<400x128xf32, #tpu.memory_space<hbm>>
      %dma_wait3A_207 = arith.constant 0 : i32
      %dma_wait3A_208 = tpu.memref_slice %arg4[%add3A_58, %dma_wait3A_207] : memref<320000x128xf32, #tpu.memory_space<hbm>> -> memref<400x128xf32, #tpu.memory_space<hbm>>
      tpu.wait_dma2 semaphore(%run_scoped3A : memref<!tpu.dma_semaphore, #tpu.memory_space<semaphore_mem>>) src(%arg6 : memref<400x128xf32, #tpu.memory_space<vmem>>) dst(%dma_wait3A_208 : memref<400x128xf32, #tpu.memory_space<hbm>>)
      tpu.yield
    }) : () -> ()
    %add3A_65 = arith.constant 3200 : i32
    %add3A_66 = arith.addi %mul3A_2, %add3A_65 : i32
    "tpu.region"() ({
      %run_scoped3A = tpu.sem_alloc : memref<!tpu.dma_semaphore, #tpu.memory_space<semaphore_mem>>
      %dma_start3A_201 = tpu.memref_slice %arg3[%add3A_66] : memref<320000xi32, #tpu.memory_space<hbm>> -> memref<400xi32, #tpu.memory_space<hbm>>
      %dma_start3A_202 = tpu.memref_slice %arg3[%add3A_66] : memref<320000xi32, #tpu.memory_space<hbm>> -> memref<400xi32, #tpu.memory_space<hbm>>
      tpu.enqueue_dma source(%dma_start3A_202 : memref<400xi32, #tpu.memory_space<hbm>>) target(%arg5 : memref<400xi32, #tpu.memory_space<vmem>>) target_semaphore(%run_scoped3A : memref<!tpu.dma_semaphore, #tpu.memory_space<semaphore_mem>>)
      %dma_wait3A_203 = tpu.memref_slice %arg3[%add3A_66] : memref<320000xi32, #tpu.memory_space<hbm>> -> memref<400xi32, #tpu.memory_space<hbm>>
      %dma_wait3A_204 = tpu.memref_slice %arg3[%add3A_66] : memref<320000xi32, #tpu.memory_space<hbm>> -> memref<400xi32, #tpu.memory_space<hbm>>
      tpu.wait_dma2 semaphore(%run_scoped3A : memref<!tpu.dma_semaphore, #tpu.memory_space<semaphore_mem>>) src(%dma_wait3A_204 : memref<400xi32, #tpu.memory_space<hbm>>) dst(%arg5 : memref<400xi32, #tpu.memory_space<vmem>>)
      tpu.yield
    }) : () -> ()
    %dma_start3A_67 = arith.constant 0 : i32
    %dma_start3A_68 = arith.constant 0 : i32
    %dma_start3A_69 = tpu.memref_slice %arg2[%dma_start3A_67, %dma_start3A_68] : memref<10000x128xf32, #tpu.memory_space<hbm>> -> memref<10000x128xf32, #tpu.memory_space<hbm>>
    tpu.enqueue_indirect_dma source(%dma_start3A_69 : memref<10000x128xf32, #tpu.memory_space<hbm>>) target(%arg6 : memref<400x128xf32, #tpu.memory_space<vmem>>) offsets(%arg5 : memref<400xi32, #tpu.memory_space<vmem>>) semaphore(%arg7 : memref<!tpu.dma_semaphore, #tpu.memory_space<semaphore_mem>>)
    %dma_wait3A_70 = arith.constant 0 : i32
    %dma_wait3A_71 = arith.constant 0 : i32
    %dma_wait3A_72 = tpu.memref_slice %arg2[%dma_wait3A_70, %dma_wait3A_71] : memref<10000x128xf32, #tpu.memory_space<hbm>> -> memref<10000x128xf32, #tpu.memory_space<hbm>>
    tpu.wait_indirect_dma semaphore(%arg7 : memref<!tpu.dma_semaphore, #tpu.memory_space<semaphore_mem>>) src(%dma_wait3A_72 : memref<10000x128xf32, #tpu.memory_space<hbm>>) dst(%arg6 : memref<400x128xf32, #tpu.memory_space<vmem>>)
    "tpu.region"() ({
      %run_scoped3A = tpu.sem_alloc : memref<!tpu.dma_semaphore, #tpu.memory_space<semaphore_mem>>
      %dma_start3A_201 = arith.constant 0 : i32
      %dma_start3A_202 = tpu.memref_slice %arg4[%add3A_66, %dma_start3A_201] : memref<320000x128xf32, #tpu.memory_space<hbm>> -> memref<400x128xf32, #tpu.memory_space<hbm>>
      %dma_start3A_203 = arith.constant 0 : i32
      %dma_start3A_204 = tpu.memref_slice %arg4[%add3A_66, %dma_start3A_203] : memref<320000x128xf32, #tpu.memory_space<hbm>> -> memref<400x128xf32, #tpu.memory_space<hbm>>
      tpu.enqueue_dma source(%arg6 : memref<400x128xf32, #tpu.memory_space<vmem>>) target(%dma_start3A_204 : memref<400x128xf32, #tpu.memory_space<hbm>>) target_semaphore(%run_scoped3A : memref<!tpu.dma_semaphore, #tpu.memory_space<semaphore_mem>>)
      %dma_wait3A_205 = arith.constant 0 : i32
      %dma_wait3A_206 = tpu.memref_slice %arg4[%add3A_66, %dma_wait3A_205] : memref<320000x128xf32, #tpu.memory_space<hbm>> -> memref<400x128xf32, #tpu.memory_space<hbm>>
      %dma_wait3A_207 = arith.constant 0 : i32
      %dma_wait3A_208 = tpu.memref_slice %arg4[%add3A_66, %dma_wait3A_207] : memref<320000x128xf32, #tpu.memory_space<hbm>> -> memref<400x128xf32, #tpu.memory_space<hbm>>
      tpu.wait_dma2 semaphore(%run_scoped3A : memref<!tpu.dma_semaphore, #tpu.memory_space<semaphore_mem>>) src(%arg6 : memref<400x128xf32, #tpu.memory_space<vmem>>) dst(%dma_wait3A_208 : memref<400x128xf32, #tpu.memory_space<hbm>>)
      tpu.yield
    }) : () -> ()
    %add3A_73 = arith.constant 3600 : i32
    %add3A_74 = arith.addi %mul3A_2, %add3A_73 : i32
    "tpu.region"() ({
      %run_scoped3A = tpu.sem_alloc : memref<!tpu.dma_semaphore, #tpu.memory_space<semaphore_mem>>
      %dma_start3A_201 = tpu.memref_slice %arg3[%add3A_74] : memref<320000xi32, #tpu.memory_space<hbm>> -> memref<400xi32, #tpu.memory_space<hbm>>
      %dma_start3A_202 = tpu.memref_slice %arg3[%add3A_74] : memref<320000xi32, #tpu.memory_space<hbm>> -> memref<400xi32, #tpu.memory_space<hbm>>
      tpu.enqueue_dma source(%dma_start3A_202 : memref<400xi32, #tpu.memory_space<hbm>>) target(%arg5 : memref<400xi32, #tpu.memory_space<vmem>>) target_semaphore(%run_scoped3A : memref<!tpu.dma_semaphore, #tpu.memory_space<semaphore_mem>>)
      %dma_wait3A_203 = tpu.memref_slice %arg3[%add3A_74] : memref<320000xi32, #tpu.memory_space<hbm>> -> memref<400xi32, #tpu.memory_space<hbm>>
      %dma_wait3A_204 = tpu.memref_slice %arg3[%add3A_74] : memref<320000xi32, #tpu.memory_space<hbm>> -> memref<400xi32, #tpu.memory_space<hbm>>
      tpu.wait_dma2 semaphore(%run_scoped3A : memref<!tpu.dma_semaphore, #tpu.memory_space<semaphore_mem>>) src(%dma_wait3A_204 : memref<400xi32, #tpu.memory_space<hbm>>) dst(%arg5 : memref<400xi32, #tpu.memory_space<vmem>>)
      tpu.yield
    }) : () -> ()
    %dma_start3A_75 = arith.constant 0 : i32
    %dma_start3A_76 = arith.constant 0 : i32
    %dma_start3A_77 = tpu.memref_slice %arg2[%dma_start3A_75, %dma_start3A_76] : memref<10000x128xf32, #tpu.memory_space<hbm>> -> memref<10000x128xf32, #tpu.memory_space<hbm>>
    tpu.enqueue_indirect_dma source(%dma_start3A_77 : memref<10000x128xf32, #tpu.memory_space<hbm>>) target(%arg6 : memref<400x128xf32, #tpu.memory_space<vmem>>) offsets(%arg5 : memref<400xi32, #tpu.memory_space<vmem>>) semaphore(%arg7 : memref<!tpu.dma_semaphore, #tpu.memory_space<semaphore_mem>>)
    %dma_wait3A_78 = arith.constant 0 : i32
    %dma_wait3A_79 = arith.constant 0 : i32
    %dma_wait3A_80 = tpu.memref_slice %arg2[%dma_wait3A_78, %dma_wait3A_79] : memref<10000x128xf32, #tpu.memory_space<hbm>> -> memref<10000x128xf32, #tpu.memory_space<hbm>>
    tpu.wait_indirect_dma semaphore(%arg7 : memref<!tpu.dma_semaphore, #tpu.memory_space<semaphore_mem>>) src(%dma_wait3A_80 : memref<10000x128xf32, #tpu.memory_space<hbm>>) dst(%arg6 : memref<400x128xf32, #tpu.memory_space<vmem>>)
    "tpu.region"() ({
      %run_scoped3A = tpu.sem_alloc : memref<!tpu.dma_semaphore, #tpu.memory_space<semaphore_mem>>
      %dma_start3A_201 = arith.constant 0 : i32
      %dma_start3A_202 = tpu.memref_slice %arg4[%add3A_74, %dma_start3A_201] : memref<320000x128xf32, #tpu.memory_space<hbm>> -> memref<400x128xf32, #tpu.memory_space<hbm>>
      %dma_start3A_203 = arith.constant 0 : i32
      %dma_start3A_204 = tpu.memref_slice %arg4[%add3A_74, %dma_start3A_203] : memref<320000x128xf32, #tpu.memory_space<hbm>> -> memref<400x128xf32, #tpu.memory_space<hbm>>
      tpu.enqueue_dma source(%arg6 : memref<400x128xf32, #tpu.memory_space<vmem>>) target(%dma_start3A_204 : memref<400x128xf32, #tpu.memory_space<hbm>>) target_semaphore(%run_scoped3A : memref<!tpu.dma_semaphore, #tpu.memory_space<semaphore_mem>>)
      %dma_wait3A_205 = arith.constant 0 : i32
      %dma_wait3A_206 = tpu.memref_slice %arg4[%add3A_74, %dma_wait3A_205] : memref<320000x128xf32, #tpu.memory_space<hbm>> -> memref<400x128xf32, #tpu.memory_space<hbm>>
      %dma_wait3A_207 = arith.constant 0 : i32
      %dma_wait3A_208 = tpu.memref_slice %arg4[%add3A_74, %dma_wait3A_207] : memref<320000x128xf32, #tpu.memory_space<hbm>> -> memref<400x128xf32, #tpu.memory_space<hbm>>
      tpu.wait_dma2 semaphore(%run_scoped3A : memref<!tpu.dma_semaphore, #tpu.memory_space<semaphore_mem>>) src(%arg6 : memref<400x128xf32, #tpu.memory_space<vmem>>) dst(%dma_wait3A_208 : memref<400x128xf32, #tpu.memory_space<hbm>>)
      tpu.yield
    }) : () -> ()
    %add3A_81 = arith.constant 4000 : i32
    %add3A_82 = arith.addi %mul3A_2, %add3A_81 : i32
    "tpu.region"() ({
      %run_scoped3A = tpu.sem_alloc : memref<!tpu.dma_semaphore, #tpu.memory_space<semaphore_mem>>
      %dma_start3A_201 = tpu.memref_slice %arg3[%add3A_82] : memref<320000xi32, #tpu.memory_space<hbm>> -> memref<400xi32, #tpu.memory_space<hbm>>
      %dma_start3A_202 = tpu.memref_slice %arg3[%add3A_82] : memref<320000xi32, #tpu.memory_space<hbm>> -> memref<400xi32, #tpu.memory_space<hbm>>
      tpu.enqueue_dma source(%dma_start3A_202 : memref<400xi32, #tpu.memory_space<hbm>>) target(%arg5 : memref<400xi32, #tpu.memory_space<vmem>>) target_semaphore(%run_scoped3A : memref<!tpu.dma_semaphore, #tpu.memory_space<semaphore_mem>>)
      %dma_wait3A_203 = tpu.memref_slice %arg3[%add3A_82] : memref<320000xi32, #tpu.memory_space<hbm>> -> memref<400xi32, #tpu.memory_space<hbm>>
      %dma_wait3A_204 = tpu.memref_slice %arg3[%add3A_82] : memref<320000xi32, #tpu.memory_space<hbm>> -> memref<400xi32, #tpu.memory_space<hbm>>
      tpu.wait_dma2 semaphore(%run_scoped3A : memref<!tpu.dma_semaphore, #tpu.memory_space<semaphore_mem>>) src(%dma_wait3A_204 : memref<400xi32, #tpu.memory_space<hbm>>) dst(%arg5 : memref<400xi32, #tpu.memory_space<vmem>>)
      tpu.yield
    }) : () -> ()
    %dma_start3A_83 = arith.constant 0 : i32
    %dma_start3A_84 = arith.constant 0 : i32
    %dma_start3A_85 = tpu.memref_slice %arg2[%dma_start3A_83, %dma_start3A_84] : memref<10000x128xf32, #tpu.memory_space<hbm>> -> memref<10000x128xf32, #tpu.memory_space<hbm>>
    tpu.enqueue_indirect_dma source(%dma_start3A_85 : memref<10000x128xf32, #tpu.memory_space<hbm>>) target(%arg6 : memref<400x128xf32, #tpu.memory_space<vmem>>) offsets(%arg5 : memref<400xi32, #tpu.memory_space<vmem>>) semaphore(%arg7 : memref<!tpu.dma_semaphore, #tpu.memory_space<semaphore_mem>>)
    %dma_wait3A_86 = arith.constant 0 : i32
    %dma_wait3A_87 = arith.constant 0 : i32
    %dma_wait3A_88 = tpu.memref_slice %arg2[%dma_wait3A_86, %dma_wait3A_87] : memref<10000x128xf32, #tpu.memory_space<hbm>> -> memref<10000x128xf32, #tpu.memory_space<hbm>>
    tpu.wait_indirect_dma semaphore(%arg7 : memref<!tpu.dma_semaphore, #tpu.memory_space<semaphore_mem>>) src(%dma_wait3A_88 : memref<10000x128xf32, #tpu.memory_space<hbm>>) dst(%arg6 : memref<400x128xf32, #tpu.memory_space<vmem>>)
    "tpu.region"() ({
      %run_scoped3A = tpu.sem_alloc : memref<!tpu.dma_semaphore, #tpu.memory_space<semaphore_mem>>
      %dma_start3A_201 = arith.constant 0 : i32
      %dma_start3A_202 = tpu.memref_slice %arg4[%add3A_82, %dma_start3A_201] : memref<320000x128xf32, #tpu.memory_space<hbm>> -> memref<400x128xf32, #tpu.memory_space<hbm>>
      %dma_start3A_203 = arith.constant 0 : i32
      %dma_start3A_204 = tpu.memref_slice %arg4[%add3A_82, %dma_start3A_203] : memref<320000x128xf32, #tpu.memory_space<hbm>> -> memref<400x128xf32, #tpu.memory_space<hbm>>
      tpu.enqueue_dma source(%arg6 : memref<400x128xf32, #tpu.memory_space<vmem>>) target(%dma_start3A_204 : memref<400x128xf32, #tpu.memory_space<hbm>>) target_semaphore(%run_scoped3A : memref<!tpu.dma_semaphore, #tpu.memory_space<semaphore_mem>>)
      %dma_wait3A_205 = arith.constant 0 : i32
      %dma_wait3A_206 = tpu.memref_slice %arg4[%add3A_82, %dma_wait3A_205] : memref<320000x128xf32, #tpu.memory_space<hbm>> -> memref<400x128xf32, #tpu.memory_space<hbm>>
      %dma_wait3A_207 = arith.constant 0 : i32
      %dma_wait3A_208 = tpu.memref_slice %arg4[%add3A_82, %dma_wait3A_207] : memref<320000x128xf32, #tpu.memory_space<hbm>> -> memref<400x128xf32, #tpu.memory_space<hbm>>
      tpu.wait_dma2 semaphore(%run_scoped3A : memref<!tpu.dma_semaphore, #tpu.memory_space<semaphore_mem>>) src(%arg6 : memref<400x128xf32, #tpu.memory_space<vmem>>) dst(%dma_wait3A_208 : memref<400x128xf32, #tpu.memory_space<hbm>>)
      tpu.yield
    }) : () -> ()
    %add3A_89 = arith.constant 4400 : i32
    %add3A_90 = arith.addi %mul3A_2, %add3A_89 : i32
    "tpu.region"() ({
      %run_scoped3A = tpu.sem_alloc : memref<!tpu.dma_semaphore, #tpu.memory_space<semaphore_mem>>
      %dma_start3A_201 = tpu.memref_slice %arg3[%add3A_90] : memref<320000xi32, #tpu.memory_space<hbm>> -> memref<400xi32, #tpu.memory_space<hbm>>
      %dma_start3A_202 = tpu.memref_slice %arg3[%add3A_90] : memref<320000xi32, #tpu.memory_space<hbm>> -> memref<400xi32, #tpu.memory_space<hbm>>
      tpu.enqueue_dma source(%dma_start3A_202 : memref<400xi32, #tpu.memory_space<hbm>>) target(%arg5 : memref<400xi32, #tpu.memory_space<vmem>>) target_semaphore(%run_scoped3A : memref<!tpu.dma_semaphore, #tpu.memory_space<semaphore_mem>>)
      %dma_wait3A_203 = tpu.memref_slice %arg3[%add3A_90] : memref<320000xi32, #tpu.memory_space<hbm>> -> memref<400xi32, #tpu.memory_space<hbm>>
      %dma_wait3A_204 = tpu.memref_slice %arg3[%add3A_90] : memref<320000xi32, #tpu.memory_space<hbm>> -> memref<400xi32, #tpu.memory_space<hbm>>
      tpu.wait_dma2 semaphore(%run_scoped3A : memref<!tpu.dma_semaphore, #tpu.memory_space<semaphore_mem>>) src(%dma_wait3A_204 : memref<400xi32, #tpu.memory_space<hbm>>) dst(%arg5 : memref<400xi32, #tpu.memory_space<vmem>>)
      tpu.yield
    }) : () -> ()
    %dma_start3A_91 = arith.constant 0 : i32
    %dma_start3A_92 = arith.constant 0 : i32
    %dma_start3A_93 = tpu.memref_slice %arg2[%dma_start3A_91, %dma_start3A_92] : memref<10000x128xf32, #tpu.memory_space<hbm>> -> memref<10000x128xf32, #tpu.memory_space<hbm>>
    tpu.enqueue_indirect_dma source(%dma_start3A_93 : memref<10000x128xf32, #tpu.memory_space<hbm>>) target(%arg6 : memref<400x128xf32, #tpu.memory_space<vmem>>) offsets(%arg5 : memref<400xi32, #tpu.memory_space<vmem>>) semaphore(%arg7 : memref<!tpu.dma_semaphore, #tpu.memory_space<semaphore_mem>>)
    %dma_wait3A_94 = arith.constant 0 : i32
    %dma_wait3A_95 = arith.constant 0 : i32
    %dma_wait3A_96 = tpu.memref_slice %arg2[%dma_wait3A_94, %dma_wait3A_95] : memref<10000x128xf32, #tpu.memory_space<hbm>> -> memref<10000x128xf32, #tpu.memory_space<hbm>>
    tpu.wait_indirect_dma semaphore(%arg7 : memref<!tpu.dma_semaphore, #tpu.memory_space<semaphore_mem>>) src(%dma_wait3A_96 : memref<10000x128xf32, #tpu.memory_space<hbm>>) dst(%arg6 : memref<400x128xf32, #tpu.memory_space<vmem>>)
    "tpu.region"() ({
      %run_scoped3A = tpu.sem_alloc : memref<!tpu.dma_semaphore, #tpu.memory_space<semaphore_mem>>
      %dma_start3A_201 = arith.constant 0 : i32
      %dma_start3A_202 = tpu.memref_slice %arg4[%add3A_90, %dma_start3A_201] : memref<320000x128xf32, #tpu.memory_space<hbm>> -> memref<400x128xf32, #tpu.memory_space<hbm>>
      %dma_start3A_203 = arith.constant 0 : i32
      %dma_start3A_204 = tpu.memref_slice %arg4[%add3A_90, %dma_start3A_203] : memref<320000x128xf32, #tpu.memory_space<hbm>> -> memref<400x128xf32, #tpu.memory_space<hbm>>
      tpu.enqueue_dma source(%arg6 : memref<400x128xf32, #tpu.memory_space<vmem>>) target(%dma_start3A_204 : memref<400x128xf32, #tpu.memory_space<hbm>>) target_semaphore(%run_scoped3A : memref<!tpu.dma_semaphore, #tpu.memory_space<semaphore_mem>>)
      %dma_wait3A_205 = arith.constant 0 : i32
      %dma_wait3A_206 = tpu.memref_slice %arg4[%add3A_90, %dma_wait3A_205] : memref<320000x128xf32, #tpu.memory_space<hbm>> -> memref<400x128xf32, #tpu.memory_space<hbm>>
      %dma_wait3A_207 = arith.constant 0 : i32
      %dma_wait3A_208 = tpu.memref_slice %arg4[%add3A_90, %dma_wait3A_207] : memref<320000x128xf32, #tpu.memory_space<hbm>> -> memref<400x128xf32, #tpu.memory_space<hbm>>
      tpu.wait_dma2 semaphore(%run_scoped3A : memref<!tpu.dma_semaphore, #tpu.memory_space<semaphore_mem>>) src(%arg6 : memref<400x128xf32, #tpu.memory_space<vmem>>) dst(%dma_wait3A_208 : memref<400x128xf32, #tpu.memory_space<hbm>>)
      tpu.yield
    }) : () -> ()
    %add3A_97 = arith.constant 4800 : i32
    %add3A_98 = arith.addi %mul3A_2, %add3A_97 : i32
    "tpu.region"() ({
      %run_scoped3A = tpu.sem_alloc : memref<!tpu.dma_semaphore, #tpu.memory_space<semaphore_mem>>
      %dma_start3A_201 = tpu.memref_slice %arg3[%add3A_98] : memref<320000xi32, #tpu.memory_space<hbm>> -> memref<400xi32, #tpu.memory_space<hbm>>
      %dma_start3A_202 = tpu.memref_slice %arg3[%add3A_98] : memref<320000xi32, #tpu.memory_space<hbm>> -> memref<400xi32, #tpu.memory_space<hbm>>
      tpu.enqueue_dma source(%dma_start3A_202 : memref<400xi32, #tpu.memory_space<hbm>>) target(%arg5 : memref<400xi32, #tpu.memory_space<vmem>>) target_semaphore(%run_scoped3A : memref<!tpu.dma_semaphore, #tpu.memory_space<semaphore_mem>>)
      %dma_wait3A_203 = tpu.memref_slice %arg3[%add3A_98] : memref<320000xi32, #tpu.memory_space<hbm>> -> memref<400xi32, #tpu.memory_space<hbm>>
      %dma_wait3A_204 = tpu.memref_slice %arg3[%add3A_98] : memref<320000xi32, #tpu.memory_space<hbm>> -> memref<400xi32, #tpu.memory_space<hbm>>
      tpu.wait_dma2 semaphore(%run_scoped3A : memref<!tpu.dma_semaphore, #tpu.memory_space<semaphore_mem>>) src(%dma_wait3A_204 : memref<400xi32, #tpu.memory_space<hbm>>) dst(%arg5 : memref<400xi32, #tpu.memory_space<vmem>>)
      tpu.yield
    }) : () -> ()
    %dma_start3A_99 = arith.constant 0 : i32
    %dma_start3A_100 = arith.constant 0 : i32
    %dma_start3A_101 = tpu.memref_slice %arg2[%dma_start3A_99, %dma_start3A_100] : memref<10000x128xf32, #tpu.memory_space<hbm>> -> memref<10000x128xf32, #tpu.memory_space<hbm>>
    tpu.enqueue_indirect_dma source(%dma_start3A_101 : memref<10000x128xf32, #tpu.memory_space<hbm>>) target(%arg6 : memref<400x128xf32, #tpu.memory_space<vmem>>) offsets(%arg5 : memref<400xi32, #tpu.memory_space<vmem>>) semaphore(%arg7 : memref<!tpu.dma_semaphore, #tpu.memory_space<semaphore_mem>>)
    %dma_wait3A_102 = arith.constant 0 : i32
    %dma_wait3A_103 = arith.constant 0 : i32
    %dma_wait3A_104 = tpu.memref_slice %arg2[%dma_wait3A_102, %dma_wait3A_103] : memref<10000x128xf32, #tpu.memory_space<hbm>> -> memref<10000x128xf32, #tpu.memory_space<hbm>>
    tpu.wait_indirect_dma semaphore(%arg7 : memref<!tpu.dma_semaphore, #tpu.memory_space<semaphore_mem>>) src(%dma_wait3A_104 : memref<10000x128xf32, #tpu.memory_space<hbm>>) dst(%arg6 : memref<400x128xf32, #tpu.memory_space<vmem>>)
    "tpu.region"() ({
      %run_scoped3A = tpu.sem_alloc : memref<!tpu.dma_semaphore, #tpu.memory_space<semaphore_mem>>
      %dma_start3A_201 = arith.constant 0 : i32
      %dma_start3A_202 = tpu.memref_slice %arg4[%add3A_98, %dma_start3A_201] : memref<320000x128xf32, #tpu.memory_space<hbm>> -> memref<400x128xf32, #tpu.memory_space<hbm>>
      %dma_start3A_203 = arith.constant 0 : i32
      %dma_start3A_204 = tpu.memref_slice %arg4[%add3A_98, %dma_start3A_203] : memref<320000x128xf32, #tpu.memory_space<hbm>> -> memref<400x128xf32, #tpu.memory_space<hbm>>
      tpu.enqueue_dma source(%arg6 : memref<400x128xf32, #tpu.memory_space<vmem>>) target(%dma_start3A_204 : memref<400x128xf32, #tpu.memory_space<hbm>>) target_semaphore(%run_scoped3A : memref<!tpu.dma_semaphore, #tpu.memory_space<semaphore_mem>>)
      %dma_wait3A_205 = arith.constant 0 : i32
      %dma_wait3A_206 = tpu.memref_slice %arg4[%add3A_98, %dma_wait3A_205] : memref<320000x128xf32, #tpu.memory_space<hbm>> -> memref<400x128xf32, #tpu.memory_space<hbm>>
      %dma_wait3A_207 = arith.constant 0 : i32
      %dma_wait3A_208 = tpu.memref_slice %arg4[%add3A_98, %dma_wait3A_207] : memref<320000x128xf32, #tpu.memory_space<hbm>> -> memref<400x128xf32, #tpu.memory_space<hbm>>
      tpu.wait_dma2 semaphore(%run_scoped3A : memref<!tpu.dma_semaphore, #tpu.memory_space<semaphore_mem>>) src(%arg6 : memref<400x128xf32, #tpu.memory_space<vmem>>) dst(%dma_wait3A_208 : memref<400x128xf32, #tpu.memory_space<hbm>>)
      tpu.yield
    }) : () -> ()
    %add3A_105 = arith.constant 5200 : i32
    %add3A_106 = arith.addi %mul3A_2, %add3A_105 : i32
    "tpu.region"() ({
      %run_scoped3A = tpu.sem_alloc : memref<!tpu.dma_semaphore, #tpu.memory_space<semaphore_mem>>
      %dma_start3A_201 = tpu.memref_slice %arg3[%add3A_106] : memref<320000xi32, #tpu.memory_space<hbm>> -> memref<400xi32, #tpu.memory_space<hbm>>
      %dma_start3A_202 = tpu.memref_slice %arg3[%add3A_106] : memref<320000xi32, #tpu.memory_space<hbm>> -> memref<400xi32, #tpu.memory_space<hbm>>
      tpu.enqueue_dma source(%dma_start3A_202 : memref<400xi32, #tpu.memory_space<hbm>>) target(%arg5 : memref<400xi32, #tpu.memory_space<vmem>>) target_semaphore(%run_scoped3A : memref<!tpu.dma_semaphore, #tpu.memory_space<semaphore_mem>>)
      %dma_wait3A_203 = tpu.memref_slice %arg3[%add3A_106] : memref<320000xi32, #tpu.memory_space<hbm>> -> memref<400xi32, #tpu.memory_space<hbm>>
      %dma_wait3A_204 = tpu.memref_slice %arg3[%add3A_106] : memref<320000xi32, #tpu.memory_space<hbm>> -> memref<400xi32, #tpu.memory_space<hbm>>
      tpu.wait_dma2 semaphore(%run_scoped3A : memref<!tpu.dma_semaphore, #tpu.memory_space<semaphore_mem>>) src(%dma_wait3A_204 : memref<400xi32, #tpu.memory_space<hbm>>) dst(%arg5 : memref<400xi32, #tpu.memory_space<vmem>>)
      tpu.yield
    }) : () -> ()
    %dma_start3A_107 = arith.constant 0 : i32
    %dma_start3A_108 = arith.constant 0 : i32
    %dma_start3A_109 = tpu.memref_slice %arg2[%dma_start3A_107, %dma_start3A_108] : memref<10000x128xf32, #tpu.memory_space<hbm>> -> memref<10000x128xf32, #tpu.memory_space<hbm>>
    tpu.enqueue_indirect_dma source(%dma_start3A_109 : memref<10000x128xf32, #tpu.memory_space<hbm>>) target(%arg6 : memref<400x128xf32, #tpu.memory_space<vmem>>) offsets(%arg5 : memref<400xi32, #tpu.memory_space<vmem>>) semaphore(%arg7 : memref<!tpu.dma_semaphore, #tpu.memory_space<semaphore_mem>>)
    %dma_wait3A_110 = arith.constant 0 : i32
    %dma_wait3A_111 = arith.constant 0 : i32
    %dma_wait3A_112 = tpu.memref_slice %arg2[%dma_wait3A_110, %dma_wait3A_111] : memref<10000x128xf32, #tpu.memory_space<hbm>> -> memref<10000x128xf32, #tpu.memory_space<hbm>>
    tpu.wait_indirect_dma semaphore(%arg7 : memref<!tpu.dma_semaphore, #tpu.memory_space<semaphore_mem>>) src(%dma_wait3A_112 : memref<10000x128xf32, #tpu.memory_space<hbm>>) dst(%arg6 : memref<400x128xf32, #tpu.memory_space<vmem>>)
    "tpu.region"() ({
      %run_scoped3A = tpu.sem_alloc : memref<!tpu.dma_semaphore, #tpu.memory_space<semaphore_mem>>
      %dma_start3A_201 = arith.constant 0 : i32
      %dma_start3A_202 = tpu.memref_slice %arg4[%add3A_106, %dma_start3A_201] : memref<320000x128xf32, #tpu.memory_space<hbm>> -> memref<400x128xf32, #tpu.memory_space<hbm>>
      %dma_start3A_203 = arith.constant 0 : i32
      %dma_start3A_204 = tpu.memref_slice %arg4[%add3A_106, %dma_start3A_203] : memref<320000x128xf32, #tpu.memory_space<hbm>> -> memref<400x128xf32, #tpu.memory_space<hbm>>
      tpu.enqueue_dma source(%arg6 : memref<400x128xf32, #tpu.memory_space<vmem>>) target(%dma_start3A_204 : memref<400x128xf32, #tpu.memory_space<hbm>>) target_semaphore(%run_scoped3A : memref<!tpu.dma_semaphore, #tpu.memory_space<semaphore_mem>>)
      %dma_wait3A_205 = arith.constant 0 : i32
      %dma_wait3A_206 = tpu.memref_slice %arg4[%add3A_106, %dma_wait3A_205] : memref<320000x128xf32, #tpu.memory_space<hbm>> -> memref<400x128xf32, #tpu.memory_space<hbm>>
      %dma_wait3A_207 = arith.constant 0 : i32
      %dma_wait3A_208 = tpu.memref_slice %arg4[%add3A_106, %dma_wait3A_207] : memref<320000x128xf32, #tpu.memory_space<hbm>> -> memref<400x128xf32, #tpu.memory_space<hbm>>
      tpu.wait_dma2 semaphore(%run_scoped3A : memref<!tpu.dma_semaphore, #tpu.memory_space<semaphore_mem>>) src(%arg6 : memref<400x128xf32, #tpu.memory_space<vmem>>) dst(%dma_wait3A_208 : memref<400x128xf32, #tpu.memory_space<hbm>>)
      tpu.yield
    }) : () -> ()
    %add3A_113 = arith.constant 5600 : i32
    %add3A_114 = arith.addi %mul3A_2, %add3A_113 : i32
    "tpu.region"() ({
      %run_scoped3A = tpu.sem_alloc : memref<!tpu.dma_semaphore, #tpu.memory_space<semaphore_mem>>
      %dma_start3A_201 = tpu.memref_slice %arg3[%add3A_114] : memref<320000xi32, #tpu.memory_space<hbm>> -> memref<400xi32, #tpu.memory_space<hbm>>
      %dma_start3A_202 = tpu.memref_slice %arg3[%add3A_114] : memref<320000xi32, #tpu.memory_space<hbm>> -> memref<400xi32, #tpu.memory_space<hbm>>
      tpu.enqueue_dma source(%dma_start3A_202 : memref<400xi32, #tpu.memory_space<hbm>>) target(%arg5 : memref<400xi32, #tpu.memory_space<vmem>>) target_semaphore(%run_scoped3A : memref<!tpu.dma_semaphore, #tpu.memory_space<semaphore_mem>>)
      %dma_wait3A_203 = tpu.memref_slice %arg3[%add3A_114] : memref<320000xi32, #tpu.memory_space<hbm>> -> memref<400xi32, #tpu.memory_space<hbm>>
      %dma_wait3A_204 = tpu.memref_slice %arg3[%add3A_114] : memref<320000xi32, #tpu.memory_space<hbm>> -> memref<400xi32, #tpu.memory_space<hbm>>
      tpu.wait_dma2 semaphore(%run_scoped3A : memref<!tpu.dma_semaphore, #tpu.memory_space<semaphore_mem>>) src(%dma_wait3A_204 : memref<400xi32, #tpu.memory_space<hbm>>) dst(%arg5 : memref<400xi32, #tpu.memory_space<vmem>>)
      tpu.yield
    }) : () -> ()
    %dma_start3A_115 = arith.constant 0 : i32
    %dma_start3A_116 = arith.constant 0 : i32
    %dma_start3A_117 = tpu.memref_slice %arg2[%dma_start3A_115, %dma_start3A_116] : memref<10000x128xf32, #tpu.memory_space<hbm>> -> memref<10000x128xf32, #tpu.memory_space<hbm>>
    tpu.enqueue_indirect_dma source(%dma_start3A_117 : memref<10000x128xf32, #tpu.memory_space<hbm>>) target(%arg6 : memref<400x128xf32, #tpu.memory_space<vmem>>) offsets(%arg5 : memref<400xi32, #tpu.memory_space<vmem>>) semaphore(%arg7 : memref<!tpu.dma_semaphore, #tpu.memory_space<semaphore_mem>>)
    %dma_wait3A_118 = arith.constant 0 : i32
    %dma_wait3A_119 = arith.constant 0 : i32
    %dma_wait3A_120 = tpu.memref_slice %arg2[%dma_wait3A_118, %dma_wait3A_119] : memref<10000x128xf32, #tpu.memory_space<hbm>> -> memref<10000x128xf32, #tpu.memory_space<hbm>>
    tpu.wait_indirect_dma semaphore(%arg7 : memref<!tpu.dma_semaphore, #tpu.memory_space<semaphore_mem>>) src(%dma_wait3A_120 : memref<10000x128xf32, #tpu.memory_space<hbm>>) dst(%arg6 : memref<400x128xf32, #tpu.memory_space<vmem>>)
    "tpu.region"() ({
      %run_scoped3A = tpu.sem_alloc : memref<!tpu.dma_semaphore, #tpu.memory_space<semaphore_mem>>
      %dma_start3A_201 = arith.constant 0 : i32
      %dma_start3A_202 = tpu.memref_slice %arg4[%add3A_114, %dma_start3A_201] : memref<320000x128xf32, #tpu.memory_space<hbm>> -> memref<400x128xf32, #tpu.memory_space<hbm>>
      %dma_start3A_203 = arith.constant 0 : i32
      %dma_start3A_204 = tpu.memref_slice %arg4[%add3A_114, %dma_start3A_203] : memref<320000x128xf32, #tpu.memory_space<hbm>> -> memref<400x128xf32, #tpu.memory_space<hbm>>
      tpu.enqueue_dma source(%arg6 : memref<400x128xf32, #tpu.memory_space<vmem>>) target(%dma_start3A_204 : memref<400x128xf32, #tpu.memory_space<hbm>>) target_semaphore(%run_scoped3A : memref<!tpu.dma_semaphore, #tpu.memory_space<semaphore_mem>>)
      %dma_wait3A_205 = arith.constant 0 : i32
      %dma_wait3A_206 = tpu.memref_slice %arg4[%add3A_114, %dma_wait3A_205] : memref<320000x128xf32, #tpu.memory_space<hbm>> -> memref<400x128xf32, #tpu.memory_space<hbm>>
      %dma_wait3A_207 = arith.constant 0 : i32
      %dma_wait3A_208 = tpu.memref_slice %arg4[%add3A_114, %dma_wait3A_207] : memref<320000x128xf32, #tpu.memory_space<hbm>> -> memref<400x128xf32, #tpu.memory_space<hbm>>
      tpu.wait_dma2 semaphore(%run_scoped3A : memref<!tpu.dma_semaphore, #tpu.memory_space<semaphore_mem>>) src(%arg6 : memref<400x128xf32, #tpu.memory_space<vmem>>) dst(%dma_wait3A_208 : memref<400x128xf32, #tpu.memory_space<hbm>>)
      tpu.yield
    }) : () -> ()
    %add3A_121 = arith.constant 6000 : i32
    %add3A_122 = arith.addi %mul3A_2, %add3A_121 : i32
    "tpu.region"() ({
      %run_scoped3A = tpu.sem_alloc : memref<!tpu.dma_semaphore, #tpu.memory_space<semaphore_mem>>
      %dma_start3A_201 = tpu.memref_slice %arg3[%add3A_122] : memref<320000xi32, #tpu.memory_space<hbm>> -> memref<400xi32, #tpu.memory_space<hbm>>
      %dma_start3A_202 = tpu.memref_slice %arg3[%add3A_122] : memref<320000xi32, #tpu.memory_space<hbm>> -> memref<400xi32, #tpu.memory_space<hbm>>
      tpu.enqueue_dma source(%dma_start3A_202 : memref<400xi32, #tpu.memory_space<hbm>>) target(%arg5 : memref<400xi32, #tpu.memory_space<vmem>>) target_semaphore(%run_scoped3A : memref<!tpu.dma_semaphore, #tpu.memory_space<semaphore_mem>>)
      %dma_wait3A_203 = tpu.memref_slice %arg3[%add3A_122] : memref<320000xi32, #tpu.memory_space<hbm>> -> memref<400xi32, #tpu.memory_space<hbm>>
      %dma_wait3A_204 = tpu.memref_slice %arg3[%add3A_122] : memref<320000xi32, #tpu.memory_space<hbm>> -> memref<400xi32, #tpu.memory_space<hbm>>
      tpu.wait_dma2 semaphore(%run_scoped3A : memref<!tpu.dma_semaphore, #tpu.memory_space<semaphore_mem>>) src(%dma_wait3A_204 : memref<400xi32, #tpu.memory_space<hbm>>) dst(%arg5 : memref<400xi32, #tpu.memory_space<vmem>>)
      tpu.yield
    }) : () -> ()
    %dma_start3A_123 = arith.constant 0 : i32
    %dma_start3A_124 = arith.constant 0 : i32
    %dma_start3A_125 = tpu.memref_slice %arg2[%dma_start3A_123, %dma_start3A_124] : memref<10000x128xf32, #tpu.memory_space<hbm>> -> memref<10000x128xf32, #tpu.memory_space<hbm>>
    tpu.enqueue_indirect_dma source(%dma_start3A_125 : memref<10000x128xf32, #tpu.memory_space<hbm>>) target(%arg6 : memref<400x128xf32, #tpu.memory_space<vmem>>) offsets(%arg5 : memref<400xi32, #tpu.memory_space<vmem>>) semaphore(%arg7 : memref<!tpu.dma_semaphore, #tpu.memory_space<semaphore_mem>>)
    %dma_wait3A_126 = arith.constant 0 : i32
    %dma_wait3A_127 = arith.constant 0 : i32
    %dma_wait3A_128 = tpu.memref_slice %arg2[%dma_wait3A_126, %dma_wait3A_127] : memref<10000x128xf32, #tpu.memory_space<hbm>> -> memref<10000x128xf32, #tpu.memory_space<hbm>>
    tpu.wait_indirect_dma semaphore(%arg7 : memref<!tpu.dma_semaphore, #tpu.memory_space<semaphore_mem>>) src(%dma_wait3A_128 : memref<10000x128xf32, #tpu.memory_space<hbm>>) dst(%arg6 : memref<400x128xf32, #tpu.memory_space<vmem>>)
    "tpu.region"() ({
      %run_scoped3A = tpu.sem_alloc : memref<!tpu.dma_semaphore, #tpu.memory_space<semaphore_mem>>
      %dma_start3A_201 = arith.constant 0 : i32
      %dma_start3A_202 = tpu.memref_slice %arg4[%add3A_122, %dma_start3A_201] : memref<320000x128xf32, #tpu.memory_space<hbm>> -> memref<400x128xf32, #tpu.memory_space<hbm>>
      %dma_start3A_203 = arith.constant 0 : i32
      %dma_start3A_204 = tpu.memref_slice %arg4[%add3A_122, %dma_start3A_203] : memref<320000x128xf32, #tpu.memory_space<hbm>> -> memref<400x128xf32, #tpu.memory_space<hbm>>
      tpu.enqueue_dma source(%arg6 : memref<400x128xf32, #tpu.memory_space<vmem>>) target(%dma_start3A_204 : memref<400x128xf32, #tpu.memory_space<hbm>>) target_semaphore(%run_scoped3A : memref<!tpu.dma_semaphore, #tpu.memory_space<semaphore_mem>>)
      %dma_wait3A_205 = arith.constant 0 : i32
      %dma_wait3A_206 = tpu.memref_slice %arg4[%add3A_122, %dma_wait3A_205] : memref<320000x128xf32, #tpu.memory_space<hbm>> -> memref<400x128xf32, #tpu.memory_space<hbm>>
      %dma_wait3A_207 = arith.constant 0 : i32
      %dma_wait3A_208 = tpu.memref_slice %arg4[%add3A_122, %dma_wait3A_207] : memref<320000x128xf32, #tpu.memory_space<hbm>> -> memref<400x128xf32, #tpu.memory_space<hbm>>
      tpu.wait_dma2 semaphore(%run_scoped3A : memref<!tpu.dma_semaphore, #tpu.memory_space<semaphore_mem>>) src(%arg6 : memref<400x128xf32, #tpu.memory_space<vmem>>) dst(%dma_wait3A_208 : memref<400x128xf32, #tpu.memory_space<hbm>>)
      tpu.yield
    }) : () -> ()
    %add3A_129 = arith.constant 6400 : i32
    %add3A_130 = arith.addi %mul3A_2, %add3A_129 : i32
    "tpu.region"() ({
      %run_scoped3A = tpu.sem_alloc : memref<!tpu.dma_semaphore, #tpu.memory_space<semaphore_mem>>
      %dma_start3A_201 = tpu.memref_slice %arg3[%add3A_130] : memref<320000xi32, #tpu.memory_space<hbm>> -> memref<400xi32, #tpu.memory_space<hbm>>
      %dma_start3A_202 = tpu.memref_slice %arg3[%add3A_130] : memref<320000xi32, #tpu.memory_space<hbm>> -> memref<400xi32, #tpu.memory_space<hbm>>
      tpu.enqueue_dma source(%dma_start3A_202 : memref<400xi32, #tpu.memory_space<hbm>>) target(%arg5 : memref<400xi32, #tpu.memory_space<vmem>>) target_semaphore(%run_scoped3A : memref<!tpu.dma_semaphore, #tpu.memory_space<semaphore_mem>>)
      %dma_wait3A_203 = tpu.memref_slice %arg3[%add3A_130] : memref<320000xi32, #tpu.memory_space<hbm>> -> memref<400xi32, #tpu.memory_space<hbm>>
      %dma_wait3A_204 = tpu.memref_slice %arg3[%add3A_130] : memref<320000xi32, #tpu.memory_space<hbm>> -> memref<400xi32, #tpu.memory_space<hbm>>
      tpu.wait_dma2 semaphore(%run_scoped3A : memref<!tpu.dma_semaphore, #tpu.memory_space<semaphore_mem>>) src(%dma_wait3A_204 : memref<400xi32, #tpu.memory_space<hbm>>) dst(%arg5 : memref<400xi32, #tpu.memory_space<vmem>>)
      tpu.yield
    }) : () -> ()
    %dma_start3A_131 = arith.constant 0 : i32
    %dma_start3A_132 = arith.constant 0 : i32
    %dma_start3A_133 = tpu.memref_slice %arg2[%dma_start3A_131, %dma_start3A_132] : memref<10000x128xf32, #tpu.memory_space<hbm>> -> memref<10000x128xf32, #tpu.memory_space<hbm>>
    tpu.enqueue_indirect_dma source(%dma_start3A_133 : memref<10000x128xf32, #tpu.memory_space<hbm>>) target(%arg6 : memref<400x128xf32, #tpu.memory_space<vmem>>) offsets(%arg5 : memref<400xi32, #tpu.memory_space<vmem>>) semaphore(%arg7 : memref<!tpu.dma_semaphore, #tpu.memory_space<semaphore_mem>>)
    %dma_wait3A_134 = arith.constant 0 : i32
    %dma_wait3A_135 = arith.constant 0 : i32
    %dma_wait3A_136 = tpu.memref_slice %arg2[%dma_wait3A_134, %dma_wait3A_135] : memref<10000x128xf32, #tpu.memory_space<hbm>> -> memref<10000x128xf32, #tpu.memory_space<hbm>>
    tpu.wait_indirect_dma semaphore(%arg7 : memref<!tpu.dma_semaphore, #tpu.memory_space<semaphore_mem>>) src(%dma_wait3A_136 : memref<10000x128xf32, #tpu.memory_space<hbm>>) dst(%arg6 : memref<400x128xf32, #tpu.memory_space<vmem>>)
    "tpu.region"() ({
      %run_scoped3A = tpu.sem_alloc : memref<!tpu.dma_semaphore, #tpu.memory_space<semaphore_mem>>
      %dma_start3A_201 = arith.constant 0 : i32
      %dma_start3A_202 = tpu.memref_slice %arg4[%add3A_130, %dma_start3A_201] : memref<320000x128xf32, #tpu.memory_space<hbm>> -> memref<400x128xf32, #tpu.memory_space<hbm>>
      %dma_start3A_203 = arith.constant 0 : i32
      %dma_start3A_204 = tpu.memref_slice %arg4[%add3A_130, %dma_start3A_203] : memref<320000x128xf32, #tpu.memory_space<hbm>> -> memref<400x128xf32, #tpu.memory_space<hbm>>
      tpu.enqueue_dma source(%arg6 : memref<400x128xf32, #tpu.memory_space<vmem>>) target(%dma_start3A_204 : memref<400x128xf32, #tpu.memory_space<hbm>>) target_semaphore(%run_scoped3A : memref<!tpu.dma_semaphore, #tpu.memory_space<semaphore_mem>>)
      %dma_wait3A_205 = arith.constant 0 : i32
      %dma_wait3A_206 = tpu.memref_slice %arg4[%add3A_130, %dma_wait3A_205] : memref<320000x128xf32, #tpu.memory_space<hbm>> -> memref<400x128xf32, #tpu.memory_space<hbm>>
      %dma_wait3A_207 = arith.constant 0 : i32
      %dma_wait3A_208 = tpu.memref_slice %arg4[%add3A_130, %dma_wait3A_207] : memref<320000x128xf32, #tpu.memory_space<hbm>> -> memref<400x128xf32, #tpu.memory_space<hbm>>
      tpu.wait_dma2 semaphore(%run_scoped3A : memref<!tpu.dma_semaphore, #tpu.memory_space<semaphore_mem>>) src(%arg6 : memref<400x128xf32, #tpu.memory_space<vmem>>) dst(%dma_wait3A_208 : memref<400x128xf32, #tpu.memory_space<hbm>>)
      tpu.yield
    }) : () -> ()
    %add3A_137 = arith.constant 6800 : i32
    %add3A_138 = arith.addi %mul3A_2, %add3A_137 : i32
    "tpu.region"() ({
      %run_scoped3A = tpu.sem_alloc : memref<!tpu.dma_semaphore, #tpu.memory_space<semaphore_mem>>
      %dma_start3A_201 = tpu.memref_slice %arg3[%add3A_138] : memref<320000xi32, #tpu.memory_space<hbm>> -> memref<400xi32, #tpu.memory_space<hbm>>
      %dma_start3A_202 = tpu.memref_slice %arg3[%add3A_138] : memref<320000xi32, #tpu.memory_space<hbm>> -> memref<400xi32, #tpu.memory_space<hbm>>
      tpu.enqueue_dma source(%dma_start3A_202 : memref<400xi32, #tpu.memory_space<hbm>>) target(%arg5 : memref<400xi32, #tpu.memory_space<vmem>>) target_semaphore(%run_scoped3A : memref<!tpu.dma_semaphore, #tpu.memory_space<semaphore_mem>>)
      %dma_wait3A_203 = tpu.memref_slice %arg3[%add3A_138] : memref<320000xi32, #tpu.memory_space<hbm>> -> memref<400xi32, #tpu.memory_space<hbm>>
      %dma_wait3A_204 = tpu.memref_slice %arg3[%add3A_138] : memref<320000xi32, #tpu.memory_space<hbm>> -> memref<400xi32, #tpu.memory_space<hbm>>
      tpu.wait_dma2 semaphore(%run_scoped3A : memref<!tpu.dma_semaphore, #tpu.memory_space<semaphore_mem>>) src(%dma_wait3A_204 : memref<400xi32, #tpu.memory_space<hbm>>) dst(%arg5 : memref<400xi32, #tpu.memory_space<vmem>>)
      tpu.yield
    }) : () -> ()
    %dma_start3A_139 = arith.constant 0 : i32
    %dma_start3A_140 = arith.constant 0 : i32
    %dma_start3A_141 = tpu.memref_slice %arg2[%dma_start3A_139, %dma_start3A_140] : memref<10000x128xf32, #tpu.memory_space<hbm>> -> memref<10000x128xf32, #tpu.memory_space<hbm>>
    tpu.enqueue_indirect_dma source(%dma_start3A_141 : memref<10000x128xf32, #tpu.memory_space<hbm>>) target(%arg6 : memref<400x128xf32, #tpu.memory_space<vmem>>) offsets(%arg5 : memref<400xi32, #tpu.memory_space<vmem>>) semaphore(%arg7 : memref<!tpu.dma_semaphore, #tpu.memory_space<semaphore_mem>>)
    %dma_wait3A_142 = arith.constant 0 : i32
    %dma_wait3A_143 = arith.constant 0 : i32
    %dma_wait3A_144 = tpu.memref_slice %arg2[%dma_wait3A_142, %dma_wait3A_143] : memref<10000x128xf32, #tpu.memory_space<hbm>> -> memref<10000x128xf32, #tpu.memory_space<hbm>>
    tpu.wait_indirect_dma semaphore(%arg7 : memref<!tpu.dma_semaphore, #tpu.memory_space<semaphore_mem>>) src(%dma_wait3A_144 : memref<10000x128xf32, #tpu.memory_space<hbm>>) dst(%arg6 : memref<400x128xf32, #tpu.memory_space<vmem>>)
    "tpu.region"() ({
      %run_scoped3A = tpu.sem_alloc : memref<!tpu.dma_semaphore, #tpu.memory_space<semaphore_mem>>
      %dma_start3A_201 = arith.constant 0 : i32
      %dma_start3A_202 = tpu.memref_slice %arg4[%add3A_138, %dma_start3A_201] : memref<320000x128xf32, #tpu.memory_space<hbm>> -> memref<400x128xf32, #tpu.memory_space<hbm>>
      %dma_start3A_203 = arith.constant 0 : i32
      %dma_start3A_204 = tpu.memref_slice %arg4[%add3A_138, %dma_start3A_203] : memref<320000x128xf32, #tpu.memory_space<hbm>> -> memref<400x128xf32, #tpu.memory_space<hbm>>
      tpu.enqueue_dma source(%arg6 : memref<400x128xf32, #tpu.memory_space<vmem>>) target(%dma_start3A_204 : memref<400x128xf32, #tpu.memory_space<hbm>>) target_semaphore(%run_scoped3A : memref<!tpu.dma_semaphore, #tpu.memory_space<semaphore_mem>>)
      %dma_wait3A_205 = arith.constant 0 : i32
      %dma_wait3A_206 = tpu.memref_slice %arg4[%add3A_138, %dma_wait3A_205] : memref<320000x128xf32, #tpu.memory_space<hbm>> -> memref<400x128xf32, #tpu.memory_space<hbm>>
      %dma_wait3A_207 = arith.constant 0 : i32
      %dma_wait3A_208 = tpu.memref_slice %arg4[%add3A_138, %dma_wait3A_207] : memref<320000x128xf32, #tpu.memory_space<hbm>> -> memref<400x128xf32, #tpu.memory_space<hbm>>
      tpu.wait_dma2 semaphore(%run_scoped3A : memref<!tpu.dma_semaphore, #tpu.memory_space<semaphore_mem>>) src(%arg6 : memref<400x128xf32, #tpu.memory_space<vmem>>) dst(%dma_wait3A_208 : memref<400x128xf32, #tpu.memory_space<hbm>>)
      tpu.yield
    }) : () -> ()
    %add3A_145 = arith.constant 7200 : i32
    %add3A_146 = arith.addi %mul3A_2, %add3A_145 : i32
    "tpu.region"() ({
      %run_scoped3A = tpu.sem_alloc : memref<!tpu.dma_semaphore, #tpu.memory_space<semaphore_mem>>
      %dma_start3A_201 = tpu.memref_slice %arg3[%add3A_146] : memref<320000xi32, #tpu.memory_space<hbm>> -> memref<400xi32, #tpu.memory_space<hbm>>
      %dma_start3A_202 = tpu.memref_slice %arg3[%add3A_146] : memref<320000xi32, #tpu.memory_space<hbm>> -> memref<400xi32, #tpu.memory_space<hbm>>
      tpu.enqueue_dma source(%dma_start3A_202 : memref<400xi32, #tpu.memory_space<hbm>>) target(%arg5 : memref<400xi32, #tpu.memory_space<vmem>>) target_semaphore(%run_scoped3A : memref<!tpu.dma_semaphore, #tpu.memory_space<semaphore_mem>>)
      %dma_wait3A_203 = tpu.memref_slice %arg3[%add3A_146] : memref<320000xi32, #tpu.memory_space<hbm>> -> memref<400xi32, #tpu.memory_space<hbm>>
      %dma_wait3A_204 = tpu.memref_slice %arg3[%add3A_146] : memref<320000xi32, #tpu.memory_space<hbm>> -> memref<400xi32, #tpu.memory_space<hbm>>
      tpu.wait_dma2 semaphore(%run_scoped3A : memref<!tpu.dma_semaphore, #tpu.memory_space<semaphore_mem>>) src(%dma_wait3A_204 : memref<400xi32, #tpu.memory_space<hbm>>) dst(%arg5 : memref<400xi32, #tpu.memory_space<vmem>>)
      tpu.yield
    }) : () -> ()
    %dma_start3A_147 = arith.constant 0 : i32
    %dma_start3A_148 = arith.constant 0 : i32
    %dma_start3A_149 = tpu.memref_slice %arg2[%dma_start3A_147, %dma_start3A_148] : memref<10000x128xf32, #tpu.memory_space<hbm>> -> memref<10000x128xf32, #tpu.memory_space<hbm>>
    tpu.enqueue_indirect_dma source(%dma_start3A_149 : memref<10000x128xf32, #tpu.memory_space<hbm>>) target(%arg6 : memref<400x128xf32, #tpu.memory_space<vmem>>) offsets(%arg5 : memref<400xi32, #tpu.memory_space<vmem>>) semaphore(%arg7 : memref<!tpu.dma_semaphore, #tpu.memory_space<semaphore_mem>>)
    %dma_wait3A_150 = arith.constant 0 : i32
    %dma_wait3A_151 = arith.constant 0 : i32
    %dma_wait3A_152 = tpu.memref_slice %arg2[%dma_wait3A_150, %dma_wait3A_151] : memref<10000x128xf32, #tpu.memory_space<hbm>> -> memref<10000x128xf32, #tpu.memory_space<hbm>>
    tpu.wait_indirect_dma semaphore(%arg7 : memref<!tpu.dma_semaphore, #tpu.memory_space<semaphore_mem>>) src(%dma_wait3A_152 : memref<10000x128xf32, #tpu.memory_space<hbm>>) dst(%arg6 : memref<400x128xf32, #tpu.memory_space<vmem>>)
    "tpu.region"() ({
      %run_scoped3A = tpu.sem_alloc : memref<!tpu.dma_semaphore, #tpu.memory_space<semaphore_mem>>
      %dma_start3A_201 = arith.constant 0 : i32
      %dma_start3A_202 = tpu.memref_slice %arg4[%add3A_146, %dma_start3A_201] : memref<320000x128xf32, #tpu.memory_space<hbm>> -> memref<400x128xf32, #tpu.memory_space<hbm>>
      %dma_start3A_203 = arith.constant 0 : i32
      %dma_start3A_204 = tpu.memref_slice %arg4[%add3A_146, %dma_start3A_203] : memref<320000x128xf32, #tpu.memory_space<hbm>> -> memref<400x128xf32, #tpu.memory_space<hbm>>
      tpu.enqueue_dma source(%arg6 : memref<400x128xf32, #tpu.memory_space<vmem>>) target(%dma_start3A_204 : memref<400x128xf32, #tpu.memory_space<hbm>>) target_semaphore(%run_scoped3A : memref<!tpu.dma_semaphore, #tpu.memory_space<semaphore_mem>>)
      %dma_wait3A_205 = arith.constant 0 : i32
      %dma_wait3A_206 = tpu.memref_slice %arg4[%add3A_146, %dma_wait3A_205] : memref<320000x128xf32, #tpu.memory_space<hbm>> -> memref<400x128xf32, #tpu.memory_space<hbm>>
      %dma_wait3A_207 = arith.constant 0 : i32
      %dma_wait3A_208 = tpu.memref_slice %arg4[%add3A_146, %dma_wait3A_207] : memref<320000x128xf32, #tpu.memory_space<hbm>> -> memref<400x128xf32, #tpu.memory_space<hbm>>
      tpu.wait_dma2 semaphore(%run_scoped3A : memref<!tpu.dma_semaphore, #tpu.memory_space<semaphore_mem>>) src(%arg6 : memref<400x128xf32, #tpu.memory_space<vmem>>) dst(%dma_wait3A_208 : memref<400x128xf32, #tpu.memory_space<hbm>>)
      tpu.yield
    }) : () -> ()
    %add3A_153 = arith.constant 7600 : i32
    %add3A_154 = arith.addi %mul3A_2, %add3A_153 : i32
    "tpu.region"() ({
      %run_scoped3A = tpu.sem_alloc : memref<!tpu.dma_semaphore, #tpu.memory_space<semaphore_mem>>
      %dma_start3A_201 = tpu.memref_slice %arg3[%add3A_154] : memref<320000xi32, #tpu.memory_space<hbm>> -> memref<400xi32, #tpu.memory_space<hbm>>
      %dma_start3A_202 = tpu.memref_slice %arg3[%add3A_154] : memref<320000xi32, #tpu.memory_space<hbm>> -> memref<400xi32, #tpu.memory_space<hbm>>
      tpu.enqueue_dma source(%dma_start3A_202 : memref<400xi32, #tpu.memory_space<hbm>>) target(%arg5 : memref<400xi32, #tpu.memory_space<vmem>>) target_semaphore(%run_scoped3A : memref<!tpu.dma_semaphore, #tpu.memory_space<semaphore_mem>>)
      %dma_wait3A_203 = tpu.memref_slice %arg3[%add3A_154] : memref<320000xi32, #tpu.memory_space<hbm>> -> memref<400xi32, #tpu.memory_space<hbm>>
      %dma_wait3A_204 = tpu.memref_slice %arg3[%add3A_154] : memref<320000xi32, #tpu.memory_space<hbm>> -> memref<400xi32, #tpu.memory_space<hbm>>
      tpu.wait_dma2 semaphore(%run_scoped3A : memref<!tpu.dma_semaphore, #tpu.memory_space<semaphore_mem>>) src(%dma_wait3A_204 : memref<400xi32, #tpu.memory_space<hbm>>) dst(%arg5 : memref<400xi32, #tpu.memory_space<vmem>>)
      tpu.yield
    }) : () -> ()
    %dma_start3A_155 = arith.constant 0 : i32
    %dma_start3A_156 = arith.constant 0 : i32
    %dma_start3A_157 = tpu.memref_slice %arg2[%dma_start3A_155, %dma_start3A_156] : memref<10000x128xf32, #tpu.memory_space<hbm>> -> memref<10000x128xf32, #tpu.memory_space<hbm>>
    tpu.enqueue_indirect_dma source(%dma_start3A_157 : memref<10000x128xf32, #tpu.memory_space<hbm>>) target(%arg6 : memref<400x128xf32, #tpu.memory_space<vmem>>) offsets(%arg5 : memref<400xi32, #tpu.memory_space<vmem>>) semaphore(%arg7 : memref<!tpu.dma_semaphore, #tpu.memory_space<semaphore_mem>>)
    %dma_wait3A_158 = arith.constant 0 : i32
    %dma_wait3A_159 = arith.constant 0 : i32
    %dma_wait3A_160 = tpu.memref_slice %arg2[%dma_wait3A_158, %dma_wait3A_159] : memref<10000x128xf32, #tpu.memory_space<hbm>> -> memref<10000x128xf32, #tpu.memory_space<hbm>>
    tpu.wait_indirect_dma semaphore(%arg7 : memref<!tpu.dma_semaphore, #tpu.memory_space<semaphore_mem>>) src(%dma_wait3A_160 : memref<10000x128xf32, #tpu.memory_space<hbm>>) dst(%arg6 : memref<400x128xf32, #tpu.memory_space<vmem>>)
    "tpu.region"() ({
      %run_scoped3A = tpu.sem_alloc : memref<!tpu.dma_semaphore, #tpu.memory_space<semaphore_mem>>
      %dma_start3A_201 = arith.constant 0 : i32
      %dma_start3A_202 = tpu.memref_slice %arg4[%add3A_154, %dma_start3A_201] : memref<320000x128xf32, #tpu.memory_space<hbm>> -> memref<400x128xf32, #tpu.memory_space<hbm>>
      %dma_start3A_203 = arith.constant 0 : i32
      %dma_start3A_204 = tpu.memref_slice %arg4[%add3A_154, %dma_start3A_203] : memref<320000x128xf32, #tpu.memory_space<hbm>> -> memref<400x128xf32, #tpu.memory_space<hbm>>
      tpu.enqueue_dma source(%arg6 : memref<400x128xf32, #tpu.memory_space<vmem>>) target(%dma_start3A_204 : memref<400x128xf32, #tpu.memory_space<hbm>>) target_semaphore(%run_scoped3A : memref<!tpu.dma_semaphore, #tpu.memory_space<semaphore_mem>>)
      %dma_wait3A_205 = arith.constant 0 : i32
      %dma_wait3A_206 = tpu.memref_slice %arg4[%add3A_154, %dma_wait3A_205] : memref<320000x128xf32, #tpu.memory_space<hbm>> -> memref<400x128xf32, #tpu.memory_space<hbm>>
      %dma_wait3A_207 = arith.constant 0 : i32
      %dma_wait3A_208 = tpu.memref_slice %arg4[%add3A_154, %dma_wait3A_207] : memref<320000x128xf32, #tpu.memory_space<hbm>> -> memref<400x128xf32, #tpu.memory_space<hbm>>
      tpu.wait_dma2 semaphore(%run_scoped3A : memref<!tpu.dma_semaphore, #tpu.memory_space<semaphore_mem>>) src(%arg6 : memref<400x128xf32, #tpu.memory_space<vmem>>) dst(%dma_wait3A_208 : memref<400x128xf32, #tpu.memory_space<hbm>>)
      tpu.yield
    }) : () -> ()
    %add3A_161 = arith.constant 8000 : i32
    %add3A_162 = arith.addi %mul3A_2, %add3A_161 : i32
    "tpu.region"() ({
      %run_scoped3A = tpu.sem_alloc : memref<!tpu.dma_semaphore, #tpu.memory_space<semaphore_mem>>
      %dma_start3A_201 = tpu.memref_slice %arg3[%add3A_162] : memref<320000xi32, #tpu.memory_space<hbm>> -> memref<400xi32, #tpu.memory_space<hbm>>
      %dma_start3A_202 = tpu.memref_slice %arg3[%add3A_162] : memref<320000xi32, #tpu.memory_space<hbm>> -> memref<400xi32, #tpu.memory_space<hbm>>
      tpu.enqueue_dma source(%dma_start3A_202 : memref<400xi32, #tpu.memory_space<hbm>>) target(%arg5 : memref<400xi32, #tpu.memory_space<vmem>>) target_semaphore(%run_scoped3A : memref<!tpu.dma_semaphore, #tpu.memory_space<semaphore_mem>>)
      %dma_wait3A_203 = tpu.memref_slice %arg3[%add3A_162] : memref<320000xi32, #tpu.memory_space<hbm>> -> memref<400xi32, #tpu.memory_space<hbm>>
      %dma_wait3A_204 = tpu.memref_slice %arg3[%add3A_162] : memref<320000xi32, #tpu.memory_space<hbm>> -> memref<400xi32, #tpu.memory_space<hbm>>
      tpu.wait_dma2 semaphore(%run_scoped3A : memref<!tpu.dma_semaphore, #tpu.memory_space<semaphore_mem>>) src(%dma_wait3A_204 : memref<400xi32, #tpu.memory_space<hbm>>) dst(%arg5 : memref<400xi32, #tpu.memory_space<vmem>>)
      tpu.yield
    }) : () -> ()
    %dma_start3A_163 = arith.constant 0 : i32
    %dma_start3A_164 = arith.constant 0 : i32
    %dma_start3A_165 = tpu.memref_slice %arg2[%dma_start3A_163, %dma_start3A_164] : memref<10000x128xf32, #tpu.memory_space<hbm>> -> memref<10000x128xf32, #tpu.memory_space<hbm>>
    tpu.enqueue_indirect_dma source(%dma_start3A_165 : memref<10000x128xf32, #tpu.memory_space<hbm>>) target(%arg6 : memref<400x128xf32, #tpu.memory_space<vmem>>) offsets(%arg5 : memref<400xi32, #tpu.memory_space<vmem>>) semaphore(%arg7 : memref<!tpu.dma_semaphore, #tpu.memory_space<semaphore_mem>>)
    %dma_wait3A_166 = arith.constant 0 : i32
    %dma_wait3A_167 = arith.constant 0 : i32
    %dma_wait3A_168 = tpu.memref_slice %arg2[%dma_wait3A_166, %dma_wait3A_167] : memref<10000x128xf32, #tpu.memory_space<hbm>> -> memref<10000x128xf32, #tpu.memory_space<hbm>>
    tpu.wait_indirect_dma semaphore(%arg7 : memref<!tpu.dma_semaphore, #tpu.memory_space<semaphore_mem>>) src(%dma_wait3A_168 : memref<10000x128xf32, #tpu.memory_space<hbm>>) dst(%arg6 : memref<400x128xf32, #tpu.memory_space<vmem>>)
    "tpu.region"() ({
      %run_scoped3A = tpu.sem_alloc : memref<!tpu.dma_semaphore, #tpu.memory_space<semaphore_mem>>
      %dma_start3A_201 = arith.constant 0 : i32
      %dma_start3A_202 = tpu.memref_slice %arg4[%add3A_162, %dma_start3A_201] : memref<320000x128xf32, #tpu.memory_space<hbm>> -> memref<400x128xf32, #tpu.memory_space<hbm>>
      %dma_start3A_203 = arith.constant 0 : i32
      %dma_start3A_204 = tpu.memref_slice %arg4[%add3A_162, %dma_start3A_203] : memref<320000x128xf32, #tpu.memory_space<hbm>> -> memref<400x128xf32, #tpu.memory_space<hbm>>
      tpu.enqueue_dma source(%arg6 : memref<400x128xf32, #tpu.memory_space<vmem>>) target(%dma_start3A_204 : memref<400x128xf32, #tpu.memory_space<hbm>>) target_semaphore(%run_scoped3A : memref<!tpu.dma_semaphore, #tpu.memory_space<semaphore_mem>>)
      %dma_wait3A_205 = arith.constant 0 : i32
      %dma_wait3A_206 = tpu.memref_slice %arg4[%add3A_162, %dma_wait3A_205] : memref<320000x128xf32, #tpu.memory_space<hbm>> -> memref<400x128xf32, #tpu.memory_space<hbm>>
      %dma_wait3A_207 = arith.constant 0 : i32
      %dma_wait3A_208 = tpu.memref_slice %arg4[%add3A_162, %dma_wait3A_207] : memref<320000x128xf32, #tpu.memory_space<hbm>> -> memref<400x128xf32, #tpu.memory_space<hbm>>
      tpu.wait_dma2 semaphore(%run_scoped3A : memref<!tpu.dma_semaphore, #tpu.memory_space<semaphore_mem>>) src(%arg6 : memref<400x128xf32, #tpu.memory_space<vmem>>) dst(%dma_wait3A_208 : memref<400x128xf32, #tpu.memory_space<hbm>>)
      tpu.yield
    }) : () -> ()
    %add3A_169 = arith.constant 8400 : i32
    %add3A_170 = arith.addi %mul3A_2, %add3A_169 : i32
    "tpu.region"() ({
      %run_scoped3A = tpu.sem_alloc : memref<!tpu.dma_semaphore, #tpu.memory_space<semaphore_mem>>
      %dma_start3A_201 = tpu.memref_slice %arg3[%add3A_170] : memref<320000xi32, #tpu.memory_space<hbm>> -> memref<400xi32, #tpu.memory_space<hbm>>
      %dma_start3A_202 = tpu.memref_slice %arg3[%add3A_170] : memref<320000xi32, #tpu.memory_space<hbm>> -> memref<400xi32, #tpu.memory_space<hbm>>
      tpu.enqueue_dma source(%dma_start3A_202 : memref<400xi32, #tpu.memory_space<hbm>>) target(%arg5 : memref<400xi32, #tpu.memory_space<vmem>>) target_semaphore(%run_scoped3A : memref<!tpu.dma_semaphore, #tpu.memory_space<semaphore_mem>>)
      %dma_wait3A_203 = tpu.memref_slice %arg3[%add3A_170] : memref<320000xi32, #tpu.memory_space<hbm>> -> memref<400xi32, #tpu.memory_space<hbm>>
      %dma_wait3A_204 = tpu.memref_slice %arg3[%add3A_170] : memref<320000xi32, #tpu.memory_space<hbm>> -> memref<400xi32, #tpu.memory_space<hbm>>
      tpu.wait_dma2 semaphore(%run_scoped3A : memref<!tpu.dma_semaphore, #tpu.memory_space<semaphore_mem>>) src(%dma_wait3A_204 : memref<400xi32, #tpu.memory_space<hbm>>) dst(%arg5 : memref<400xi32, #tpu.memory_space<vmem>>)
      tpu.yield
    }) : () -> ()
    %dma_start3A_171 = arith.constant 0 : i32
    %dma_start3A_172 = arith.constant 0 : i32
    %dma_start3A_173 = tpu.memref_slice %arg2[%dma_start3A_171, %dma_start3A_172] : memref<10000x128xf32, #tpu.memory_space<hbm>> -> memref<10000x128xf32, #tpu.memory_space<hbm>>
    tpu.enqueue_indirect_dma source(%dma_start3A_173 : memref<10000x128xf32, #tpu.memory_space<hbm>>) target(%arg6 : memref<400x128xf32, #tpu.memory_space<vmem>>) offsets(%arg5 : memref<400xi32, #tpu.memory_space<vmem>>) semaphore(%arg7 : memref<!tpu.dma_semaphore, #tpu.memory_space<semaphore_mem>>)
    %dma_wait3A_174 = arith.constant 0 : i32
    %dma_wait3A_175 = arith.constant 0 : i32
    %dma_wait3A_176 = tpu.memref_slice %arg2[%dma_wait3A_174, %dma_wait3A_175] : memref<10000x128xf32, #tpu.memory_space<hbm>> -> memref<10000x128xf32, #tpu.memory_space<hbm>>
    tpu.wait_indirect_dma semaphore(%arg7 : memref<!tpu.dma_semaphore, #tpu.memory_space<semaphore_mem>>) src(%dma_wait3A_176 : memref<10000x128xf32, #tpu.memory_space<hbm>>) dst(%arg6 : memref<400x128xf32, #tpu.memory_space<vmem>>)
    "tpu.region"() ({
      %run_scoped3A = tpu.sem_alloc : memref<!tpu.dma_semaphore, #tpu.memory_space<semaphore_mem>>
      %dma_start3A_201 = arith.constant 0 : i32
      %dma_start3A_202 = tpu.memref_slice %arg4[%add3A_170, %dma_start3A_201] : memref<320000x128xf32, #tpu.memory_space<hbm>> -> memref<400x128xf32, #tpu.memory_space<hbm>>
      %dma_start3A_203 = arith.constant 0 : i32
      %dma_start3A_204 = tpu.memref_slice %arg4[%add3A_170, %dma_start3A_203] : memref<320000x128xf32, #tpu.memory_space<hbm>> -> memref<400x128xf32, #tpu.memory_space<hbm>>
      tpu.enqueue_dma source(%arg6 : memref<400x128xf32, #tpu.memory_space<vmem>>) target(%dma_start3A_204 : memref<400x128xf32, #tpu.memory_space<hbm>>) target_semaphore(%run_scoped3A : memref<!tpu.dma_semaphore, #tpu.memory_space<semaphore_mem>>)
      %dma_wait3A_205 = arith.constant 0 : i32
      %dma_wait3A_206 = tpu.memref_slice %arg4[%add3A_170, %dma_wait3A_205] : memref<320000x128xf32, #tpu.memory_space<hbm>> -> memref<400x128xf32, #tpu.memory_space<hbm>>
      %dma_wait3A_207 = arith.constant 0 : i32
      %dma_wait3A_208 = tpu.memref_slice %arg4[%add3A_170, %dma_wait3A_207] : memref<320000x128xf32, #tpu.memory_space<hbm>> -> memref<400x128xf32, #tpu.memory_space<hbm>>
      tpu.wait_dma2 semaphore(%run_scoped3A : memref<!tpu.dma_semaphore, #tpu.memory_space<semaphore_mem>>) src(%arg6 : memref<400x128xf32, #tpu.memory_space<vmem>>) dst(%dma_wait3A_208 : memref<400x128xf32, #tpu.memory_space<hbm>>)
      tpu.yield
    }) : () -> ()
    %add3A_177 = arith.constant 8800 : i32
    %add3A_178 = arith.addi %mul3A_2, %add3A_177 : i32
    "tpu.region"() ({
      %run_scoped3A = tpu.sem_alloc : memref<!tpu.dma_semaphore, #tpu.memory_space<semaphore_mem>>
      %dma_start3A_201 = tpu.memref_slice %arg3[%add3A_178] : memref<320000xi32, #tpu.memory_space<hbm>> -> memref<400xi32, #tpu.memory_space<hbm>>
      %dma_start3A_202 = tpu.memref_slice %arg3[%add3A_178] : memref<320000xi32, #tpu.memory_space<hbm>> -> memref<400xi32, #tpu.memory_space<hbm>>
      tpu.enqueue_dma source(%dma_start3A_202 : memref<400xi32, #tpu.memory_space<hbm>>) target(%arg5 : memref<400xi32, #tpu.memory_space<vmem>>) target_semaphore(%run_scoped3A : memref<!tpu.dma_semaphore, #tpu.memory_space<semaphore_mem>>)
      %dma_wait3A_203 = tpu.memref_slice %arg3[%add3A_178] : memref<320000xi32, #tpu.memory_space<hbm>> -> memref<400xi32, #tpu.memory_space<hbm>>
      %dma_wait3A_204 = tpu.memref_slice %arg3[%add3A_178] : memref<320000xi32, #tpu.memory_space<hbm>> -> memref<400xi32, #tpu.memory_space<hbm>>
      tpu.wait_dma2 semaphore(%run_scoped3A : memref<!tpu.dma_semaphore, #tpu.memory_space<semaphore_mem>>) src(%dma_wait3A_204 : memref<400xi32, #tpu.memory_space<hbm>>) dst(%arg5 : memref<400xi32, #tpu.memory_space<vmem>>)
      tpu.yield
    }) : () -> ()
    %dma_start3A_179 = arith.constant 0 : i32
    %dma_start3A_180 = arith.constant 0 : i32
    %dma_start3A_181 = tpu.memref_slice %arg2[%dma_start3A_179, %dma_start3A_180] : memref<10000x128xf32, #tpu.memory_space<hbm>> -> memref<10000x128xf32, #tpu.memory_space<hbm>>
    tpu.enqueue_indirect_dma source(%dma_start3A_181 : memref<10000x128xf32, #tpu.memory_space<hbm>>) target(%arg6 : memref<400x128xf32, #tpu.memory_space<vmem>>) offsets(%arg5 : memref<400xi32, #tpu.memory_space<vmem>>) semaphore(%arg7 : memref<!tpu.dma_semaphore, #tpu.memory_space<semaphore_mem>>)
    %dma_wait3A_182 = arith.constant 0 : i32
    %dma_wait3A_183 = arith.constant 0 : i32
    %dma_wait3A_184 = tpu.memref_slice %arg2[%dma_wait3A_182, %dma_wait3A_183] : memref<10000x128xf32, #tpu.memory_space<hbm>> -> memref<10000x128xf32, #tpu.memory_space<hbm>>
    tpu.wait_indirect_dma semaphore(%arg7 : memref<!tpu.dma_semaphore, #tpu.memory_space<semaphore_mem>>) src(%dma_wait3A_184 : memref<10000x128xf32, #tpu.memory_space<hbm>>) dst(%arg6 : memref<400x128xf32, #tpu.memory_space<vmem>>)
    "tpu.region"() ({
      %run_scoped3A = tpu.sem_alloc : memref<!tpu.dma_semaphore, #tpu.memory_space<semaphore_mem>>
      %dma_start3A_201 = arith.constant 0 : i32
      %dma_start3A_202 = tpu.memref_slice %arg4[%add3A_178, %dma_start3A_201] : memref<320000x128xf32, #tpu.memory_space<hbm>> -> memref<400x128xf32, #tpu.memory_space<hbm>>
      %dma_start3A_203 = arith.constant 0 : i32
      %dma_start3A_204 = tpu.memref_slice %arg4[%add3A_178, %dma_start3A_203] : memref<320000x128xf32, #tpu.memory_space<hbm>> -> memref<400x128xf32, #tpu.memory_space<hbm>>
      tpu.enqueue_dma source(%arg6 : memref<400x128xf32, #tpu.memory_space<vmem>>) target(%dma_start3A_204 : memref<400x128xf32, #tpu.memory_space<hbm>>) target_semaphore(%run_scoped3A : memref<!tpu.dma_semaphore, #tpu.memory_space<semaphore_mem>>)
      %dma_wait3A_205 = arith.constant 0 : i32
      %dma_wait3A_206 = tpu.memref_slice %arg4[%add3A_178, %dma_wait3A_205] : memref<320000x128xf32, #tpu.memory_space<hbm>> -> memref<400x128xf32, #tpu.memory_space<hbm>>
      %dma_wait3A_207 = arith.constant 0 : i32
      %dma_wait3A_208 = tpu.memref_slice %arg4[%add3A_178, %dma_wait3A_207] : memref<320000x128xf32, #tpu.memory_space<hbm>> -> memref<400x128xf32, #tpu.memory_space<hbm>>
      tpu.wait_dma2 semaphore(%run_scoped3A : memref<!tpu.dma_semaphore, #tpu.memory_space<semaphore_mem>>) src(%arg6 : memref<400x128xf32, #tpu.memory_space<vmem>>) dst(%dma_wait3A_208 : memref<400x128xf32, #tpu.memory_space<hbm>>)
      tpu.yield
    }) : () -> ()
    %add3A_185 = arith.constant 9200 : i32
    %add3A_186 = arith.addi %mul3A_2, %add3A_185 : i32
    "tpu.region"() ({
      %run_scoped3A = tpu.sem_alloc : memref<!tpu.dma_semaphore, #tpu.memory_space<semaphore_mem>>
      %dma_start3A_201 = tpu.memref_slice %arg3[%add3A_186] : memref<320000xi32, #tpu.memory_space<hbm>> -> memref<400xi32, #tpu.memory_space<hbm>>
      %dma_start3A_202 = tpu.memref_slice %arg3[%add3A_186] : memref<320000xi32, #tpu.memory_space<hbm>> -> memref<400xi32, #tpu.memory_space<hbm>>
      tpu.enqueue_dma source(%dma_start3A_202 : memref<400xi32, #tpu.memory_space<hbm>>) target(%arg5 : memref<400xi32, #tpu.memory_space<vmem>>) target_semaphore(%run_scoped3A : memref<!tpu.dma_semaphore, #tpu.memory_space<semaphore_mem>>)
      %dma_wait3A_203 = tpu.memref_slice %arg3[%add3A_186] : memref<320000xi32, #tpu.memory_space<hbm>> -> memref<400xi32, #tpu.memory_space<hbm>>
      %dma_wait3A_204 = tpu.memref_slice %arg3[%add3A_186] : memref<320000xi32, #tpu.memory_space<hbm>> -> memref<400xi32, #tpu.memory_space<hbm>>
      tpu.wait_dma2 semaphore(%run_scoped3A : memref<!tpu.dma_semaphore, #tpu.memory_space<semaphore_mem>>) src(%dma_wait3A_204 : memref<400xi32, #tpu.memory_space<hbm>>) dst(%arg5 : memref<400xi32, #tpu.memory_space<vmem>>)
      tpu.yield
    }) : () -> ()
    %dma_start3A_187 = arith.constant 0 : i32
    %dma_start3A_188 = arith.constant 0 : i32
    %dma_start3A_189 = tpu.memref_slice %arg2[%dma_start3A_187, %dma_start3A_188] : memref<10000x128xf32, #tpu.memory_space<hbm>> -> memref<10000x128xf32, #tpu.memory_space<hbm>>
    tpu.enqueue_indirect_dma source(%dma_start3A_189 : memref<10000x128xf32, #tpu.memory_space<hbm>>) target(%arg6 : memref<400x128xf32, #tpu.memory_space<vmem>>) offsets(%arg5 : memref<400xi32, #tpu.memory_space<vmem>>) semaphore(%arg7 : memref<!tpu.dma_semaphore, #tpu.memory_space<semaphore_mem>>)
    %dma_wait3A_190 = arith.constant 0 : i32
    %dma_wait3A_191 = arith.constant 0 : i32
    %dma_wait3A_192 = tpu.memref_slice %arg2[%dma_wait3A_190, %dma_wait3A_191] : memref<10000x128xf32, #tpu.memory_space<hbm>> -> memref<10000x128xf32, #tpu.memory_space<hbm>>
    tpu.wait_indirect_dma semaphore(%arg7 : memref<!tpu.dma_semaphore, #tpu.memory_space<semaphore_mem>>) src(%dma_wait3A_192 : memref<10000x128xf32, #tpu.memory_space<hbm>>) dst(%arg6 : memref<400x128xf32, #tpu.memory_space<vmem>>)
    "tpu.region"() ({
      %run_scoped3A = tpu.sem_alloc : memref<!tpu.dma_semaphore, #tpu.memory_space<semaphore_mem>>
      %dma_start3A_201 = arith.constant 0 : i32
      %dma_start3A_202 = tpu.memref_slice %arg4[%add3A_186, %dma_start3A_201] : memref<320000x128xf32, #tpu.memory_space<hbm>> -> memref<400x128xf32, #tpu.memory_space<hbm>>
      %dma_start3A_203 = arith.constant 0 : i32
      %dma_start3A_204 = tpu.memref_slice %arg4[%add3A_186, %dma_start3A_203] : memref<320000x128xf32, #tpu.memory_space<hbm>> -> memref<400x128xf32, #tpu.memory_space<hbm>>
      tpu.enqueue_dma source(%arg6 : memref<400x128xf32, #tpu.memory_space<vmem>>) target(%dma_start3A_204 : memref<400x128xf32, #tpu.memory_space<hbm>>) target_semaphore(%run_scoped3A : memref<!tpu.dma_semaphore, #tpu.memory_space<semaphore_mem>>)
      %dma_wait3A_205 = arith.constant 0 : i32
      %dma_wait3A_206 = tpu.memref_slice %arg4[%add3A_186, %dma_wait3A_205] : memref<320000x128xf32, #tpu.memory_space<hbm>> -> memref<400x128xf32, #tpu.memory_space<hbm>>
      %dma_wait3A_207 = arith.constant 0 : i32
      %dma_wait3A_208 = tpu.memref_slice %arg4[%add3A_186, %dma_wait3A_207] : memref<320000x128xf32, #tpu.memory_space<hbm>> -> memref<400x128xf32, #tpu.memory_space<hbm>>
      tpu.wait_dma2 semaphore(%run_scoped3A : memref<!tpu.dma_semaphore, #tpu.memory_space<semaphore_mem>>) src(%arg6 : memref<400x128xf32, #tpu.memory_space<vmem>>) dst(%dma_wait3A_208 : memref<400x128xf32, #tpu.memory_space<hbm>>)
      tpu.yield
    }) : () -> ()
    %add3A_193 = arith.constant 9600 : i32
    %add3A_194 = arith.addi %mul3A_2, %add3A_193 : i32
    "tpu.region"() ({
      %run_scoped3A = tpu.sem_alloc : memref<!tpu.dma_semaphore, #tpu.memory_space<semaphore_mem>>
      %dma_start3A_201 = tpu.memref_slice %arg3[%add3A_194] : memref<320000xi32, #tpu.memory_space<hbm>> -> memref<400xi32, #tpu.memory_space<hbm>>
      %dma_start3A_202 = tpu.memref_slice %arg3[%add3A_194] : memref<320000xi32, #tpu.memory_space<hbm>> -> memref<400xi32, #tpu.memory_space<hbm>>
      tpu.enqueue_dma source(%dma_start3A_202 : memref<400xi32, #tpu.memory_space<hbm>>) target(%arg5 : memref<400xi32, #tpu.memory_space<vmem>>) target_semaphore(%run_scoped3A : memref<!tpu.dma_semaphore, #tpu.memory_space<semaphore_mem>>)
      %dma_wait3A_203 = tpu.memref_slice %arg3[%add3A_194] : memref<320000xi32, #tpu.memory_space<hbm>> -> memref<400xi32, #tpu.memory_space<hbm>>
      %dma_wait3A_204 = tpu.memref_slice %arg3[%add3A_194] : memref<320000xi32, #tpu.memory_space<hbm>> -> memref<400xi32, #tpu.memory_space<hbm>>
      tpu.wait_dma2 semaphore(%run_scoped3A : memref<!tpu.dma_semaphore, #tpu.memory_space<semaphore_mem>>) src(%dma_wait3A_204 : memref<400xi32, #tpu.memory_space<hbm>>) dst(%arg5 : memref<400xi32, #tpu.memory_space<vmem>>)
      tpu.yield
    }) : () -> ()
    %dma_start3A_195 = arith.constant 0 : i32
    %dma_start3A_196 = arith.constant 0 : i32
    %dma_start3A_197 = tpu.memref_slice %arg2[%dma_start3A_195, %dma_start3A_196] : memref<10000x128xf32, #tpu.memory_space<hbm>> -> memref<10000x128xf32, #tpu.memory_space<hbm>>
    tpu.enqueue_indirect_dma source(%dma_start3A_197 : memref<10000x128xf32, #tpu.memory_space<hbm>>) target(%arg6 : memref<400x128xf32, #tpu.memory_space<vmem>>) offsets(%arg5 : memref<400xi32, #tpu.memory_space<vmem>>) semaphore(%arg7 : memref<!tpu.dma_semaphore, #tpu.memory_space<semaphore_mem>>)
    %dma_wait3A_198 = arith.constant 0 : i32
    %dma_wait3A_199 = arith.constant 0 : i32
    %dma_wait3A_200 = tpu.memref_slice %arg2[%dma_wait3A_198, %dma_wait3A_199] : memref<10000x128xf32, #tpu.memory_space<hbm>> -> memref<10000x128xf32, #tpu.memory_space<hbm>>
    tpu.wait_indirect_dma semaphore(%arg7 : memref<!tpu.dma_semaphore, #tpu.memory_space<semaphore_mem>>) src(%dma_wait3A_200 : memref<10000x128xf32, #tpu.memory_space<hbm>>) dst(%arg6 : memref<400x128xf32, #tpu.memory_space<vmem>>)
    "tpu.region"() ({
      %run_scoped3A = tpu.sem_alloc : memref<!tpu.dma_semaphore, #tpu.memory_space<semaphore_mem>>
      %dma_start3A_201 = arith.constant 0 : i32
      %dma_start3A_202 = tpu.memref_slice %arg4[%add3A_194, %dma_start3A_201] : memref<320000x128xf32, #tpu.memory_space<hbm>> -> memref<400x128xf32, #tpu.memory_space<hbm>>
      %dma_start3A_203 = arith.constant 0 : i32
      %dma_start3A_204 = tpu.memref_slice %arg4[%add3A_194, %dma_start3A_203] : memref<320000x128xf32, #tpu.memory_space<hbm>> -> memref<400x128xf32, #tpu.memory_space<hbm>>
      tpu.enqueue_dma source(%arg6 : memref<400x128xf32, #tpu.memory_space<vmem>>) target(%dma_start3A_204 : memref<400x128xf32, #tpu.memory_space<hbm>>) target_semaphore(%run_scoped3A : memref<!tpu.dma_semaphore, #tpu.memory_space<semaphore_mem>>)
      %dma_wait3A_205 = arith.constant 0 : i32
      %dma_wait3A_206 = tpu.memref_slice %arg4[%add3A_194, %dma_wait3A_205] : memref<320000x128xf32, #tpu.memory_space<hbm>> -> memref<400x128xf32, #tpu.memory_space<hbm>>
      %dma_wait3A_207 = arith.constant 0 : i32
      %dma_wait3A_208 = tpu.memref_slice %arg4[%add3A_194, %dma_wait3A_207] : memref<320000x128xf32, #tpu.memory_space<hbm>> -> memref<400x128xf32, #tpu.memory_space<hbm>>
      tpu.wait_dma2 semaphore(%run_scoped3A : memref<!tpu.dma_semaphore, #tpu.memory_space<semaphore_mem>>) src(%arg6 : memref<400x128xf32, #tpu.memory_space<vmem>>) dst(%dma_wait3A_208 : memref<400x128xf32, #tpu.memory_space<hbm>>)
      tpu.yield
    }) : () -> ()
    return
  }
}

module attributes {stable_mosaic.version = 14 : i64} {
  func.func @body(%arg0: memref<10000x128xf32, #tpu.memory_space<vmem>>, %arg1: memref<10000x16xf32, #tpu.memory_space<vmem>>, %arg2: memref<128x32xf32, #tpu.memory_space<vmem>>, %arg3: memref<1x32xf32, #tpu.memory_space<vmem>>, %arg4: memref<1x32xf32, #tpu.memory_space<vmem>>, %arg5: memref<1x32xf32, #tpu.memory_space<vmem>>, %arg6: memref<32x32xf32, #tpu.memory_space<vmem>>, %arg7: memref<10000x128xf32, #tpu.memory_space<vmem>>) attributes {dimension_semantics = [], scalar_prefetch = 0 : i64, scratch_operands = 0 : i64, tpu.core_type = #tpu.core_type<tc>} {
    %get3A = arith.constant 0 : index
    %get3A_0 = arith.constant 0 : index
    %get3A_1 = vector.load %arg0[%get3A, %get3A_0] : memref<10000x128xf32, #tpu.memory_space<vmem>>, vector<10000x128xf32>
    %get3A_2 = arith.constant 0 : index
    %get3A_3 = arith.constant 0 : index
    %get3A_4 = vector.load %arg2[%get3A_2, %get3A_3] : memref<128x32xf32, #tpu.memory_space<vmem>>, vector<128x32xf32>
    %dot_general3A = arith.constant dense<0.000000e+00> : vector<10000x32xf32>
    %dot_general3A_5 = tpu.matmul %get3A_1, %get3A_4, %dot_general3A {dimension_numbers = #tpu.dot_dimension_numbers<[1], [0], [0], [1], [0, 0, 1, 1], [], []>, transpose_lhs_hint = false} : vector<10000x128xf32>, vector<128x32xf32>, vector<10000x32xf32> -> vector<10000x32xf32>
    %get3A_6 = arith.constant 0 : index
    %get3A_7 = arith.constant 0 : index
    %get3A_8 = vector.load %arg3[%get3A_6, %get3A_7] : memref<1x32xf32, #tpu.memory_space<vmem>>, vector<1x32xf32>
    %add3A = vector.broadcast %get3A_8 : vector<1x32xf32> to vector<10000x32xf32>
    %add3A_9 = arith.addf %dot_general3A_5, %add3A : vector<10000x32xf32>
    %reduce_sum3A = arith.constant dense<0.000000e+00> : vector<32xf32>
    %reduce_sum3A_10 = vector.multi_reduction <add>, %add3A_9, %reduce_sum3A [0] : vector<10000x32xf32> to vector<32xf32>
    %broadcast_in_dim3A = vector.shape_cast %reduce_sum3A_10 : vector<32xf32> to vector<1x32xf32>
    %div3A = arith.constant 1.000000e+04 : f32
    %div3A_11 = vector.broadcast %div3A : f32 to vector<1x32xf32>
    %div3A_12 = arith.divf %broadcast_in_dim3A, %div3A_11 : vector<1x32xf32>
    %sub3A = vector.broadcast %div3A_12 : vector<1x32xf32> to vector<10000x32xf32>
    %sub3A_13 = arith.subf %add3A_9, %sub3A : vector<10000x32xf32>
    %integer_pow3A = arith.mulf %sub3A_13, %sub3A_13 : vector<10000x32xf32>
    %reduce_sum3A_14 = arith.constant dense<0.000000e+00> : vector<32xf32>
    %reduce_sum3A_15 = vector.multi_reduction <add>, %integer_pow3A, %reduce_sum3A_14 [0] : vector<10000x32xf32> to vector<32xf32>
    %broadcast_in_dim3A_16 = vector.shape_cast %reduce_sum3A_15 : vector<32xf32> to vector<1x32xf32>
    %div3A_17 = arith.constant 1.000000e+04 : f32
    %div3A_18 = vector.broadcast %div3A_17 : f32 to vector<1x32xf32>
    %div3A_19 = arith.divf %broadcast_in_dim3A_16, %div3A_18 : vector<1x32xf32>
    %get3A_20 = arith.constant 0 : index
    %get3A_21 = arith.constant 0 : index
    %get3A_22 = vector.load %arg4[%get3A_20, %get3A_21] : memref<1x32xf32, #tpu.memory_space<vmem>>, vector<1x32xf32>
    %sub3A_23 = vector.broadcast %div3A_12 : vector<1x32xf32> to vector<10000x32xf32>
    %sub3A_24 = arith.subf %add3A_9, %sub3A_23 : vector<10000x32xf32>
    %mul3A = vector.broadcast %get3A_22 : vector<1x32xf32> to vector<10000x32xf32>
    %mul3A_25 = arith.mulf %mul3A, %sub3A_24 : vector<10000x32xf32>
    %add3A_26 = arith.constant 9.99999974E-6 : f32
    %add3A_27 = vector.broadcast %add3A_26 : f32 to vector<1x32xf32>
    %add3A_28 = arith.addf %div3A_19, %add3A_27 : vector<1x32xf32>
    %rsqrt3A = math.rsqrt %add3A_28 : vector<1x32xf32>
    %mul3A_29 = vector.broadcast %rsqrt3A : vector<1x32xf32> to vector<10000x32xf32>
    %mul3A_30 = arith.mulf %mul3A_25, %mul3A_29 : vector<10000x32xf32>
    %get3A_31 = arith.constant 0 : index
    %get3A_32 = arith.constant 0 : index
    %get3A_33 = vector.load %arg5[%get3A_31, %get3A_32] : memref<1x32xf32, #tpu.memory_space<vmem>>, vector<1x32xf32>
    %add3A_34 = vector.broadcast %get3A_33 : vector<1x32xf32> to vector<10000x32xf32>
    %add3A_35 = arith.addf %mul3A_30, %add3A_34 : vector<10000x32xf32>
    %max3A = arith.constant 0.000000e+00 : f32
    %max3A_36 = vector.broadcast %max3A : f32 to vector<10000x32xf32>
    %max3A_37 = arith.maximumf %add3A_35, %max3A_36 : vector<10000x32xf32>
    %get3A_38 = arith.constant 0 : index
    %get3A_39 = arith.constant 0 : index
    %get3A_40 = vector.load %arg6[%get3A_38, %get3A_39] : memref<32x32xf32, #tpu.memory_space<vmem>>, vector<32x32xf32>
    %dot_general3A_41 = arith.constant dense<0.000000e+00> : vector<10000x32xf32>
    %dot_general3A_42 = tpu.matmul %max3A_37, %get3A_40, %dot_general3A_41 {dimension_numbers = #tpu.dot_dimension_numbers<[1], [0], [0], [1], [0, 0, 1, 1], [], []>, transpose_lhs_hint = false} : vector<10000x32xf32>, vector<32x32xf32>, vector<10000x32xf32> -> vector<10000x32xf32>
    %broadcast_in_dim3A_43 = arith.constant 0.000000e+00 : f32
    %broadcast_in_dim3A_44 = vector.broadcast %broadcast_in_dim3A_43 : f32 to vector<10000x32xf32>
    %get3A_45 = arith.constant 0 : index
    %get3A_46 = arith.constant 0 : index
    %get3A_47 = vector.load %arg1[%get3A_45, %get3A_46] : memref<10000x16xf32, #tpu.memory_space<vmem>>, vector<10000x16xf32>
    %slice3A = vector.extract_strided_slice %broadcast_in_dim3A_44 {offsets = [0, 0], sizes = [10000, 16], strides = [1, 1]} : vector<10000x32xf32> to vector<10000x16xf32>
    %concatenate3A = tpu.concatenate %dot_general3A_42, %get3A_47, %broadcast_in_dim3A_44, %broadcast_in_dim3A_44, %slice3A in 1 : vector<10000x32xf32>, vector<10000x16xf32>, vector<10000x32xf32>, vector<10000x32xf32>, vector<10000x16xf32> -> vector<10000x128xf32>
    %swap3A = arith.constant 0 : index
    %swap3A_48 = arith.constant 0 : index
    %swap3A_49 = vector.load %arg7[%swap3A, %swap3A_48] : memref<10000x128xf32, #tpu.memory_space<vmem>>, vector<10000x128xf32>
    tpu.vector_store %arg7[%swap3A, %swap3A_48], %concatenate3A {strides = array<i32>} : memref<10000x128xf32, #tpu.memory_space<vmem>>, vector<10000x128xf32>,
    return
  }
}

module attributes {stable_mosaic.version = 14 : i64} {
  func.func @body(%arg0: i32, %arg1: memref<6400x128xf32, #tpu.memory_space<vmem>>, %arg2: memref<200x16xf32, #tpu.memory_space<vmem>>, %arg3: memref<2x32xf32, #tpu.memory_space<vmem>>, %arg4: memref<10x32xf32, #tpu.memory_space<vmem>>, %arg5: memref<1x32xf32, #tpu.memory_space<vmem>>, %arg6: memref<1x32xf32, #tpu.memory_space<vmem>>, %arg7: memref<1x32xf32, #tpu.memory_space<vmem>>, %arg8: memref<32x32xf32, #tpu.memory_space<vmem>>, %arg9: memref<1x32xf32, #tpu.memory_space<vmem>>, %arg10: memref<2x32xf32, #tpu.memory_space<vmem>>) attributes {dimension_semantics = [#tpu.dimension_semantics<arbitrary>], iteration_bounds = array<i64: 50>, scalar_prefetch = 0 : i64, scratch_operands = 0 : i64, tpu.core_type = #tpu.core_type<tc>, window_params = [{transform_indices = @transform_0, window_bounds = array<i64: 6400, 128>}, {transform_indices = @transform_1, window_bounds = array<i64: 200, 16>}, {pipeline_mode = #tpu.pipeline_mode<synchronous>, transform_indices = @transform_2, window_bounds = array<i64: 2, 32>}, {pipeline_mode = #tpu.pipeline_mode<synchronous>, transform_indices = @transform_3, window_bounds = array<i64: 10, 32>}, {pipeline_mode = #tpu.pipeline_mode<synchronous>, transform_indices = @transform_4, window_bounds = array<i64: 1, 32>}, {pipeline_mode = #tpu.pipeline_mode<synchronous>, transform_indices = @transform_5, window_bounds = array<i64: 1, 32>}, {pipeline_mode = #tpu.pipeline_mode<synchronous>, transform_indices = @transform_6, window_bounds = array<i64: 1, 32>}, {pipeline_mode = #tpu.pipeline_mode<synchronous>, transform_indices = @transform_7, window_bounds = array<i64: 32, 32>}, {pipeline_mode = #tpu.pipeline_mode<synchronous>, transform_indices = @transform_8, window_bounds = array<i64: 1, 32>}, {pipeline_mode = #tpu.pipeline_mode<synchronous>, transform_indices = @transform_9, window_bounds = array<i64: 2, 32>}]} {
    %get3A = arith.constant 0 : index
    %get3A_0 = arith.constant 0 : index
    %get3A_1 = vector.load %arg1[%get3A, %get3A_0] : memref<6400x128xf32, #tpu.memory_space<vmem>>, vector<6400x128xf32>
    %get3A_2 = arith.constant 0 : index
    %get3A_3 = arith.constant 0 : index
    %get3A_4 = vector.load %arg2[%get3A_2, %get3A_3] : memref<200x16xf32, #tpu.memory_space<vmem>>, vector<200x16xf32>
    %slice3A = vector.extract_strided_slice %get3A_1 {offsets = [0, 0], sizes = [6400, 32], strides = [1, 1]} : vector<6400x128xf32> to vector<6400x32xf32>
    %get3A_5 = arith.constant 0 : index
    %get3A_6 = arith.constant 0 : index
    %get3A_7 = vector.load %arg9[%get3A_5, %get3A_6] : memref<1x32xf32, #tpu.memory_space<vmem>>, vector<1x32xf32>
    %add3A = vector.broadcast %get3A_7 : vector<1x32xf32> to vector<6400x32xf32>
    %add3A_8 = arith.addf %slice3A, %add3A : vector<6400x32xf32>
    %slice3A_9 = vector.extract_strided_slice %get3A_1 {offsets = [0, 32], sizes = [6400, 16], strides = [1, 1]} : vector<6400x128xf32> to vector<6400x16xf32>
    %get3A_10 = arith.constant 0 : index
    %get3A_11 = arith.constant 0 : index
    %get3A_12 = vector.load %arg4[%get3A_10, %get3A_11] : memref<10x32xf32, #tpu.memory_space<vmem>>, vector<10x32xf32>
    %get3A_13 = arith.constant 0 : index
    %get3A_14 = arith.constant 0 : index
    %get3A_15 = vector.load %arg5[%get3A_13, %get3A_14] : memref<1x32xf32, #tpu.memory_space<vmem>>, vector<1x32xf32>
    %broadcast_in_dim3A = vector.shape_cast %get3A_4 : vector<200x16xf32> to vector<200x1x16xf32>
    %broadcast_in_dim3A_16 = vector.shape_cast %broadcast_in_dim3A : vector<200x1x16xf32> to vector<200x1x16xf32>
    %broadcast_in_dim3A_17 = vector.broadcast %broadcast_in_dim3A_16 : vector<200x1x16xf32> to vector<200x32x16xf32>
    %reshape3A = vector.shape_cast %broadcast_in_dim3A_17 : vector<200x32x16xf32> to vector<6400x16xf32>
    %sub3A = arith.subf %slice3A_9, %reshape3A : vector<6400x16xf32>
    %mul3A = arith.mulf %sub3A, %sub3A : vector<6400x16xf32>
    %reduce_sum3A = arith.constant dense<0.000000e+00> : vector<6400xf32>
    %reduce_sum3A_18 = vector.multi_reduction <add>, %mul3A, %reduce_sum3A [1] : vector<6400x16xf32> to vector<6400xf32>
    %broadcast_in_dim3A_19 = vector.shape_cast %reduce_sum3A_18 : vector<6400xf32> to vector<6400x1xf32>
    %add3A_20 = arith.constant 9.99999996E-13 : f32
    %add3A_21 = vector.broadcast %add3A_20 : f32 to vector<6400x1xf32>
    %add3A_22 = arith.addf %broadcast_in_dim3A_19, %add3A_21 : vector<6400x1xf32>
    %sqrt3A = math.sqrt %add3A_22 : vector<6400x1xf32>
    %slice3A_23 = vector.extract_strided_slice %reshape3A {offsets = [0, 0], sizes = [6400, 3], strides = [1, 1]} : vector<6400x16xf32> to vector<6400x3xf32>
    %slice3A_24 = vector.extract_strided_slice %slice3A_9 {offsets = [0, 0], sizes = [6400, 3], strides = [1, 1]} : vector<6400x16xf32> to vector<6400x3xf32>
    %slice3A_25 = vector.extract_strided_slice %sub3A {offsets = [0, 0], sizes = [6400, 3], strides = [1, 1]} : vector<6400x16xf32> to vector<6400x3xf32>
    %concatenate3A = tpu.concatenate %slice3A_23, %slice3A_24, %slice3A_25, %sqrt3A in 1 : vector<6400x3xf32>, vector<6400x3xf32>, vector<6400x3xf32>, vector<6400x1xf32> -> vector<6400x10xf32>
    %dot_general3A = arith.constant dense<0.000000e+00> : vector<6400x32xf32>
    %dot_general3A_26 = tpu.matmul %concatenate3A, %get3A_12, %dot_general3A {dimension_numbers = #tpu.dot_dimension_numbers<[1], [0], [0], [1], [0, 0, 1, 1], [], []>, transpose_lhs_hint = false} : vector<6400x10xf32>, vector<10x32xf32>, vector<6400x32xf32> -> vector<6400x32xf32>
    %add3A_27 = vector.broadcast %get3A_15 : vector<1x32xf32> to vector<6400x32xf32>
    %add3A_28 = arith.addf %dot_general3A_26, %add3A_27 : vector<6400x32xf32>
    %get3A_29 = arith.constant 0 : index
    %get3A_30 = arith.constant 0 : index
    %get3A_31 = vector.load %arg6[%get3A_29, %get3A_30] : memref<1x32xf32, #tpu.memory_space<vmem>>, vector<1x32xf32>
    %get3A_32 = arith.constant 0 : index
    %get3A_33 = arith.constant 0 : index
    %get3A_34 = vector.load %arg7[%get3A_32, %get3A_33] : memref<1x32xf32, #tpu.memory_space<vmem>>, vector<1x32xf32>
    %get3A_35 = arith.constant 0 : index
    %get3A_36 = arith.constant 0 : index
    %get3A_37 = vector.load %arg3[%get3A_35, %get3A_36] : memref<2x32xf32, #tpu.memory_space<vmem>>, vector<2x32xf32>
    %slice3A_38 = vector.extract_strided_slice %get3A_37 {offsets = [0, 0], sizes = [1, 32], strides = [1, 1]} : vector<2x32xf32> to vector<1x32xf32>
    %div3A = arith.constant 3.200000e+05 : f32
    %div3A_39 = vector.broadcast %div3A : f32 to vector<1x32xf32>
    %div3A_40 = arith.divf %slice3A_38, %div3A_39 : vector<1x32xf32>
    %slice3A_41 = vector.extract_strided_slice %get3A_37 {offsets = [1, 0], sizes = [1, 32], strides = [1, 1]} : vector<2x32xf32> to vector<1x32xf32>
    %div3A_42 = arith.constant 3.200000e+05 : f32
    %div3A_43 = vector.broadcast %div3A_42 : f32 to vector<1x32xf32>
    %div3A_44 = arith.divf %slice3A_41, %div3A_43 : vector<1x32xf32>
    %mul3A_45 = arith.mulf %div3A_40, %div3A_40 : vector<1x32xf32>
    %sub3A_46 = arith.subf %div3A_44, %mul3A_45 : vector<1x32xf32>
    %add3A_47 = arith.constant 9.99999974E-6 : f32
    %add3A_48 = vector.broadcast %add3A_47 : f32 to vector<1x32xf32>
    %add3A_49 = arith.addf %sub3A_46, %add3A_48 : vector<1x32xf32>
    %rsqrt3A = math.rsqrt %add3A_49 : vector<1x32xf32>
    %mul3A_50 = arith.mulf %get3A_31, %rsqrt3A : vector<1x32xf32>
    %mul3A_51 = vector.broadcast %mul3A_50 : vector<1x32xf32> to vector<6400x32xf32>
    %mul3A_52 = arith.mulf %add3A_28, %mul3A_51 : vector<6400x32xf32>
    %mul3A_53 = arith.mulf %div3A_40, %mul3A_50 : vector<1x32xf32>
    %sub3A_54 = arith.subf %get3A_34, %mul3A_53 : vector<1x32xf32>
    %add3A_55 = vector.broadcast %sub3A_54 : vector<1x32xf32> to vector<6400x32xf32>
    %add3A_56 = arith.addf %mul3A_52, %add3A_55 : vector<6400x32xf32>
    %max3A = arith.constant 0.000000e+00 : f32
    %max3A_57 = vector.broadcast %max3A : f32 to vector<6400x32xf32>
    %max3A_58 = arith.maximumf %add3A_56, %max3A_57 : vector<6400x32xf32>
    %get3A_59 = arith.constant 0 : index
    %get3A_60 = arith.constant 0 : index
    %get3A_61 = vector.load %arg8[%get3A_59, %get3A_60] : memref<32x32xf32, #tpu.memory_space<vmem>>, vector<32x32xf32>
    %dot_general3A_62 = arith.constant dense<0.000000e+00> : vector<6400x32xf32>
    %dot_general3A_63 = tpu.matmul %max3A_58, %get3A_61, %dot_general3A_62 {dimension_numbers = #tpu.dot_dimension_numbers<[1], [0], [0], [1], [0, 0, 1, 1], [], []>, transpose_lhs_hint = false} : vector<6400x32xf32>, vector<32x32xf32>, vector<6400x32xf32> -> vector<6400x32xf32>
    %add3A_64 = arith.addf %add3A_8, %dot_general3A_63 : vector<6400x32xf32>
    %reduce_sum3A_65 = arith.constant dense<0.000000e+00> : vector<32xf32>
    %reduce_sum3A_66 = vector.multi_reduction <add>, %add3A_64, %reduce_sum3A_65 [0] : vector<6400x32xf32> to vector<32xf32>
    %broadcast_in_dim3A_67 = vector.shape_cast %reduce_sum3A_66 : vector<32xf32> to vector<1x32xf32>
    %mul3A_68 = arith.mulf %add3A_64, %add3A_64 : vector<6400x32xf32>
    %reduce_sum3A_69 = arith.constant dense<0.000000e+00> : vector<32xf32>
    %reduce_sum3A_70 = vector.multi_reduction <add>, %mul3A_68, %reduce_sum3A_69 [0] : vector<6400x32xf32> to vector<32xf32>
    %broadcast_in_dim3A_71 = vector.shape_cast %reduce_sum3A_70 : vector<32xf32> to vector<1x32xf32>
    %concatenate3A_72 = tpu.concatenate %broadcast_in_dim3A_67, %broadcast_in_dim3A_71 in 0 : vector<1x32xf32>, vector<1x32xf32> -> vector<2x32xf32>
    %eq3A = arith.constant 0 : i32
    %eq3A_73 = arith.cmpi eq, %arg0, %eq3A : i32
    %convert_element_type3A = arith.extui %eq3A_73 : i1 to i32
    %cond3A = arith.constant 0 : i32
    %cond3A_74 = arith.cmpi ne, %convert_element_type3A, %cond3A : i32
    scf.if %cond3A_74 {
      %broadcast_in_dim3A_81 = arith.constant 0.000000e+00 : f32
      %broadcast_in_dim3A_82 = vector.broadcast %broadcast_in_dim3A_81 : f32 to vector<2x32xf32>
      %swap3A_83 = arith.constant 0 : index
      %swap3A_84 = arith.constant 0 : index
      %swap3A_85 = vector.load %arg10[%swap3A_83, %swap3A_84] : memref<2x32xf32, #tpu.memory_space<vmem>>, vector<2x32xf32>
      tpu.vector_store %arg10[%swap3A_83, %swap3A_84], %broadcast_in_dim3A_82 {strides = array<i32>} : memref<2x32xf32, #tpu.memory_space<vmem>>, vector<2x32xf32>,
    } else {
    }
    %get3A_75 = arith.constant 0 : index
    %get3A_76 = arith.constant 0 : index
    %get3A_77 = vector.load %arg10[%get3A_75, %get3A_76] : memref<2x32xf32, #tpu.memory_space<vmem>>, vector<2x32xf32>
    %add3A_78 = arith.addf %get3A_77, %concatenate3A_72 : vector<2x32xf32>
    %swap3A = arith.constant 0 : index
    %swap3A_79 = arith.constant 0 : index
    %swap3A_80 = vector.load %arg10[%swap3A, %swap3A_79] : memref<2x32xf32, #tpu.memory_space<vmem>>, vector<2x32xf32>
    tpu.vector_store %arg10[%swap3A, %swap3A_79], %add3A_78 {strides = array<i32>} : memref<2x32xf32, #tpu.memory_space<vmem>>, vector<2x32xf32>,
    return
  }
  func.func @transform_0(%arg0: i32) -> (i32, i32) {
    %c0_i32 = arith.constant 0 : i32
    %c0_i32_0 = arith.constant 0 : i32
    return %arg0, %c0_i32 : i32, i32
  }
  func.func @transform_1(%arg0: i32) -> (i32, i32) {
    %c0_i32 = arith.constant 0 : i32
    %c0_i32_0 = arith.constant 0 : i32
    return %arg0, %c0_i32 : i32, i32
  }
  func.func @transform_2(%arg0: i32) -> (i32, i32) {
    %c0_i32 = arith.constant 0 : i32
    %c0_i32_0 = arith.constant 0 : i32
    %c0_i32_1 = arith.constant 0 : i32
    return %c0_i32, %c0_i32_0 : i32, i32
  }
  func.func @transform_3(%arg0: i32) -> (i32, i32) {
    %c0_i32 = arith.constant 0 : i32
    %c0_i32_0 = arith.constant 0 : i32
    %c0_i32_1 = arith.constant 0 : i32
    return %c0_i32, %c0_i32_0 : i32, i32
  }
  func.func @transform_4(%arg0: i32) -> (i32, i32) {
    %c0_i32 = arith.constant 0 : i32
    %c0_i32_0 = arith.constant 0 : i32
    %c0_i32_1 = arith.constant 0 : i32
    return %c0_i32, %c0_i32_0 : i32, i32
  }
  func.func @transform_5(%arg0: i32) -> (i32, i32) {
    %c0_i32 = arith.constant 0 : i32
    %c0_i32_0 = arith.constant 0 : i32
    %c0_i32_1 = arith.constant 0 : i32
    return %c0_i32, %c0_i32_0 : i32, i32
  }
  func.func @transform_6(%arg0: i32) -> (i32, i32) {
    %c0_i32 = arith.constant 0 : i32
    %c0_i32_0 = arith.constant 0 : i32
    %c0_i32_1 = arith.constant 0 : i32
    return %c0_i32, %c0_i32_0 : i32, i32
  }
  func.func @transform_7(%arg0: i32) -> (i32, i32) {
    %c0_i32 = arith.constant 0 : i32
    %c0_i32_0 = arith.constant 0 : i32
    %c0_i32_1 = arith.constant 0 : i32
    return %c0_i32, %c0_i32_0 : i32, i32
  }
  func.func @transform_8(%arg0: i32) -> (i32, i32) {
    %c0_i32 = arith.constant 0 : i32
    %c0_i32_0 = arith.constant 0 : i32
    %c0_i32_1 = arith.constant 0 : i32
    return %c0_i32, %c0_i32_0 : i32, i32
  }
  func.func @transform_9(%arg0: i32) -> (i32, i32) {
    %c0_i32 = arith.constant 0 : i32
    %c0_i32_0 = arith.constant 0 : i32
    %c0_i32_1 = arith.constant 0 : i32
    return %c0_i32, %c0_i32_0 : i32, i32
  }
}

module attributes {stable_mosaic.version = 14 : i64} {
  func.func @body(%arg0: i32, %arg1: memref<6400x128xf32, #tpu.memory_space<vmem>>, %arg2: memref<200x16xf32, #tpu.memory_space<vmem>>, %arg3: memref<10x32xf32, #tpu.memory_space<vmem>>, %arg4: memref<1x32xf32, #tpu.memory_space<vmem>>, %arg5: memref<2x32xf32, #tpu.memory_space<vmem>>) attributes {dimension_semantics = [#tpu.dimension_semantics<arbitrary>], iteration_bounds = array<i64: 50>, scalar_prefetch = 0 : i64, scratch_operands = 0 : i64, tpu.core_type = #tpu.core_type<tc>, window_params = [{transform_indices = @transform_0, window_bounds = array<i64: 6400, 128>}, {transform_indices = @transform_1, window_bounds = array<i64: 200, 16>}, {pipeline_mode = #tpu.pipeline_mode<synchronous>, transform_indices = @transform_2, window_bounds = array<i64: 10, 32>}, {pipeline_mode = #tpu.pipeline_mode<synchronous>, transform_indices = @transform_3, window_bounds = array<i64: 1, 32>}, {pipeline_mode = #tpu.pipeline_mode<synchronous>, transform_indices = @transform_4, window_bounds = array<i64: 2, 32>}]} {
    %get3A = arith.constant 0 : index
    %get3A_0 = arith.constant 0 : index
    %get3A_1 = vector.load %arg1[%get3A, %get3A_0] : memref<6400x128xf32, #tpu.memory_space<vmem>>, vector<6400x128xf32>
    %slice3A = vector.extract_strided_slice %get3A_1 {offsets = [0, 32], sizes = [6400, 16], strides = [1, 1]} : vector<6400x128xf32> to vector<6400x16xf32>
    %get3A_2 = arith.constant 0 : index
    %get3A_3 = arith.constant 0 : index
    %get3A_4 = vector.load %arg2[%get3A_2, %get3A_3] : memref<200x16xf32, #tpu.memory_space<vmem>>, vector<200x16xf32>
    %get3A_5 = arith.constant 0 : index
    %get3A_6 = arith.constant 0 : index
    %get3A_7 = vector.load %arg3[%get3A_5, %get3A_6] : memref<10x32xf32, #tpu.memory_space<vmem>>, vector<10x32xf32>
    %get3A_8 = arith.constant 0 : index
    %get3A_9 = arith.constant 0 : index
    %get3A_10 = vector.load %arg4[%get3A_8, %get3A_9] : memref<1x32xf32, #tpu.memory_space<vmem>>, vector<1x32xf32>
    %broadcast_in_dim3A = vector.shape_cast %get3A_4 : vector<200x16xf32> to vector<200x1x16xf32>
    %broadcast_in_dim3A_11 = vector.shape_cast %broadcast_in_dim3A : vector<200x1x16xf32> to vector<200x1x16xf32>
    %broadcast_in_dim3A_12 = vector.broadcast %broadcast_in_dim3A_11 : vector<200x1x16xf32> to vector<200x32x16xf32>
    %reshape3A = vector.shape_cast %broadcast_in_dim3A_12 : vector<200x32x16xf32> to vector<6400x16xf32>
    %sub3A = arith.subf %slice3A, %reshape3A : vector<6400x16xf32>
    %mul3A = arith.mulf %sub3A, %sub3A : vector<6400x16xf32>
    %reduce_sum3A = arith.constant dense<0.000000e+00> : vector<6400xf32>
    %reduce_sum3A_13 = vector.multi_reduction <add>, %mul3A, %reduce_sum3A [1] : vector<6400x16xf32> to vector<6400xf32>
    %broadcast_in_dim3A_14 = vector.shape_cast %reduce_sum3A_13 : vector<6400xf32> to vector<6400x1xf32>
    %add3A = arith.constant 9.99999996E-13 : f32
    %add3A_15 = vector.broadcast %add3A : f32 to vector<6400x1xf32>
    %add3A_16 = arith.addf %broadcast_in_dim3A_14, %add3A_15 : vector<6400x1xf32>
    %sqrt3A = math.sqrt %add3A_16 : vector<6400x1xf32>
    %slice3A_17 = vector.extract_strided_slice %reshape3A {offsets = [0, 0], sizes = [6400, 3], strides = [1, 1]} : vector<6400x16xf32> to vector<6400x3xf32>
    %slice3A_18 = vector.extract_strided_slice %slice3A {offsets = [0, 0], sizes = [6400, 3], strides = [1, 1]} : vector<6400x16xf32> to vector<6400x3xf32>
    %slice3A_19 = vector.extract_strided_slice %sub3A {offsets = [0, 0], sizes = [6400, 3], strides = [1, 1]} : vector<6400x16xf32> to vector<6400x3xf32>
    %concatenate3A = tpu.concatenate %slice3A_17, %slice3A_18, %slice3A_19, %sqrt3A in 1 : vector<6400x3xf32>, vector<6400x3xf32>, vector<6400x3xf32>, vector<6400x1xf32> -> vector<6400x10xf32>
    %dot_general3A = arith.constant dense<0.000000e+00> : vector<6400x32xf32>
    %dot_general3A_20 = tpu.matmul %concatenate3A, %get3A_7, %dot_general3A {dimension_numbers = #tpu.dot_dimension_numbers<[1], [0], [0], [1], [0, 0, 1, 1], [], []>, transpose_lhs_hint = false} : vector<6400x10xf32>, vector<10x32xf32>, vector<6400x32xf32> -> vector<6400x32xf32>
    %add3A_21 = vector.broadcast %get3A_10 : vector<1x32xf32> to vector<6400x32xf32>
    %add3A_22 = arith.addf %dot_general3A_20, %add3A_21 : vector<6400x32xf32>
    %reduce_sum3A_23 = arith.constant dense<0.000000e+00> : vector<32xf32>
    %reduce_sum3A_24 = vector.multi_reduction <add>, %add3A_22, %reduce_sum3A_23 [0] : vector<6400x32xf32> to vector<32xf32>
    %broadcast_in_dim3A_25 = vector.shape_cast %reduce_sum3A_24 : vector<32xf32> to vector<1x32xf32>
    %mul3A_26 = arith.mulf %add3A_22, %add3A_22 : vector<6400x32xf32>
    %reduce_sum3A_27 = arith.constant dense<0.000000e+00> : vector<32xf32>
    %reduce_sum3A_28 = vector.multi_reduction <add>, %mul3A_26, %reduce_sum3A_27 [0] : vector<6400x32xf32> to vector<32xf32>
    %broadcast_in_dim3A_29 = vector.shape_cast %reduce_sum3A_28 : vector<32xf32> to vector<1x32xf32>
    %concatenate3A_30 = tpu.concatenate %broadcast_in_dim3A_25, %broadcast_in_dim3A_29 in 0 : vector<1x32xf32>, vector<1x32xf32> -> vector<2x32xf32>
    %eq3A = arith.constant 0 : i32
    %eq3A_31 = arith.cmpi eq, %arg0, %eq3A : i32
    %convert_element_type3A = arith.extui %eq3A_31 : i1 to i32
    %cond3A = arith.constant 0 : i32
    %cond3A_32 = arith.cmpi ne, %convert_element_type3A, %cond3A : i32
    scf.if %cond3A_32 {
      %broadcast_in_dim3A_39 = arith.constant 0.000000e+00 : f32
      %broadcast_in_dim3A_40 = vector.broadcast %broadcast_in_dim3A_39 : f32 to vector<2x32xf32>
      %swap3A_41 = arith.constant 0 : index
      %swap3A_42 = arith.constant 0 : index
      %swap3A_43 = vector.load %arg5[%swap3A_41, %swap3A_42] : memref<2x32xf32, #tpu.memory_space<vmem>>, vector<2x32xf32>
      tpu.vector_store %arg5[%swap3A_41, %swap3A_42], %broadcast_in_dim3A_40 {strides = array<i32>} : memref<2x32xf32, #tpu.memory_space<vmem>>, vector<2x32xf32>,
    } else {
    }
    %get3A_33 = arith.constant 0 : index
    %get3A_34 = arith.constant 0 : index
    %get3A_35 = vector.load %arg5[%get3A_33, %get3A_34] : memref<2x32xf32, #tpu.memory_space<vmem>>, vector<2x32xf32>
    %add3A_36 = arith.addf %get3A_35, %concatenate3A_30 : vector<2x32xf32>
    %swap3A = arith.constant 0 : index
    %swap3A_37 = arith.constant 0 : index
    %swap3A_38 = vector.load %arg5[%swap3A, %swap3A_37] : memref<2x32xf32, #tpu.memory_space<vmem>>, vector<2x32xf32>
    tpu.vector_store %arg5[%swap3A, %swap3A_37], %add3A_36 {strides = array<i32>} : memref<2x32xf32, #tpu.memory_space<vmem>>, vector<2x32xf32>,
    return
  }
  func.func @transform_0(%arg0: i32) -> (i32, i32) {
    %c0_i32 = arith.constant 0 : i32
    %c0_i32_0 = arith.constant 0 : i32
    return %arg0, %c0_i32 : i32, i32
  }
  func.func @transform_1(%arg0: i32) -> (i32, i32) {
    %c0_i32 = arith.constant 0 : i32
    %c0_i32_0 = arith.constant 0 : i32
    return %arg0, %c0_i32 : i32, i32
  }
  func.func @transform_2(%arg0: i32) -> (i32, i32) {
    %c0_i32 = arith.constant 0 : i32
    %c0_i32_0 = arith.constant 0 : i32
    %c0_i32_1 = arith.constant 0 : i32
    return %c0_i32, %c0_i32_0 : i32, i32
  }
  func.func @transform_3(%arg0: i32) -> (i32, i32) {
    %c0_i32 = arith.constant 0 : i32
    %c0_i32_0 = arith.constant 0 : i32
    %c0_i32_1 = arith.constant 0 : i32
    return %c0_i32, %c0_i32_0 : i32, i32
  }
  func.func @transform_4(%arg0: i32) -> (i32, i32) {
    %c0_i32 = arith.constant 0 : i32
    %c0_i32_0 = arith.constant 0 : i32
    %c0_i32_1 = arith.constant 0 : i32
    return %c0_i32, %c0_i32_0 : i32, i32
  }
}

module attributes {stable_mosaic.version = 14 : i64} {
  func.func @body(%arg0: i32, %arg1: memref<6400x128xf32, #tpu.memory_space<vmem>>, %arg2: memref<200x16xf32, #tpu.memory_space<vmem>>, %arg3: memref<2x32xf32, #tpu.memory_space<vmem>>, %arg4: memref<2x32xf32, #tpu.memory_space<vmem>>, %arg5: memref<10x32xf32, #tpu.memory_space<vmem>>, %arg6: memref<1x32xf32, #tpu.memory_space<vmem>>, %arg7: memref<1x32xf32, #tpu.memory_space<vmem>>, %arg8: memref<1x32xf32, #tpu.memory_space<vmem>>, %arg9: memref<32x32xf32, #tpu.memory_space<vmem>>, %arg10: memref<1x32xf32, #tpu.memory_space<vmem>>, %arg11: memref<1x32xf32, #tpu.memory_space<vmem>>, %arg12: memref<1x32xf32, #tpu.memory_space<vmem>>, %arg13: memref<32x1xf32, #tpu.memory_space<vmem>>, %arg14: memref<1x1xf32, #tpu.memory_space<vmem>>, %arg15: memref<200x32xf32, #tpu.memory_space<vmem>>) attributes {dimension_semantics = [#tpu.dimension_semantics<arbitrary>], iteration_bounds = array<i64: 50>, scalar_prefetch = 0 : i64, scratch_operands = 0 : i64, tpu.core_type = #tpu.core_type<tc>, window_params = [{transform_indices = @transform_0, window_bounds = array<i64: 6400, 128>}, {transform_indices = @transform_1, window_bounds = array<i64: 200, 16>}, {pipeline_mode = #tpu.pipeline_mode<synchronous>, transform_indices = @transform_2, window_bounds = array<i64: 2, 32>}, {pipeline_mode = #tpu.pipeline_mode<synchronous>, transform_indices = @transform_3, window_bounds = array<i64: 2, 32>}, {pipeline_mode = #tpu.pipeline_mode<synchronous>, transform_indices = @transform_4, window_bounds = array<i64: 10, 32>}, {pipeline_mode = #tpu.pipeline_mode<synchronous>, transform_indices = @transform_5, window_bounds = array<i64: 1, 32>}, {pipeline_mode = #tpu.pipeline_mode<synchronous>, transform_indices = @transform_6, window_bounds = array<i64: 1, 32>}, {pipeline_mode = #tpu.pipeline_mode<synchronous>, transform_indices = @transform_7, window_bounds = array<i64: 1, 32>}, {pipeline_mode = #tpu.pipeline_mode<synchronous>, transform_indices = @transform_8, window_bounds = array<i64: 32, 32>}, {pipeline_mode = #tpu.pipeline_mode<synchronous>, transform_indices = @transform_9, window_bounds = array<i64: 1, 32>}, {pipeline_mode = #tpu.pipeline_mode<synchronous>, transform_indices = @transform_10, window_bounds = array<i64: 1, 32>}, {pipeline_mode = #tpu.pipeline_mode<synchronous>, transform_indices = @transform_11, window_bounds = array<i64: 1, 32>}, {pipeline_mode = #tpu.pipeline_mode<synchronous>, transform_indices = @transform_12, window_bounds = array<i64: 32, 1>}, {pipeline_mode = #tpu.pipeline_mode<synchronous>, transform_indices = @transform_13, window_bounds = array<i64: 1, 1>}, {transform_indices = @transform_14, window_bounds = array<i64: 200, 32>}]} {
    %get3A = arith.constant 0 : index
    %get3A_0 = arith.constant 0 : index
    %get3A_1 = vector.load %arg1[%get3A, %get3A_0] : memref<6400x128xf32, #tpu.memory_space<vmem>>, vector<6400x128xf32>
    %get3A_2 = arith.constant 0 : index
    %get3A_3 = arith.constant 0 : index
    %get3A_4 = vector.load %arg2[%get3A_2, %get3A_3] : memref<200x16xf32, #tpu.memory_space<vmem>>, vector<200x16xf32>
    %slice3A = vector.extract_strided_slice %get3A_1 {offsets = [0, 0], sizes = [6400, 32], strides = [1, 1]} : vector<6400x128xf32> to vector<6400x32xf32>
    %get3A_5 = arith.constant 0 : index
    %get3A_6 = arith.constant 0 : index
    %get3A_7 = vector.load %arg10[%get3A_5, %get3A_6] : memref<1x32xf32, #tpu.memory_space<vmem>>, vector<1x32xf32>
    %add3A = vector.broadcast %get3A_7 : vector<1x32xf32> to vector<6400x32xf32>
    %add3A_8 = arith.addf %slice3A, %add3A : vector<6400x32xf32>
    %slice3A_9 = vector.extract_strided_slice %get3A_1 {offsets = [0, 32], sizes = [6400, 16], strides = [1, 1]} : vector<6400x128xf32> to vector<6400x16xf32>
    %get3A_10 = arith.constant 0 : index
    %get3A_11 = arith.constant 0 : index
    %get3A_12 = vector.load %arg5[%get3A_10, %get3A_11] : memref<10x32xf32, #tpu.memory_space<vmem>>, vector<10x32xf32>
    %get3A_13 = arith.constant 0 : index
    %get3A_14 = arith.constant 0 : index
    %get3A_15 = vector.load %arg6[%get3A_13, %get3A_14] : memref<1x32xf32, #tpu.memory_space<vmem>>, vector<1x32xf32>
    %broadcast_in_dim3A = vector.shape_cast %get3A_4 : vector<200x16xf32> to vector<200x1x16xf32>
    %broadcast_in_dim3A_16 = vector.shape_cast %broadcast_in_dim3A : vector<200x1x16xf32> to vector<200x1x16xf32>
    %broadcast_in_dim3A_17 = vector.broadcast %broadcast_in_dim3A_16 : vector<200x1x16xf32> to vector<200x32x16xf32>
    %reshape3A = vector.shape_cast %broadcast_in_dim3A_17 : vector<200x32x16xf32> to vector<6400x16xf32>
    %sub3A = arith.subf %slice3A_9, %reshape3A : vector<6400x16xf32>
    %mul3A = arith.mulf %sub3A, %sub3A : vector<6400x16xf32>
    %reduce_sum3A = arith.constant dense<0.000000e+00> : vector<6400xf32>
    %reduce_sum3A_18 = vector.multi_reduction <add>, %mul3A, %reduce_sum3A [1] : vector<6400x16xf32> to vector<6400xf32>
    %broadcast_in_dim3A_19 = vector.shape_cast %reduce_sum3A_18 : vector<6400xf32> to vector<6400x1xf32>
    %add3A_20 = arith.constant 9.99999996E-13 : f32
    %add3A_21 = vector.broadcast %add3A_20 : f32 to vector<6400x1xf32>
    %add3A_22 = arith.addf %broadcast_in_dim3A_19, %add3A_21 : vector<6400x1xf32>
    %sqrt3A = math.sqrt %add3A_22 : vector<6400x1xf32>
    %slice3A_23 = vector.extract_strided_slice %reshape3A {offsets = [0, 0], sizes = [6400, 3], strides = [1, 1]} : vector<6400x16xf32> to vector<6400x3xf32>
    %slice3A_24 = vector.extract_strided_slice %slice3A_9 {offsets = [0, 0], sizes = [6400, 3], strides = [1, 1]} : vector<6400x16xf32> to vector<6400x3xf32>
    %slice3A_25 = vector.extract_strided_slice %sub3A {offsets = [0, 0], sizes = [6400, 3], strides = [1, 1]} : vector<6400x16xf32> to vector<6400x3xf32>
    %concatenate3A = tpu.concatenate %slice3A_23, %slice3A_24, %slice3A_25, %sqrt3A in 1 : vector<6400x3xf32>, vector<6400x3xf32>, vector<6400x3xf32>, vector<6400x1xf32> -> vector<6400x10xf32>
    %dot_general3A = arith.constant dense<0.000000e+00> : vector<6400x32xf32>
    %dot_general3A_26 = tpu.matmul %concatenate3A, %get3A_12, %dot_general3A {dimension_numbers = #tpu.dot_dimension_numbers<[1], [0], [0], [1], [0, 0, 1, 1], [], []>, transpose_lhs_hint = false} : vector<6400x10xf32>, vector<10x32xf32>, vector<6400x32xf32> -> vector<6400x32xf32>
    %add3A_27 = vector.broadcast %get3A_15 : vector<1x32xf32> to vector<6400x32xf32>
    %add3A_28 = arith.addf %dot_general3A_26, %add3A_27 : vector<6400x32xf32>
    %get3A_29 = arith.constant 0 : index
    %get3A_30 = arith.constant 0 : index
    %get3A_31 = vector.load %arg7[%get3A_29, %get3A_30] : memref<1x32xf32, #tpu.memory_space<vmem>>, vector<1x32xf32>
    %get3A_32 = arith.constant 0 : index
    %get3A_33 = arith.constant 0 : index
    %get3A_34 = vector.load %arg8[%get3A_32, %get3A_33] : memref<1x32xf32, #tpu.memory_space<vmem>>, vector<1x32xf32>
    %get3A_35 = arith.constant 0 : index
    %get3A_36 = arith.constant 0 : index
    %get3A_37 = vector.load %arg3[%get3A_35, %get3A_36] : memref<2x32xf32, #tpu.memory_space<vmem>>, vector<2x32xf32>
    %slice3A_38 = vector.extract_strided_slice %get3A_37 {offsets = [0, 0], sizes = [1, 32], strides = [1, 1]} : vector<2x32xf32> to vector<1x32xf32>
    %div3A = arith.constant 3.200000e+05 : f32
    %div3A_39 = vector.broadcast %div3A : f32 to vector<1x32xf32>
    %div3A_40 = arith.divf %slice3A_38, %div3A_39 : vector<1x32xf32>
    %slice3A_41 = vector.extract_strided_slice %get3A_37 {offsets = [1, 0], sizes = [1, 32], strides = [1, 1]} : vector<2x32xf32> to vector<1x32xf32>
    %div3A_42 = arith.constant 3.200000e+05 : f32
    %div3A_43 = vector.broadcast %div3A_42 : f32 to vector<1x32xf32>
    %div3A_44 = arith.divf %slice3A_41, %div3A_43 : vector<1x32xf32>
    %mul3A_45 = arith.mulf %div3A_40, %div3A_40 : vector<1x32xf32>
    %sub3A_46 = arith.subf %div3A_44, %mul3A_45 : vector<1x32xf32>
    %add3A_47 = arith.constant 9.99999974E-6 : f32
    %add3A_48 = vector.broadcast %add3A_47 : f32 to vector<1x32xf32>
    %add3A_49 = arith.addf %sub3A_46, %add3A_48 : vector<1x32xf32>
    %rsqrt3A = math.rsqrt %add3A_49 : vector<1x32xf32>
    %mul3A_50 = arith.mulf %get3A_31, %rsqrt3A : vector<1x32xf32>
    %mul3A_51 = vector.broadcast %mul3A_50 : vector<1x32xf32> to vector<6400x32xf32>
    %mul3A_52 = arith.mulf %add3A_28, %mul3A_51 : vector<6400x32xf32>
    %mul3A_53 = arith.mulf %div3A_40, %mul3A_50 : vector<1x32xf32>
    %sub3A_54 = arith.subf %get3A_34, %mul3A_53 : vector<1x32xf32>
    %add3A_55 = vector.broadcast %sub3A_54 : vector<1x32xf32> to vector<6400x32xf32>
    %add3A_56 = arith.addf %mul3A_52, %add3A_55 : vector<6400x32xf32>
    %max3A = arith.constant 0.000000e+00 : f32
    %max3A_57 = vector.broadcast %max3A : f32 to vector<6400x32xf32>
    %max3A_58 = arith.maximumf %add3A_56, %max3A_57 : vector<6400x32xf32>
    %get3A_59 = arith.constant 0 : index
    %get3A_60 = arith.constant 0 : index
    %get3A_61 = vector.load %arg9[%get3A_59, %get3A_60] : memref<32x32xf32, #tpu.memory_space<vmem>>, vector<32x32xf32>
    %dot_general3A_62 = arith.constant dense<0.000000e+00> : vector<6400x32xf32>
    %dot_general3A_63 = tpu.matmul %max3A_58, %get3A_61, %dot_general3A_62 {dimension_numbers = #tpu.dot_dimension_numbers<[1], [0], [0], [1], [0, 0, 1, 1], [], []>, transpose_lhs_hint = false} : vector<6400x32xf32>, vector<32x32xf32>, vector<6400x32xf32> -> vector<6400x32xf32>
    %add3A_64 = arith.addf %add3A_8, %dot_general3A_63 : vector<6400x32xf32>
    %get3A_65 = arith.constant 0 : index
    %get3A_66 = arith.constant 0 : index
    %get3A_67 = vector.load %arg11[%get3A_65, %get3A_66] : memref<1x32xf32, #tpu.memory_space<vmem>>, vector<1x32xf32>
    %get3A_68 = arith.constant 0 : index
    %get3A_69 = arith.constant 0 : index
    %get3A_70 = vector.load %arg12[%get3A_68, %get3A_69] : memref<1x32xf32, #tpu.memory_space<vmem>>, vector<1x32xf32>
    %get3A_71 = arith.constant 0 : index
    %get3A_72 = arith.constant 0 : index
    %get3A_73 = vector.load %arg4[%get3A_71, %get3A_72] : memref<2x32xf32, #tpu.memory_space<vmem>>, vector<2x32xf32>
    %slice3A_74 = vector.extract_strided_slice %get3A_73 {offsets = [0, 0], sizes = [1, 32], strides = [1, 1]} : vector<2x32xf32> to vector<1x32xf32>
    %div3A_75 = arith.constant 3.200000e+05 : f32
    %div3A_76 = vector.broadcast %div3A_75 : f32 to vector<1x32xf32>
    %div3A_77 = arith.divf %slice3A_74, %div3A_76 : vector<1x32xf32>
    %slice3A_78 = vector.extract_strided_slice %get3A_73 {offsets = [1, 0], sizes = [1, 32], strides = [1, 1]} : vector<2x32xf32> to vector<1x32xf32>
    %div3A_79 = arith.constant 3.200000e+05 : f32
    %div3A_80 = vector.broadcast %div3A_79 : f32 to vector<1x32xf32>
    %div3A_81 = arith.divf %slice3A_78, %div3A_80 : vector<1x32xf32>
    %mul3A_82 = arith.mulf %div3A_77, %div3A_77 : vector<1x32xf32>
    %sub3A_83 = arith.subf %div3A_81, %mul3A_82 : vector<1x32xf32>
    %add3A_84 = arith.constant 9.99999974E-6 : f32
    %add3A_85 = vector.broadcast %add3A_84 : f32 to vector<1x32xf32>
    %add3A_86 = arith.addf %sub3A_83, %add3A_85 : vector<1x32xf32>
    %rsqrt3A_87 = math.rsqrt %add3A_86 : vector<1x32xf32>
    %mul3A_88 = arith.mulf %get3A_67, %rsqrt3A_87 : vector<1x32xf32>
    %mul3A_89 = vector.broadcast %mul3A_88 : vector<1x32xf32> to vector<6400x32xf32>
    %mul3A_90 = arith.mulf %add3A_64, %mul3A_89 : vector<6400x32xf32>
    %mul3A_91 = arith.mulf %div3A_77, %mul3A_88 : vector<1x32xf32>
    %sub3A_92 = arith.subf %get3A_70, %mul3A_91 : vector<1x32xf32>
    %add3A_93 = vector.broadcast %sub3A_92 : vector<1x32xf32> to vector<6400x32xf32>
    %add3A_94 = arith.addf %mul3A_90, %add3A_93 : vector<6400x32xf32>
    %max3A_95 = arith.constant 0.000000e+00 : f32
    %max3A_96 = vector.broadcast %max3A_95 : f32 to vector<6400x32xf32>
    %max3A_97 = arith.maximumf %add3A_94, %max3A_96 : vector<6400x32xf32>
    %reshape3A_98 = vector.shape_cast %max3A_97 : vector<6400x32xf32> to vector<200x32x32xf32>
    %get3A_99 = arith.constant 0 : index
    %get3A_100 = arith.constant 0 : index
    %get3A_101 = vector.load %arg13[%get3A_99, %get3A_100] : memref<32x1xf32, #tpu.memory_space<vmem>>, vector<32x1xf32>
    %reshape3A_102 = vector.shape_cast %get3A_101 : vector<32x1xf32> to vector<1x32x1xf32>
    %mul3A_103 = vector.broadcast %reshape3A_102 : vector<1x32x1xf32> to vector<200x32x32xf32>
    %mul3A_104 = arith.mulf %reshape3A_98, %mul3A_103 : vector<200x32x32xf32>
    %reduce_sum3A_105 = arith.constant dense<0.000000e+00> : vector<200x32xf32>
    %reduce_sum3A_106 = vector.multi_reduction <add>, %mul3A_104, %reduce_sum3A_105 [1] : vector<200x32x32xf32> to vector<200x32xf32>
    %get3A_107 = arith.constant 0 : index
    %get3A_108 = arith.constant 0 : index
    %get3A_109 = vector.load %arg14[%get3A_107, %get3A_108] : memref<1x1xf32, #tpu.memory_space<vmem>>, vector<1x1xf32>
    %add3A_110 = vector.broadcast %get3A_109 : vector<1x1xf32> to vector<200x32xf32>
    %add3A_111 = arith.addf %reduce_sum3A_106, %add3A_110 : vector<200x32xf32>
    %reduce_max3A = arith.constant dense<0xFF800000> : vector<200xf32>
    %reduce_max3A_112 = vector.multi_reduction <maximumf>, %add3A_111, %reduce_max3A [1] : vector<200x32xf32> to vector<200xf32>
    %broadcast_in_dim3A_113 = vector.shape_cast %reduce_max3A_112 : vector<200xf32> to vector<200x1xf32>
    %sub3A_114 = vector.broadcast %broadcast_in_dim3A_113 : vector<200x1xf32> to vector<200x32xf32>
    %sub3A_115 = arith.subf %add3A_111, %sub3A_114 : vector<200x32xf32>
    %exp3A = math.exp %sub3A_115 : vector<200x32xf32>
    %reduce_sum3A_116 = arith.constant dense<0.000000e+00> : vector<200xf32>
    %reduce_sum3A_117 = vector.multi_reduction <add>, %exp3A, %reduce_sum3A_116 [1] : vector<200x32xf32> to vector<200xf32>
    %broadcast_in_dim3A_118 = vector.shape_cast %reduce_sum3A_117 : vector<200xf32> to vector<200x1xf32>
    %div3A_119 = vector.broadcast %broadcast_in_dim3A_118 : vector<200x1xf32> to vector<200x32xf32>
    %div3A_120 = arith.divf %exp3A, %div3A_119 : vector<200x32xf32>
    %reduce_max3A_121 = arith.constant dense<0xFF800000> : vector<200x32xf32>
    %reduce_max3A_122 = vector.multi_reduction <maximumf>, %reshape3A_98, %reduce_max3A_121 [1] : vector<200x32x32xf32> to vector<200x32xf32>
    %add3A_123 = arith.constant 1.000000e+00 : f32
    %add3A_124 = vector.broadcast %add3A_123 : f32 to vector<200x32xf32>
    %add3A_125 = arith.addf %add3A_124, %div3A_120 : vector<200x32xf32>
    %mul3A_126 = arith.mulf %reduce_max3A_122, %add3A_125 : vector<200x32xf32>
    %swap3A = arith.constant 0 : index
    %swap3A_127 = arith.constant 0 : index
    %swap3A_128 = vector.load %arg15[%swap3A, %swap3A_127] : memref<200x32xf32, #tpu.memory_space<vmem>>, vector<200x32xf32>
    tpu.vector_store %arg15[%swap3A, %swap3A_127], %mul3A_126 {strides = array<i32>} : memref<200x32xf32, #tpu.memory_space<vmem>>, vector<200x32xf32>,
    return
  }
  func.func @transform_0(%arg0: i32) -> (i32, i32) {
    %c0_i32 = arith.constant 0 : i32
    %c0_i32_0 = arith.constant 0 : i32
    return %arg0, %c0_i32 : i32, i32
  }
  func.func @transform_1(%arg0: i32) -> (i32, i32) {
    %c0_i32 = arith.constant 0 : i32
    %c0_i32_0 = arith.constant 0 : i32
    return %arg0, %c0_i32 : i32, i32
  }
  func.func @transform_2(%arg0: i32) -> (i32, i32) {
    %c0_i32 = arith.constant 0 : i32
    %c0_i32_0 = arith.constant 0 : i32
    %c0_i32_1 = arith.constant 0 : i32
    return %c0_i32, %c0_i32_0 : i32, i32
  }
  func.func @transform_3(%arg0: i32) -> (i32, i32) {
    %c0_i32 = arith.constant 0 : i32
    %c0_i32_0 = arith.constant 0 : i32
    %c0_i32_1 = arith.constant 0 : i32
    return %c0_i32, %c0_i32_0 : i32, i32
  }
  func.func @transform_4(%arg0: i32) -> (i32, i32) {
    %c0_i32 = arith.constant 0 : i32
    %c0_i32_0 = arith.constant 0 : i32
    %c0_i32_1 = arith.constant 0 : i32
    return %c0_i32, %c0_i32_0 : i32, i32
  }
  func.func @transform_5(%arg0: i32) -> (i32, i32) {
    %c0_i32 = arith.constant 0 : i32
    %c0_i32_0 = arith.constant 0 : i32
    %c0_i32_1 = arith.constant 0 : i32
    return %c0_i32, %c0_i32_0 : i32, i32
  }
  func.func @transform_6(%arg0: i32) -> (i32, i32) {
    %c0_i32 = arith.constant 0 : i32
    %c0_i32_0 = arith.constant 0 : i32
    %c0_i32_1 = arith.constant 0 : i32
    return %c0_i32, %c0_i32_0 : i32, i32
  }
  func.func @transform_7(%arg0: i32) -> (i32, i32) {
    %c0_i32 = arith.constant 0 : i32
    %c0_i32_0 = arith.constant 0 : i32
    %c0_i32_1 = arith.constant 0 : i32
    return %c0_i32, %c0_i32_0 : i32, i32
  }
  func.func @transform_8(%arg0: i32) -> (i32, i32) {
    %c0_i32 = arith.constant 0 : i32
    %c0_i32_0 = arith.constant 0 : i32
    %c0_i32_1 = arith.constant 0 : i32
    return %c0_i32, %c0_i32_0 : i32, i32
  }
  func.func @transform_9(%arg0: i32) -> (i32, i32) {
    %c0_i32 = arith.constant 0 : i32
    %c0_i32_0 = arith.constant 0 : i32
    %c0_i32_1 = arith.constant 0 : i32
    return %c0_i32, %c0_i32_0 : i32, i32
  }
  func.func @transform_10(%arg0: i32) -> (i32, i32) {
    %c0_i32 = arith.constant 0 : i32
    %c0_i32_0 = arith.constant 0 : i32
    %c0_i32_1 = arith.constant 0 : i32
    return %c0_i32, %c0_i32_0 : i32, i32
  }
  func.func @transform_11(%arg0: i32) -> (i32, i32) {
    %c0_i32 = arith.constant 0 : i32
    %c0_i32_0 = arith.constant 0 : i32
    %c0_i32_1 = arith.constant 0 : i32
    return %c0_i32, %c0_i32_0 : i32, i32
  }
  func.func @transform_12(%arg0: i32) -> (i32, i32) {
    %c0_i32 = arith.constant 0 : i32
    %c0_i32_0 = arith.constant 0 : i32
    %c0_i32_1 = arith.constant 0 : i32
    return %c0_i32, %c0_i32_0 : i32, i32
  }
  func.func @transform_13(%arg0: i32) -> (i32, i32) {
    %c0_i32 = arith.constant 0 : i32
    %c0_i32_0 = arith.constant 0 : i32
    %c0_i32_1 = arith.constant 0 : i32
    return %c0_i32, %c0_i32_0 : i32, i32
  }
  func.func @transform_14(%arg0: i32) -> (i32, i32) {
    %c0_i32 = arith.constant 0 : i32
    %c0_i32_0 = arith.constant 0 : i32
    return %arg0, %c0_i32 : i32, i32
  }
}

module attributes {stable_mosaic.version = 14 : i64} {
  func.func @body(%arg0: memref<10000x128xf32, #tpu.memory_space<vmem>>, %arg1: memref<10000x32xf32, #tpu.memory_space<vmem>>, %arg2: memref<32x128xf32, #tpu.memory_space<vmem>>, %arg3: memref<1x128xf32, #tpu.memory_space<vmem>>, %arg4: memref<1x128xf32, #tpu.memory_space<vmem>>, %arg5: memref<1x128xf32, #tpu.memory_space<vmem>>, %arg6: memref<128x128xf32, #tpu.memory_space<vmem>>, %arg7: memref<1x128xf32, #tpu.memory_space<vmem>>, %arg8: memref<1x128xf32, #tpu.memory_space<vmem>>, %arg9: memref<1x128xf32, #tpu.memory_space<vmem>>, %arg10: memref<10000x128xf32, #tpu.memory_space<vmem>>) attributes {dimension_semantics = [], scalar_prefetch = 0 : i64, scratch_operands = 0 : i64, tpu.core_type = #tpu.core_type<tc>} {
    %get3A = arith.constant 0 : index
    %get3A_0 = arith.constant 0 : index
    %get3A_1 = vector.load %arg1[%get3A, %get3A_0] : memref<10000x32xf32, #tpu.memory_space<vmem>>, vector<10000x32xf32>
    %get3A_2 = arith.constant 0 : index
    %get3A_3 = arith.constant 0 : index
    %get3A_4 = vector.load %arg2[%get3A_2, %get3A_3] : memref<32x128xf32, #tpu.memory_space<vmem>>, vector<32x128xf32>
    %dot_general3A = arith.constant dense<0.000000e+00> : vector<10000x128xf32>
    %dot_general3A_5 = tpu.matmul %get3A_1, %get3A_4, %dot_general3A {dimension_numbers = #tpu.dot_dimension_numbers<[1], [0], [0], [1], [0, 0, 1, 1], [], []>, transpose_lhs_hint = false} : vector<10000x32xf32>, vector<32x128xf32>, vector<10000x128xf32> -> vector<10000x128xf32>
    %get3A_6 = arith.constant 0 : index
    %get3A_7 = arith.constant 0 : index
    %get3A_8 = vector.load %arg3[%get3A_6, %get3A_7] : memref<1x128xf32, #tpu.memory_space<vmem>>, vector<1x128xf32>
    %add3A = vector.broadcast %get3A_8 : vector<1x128xf32> to vector<10000x128xf32>
    %add3A_9 = arith.addf %dot_general3A_5, %add3A : vector<10000x128xf32>
    %reduce_sum3A = arith.constant dense<0.000000e+00> : vector<128xf32>
    %reduce_sum3A_10 = vector.multi_reduction <add>, %add3A_9, %reduce_sum3A [0] : vector<10000x128xf32> to vector<128xf32>
    %broadcast_in_dim3A = vector.shape_cast %reduce_sum3A_10 : vector<128xf32> to vector<1x128xf32>
    %div3A = arith.constant 1.000000e+04 : f32
    %div3A_11 = vector.broadcast %div3A : f32 to vector<1x128xf32>
    %div3A_12 = arith.divf %broadcast_in_dim3A, %div3A_11 : vector<1x128xf32>
    %sub3A = vector.broadcast %div3A_12 : vector<1x128xf32> to vector<10000x128xf32>
    %sub3A_13 = arith.subf %add3A_9, %sub3A : vector<10000x128xf32>
    %integer_pow3A = arith.mulf %sub3A_13, %sub3A_13 : vector<10000x128xf32>
    %reduce_sum3A_14 = arith.constant dense<0.000000e+00> : vector<128xf32>
    %reduce_sum3A_15 = vector.multi_reduction <add>, %integer_pow3A, %reduce_sum3A_14 [0] : vector<10000x128xf32> to vector<128xf32>
    %broadcast_in_dim3A_16 = vector.shape_cast %reduce_sum3A_15 : vector<128xf32> to vector<1x128xf32>
    %div3A_17 = arith.constant 1.000000e+04 : f32
    %div3A_18 = vector.broadcast %div3A_17 : f32 to vector<1x128xf32>
    %div3A_19 = arith.divf %broadcast_in_dim3A_16, %div3A_18 : vector<1x128xf32>
    %get3A_20 = arith.constant 0 : index
    %get3A_21 = arith.constant 0 : index
    %get3A_22 = vector.load %arg4[%get3A_20, %get3A_21] : memref<1x128xf32, #tpu.memory_space<vmem>>, vector<1x128xf32>
    %sub3A_23 = vector.broadcast %div3A_12 : vector<1x128xf32> to vector<10000x128xf32>
    %sub3A_24 = arith.subf %add3A_9, %sub3A_23 : vector<10000x128xf32>
    %mul3A = vector.broadcast %get3A_22 : vector<1x128xf32> to vector<10000x128xf32>
    %mul3A_25 = arith.mulf %mul3A, %sub3A_24 : vector<10000x128xf32>
    %add3A_26 = arith.constant 9.99999974E-6 : f32
    %add3A_27 = vector.broadcast %add3A_26 : f32 to vector<1x128xf32>
    %add3A_28 = arith.addf %div3A_19, %add3A_27 : vector<1x128xf32>
    %rsqrt3A = math.rsqrt %add3A_28 : vector<1x128xf32>
    %mul3A_29 = vector.broadcast %rsqrt3A : vector<1x128xf32> to vector<10000x128xf32>
    %mul3A_30 = arith.mulf %mul3A_25, %mul3A_29 : vector<10000x128xf32>
    %get3A_31 = arith.constant 0 : index
    %get3A_32 = arith.constant 0 : index
    %get3A_33 = vector.load %arg5[%get3A_31, %get3A_32] : memref<1x128xf32, #tpu.memory_space<vmem>>, vector<1x128xf32>
    %add3A_34 = vector.broadcast %get3A_33 : vector<1x128xf32> to vector<10000x128xf32>
    %add3A_35 = arith.addf %mul3A_30, %add3A_34 : vector<10000x128xf32>
    %max3A = arith.constant 0.000000e+00 : f32
    %max3A_36 = vector.broadcast %max3A : f32 to vector<10000x128xf32>
    %max3A_37 = arith.maximumf %add3A_35, %max3A_36 : vector<10000x128xf32>
    %get3A_38 = arith.constant 0 : index
    %get3A_39 = arith.constant 0 : index
    %get3A_40 = vector.load %arg0[%get3A_38, %get3A_39] : memref<10000x128xf32, #tpu.memory_space<vmem>>, vector<10000x128xf32>
    %get3A_41 = arith.constant 0 : index
    %get3A_42 = arith.constant 0 : index
    %get3A_43 = vector.load %arg6[%get3A_41, %get3A_42] : memref<128x128xf32, #tpu.memory_space<vmem>>, vector<128x128xf32>
    %dot_general3A_44 = arith.constant dense<0.000000e+00> : vector<10000x128xf32>
    %dot_general3A_45 = tpu.matmul %get3A_40, %get3A_43, %dot_general3A_44 {dimension_numbers = #tpu.dot_dimension_numbers<[1], [0], [0], [1], [0, 0, 1, 1], [], []>, transpose_lhs_hint = false} : vector<10000x128xf32>, vector<128x128xf32>, vector<10000x128xf32> -> vector<10000x128xf32>
    %get3A_46 = arith.constant 0 : index
    %get3A_47 = arith.constant 0 : index
    %get3A_48 = vector.load %arg7[%get3A_46, %get3A_47] : memref<1x128xf32, #tpu.memory_space<vmem>>, vector<1x128xf32>
    %add3A_49 = vector.broadcast %get3A_48 : vector<1x128xf32> to vector<10000x128xf32>
    %add3A_50 = arith.addf %dot_general3A_45, %add3A_49 : vector<10000x128xf32>
    %reduce_sum3A_51 = arith.constant dense<0.000000e+00> : vector<128xf32>
    %reduce_sum3A_52 = vector.multi_reduction <add>, %add3A_50, %reduce_sum3A_51 [0] : vector<10000x128xf32> to vector<128xf32>
    %broadcast_in_dim3A_53 = vector.shape_cast %reduce_sum3A_52 : vector<128xf32> to vector<1x128xf32>
    %div3A_54 = arith.constant 1.000000e+04 : f32
    %div3A_55 = vector.broadcast %div3A_54 : f32 to vector<1x128xf32>
    %div3A_56 = arith.divf %broadcast_in_dim3A_53, %div3A_55 : vector<1x128xf32>
    %sub3A_57 = vector.broadcast %div3A_56 : vector<1x128xf32> to vector<10000x128xf32>
    %sub3A_58 = arith.subf %add3A_50, %sub3A_57 : vector<10000x128xf32>
    %integer_pow3A_59 = arith.mulf %sub3A_58, %sub3A_58 : vector<10000x128xf32>
    %reduce_sum3A_60 = arith.constant dense<0.000000e+00> : vector<128xf32>
    %reduce_sum3A_61 = vector.multi_reduction <add>, %integer_pow3A_59, %reduce_sum3A_60 [0] : vector<10000x128xf32> to vector<128xf32>
    %broadcast_in_dim3A_62 = vector.shape_cast %reduce_sum3A_61 : vector<128xf32> to vector<1x128xf32>
    %div3A_63 = arith.constant 1.000000e+04 : f32
    %div3A_64 = vector.broadcast %div3A_63 : f32 to vector<1x128xf32>
    %div3A_65 = arith.divf %broadcast_in_dim3A_62, %div3A_64 : vector<1x128xf32>
    %get3A_66 = arith.constant 0 : index
    %get3A_67 = arith.constant 0 : index
    %get3A_68 = vector.load %arg8[%get3A_66, %get3A_67] : memref<1x128xf32, #tpu.memory_space<vmem>>, vector<1x128xf32>
    %sub3A_69 = vector.broadcast %div3A_56 : vector<1x128xf32> to vector<10000x128xf32>
    %sub3A_70 = arith.subf %add3A_50, %sub3A_69 : vector<10000x128xf32>
    %mul3A_71 = vector.broadcast %get3A_68 : vector<1x128xf32> to vector<10000x128xf32>
    %mul3A_72 = arith.mulf %mul3A_71, %sub3A_70 : vector<10000x128xf32>
    %add3A_73 = arith.constant 9.99999974E-6 : f32
    %add3A_74 = vector.broadcast %add3A_73 : f32 to vector<1x128xf32>
    %add3A_75 = arith.addf %div3A_65, %add3A_74 : vector<1x128xf32>
    %rsqrt3A_76 = math.rsqrt %add3A_75 : vector<1x128xf32>
    %mul3A_77 = vector.broadcast %rsqrt3A_76 : vector<1x128xf32> to vector<10000x128xf32>
    %mul3A_78 = arith.mulf %mul3A_72, %mul3A_77 : vector<10000x128xf32>
    %get3A_79 = arith.constant 0 : index
    %get3A_80 = arith.constant 0 : index
    %get3A_81 = vector.load %arg9[%get3A_79, %get3A_80] : memref<1x128xf32, #tpu.memory_space<vmem>>, vector<1x128xf32>
    %add3A_82 = vector.broadcast %get3A_81 : vector<1x128xf32> to vector<10000x128xf32>
    %add3A_83 = arith.addf %mul3A_78, %add3A_82 : vector<10000x128xf32>
    %max3A_84 = arith.constant 0.000000e+00 : f32
    %max3A_85 = vector.broadcast %max3A_84 : f32 to vector<10000x128xf32>
    %max3A_86 = arith.maximumf %add3A_83, %max3A_85 : vector<10000x128xf32>
    %add3A_87 = arith.addf %max3A_86, %max3A_37 : vector<10000x128xf32>
    %swap3A = arith.constant 0 : index
    %swap3A_88 = arith.constant 0 : index
    %swap3A_89 = vector.load %arg10[%swap3A, %swap3A_88] : memref<10000x128xf32, #tpu.memory_space<vmem>>, vector<10000x128xf32>
    tpu.vector_store %arg10[%swap3A, %swap3A_88], %add3A_87 {strides = array<i32>} : memref<10000x128xf32, #tpu.memory_space<vmem>>, vector<10000x128xf32>,
    return
  }
}

module attributes {stable_mosaic.version = 14 : i64} {
  func.func @body(%arg0: memref<10000x128xf32, #tpu.memory_space<vmem>>, %arg1: memref<10000x32xf32, #tpu.memory_space<vmem>>, %arg2: memref<32x128xf32, #tpu.memory_space<vmem>>, %arg3: memref<1x128xf32, #tpu.memory_space<vmem>>, %arg4: memref<1x128xf32, #tpu.memory_space<vmem>>, %arg5: memref<1x128xf32, #tpu.memory_space<vmem>>, %arg6: memref<128x128xf32, #tpu.memory_space<vmem>>, %arg7: memref<1x128xf32, #tpu.memory_space<vmem>>, %arg8: memref<1x128xf32, #tpu.memory_space<vmem>>, %arg9: memref<1x128xf32, #tpu.memory_space<vmem>>, %arg10: memref<10000x128xf32, #tpu.memory_space<vmem>>) attributes {dimension_semantics = [], scalar_prefetch = 0 : i64, scratch_operands = 0 : i64, tpu.core_type = #tpu.core_type<tc>} {
    %get3A = arith.constant 0 : index
    %get3A_0 = arith.constant 0 : index
    %get3A_1 = vector.load %arg1[%get3A, %get3A_0] : memref<10000x32xf32, #tpu.memory_space<vmem>>, vector<10000x32xf32>
    %get3A_2 = arith.constant 0 : index
    %get3A_3 = arith.constant 0 : index
    %get3A_4 = vector.load %arg2[%get3A_2, %get3A_3] : memref<32x128xf32, #tpu.memory_space<vmem>>, vector<32x128xf32>
    %dot_general3A = arith.constant dense<0.000000e+00> : vector<10000x128xf32>
    %dot_general3A_5 = tpu.matmul %get3A_1, %get3A_4, %dot_general3A {dimension_numbers = #tpu.dot_dimension_numbers<[1], [0], [0], [1], [0, 0, 1, 1], [], []>, transpose_lhs_hint = false} : vector<10000x32xf32>, vector<32x128xf32>, vector<10000x128xf32> -> vector<10000x128xf32>
    %get3A_6 = arith.constant 0 : index
    %get3A_7 = arith.constant 0 : index
    %get3A_8 = vector.load %arg3[%get3A_6, %get3A_7] : memref<1x128xf32, #tpu.memory_space<vmem>>, vector<1x128xf32>
    %add3A = vector.broadcast %get3A_8 : vector<1x128xf32> to vector<10000x128xf32>
    %add3A_9 = arith.addf %dot_general3A_5, %add3A : vector<10000x128xf32>
    %reduce_sum3A = arith.constant dense<0.000000e+00> : vector<128xf32>
    %reduce_sum3A_10 = vector.multi_reduction <add>, %add3A_9, %reduce_sum3A [0] : vector<10000x128xf32> to vector<128xf32>
    %broadcast_in_dim3A = vector.shape_cast %reduce_sum3A_10 : vector<128xf32> to vector<1x128xf32>
    %div3A = arith.constant 1.000000e+04 : f32
    %div3A_11 = vector.broadcast %div3A : f32 to vector<1x128xf32>
    %div3A_12 = arith.divf %broadcast_in_dim3A, %div3A_11 : vector<1x128xf32>
    %sub3A = vector.broadcast %div3A_12 : vector<1x128xf32> to vector<10000x128xf32>
    %sub3A_13 = arith.subf %add3A_9, %sub3A : vector<10000x128xf32>
    %integer_pow3A = arith.mulf %sub3A_13, %sub3A_13 : vector<10000x128xf32>
    %reduce_sum3A_14 = arith.constant dense<0.000000e+00> : vector<128xf32>
    %reduce_sum3A_15 = vector.multi_reduction <add>, %integer_pow3A, %reduce_sum3A_14 [0] : vector<10000x128xf32> to vector<128xf32>
    %broadcast_in_dim3A_16 = vector.shape_cast %reduce_sum3A_15 : vector<128xf32> to vector<1x128xf32>
    %div3A_17 = arith.constant 1.000000e+04 : f32
    %div3A_18 = vector.broadcast %div3A_17 : f32 to vector<1x128xf32>
    %div3A_19 = arith.divf %broadcast_in_dim3A_16, %div3A_18 : vector<1x128xf32>
    %get3A_20 = arith.constant 0 : index
    %get3A_21 = arith.constant 0 : index
    %get3A_22 = vector.load %arg4[%get3A_20, %get3A_21] : memref<1x128xf32, #tpu.memory_space<vmem>>, vector<1x128xf32>
    %sub3A_23 = vector.broadcast %div3A_12 : vector<1x128xf32> to vector<10000x128xf32>
    %sub3A_24 = arith.subf %add3A_9, %sub3A_23 : vector<10000x128xf32>
    %mul3A = vector.broadcast %get3A_22 : vector<1x128xf32> to vector<10000x128xf32>
    %mul3A_25 = arith.mulf %mul3A, %sub3A_24 : vector<10000x128xf32>
    %add3A_26 = arith.constant 9.99999974E-6 : f32
    %add3A_27 = vector.broadcast %add3A_26 : f32 to vector<1x128xf32>
    %add3A_28 = arith.addf %div3A_19, %add3A_27 : vector<1x128xf32>
    %rsqrt3A = math.rsqrt %add3A_28 : vector<1x128xf32>
    %mul3A_29 = vector.broadcast %rsqrt3A : vector<1x128xf32> to vector<10000x128xf32>
    %mul3A_30 = arith.mulf %mul3A_25, %mul3A_29 : vector<10000x128xf32>
    %get3A_31 = arith.constant 0 : index
    %get3A_32 = arith.constant 0 : index
    %get3A_33 = vector.load %arg5[%get3A_31, %get3A_32] : memref<1x128xf32, #tpu.memory_space<vmem>>, vector<1x128xf32>
    %add3A_34 = vector.broadcast %get3A_33 : vector<1x128xf32> to vector<10000x128xf32>
    %add3A_35 = arith.addf %mul3A_30, %add3A_34 : vector<10000x128xf32>
    %max3A = arith.constant 0.000000e+00 : f32
    %max3A_36 = vector.broadcast %max3A : f32 to vector<10000x128xf32>
    %max3A_37 = arith.maximumf %add3A_35, %max3A_36 : vector<10000x128xf32>
    %get3A_38 = arith.constant 0 : index
    %get3A_39 = arith.constant 0 : index
    %get3A_40 = vector.load %arg0[%get3A_38, %get3A_39] : memref<10000x128xf32, #tpu.memory_space<vmem>>, vector<10000x128xf32>
    %get3A_41 = arith.constant 0 : index
    %get3A_42 = arith.constant 0 : index
    %get3A_43 = vector.load %arg6[%get3A_41, %get3A_42] : memref<128x128xf32, #tpu.memory_space<vmem>>, vector<128x128xf32>
    %dot_general3A_44 = arith.constant dense<0.000000e+00> : vector<10000x128xf32>
    %dot_general3A_45 = tpu.matmul %get3A_40, %get3A_43, %dot_general3A_44 {dimension_numbers = #tpu.dot_dimension_numbers<[1], [0], [0], [1], [0, 0, 1, 1], [], []>, transpose_lhs_hint = false} : vector<10000x128xf32>, vector<128x128xf32>, vector<10000x128xf32> -> vector<10000x128xf32>
    %get3A_46 = arith.constant 0 : index
    %get3A_47 = arith.constant 0 : index
    %get3A_48 = vector.load %arg7[%get3A_46, %get3A_47] : memref<1x128xf32, #tpu.memory_space<vmem>>, vector<1x128xf32>
    %add3A_49 = vector.broadcast %get3A_48 : vector<1x128xf32> to vector<10000x128xf32>
    %add3A_50 = arith.addf %dot_general3A_45, %add3A_49 : vector<10000x128xf32>
    %reduce_sum3A_51 = arith.constant dense<0.000000e+00> : vector<128xf32>
    %reduce_sum3A_52 = vector.multi_reduction <add>, %add3A_50, %reduce_sum3A_51 [0] : vector<10000x128xf32> to vector<128xf32>
    %broadcast_in_dim3A_53 = vector.shape_cast %reduce_sum3A_52 : vector<128xf32> to vector<1x128xf32>
    %div3A_54 = arith.constant 1.000000e+04 : f32
    %div3A_55 = vector.broadcast %div3A_54 : f32 to vector<1x128xf32>
    %div3A_56 = arith.divf %broadcast_in_dim3A_53, %div3A_55 : vector<1x128xf32>
    %sub3A_57 = vector.broadcast %div3A_56 : vector<1x128xf32> to vector<10000x128xf32>
    %sub3A_58 = arith.subf %add3A_50, %sub3A_57 : vector<10000x128xf32>
    %integer_pow3A_59 = arith.mulf %sub3A_58, %sub3A_58 : vector<10000x128xf32>
    %reduce_sum3A_60 = arith.constant dense<0.000000e+00> : vector<128xf32>
    %reduce_sum3A_61 = vector.multi_reduction <add>, %integer_pow3A_59, %reduce_sum3A_60 [0] : vector<10000x128xf32> to vector<128xf32>
    %broadcast_in_dim3A_62 = vector.shape_cast %reduce_sum3A_61 : vector<128xf32> to vector<1x128xf32>
    %div3A_63 = arith.constant 1.000000e+04 : f32
    %div3A_64 = vector.broadcast %div3A_63 : f32 to vector<1x128xf32>
    %div3A_65 = arith.divf %broadcast_in_dim3A_62, %div3A_64 : vector<1x128xf32>
    %get3A_66 = arith.constant 0 : index
    %get3A_67 = arith.constant 0 : index
    %get3A_68 = vector.load %arg8[%get3A_66, %get3A_67] : memref<1x128xf32, #tpu.memory_space<vmem>>, vector<1x128xf32>
    %sub3A_69 = vector.broadcast %div3A_56 : vector<1x128xf32> to vector<10000x128xf32>
    %sub3A_70 = arith.subf %add3A_50, %sub3A_69 : vector<10000x128xf32>
    %mul3A_71 = vector.broadcast %get3A_68 : vector<1x128xf32> to vector<10000x128xf32>
    %mul3A_72 = arith.mulf %mul3A_71, %sub3A_70 : vector<10000x128xf32>
    %add3A_73 = arith.constant 9.99999974E-6 : f32
    %add3A_74 = vector.broadcast %add3A_73 : f32 to vector<1x128xf32>
    %add3A_75 = arith.addf %div3A_65, %add3A_74 : vector<1x128xf32>
    %rsqrt3A_76 = math.rsqrt %add3A_75 : vector<1x128xf32>
    %mul3A_77 = vector.broadcast %rsqrt3A_76 : vector<1x128xf32> to vector<10000x128xf32>
    %mul3A_78 = arith.mulf %mul3A_72, %mul3A_77 : vector<10000x128xf32>
    %get3A_79 = arith.constant 0 : index
    %get3A_80 = arith.constant 0 : index
    %get3A_81 = vector.load %arg9[%get3A_79, %get3A_80] : memref<1x128xf32, #tpu.memory_space<vmem>>, vector<1x128xf32>
    %add3A_82 = vector.broadcast %get3A_81 : vector<1x128xf32> to vector<10000x128xf32>
    %add3A_83 = arith.addf %mul3A_78, %add3A_82 : vector<10000x128xf32>
    %max3A_84 = arith.constant 0.000000e+00 : f32
    %max3A_85 = vector.broadcast %max3A_84 : f32 to vector<10000x128xf32>
    %max3A_86 = arith.maximumf %add3A_83, %max3A_85 : vector<10000x128xf32>
    %add3A_87 = arith.addf %max3A_86, %max3A_37 : vector<10000x128xf32>
    %swap3A = arith.constant 0 : index
    %swap3A_88 = arith.constant 0 : index
    %swap3A_89 = vector.load %arg10[%swap3A, %swap3A_88] : memref<10000x128xf32, #tpu.memory_space<vmem>>, vector<10000x128xf32>
    tpu.vector_store %arg10[%swap3A, %swap3A_88], %add3A_87 {strides = array<i32>} : memref<10000x128xf32, #tpu.memory_space<vmem>>, vector<10000x128xf32>,
    return
  }
}

</mosaic_0001>

<sc_bundles>
// kernel: kernel.13.cloned.1.call-start
scs
__scs_entry_jumppad:
0x0: {  	(pc) =	sbr.rel $0x88, $3  }
0x1: {  	(tag) =	ssettag $0x0;
	lr =	simm.s32 $0x1  }
0x2: {  	[smem:$0x3F76] =	sst lr;
	_ =	strace $0xD0000000  }
0x3: {  	_ = 	snop  }
0x4: {  	_ = 	snop  }
0x5: {  	_ = 	snop  }
0x6: {  	_ = 	snop  }
0x7: {  	_ = 	snop  }
__scs_overlays_trampoline_lowered:
0x8: {  	[smem:$0x3F85] =	sst s0  }
0x9: {  	[smem:$0x3F86] =	sst s1  }
0xa: {  	[smem:$0x3F87] =	sst s2  }
0xb: {  	[smem:$0x3F88] =	sst s3  }
0xc: {  	[smem:$0x3F89] =	sst s4  }
0xd: {  	[smem:$0x3F8A] =	sst s5  }
0xe: {  	[smem:$0x3F8B] =	sst s6  }
0xf: {  	[smem:$0x3F8C] =	sst s7  }
0x10: {  	[smem:$0x3F8D] =	sst s8  }
0x11: {  	[smem:$0x3F8E] =	sst s9;
	s0 =	simm.s32 @!p0 $0x0  }
0x12: {  	s1 =	sld [smem:$0x3F74];
	s0 =	simm.s32 @p0 $0x1  }
0x13: {  	[smem:$0x3F8F] =	sst s0;
	s0 =	simm.s32 @!p1 $0x0  }
0x14: {  	s2 =	sld [smem:$0x3F73];
	s0 =	simm.s32 @p1 $0x1  }
0x15: {  	[smem:$0x3F90] =	sst s0;
	s0 =	simm.s32 @!p2 $0x0  }
0x16: {  	s3 =	sld [smem:$0x3FDB];
	s0 =	simm.s32 @p2 $0x1  }
0x17: {  	s4 =	simm.s32 $0x1BF5;
	[smem:$0x3F92] =	sst s0  }
0x18: {  	s0 =	sld [smem:$0x3F75];
	_ =	swait.ge [sflag:s4], $0x0  }
0x19: {  	s7 =	sld [smem:$0x3F76]  }
0x1a: {  	s8 =	sadd.s32 $0xFFFFE003, lr  }
0x1b: {  	s9 =	sadd.s32 $0xFFFFFEF7, lr;
	s5 =	simm.s32 $0xFFFFFFFF;
	p2 =	slt.u32 s8, $0xFFFFF086  }
0x1c: {  	p1 =	slt.u32 s9, $0xF7A;
	s5 =	simm.s32 @!p2 $0x0  }
0x1d: {  	s5 =	simm.s32 @p1 $0x1;
	p0 =	seq.s32 s7, s2  }
0x1e: {  	s7 =	smul.u32 @!p0 $0xF7A, s2;
	p2 =	seq.s32 @!p0 s5, $0x0  }
0x1f: {  	s9 =	smul.u32 $0xF7A, s1;
	s8 =	simm.s32 @!p0 $0x1BF5;
	p2 =	por !p2, p0  }
0x20: {  	[sflag:s8] =	ssyncset.s32 @!p0 $0xFFFFF086;
	s6 =	sadd.s32 @!p0 s3, s7;
	s7 =	simm.s32 @!p0 $0x108  }
0x21: {  	s3 =	sadd.s32 s3, s9;
	s6 =	sadd.s32 @!p0 $0x88, s6;
	s7 =	simm.s32 @p2 $0x1082  }
0x22: {  	[simem:s7], [sflag:s8] =	dma.local @!p0 [hbm:s6], $0xF7A  }
0x23: {  	s9 =	sor.u32 $0xD0000000, s2;
	s6 =	simm.s32 $0x108;
	_ =	swait.ge @!p0 [sflag:s8], $0x0  }
0x24: {  	s3 =	sadd.s32 $0x88, s3;
	s6 =	simm.s32 @!p1 $0x1082;
	[sflag:s4] =	ssyncset.s32 $0xFFFFF086  }
0x25: {  	[simem:s6], [sflag:s4] =	dma.local [hbm:s3], $0xF7A  }
0x26: {  	[smem:$0x3F76] =	sst s1;
	(tag) =	ssettag s2;
	_ =	strace s9  }
0x27: {  	s1 =	sld [smem:$0x3F86]  }
0x28: {  	s2 =	sld [smem:$0x3F87]  }
0x29: {  	s4 =	sld [smem:$0x3F89]  }
0x2a: {  	p0 =	seq.s32 s5, $0x0;
	s5 =	sld [smem:$0x3F8A]  }
0x2b: {  	s6 =	sld [smem:$0x3F8B]  }
0x2c: {  	s7 =	sld [smem:$0x3F8C]  }
0x2d: {  	s3 =	simm.s32 $0x108;
	s8 =	sld [smem:$0x3F8D]  }
0x2e: {  	s3 =	simm.s32 @!p0 $0x1082;
	s9 =	sld [smem:$0x3F8E]  }
0x2f: {  	lr =	sadd.s32 s0, s3;
	s0 =	sld [smem:$0x3F85]  }
0x30: {  	s3 =	sld [smem:$0x3F88]  }
0x31: {  	[smem:$0x3F91] =	sst s10  }
0x32: {  	s10 =	sld [smem:$0x3F8F];
	_ =	sdelay $0x3  }
0x33: {  	p0 =	seq.s32 s10, $0x1;
	s10 =	sld [smem:$0x3F91];
	_ =	sdelay $0x3  }
0x34: {  	[smem:$0x3F91] =	sst s10  }
0x35: {  	s10 =	sld [smem:$0x3F90];
	_ =	sdelay $0x3  }
0x36: {  	p1 =	seq.s32 s10, $0x1;
	s10 =	sld [smem:$0x3F91];
	_ =	sdelay $0x3  }
0x37: {  	[smem:$0x3F91] =	sst s10  }
0x38: {  	s10 =	sld [smem:$0x3F92]  }
0x39: {  	_ = 	snop;
	(pc) =	sbr.ind lr, $3  }
0x3a: {  	_ = 	snop  }
0x3b: {  	_ = 	snop  }
0x3c: {  	p2 =	seq.s32 s10, $0x1;
	s10 =	sld [smem:$0x3F91]  }
0x3d: {  	_ =	shalt  }
0x3e: {  	_ =	shalt  }
0x3f: {  	_ =	shalt  }
0x40: {  	_ =	shalt  }
0x41: {  	_ =	shalt  }
0x42: {  	_ =	shalt  }
0x43: {  	_ =	shalt  }
0x44: {  	_ =	shalt  }
0x45: {  	_ =	shalt  }
0x46: {  	_ =	shalt  }
0x47: {  	_ =	shalt  }
0x48: {  	_ =	shalt  }
0x49: {  	_ =	shalt  }
0x4a: {  	_ =	shalt  }
0x4b: {  	_ =	shalt  }
0x4c: {  	_ =	shalt  }
0x4d: {  	_ =	shalt  }
0x4e: {  	_ =	shalt  }
0x4f: {  	_ =	shalt  }
0x50: {  	_ =	shalt  }
0x51: {  	_ =	shalt  }
0x52: {  	_ =	shalt  }
0x53: {  	_ =	shalt  }
0x54: {  	_ =	shalt  }
0x55: {  	_ =	shalt  }
0x56: {  	_ =	shalt  }
0x57: {  	_ =	shalt  }
0x58: {  	_ =	shalt  }
0x59: {  	_ =	shalt  }
0x5a: {  	_ =	shalt  }
0x5b: {  	_ =	shalt  }
0x5c: {  	_ =	shalt  }
0x5d: {  	_ =	shalt  }
0x5e: {  	_ =	shalt  }
0x5f: {  	_ =	shalt  }
0x60: {  	_ =	shalt  }
0x61: {  	_ =	shalt  }
0x62: {  	_ =	shalt  }
0x63: {  	_ =	shalt  }
0x64: {  	_ =	shalt  }
0x65: {  	_ =	shalt  }
0x66: {  	_ =	shalt  }
0x67: {  	_ =	shalt  }
0x68: {  	_ =	shalt  }
0x69: {  	_ =	shalt  }
0x6a: {  	_ =	shalt  }
0x6b: {  	_ =	shalt  }
0x6c: {  	_ =	shalt  }
0x6d: {  	_ =	shalt  }
0x6e: {  	_ =	shalt  }
0x6f: {  	_ =	shalt  }
0x70: {  	_ =	shalt  }
0x71: {  	_ =	shalt  }
0x72: {  	_ =	shalt  }
0x73: {  	_ =	shalt  }
0x74: {  	_ =	shalt  }
0x75: {  	_ =	shalt  }
0x76: {  	_ =	shalt  }
0x77: {  	_ =	shalt  }
0x78: {  	_ =	shalt  }
0x79: {  	_ =	shalt  }
0x7a: {  	_ =	shalt  }
0x7b: {  	_ =	shalt  }
0x7c: {  	_ =	shalt  }
0x7d: {  	_ =	shalt  }
0x7e: {  	_ =	shalt  }
0x7f: {  	_ =	shalt  }
0x80: {  	_ =	shalt  }
0x81: {  	_ =	shalt  }
0x82: {  	_ =	shalt  }
0x83: {  	_ =	shalt  }
0x84: {  	_ =	shalt  }
0x85: {  	_ =	shalt  }
0x86: {  	_ =	shalt  }
0x87: {  	_ =	shalt  }
.Lfunc_end0:
.L_simem_size_0:
called_computation_lowered:
.L_overlay_start_0:
0x88: {  	s2 =	sld [smem:$0x3FD9]  }
0x89: {  	s3 =	sld [smem:$0x3FFE];
	_ =	sdelay $0x1  }
0x8a: {  	s1 =	srdreg.scid  }
0x8b: {  	s0 =	sand.u32 $0x1, s1  }
0x8c: {  	s17 =	sshll.u32 s0, $0xA;
	s2 =	sadd.s32 s3, s2  }
0x8d: {  	s2 =	sadd.s32 s2, s17  }
0x8e: {  	[smem:$0x3F9D] =	sst s2  }
0x8f: {  	_ = 	snop  }
0x90: {  	s2 =	sld [smem:$0x3FD0];
	(tm) =	ssettm $0x1  }
0x91: {  	s18 =	sld [smem:$0x3FFB];
	_ =	sdelay $0x3  }
0x92: {  	_ =	strace s18  }
0x93: {  	s3 =	sld [smem:$0x3FFC];
	_ =	sdelay $0x3  }
0x94: {  	_ =	strace s3  }
0x95: {  	s3 =	sld [smem:$0x3FFD];
	_ =	sdelay $0x3  }
0x96: {  	_ =	strace s3  }
0x97: {  	_ =	strace $0x8FFFFFFF  }
0x98: {  	s19 =	sld [smem:$0x3FDB];
	_ =	sdelay $0x1  }
0x99: {  	s4 =	simm.s32 $_scs_section_size  }
0x9a: {  	s5 =	simm.s32 $_size__tile_overlayer_lowered;
	s6 =	simm.s32 $_tile_overlayer_lowered  }
0x9b: {  	s22 =	simm.s32 $0x1BFF;
	s21 =	sshll.u32 s6, $0x1;
	s3 =	sadd.s32 s4, s19  }
0x9c: {  	s7 =	simm.s32 $0x0;
	s20 =	sshll.u32 s5, $0x1;
	s5 =	sadd.s32 s21, s3  }
0x9d: {  	[timem:s7], [sflag:s22] =	dma.local [hbm:s5], s20  }
0x9e: {  	_ =	swait.ge [sflag:s22], s20  }
0x9f: {  	s4 =	ssub.s32 $0x0, s20;
	[sflag:s22] =	ssyncset.done $0x0  }
0xa0: {  	[sflag:s22] =	ssyncadd.s32 s4;
	_ =	sdelay $0x1  }
0xa1: {  	s23 =	simm.s32 $0x1B8B  }
0xa2: {  	_ =	swait.ge [sflag:s23], $0x1  }
0xa3: {  	[sflag:s23] =	ssyncset.done $0x0  }
0xa4: {  	s25 =	simm.s32 $0x1B8E;
	s24 =	sld [smem:$0x3FFE];
	[sflag:s23] =	ssyncadd.s32 $0xFFFFFFFF  }
0xa5: {  	s26 =	simm.s32 $execute0_lowered;
	[smem:$0x3FD2] =	sst s25  }
0xa6: {  	s5 =	sshll.u32 s26, $0x1;
	_ =	strace $0x80000046;
	[dreg:$0x1] =	wrdreg $0xFFFFFFFF  }
0xa7: {  	s28 =	simm.s32 $_size_execute0_lowered;
	s3 =	sadd.s32 s3, s5;
	[dreg:$0x0] =	wrdreg $0x0  }
0xa8: {  	s5 =	sshll.u32 s28, $0x1;
	[dreg:$0x2] =	wrdreg s3  }
0xa9: {  	[dreg:$0x3] =	wrdreg s5  }
0xaa: {  	[dreg:$0x4] =	wrdreg $0xC0  }
0xab: {  	_ =	task [dreg:s7], $0x5FFFF  }
0xac: {  	[dreg:$0x1] =	wrdreg $0xFFFFFFFF  }
0xad: {  	[dreg:$0x0] =	wrdreg $0x60  }
0xae: {  	[dreg:$0x2] =	wrdreg s2  }
0xaf: {  	[dreg:$0x3] =	wrdreg s24  }
0xb0: {  	[dreg:$0x4] =	wrdreg $0x9  }
0xb1: {  	_ =	task.clear_ibuf [dreg:s7], $0x5FFFF;
	_ =	strace $0x90000046  }
0xb2: {  	s29 =	simm.s32 $0x9;
	_ =	strace $0x80000048  }
0xb3: {  	_ =	swait.ge [sflag:s29], $0x1  }
0xb4: {  	[sflag:s29] =	ssyncadd.s32 $0xFFFFFFFF  }
0xb5: {  	_ =	strace $0x90000048  }
0xb6: {  	_ =	sfence  }
0xb7: {  	s30 =	sld [smem:$0x0];
	_ =	sdelay $0x2  }
0xb8: {  	s31 =	sshll.u32 s1, $0xD;
	s1 =	sshrl.u32 s1, $0x2  }
0xb9: {  	s3 =	sand.u32 $0x4000, s31;
	s1 =	sadd.s32 s1, s30  }
0xba: {  	s0 =	sor.u32 s3, s0;
	s1 =	sshll.u32 s1, $0x11  }
0xbb: {  	s0 =	sor.u32 s1, s0  }
0xbc: {  	s0 =	sadd.s32 $0x8F2B, s0  }
0xbd: {  	[sflag:s0] =	ssyncadd.remote.s32 $0x1  }
0xbe: {  	_ =	sfence.sel $0xFFFF  }
0xbf: {  	[dreg:$0x0] =	wrdreg $0xFFFFFFFF;
	(pc) =	sbr.abs _section_cstart, $3  }
0xc0: {  	[dreg:$0x1] =	wrdreg $0xFFFFFFFF  }
0xc1: {  	_ =	task.clear_ibuf [dreg:s7], $0x2FFFF;
	_ =	strace $0x9FFFFFFF  }
0xc2: {  	(tm) =	ssettm $0x7FFFFFFF  }
0xc3: {  	_ =	shalt  }
tec
execute0_lowered:
.L_overlay_start_1:
0x0: {  	(tag) =	ssettag $0x1  }
0x1: {  	s0 =	srdreg.scid;
	s1 =	stileid.u32  }
0x2: {  	s31 =	sand.u32 $0x1, s0;
	s12 =	sshll.u32 s1, $0x1  }
0x3: {  	s2 =	rddreg [dreg:$0x0];
	s5 =	sor.u32 s31, s12  }
0x4: {  	s4 =	rddreg [dreg:$0x1];
	s3 =	simm.s32 $0x0;
	s0 =	smul.u32 $0x2710, s5  }
0x5: {  	[smem:$0x7FF] =	sst s3;
	s5 =	smul.u32 $0x27100, s5  }
0x6: {  	s30 =	sadd.s32 $0x9000, s4;
	s1 =	sadd.s32 $0x3A000, s4;
	_ =	strace $0x80000047  }
0x7: {  	s6 =	sshrl.u32 s0, $0x3;
	s14 =	sadd.s32 $0x190, s0;
	s15 =	sadd.s32 s1, s5  }
0x8: {  	s20 =	sadd.s32 $0x320, s0;
	s22 =	sadd.s32 $0x4B0, s0;
	s8 =	sadd.s32 $0x7D0, s0  }
0x9: {  	s13 =	sadd.s32 s30, s6;
	s16 =	sshrl.u32 s14, $0x3;
	[dreg:$0x4] =	wrdreg s15  }
0xa: {  	s18 =	sshll.u32 s14, $0x4;
	s21 =	sshrl.u32 s20, $0x3;
	s5 =	sshll.u32 s20, $0x4  }
0xb: {  	s24 =	sshrl.u32 s22, $0x3;
	s26 =	sshll.u32 s22, $0x4;
	s6 =	sadd.s32 $0x640, s0  }
0xc: {  	s10 =	sshrl.u32 s8, $0x3;
	[dreg:$0x3] =	wrdreg s13;
	s17 =	sadd.s32 s30, s16  }
0xd: {  	s12 =	sshll.u32 s8, $0x4;
	s19 =	sadd.s32 s1, s18;
	[dreg:$0x5] =	wrdreg s17  }
0xe: {  	s14 =	sadd.s32 $0x960, s0;
	s4 =	sadd.s32 s30, s21;
	[dreg:$0x6] =	wrdreg s19  }
0xf: {  	s22 =	sadd.s32 $0xC80, s0;
	s23 =	sadd.s32 s1, s5;
	[dreg:$0x7] =	wrdreg s4  }
0x10: {  	s25 =	sadd.s32 s30, s24;
	s5 =	sadd.s32 s1, s26;
	[dreg:$0x8] =	wrdreg s23  }
0x11: {  	s7 =	sshrl.u32 s6, $0x3;
	s11 =	sadd.s32 s30, s10;
	[dreg:$0x9] =	wrdreg s25  }
0x12: {  	s13 =	sadd.s32 s1, s12;
	s15 =	sshrl.u32 s14, $0x3;
	[dreg:$0xa] =	wrdreg s5  }
0x13: {  	s16 =	sadd.s32 $0xAF0, s0;
	s24 =	sadd.s32 $0xE10, s0;
	[dreg:$0xd] =	wrdreg s11  }
0x14: {  	s4 =	sadd.s32 s30, s7;
	s5 =	sshll.u32 s6, $0x4;
	[dreg:$0xe] =	wrdreg s13  }
0x15: {  	s18 =	sshrl.u32 s16, $0x3;
	[dreg:$0xb] =	wrdreg s4;
	s9 =	sadd.s32 s1, s5  }
0x16: {  	s20 =	sshll.u32 s16, $0x4;
	s4 =	sadd.s32 s30, s15;
	[dreg:$0xc] =	wrdreg s9  }
0x17: {  	s23 =	sshrl.u32 s22, $0x3;
	s19 =	sadd.s32 s30, s18;
	[dreg:$0xf] =	wrdreg s4  }
0x18: {  	s7 =	sshll.u32 s24, $0x4;
	s21 =	sadd.s32 s1, s20;
	[dreg:$0x11] =	wrdreg s19  }
0x19: {  	s26 =	sshrl.u32 s24, $0x3;
	s8 =	sadd.s32 s1, s7;
	[dreg:$0x12] =	wrdreg s21  }
0x1a: {  	s11 =	sadd.s32 $0x1130, s0;
	s5 =	sshll.u32 s14, $0x4;
	[dreg:$0x16] =	wrdreg s8  }
0x1b: {  	s13 =	sshrl.u32 s11, $0x3;
	s17 =	sadd.s32 s1, s5;
	s19 =	rddreg [dreg:$0x3]  }
0x1c: {  	s15 =	sshll.u32 s11, $0x4;
	s4 =	sadd.s32 s30, s23;
	[dreg:$0x10] =	wrdreg s17  }
0x1d: {  	s5 =	sshll.u32 s22, $0x4;
	s14 =	sadd.s32 s30, s13;
	[dreg:$0x13] =	wrdreg s4  }
0x1e: {  	s9 =	sadd.s32 $0xFA0, s0;
	s16 =	sadd.s32 s1, s15;
	[dreg:$0x19] =	wrdreg s14  }
0x1f: {  	s25 =	sadd.s32 s1, s5;
	s5 =	sadd.s32 s30, s26;
	[dreg:$0x1a] =	wrdreg s16  }
0x20: {  	[tilespmem:s3], [sflag:$0x2] =	stream.linear.gather [hbm4b:s19+s3], $0x190, $0x38;
	[tilespmem:$0xC990] =	vst v63  }
0x21: {  	s10 =	sshrl.u32 s9, $0x3;
	s17 =	sadd.s32 $0x12C0, s0;
	[dreg:$0x14] =	wrdreg s25  }
0x22: {  	[dreg:$0x15] =	wrdreg s5;
	s4 =	sadd.s32 s30, s10;
	s5 =	sshll.u32 s9, $0x4  }
0x23: {  	s18 =	sshrl.u32 s17, $0x3;
	[dreg:$0x17] =	wrdreg s4;
	s12 =	sadd.s32 s1, s5  }
0x24: {  	s4 =	sadd.s32 s30, s18;
	s5 =	sshll.u32 s17, $0x4;
	[dreg:$0x18] =	wrdreg s12  }
0x25: {  	[dreg:$0x1b] =	wrdreg s4;
	s20 =	sadd.s32 s1, s5  }
0x26: {  	s4 =	simm.s32 $0x2;
	[dreg:$0x1c] =	wrdreg s20  }
0x27: {  	_ =	swait.ge [sflag:s4], $0x190  }
0x28: {  	[sflag:s4] =	ssyncset.done $0x0  }
0x29: {  	s6 =	simm.s32 $0x1;
	s5 =	simm.s32 $0x190;
	[sflag:s4] =	ssyncadd.s32 $0xFFFFFE70  }
0x2a: {  	[tilespmem:s5], [sflag:$0x1] =	stream.indirect.gather [hbm4b:s2+s5], $0x80, s3, s5, $0xb8;
	[tilespmem:$0xC990] =	vst v63  }
0x2b: {  	_ =	swait.ge [sflag:s6], $0xC800  }
0x2c: {  	[sflag:s6] =	ssyncset.done $0x0  }
0x2d: {  	s7 =	rddreg [dreg:$0x4];
	[sflag:s6] =	ssyncadd.s32 $0xFFFF3800  }
0x2e: {  	[hbm4b:s7+s3] =	stream.linear.scatter [tilespmem:s5], [sflag:$0x2], $0xC800, $0x38;
	[tilespmem:$0xC990] =	vst v63  }
0x2f: {  	_ =	swait.ge [sflag:s4], $0xC800  }
0x30: {  	[sflag:s4] =	ssyncset.done $0x0  }
0x31: {  	s21 =	rddreg [dreg:$0x5];
	[sflag:s4] =	ssyncadd.s32 $0xFFFF3800  }
0x32: {  	[tilespmem:s3], [sflag:$0x2] =	stream.linear.gather [hbm4b:s21+s3], $0x190, $0x38;
	[tilespmem:$0xC990] =	vst v63  }
0x33: {  	_ =	swait.ge [sflag:s4], $0x190  }
0x34: {  	[sflag:s4] =	ssyncset.done $0x0  }
0x35: {  	[sflag:s4] =	ssyncadd.s32 $0xFFFFFE70  }
0x36: {  	[tilespmem:s5], [sflag:$0x1] =	stream.indirect.gather [hbm4b:s2+s5], $0x80, s3, s5, $0xb8;
	[tilespmem:$0xC990] =	vst v63  }
0x37: {  	_ =	swait.ge [sflag:s6], $0xC800  }
0x38: {  	[sflag:s6] =	ssyncset.done $0x0  }
0x39: {  	s22 =	rddreg [dreg:$0x6];
	[sflag:s6] =	ssyncadd.s32 $0xFFFF3800  }
0x3a: {  	[hbm4b:s22+s3] =	stream.linear.scatter [tilespmem:s5], [sflag:$0x2], $0xC800, $0x38;
	[tilespmem:$0xC990] =	vst v63  }
0x3b: {  	_ =	swait.ge [sflag:s4], $0xC800  }
0x3c: {  	[sflag:s4] =	ssyncset.done $0x0  }
0x3d: {  	s23 =	rddreg [dreg:$0x7];
	[sflag:s4] =	ssyncadd.s32 $0xFFFF3800  }
0x3e: {  	[tilespmem:s3], [sflag:$0x2] =	stream.linear.gather [hbm4b:s23+s3], $0x190, $0x38;
	[tilespmem:$0xC990] =	vst v63  }
0x3f: {  	_ =	swait.ge [sflag:s4], $0x190  }
0x40: {  	[sflag:s4] =	ssyncset.done $0x0  }
0x41: {  	[sflag:s4] =	ssyncadd.s32 $0xFFFFFE70  }
0x42: {  	[tilespmem:s5], [sflag:$0x1] =	stream.indirect.gather [hbm4b:s2+s5], $0x80, s3, s5, $0xb8;
	[tilespmem:$0xC990] =	vst v63  }
0x43: {  	_ =	swait.ge [sflag:s6], $0xC800  }
0x44: {  	[sflag:s6] =	ssyncset.done $0x0  }
0x45: {  	s24 =	rddreg [dreg:$0x8];
	[sflag:s6] =	ssyncadd.s32 $0xFFFF3800  }
0x46: {  	[hbm4b:s24+s3] =	stream.linear.scatter [tilespmem:s5], [sflag:$0x2], $0xC800, $0x38;
	[tilespmem:$0xC990] =	vst v63  }
0x47: {  	_ =	swait.ge [sflag:s4], $0xC800  }
0x48: {  	[sflag:s4] =	ssyncset.done $0x0  }
0x49: {  	s25 =	rddreg [dreg:$0x9];
	[sflag:s4] =	ssyncadd.s32 $0xFFFF3800  }
0x4a: {  	[tilespmem:s3], [sflag:$0x2] =	stream.linear.gather [hbm4b:s25+s3], $0x190, $0x38;
	[tilespmem:$0xC990] =	vst v63  }
0x4b: {  	_ =	swait.ge [sflag:s4], $0x190  }
0x4c: {  	[sflag:s4] =	ssyncset.done $0x0  }
0x4d: {  	[sflag:s4] =	ssyncadd.s32 $0xFFFFFE70  }
0x4e: {  	[tilespmem:s5], [sflag:$0x1] =	stream.indirect.gather [hbm4b:s2+s5], $0x80, s3, s5, $0xb8;
	[tilespmem:$0xC990] =	vst v63  }
0x4f: {  	_ =	swait.ge [sflag:s6], $0xC800  }
0x50: {  	[sflag:s6] =	ssyncset.done $0x0  }
0x51: {  	s26 =	rddreg [dreg:$0xa];
	[sflag:s6] =	ssyncadd.s32 $0xFFFF3800  }
0x52: {  	[hbm4b:s26+s3] =	stream.linear.scatter [tilespmem:s5], [sflag:$0x2], $0xC800, $0x38;
	[tilespmem:$0xC990] =	vst v63  }
0x53: {  	_ =	swait.ge [sflag:s4], $0xC800  }
0x54: {  	[sflag:s4] =	ssyncset.done $0x0  }
0x55: {  	s8 =	rddreg [dreg:$0xb];
	[sflag:s4] =	ssyncadd.s32 $0xFFFF3800  }
0x56: {  	[tilespmem:s3], [sflag:$0x2] =	stream.linear.gather [hbm4b:s8+s3], $0x190, $0x38;
	[tilespmem:$0xC990] =	vst v63  }
0x57: {  	_ =	swait.ge [sflag:s4], $0x190  }
0x58: {  	[sflag:s4] =	ssyncset.done $0x0  }
0x59: {  	[sflag:s4] =	ssyncadd.s32 $0xFFFFFE70  }
0x5a: {  	[tilespmem:s5], [sflag:$0x1] =	stream.indirect.gather [hbm4b:s2+s5], $0x80, s3, s5, $0xb8;
	[tilespmem:$0xC990] =	vst v63  }
0x5b: {  	_ =	swait.ge [sflag:s6], $0xC800  }
0x5c: {  	[sflag:s6] =	ssyncset.done $0x0  }
0x5d: {  	s9 =	rddreg [dreg:$0xc];
	[sflag:s6] =	ssyncadd.s32 $0xFFFF3800  }
0x5e: {  	[hbm4b:s9+s3] =	stream.linear.scatter [tilespmem:s5], [sflag:$0x2], $0xC800, $0x38;
	[tilespmem:$0xC990] =	vst v63  }
0x5f: {  	_ =	swait.ge [sflag:s4], $0xC800  }
0x60: {  	[sflag:s4] =	ssyncset.done $0x0  }
0x61: {  	s10 =	rddreg [dreg:$0xd];
	[sflag:s4] =	ssyncadd.s32 $0xFFFF3800  }
0x62: {  	[tilespmem:s3], [sflag:$0x2] =	stream.linear.gather [hbm4b:s10+s3], $0x190, $0x38;
	[tilespmem:$0xC990] =	vst v63  }
0x63: {  	_ =	swait.ge [sflag:s4], $0x190  }
0x64: {  	[sflag:s4] =	ssyncset.done $0x0  }
0x65: {  	[sflag:s4] =	ssyncadd.s32 $0xFFFFFE70  }
0x66: {  	[tilespmem:s5], [sflag:$0x1] =	stream.indirect.gather [hbm4b:s2+s5], $0x80, s3, s5, $0xb8;
	[tilespmem:$0xC990] =	vst v63  }
0x67: {  	_ =	swait.ge [sflag:s6], $0xC800  }
0x68: {  	[sflag:s6] =	ssyncset.done $0x0  }
0x69: {  	s11 =	rddreg [dreg:$0xe];
	[sflag:s6] =	ssyncadd.s32 $0xFFFF3800  }
0x6a: {  	[hbm4b:s11+s3] =	stream.linear.scatter [tilespmem:s5], [sflag:$0x2], $0xC800, $0x38;
	[tilespmem:$0xC990] =	vst v63  }
0x6b: {  	_ =	swait.ge [sflag:s4], $0xC800  }
0x6c: {  	[sflag:s4] =	ssyncset.done $0x0  }
0x6d: {  	s12 =	rddreg [dreg:$0xf];
	[sflag:s4] =	ssyncadd.s32 $0xFFFF3800  }
0x6e: {  	[tilespmem:s3], [sflag:$0x2] =	stream.linear.gather [hbm4b:s12+s3], $0x190, $0x38;
	[tilespmem:$0xC990] =	vst v63  }
0x6f: {  	_ =	swait.ge [sflag:s4], $0x190  }
0x70: {  	[sflag:s4] =	ssyncset.done $0x0  }
0x71: {  	[sflag:s4] =	ssyncadd.s32 $0xFFFFFE70  }
0x72: {  	[tilespmem:s5], [sflag:$0x1] =	stream.indirect.gather [hbm4b:s2+s5], $0x80, s3, s5, $0xb8;
	[tilespmem:$0xC990] =	vst v63  }
0x73: {  	_ =	swait.ge [sflag:s6], $0xC800  }
0x74: {  	[sflag:s6] =	ssyncset.done $0x0  }
0x75: {  	s13 =	rddreg [dreg:$0x10];
	[sflag:s6] =	ssyncadd.s32 $0xFFFF3800  }
0x76: {  	[hbm4b:s13+s3] =	stream.linear.scatter [tilespmem:s5], [sflag:$0x2], $0xC800, $0x38;
	[tilespmem:$0xC990] =	vst v63  }
0x77: {  	_ =	swait.ge [sflag:s4], $0xC800  }
0x78: {  	[sflag:s4] =	ssyncset.done $0x0  }
0x79: {  	s14 =	rddreg [dreg:$0x11];
	[sflag:s4] =	ssyncadd.s32 $0xFFFF3800  }
0x7a: {  	[tilespmem:s3], [sflag:$0x2] =	stream.linear.gather [hbm4b:s14+s3], $0x190, $0x38;
	[tilespmem:$0xC990] =	vst v63  }
0x7b: {  	_ =	swait.ge [sflag:s4], $0x190  }
0x7c: {  	[sflag:s4] =	ssyncset.done $0x0  }
0x7d: {  	[sflag:s4] =	ssyncadd.s32 $0xFFFFFE70  }
0x7e: {  	[tilespmem:s5], [sflag:$0x1] =	stream.indirect.gather [hbm4b:s2+s5], $0x80, s3, s5, $0xb8;
	[tilespmem:$0xC990] =	vst v63  }
0x7f: {  	_ =	swait.ge [sflag:s6], $0xC800  }
0x80: {  	[sflag:s6] =	ssyncset.done $0x0  }
0x81: {  	s15 =	rddreg [dreg:$0x12];
	[sflag:s6] =	ssyncadd.s32 $0xFFFF3800  }
0x82: {  	[hbm4b:s15+s3] =	stream.linear.scatter [tilespmem:s5], [sflag:$0x2], $0xC800, $0x38;
	[tilespmem:$0xC990] =	vst v63  }
0x83: {  	_ =	swait.ge [sflag:s4], $0xC800  }
0x84: {  	[sflag:s4] =	ssyncset.done $0x0  }
0x85: {  	s16 =	rddreg [dreg:$0x13];
	[sflag:s4] =	ssyncadd.s32 $0xFFFF3800  }
0x86: {  	[tilespmem:s3], [sflag:$0x2] =	stream.linear.gather [hbm4b:s16+s3], $0x190, $0x38;
	[tilespmem:$0xC990] =	vst v63  }
0x87: {  	_ =	swait.ge [sflag:s4], $0x190  }
0x88: {  	[sflag:s4] =	ssyncset.done $0x0  }
0x89: {  	[sflag:s4] =	ssyncadd.s32 $0xFFFFFE70  }
0x8a: {  	[tilespmem:s5], [sflag:$0x1] =	stream.indirect.gather [hbm4b:s2+s5], $0x80, s3, s5, $0xb8;
	[tilespmem:$0xC990] =	vst v63  }
0x8b: {  	_ =	swait.ge [sflag:s6], $0xC800  }
0x8c: {  	[sflag:s6] =	ssyncset.done $0x0  }
0x8d: {  	s17 =	rddreg [dreg:$0x14];
	[sflag:s6] =	ssyncadd.s32 $0xFFFF3800  }
0x8e: {  	[hbm4b:s17+s3] =	stream.linear.scatter [tilespmem:s5], [sflag:$0x2], $0xC800, $0x38;
	[tilespmem:$0xC990] =	vst v63  }
0x8f: {  	_ =	swait.ge [sflag:s4], $0xC800  }
0x90: {  	[sflag:s4] =	ssyncset.done $0x0  }
0x91: {  	s18 =	rddreg [dreg:$0x15];
	[sflag:s4] =	ssyncadd.s32 $0xFFFF3800  }
0x92: {  	[tilespmem:s3], [sflag:$0x2] =	stream.linear.gather [hbm4b:s18+s3], $0x190, $0x38;
	[tilespmem:$0xC990] =	vst v63  }
0x93: {  	_ =	swait.ge [sflag:s4], $0x190  }
0x94: {  	[sflag:s4] =	ssyncset.done $0x0  }
0x95: {  	[sflag:s4] =	ssyncadd.s32 $0xFFFFFE70  }
0x96: {  	[tilespmem:s5], [sflag:$0x1] =	stream.indirect.gather [hbm4b:s2+s5], $0x80, s3, s5, $0xb8;
	[tilespmem:$0xC990] =	vst v63  }
0x97: {  	_ =	swait.ge [sflag:s6], $0xC800  }
0x98: {  	[sflag:s6] =	ssyncset.done $0x0  }
0x99: {  	s19 =	rddreg [dreg:$0x16];
	[sflag:s6] =	ssyncadd.s32 $0xFFFF3800  }
0x9a: {  	[hbm4b:s19+s3] =	stream.linear.scatter [tilespmem:s5], [sflag:$0x2], $0xC800, $0x38;
	[tilespmem:$0xC990] =	vst v63  }
0x9b: {  	_ =	swait.ge [sflag:s4], $0xC800  }
0x9c: {  	[sflag:s4] =	ssyncset.done $0x0  }
0x9d: {  	s20 =	rddreg [dreg:$0x17];
	[sflag:s4] =	ssyncadd.s32 $0xFFFF3800  }
0x9e: {  	[tilespmem:s3], [sflag:$0x2] =	stream.linear.gather [hbm4b:s20+s3], $0x190, $0x38;
	[tilespmem:$0xC990] =	vst v63  }
0x9f: {  	_ =	swait.ge [sflag:s4], $0x190  }
0xa0: {  	[sflag:s4] =	ssyncset.done $0x0  }
0xa1: {  	[sflag:s4] =	ssyncadd.s32 $0xFFFFFE70  }
0xa2: {  	[tilespmem:s5], [sflag:$0x1] =	stream.indirect.gather [hbm4b:s2+s5], $0x80, s3, s5, $0xb8;
	[tilespmem:$0xC990] =	vst v63  }
0xa3: {  	_ =	swait.ge [sflag:s6], $0xC800  }
0xa4: {  	[sflag:s6] =	ssyncset.done $0x0  }
0xa5: {  	s21 =	rddreg [dreg:$0x18];
	[sflag:s6] =	ssyncadd.s32 $0xFFFF3800  }
0xa6: {  	[hbm4b:s21+s3] =	stream.linear.scatter [tilespmem:s5], [sflag:$0x2], $0xC800, $0x38;
	[tilespmem:$0xC990] =	vst v63  }
0xa7: {  	_ =	swait.ge [sflag:s4], $0xC800  }
0xa8: {  	[sflag:s4] =	ssyncset.done $0x0  }
0xa9: {  	s22 =	rddreg [dreg:$0x19];
	[sflag:s4] =	ssyncadd.s32 $0xFFFF3800  }
0xaa: {  	[tilespmem:s3], [sflag:$0x2] =	stream.linear.gather [hbm4b:s22+s3], $0x190, $0x38;
	[tilespmem:$0xC990] =	vst v63  }
0xab: {  	_ =	swait.ge [sflag:s4], $0x190  }
0xac: {  	[sflag:s4] =	ssyncset.done $0x0  }
0xad: {  	[sflag:s4] =	ssyncadd.s32 $0xFFFFFE70  }
0xae: {  	[tilespmem:s5], [sflag:$0x1] =	stream.indirect.gather [hbm4b:s2+s5], $0x80, s3, s5, $0xb8;
	[tilespmem:$0xC990] =	vst v63  }
0xaf: {  	_ =	swait.ge [sflag:s6], $0xC800  }
0xb0: {  	[sflag:s6] =	ssyncset.done $0x0  }
0xb1: {  	s23 =	rddreg [dreg:$0x1a];
	[sflag:s6] =	ssyncadd.s32 $0xFFFF3800  }
0xb2: {  	[hbm4b:s23+s3] =	stream.linear.scatter [tilespmem:s5], [sflag:$0x2], $0xC800, $0x38;
	[tilespmem:$0xC990] =	vst v63  }
0xb3: {  	_ =	swait.ge [sflag:s4], $0xC800  }
0xb4: {  	[sflag:s4] =	ssyncset.done $0x0  }
0xb5: {  	s24 =	rddreg [dreg:$0x1b];
	[sflag:s4] =	ssyncadd.s32 $0xFFFF3800  }
0xb6: {  	[tilespmem:s3], [sflag:$0x2] =	stream.linear.gather [hbm4b:s24+s3], $0x190, $0x38;
	[tilespmem:$0xC990] =	vst v63  }
0xb7: {  	_ =	swait.ge [sflag:s4], $0x190  }
0xb8: {  	[sflag:s4] =	ssyncset.done $0x0  }
0xb9: {  	[sflag:s4] =	ssyncadd.s32 $0xFFFFFE70  }
0xba: {  	[tilespmem:s5], [sflag:$0x1] =	stream.indirect.gather [hbm4b:s2+s5], $0x80, s3, s5, $0xb8;
	[tilespmem:$0xC990] =	vst v63  }
0xbb: {  	_ =	swait.ge [sflag:s6], $0xC800  }
0xbc: {  	[sflag:s6] =	ssyncset.done $0x0  }
0xbd: {  	s25 =	rddreg [dreg:$0x1c];
	[sflag:s6] =	ssyncadd.s32 $0xFFFF3800  }
0xbe: {  	[hbm4b:s25+s3] =	stream.linear.scatter [tilespmem:s5], [sflag:$0x2], $0xC800, $0x38;
	[tilespmem:$0xC990] =	vst v63  }
0xbf: {  	s8 =	sadd.s32 $0x1450, s0;
	_ =	swait.ge [sflag:s4], $0xC800  }
0xc0: {  	s26 =	sshrl.u32 s8, $0x3;
	[sflag:s4] =	ssyncset.done $0x0  }
0xc1: {  	s7 =	sadd.s32 s30, s26;
	[sflag:s4] =	ssyncadd.s32 $0xFFFF3800  }
0xc2: {  	[tilespmem:s3], [sflag:$0x2] =	stream.linear.gather [hbm4b:s7+s3], $0x190, $0x38;
	[tilespmem:$0xC990] =	vst v63  }
0xc3: {  	_ =	swait.ge [sflag:s4], $0x190  }
0xc4: {  	[sflag:s4] =	ssyncset.done $0x0  }
0xc5: {  	[sflag:s4] =	ssyncadd.s32 $0xFFFFFE70  }
0xc6: {  	[tilespmem:s5], [sflag:$0x1] =	stream.indirect.gather [hbm4b:s2+s5], $0x80, s3, s5, $0xb8;
	[tilespmem:$0xC990] =	vst v63  }
0xc7: {  	_ =	swait.ge [sflag:s6], $0xC800  }
0xc8: {  	s8 =	sshll.u32 s8, $0x4;
	[sflag:s6] =	ssyncset.done $0x0  }
0xc9: {  	s8 =	sadd.s32 s1, s8;
	[sflag:s6] =	ssyncadd.s32 $0xFFFF3800  }
0xca: {  	[hbm4b:s8+s3] =	stream.linear.scatter [tilespmem:s5], [sflag:$0x2], $0xC800, $0x38;
	[tilespmem:$0xC990] =	vst v63  }
0xcb: {  	s10 =	sadd.s32 $0x15E0, s0;
	_ =	swait.ge [sflag:s4], $0xC800  }
0xcc: {  	s9 =	sshrl.u32 s10, $0x3;
	[sflag:s4] =	ssyncset.done $0x0  }
0xcd: {  	s9 =	sadd.s32 s30, s9;
	[sflag:s4] =	ssyncadd.s32 $0xFFFF3800  }
0xce: {  	[tilespmem:s3], [sflag:$0x2] =	stream.linear.gather [hbm4b:s9+s3], $0x190, $0x38;
	[tilespmem:$0xC990] =	vst v63  }
0xcf: {  	_ =	swait.ge [sflag:s4], $0x190  }
0xd0: {  	[sflag:s4] =	ssyncset.done $0x0  }
0xd1: {  	[sflag:s4] =	ssyncadd.s32 $0xFFFFFE70  }
0xd2: {  	[tilespmem:s5], [sflag:$0x1] =	stream.indirect.gather [hbm4b:s2+s5], $0x80, s3, s5, $0xb8;
	[tilespmem:$0xC990] =	vst v63  }
0xd3: {  	_ =	swait.ge [sflag:s6], $0xC800  }
0xd4: {  	s10 =	sshll.u32 s10, $0x4;
	[sflag:s6] =	ssyncset.done $0x0  }
0xd5: {  	s10 =	sadd.s32 s1, s10;
	[sflag:s6] =	ssyncadd.s32 $0xFFFF3800  }
0xd6: {  	[hbm4b:s10+s3] =	stream.linear.scatter [tilespmem:s5], [sflag:$0x2], $0xC800, $0x38;
	[tilespmem:$0xC990] =	vst v63  }
0xd7: {  	s12 =	sadd.s32 $0x1770, s0;
	_ =	swait.ge [sflag:s4], $0xC800  }
0xd8: {  	s11 =	sshrl.u32 s12, $0x3;
	[sflag:s4] =	ssyncset.done $0x0  }
0xd9: {  	s11 =	sadd.s32 s30, s11;
	[sflag:s4] =	ssyncadd.s32 $0xFFFF3800  }
0xda: {  	[tilespmem:s3], [sflag:$0x2] =	stream.linear.gather [hbm4b:s11+s3], $0x190, $0x38;
	[tilespmem:$0xC990] =	vst v63  }
0xdb: {  	_ =	swait.ge [sflag:s4], $0x190  }
0xdc: {  	[sflag:s4] =	ssyncset.done $0x0  }
0xdd: {  	[sflag:s4] =	ssyncadd.s32 $0xFFFFFE70  }
0xde: {  	[tilespmem:s5], [sflag:$0x1] =	stream.indirect.gather [hbm4b:s2+s5], $0x80, s3, s5, $0xb8;
	[tilespmem:$0xC990] =	vst v63  }
0xdf: {  	_ =	swait.ge [sflag:s6], $0xC800  }
0xe0: {  	s12 =	sshll.u32 s12, $0x4;
	[sflag:s6] =	ssyncset.done $0x0  }
0xe1: {  	s12 =	sadd.s32 s1, s12;
	[sflag:s6] =	ssyncadd.s32 $0xFFFF3800  }
0xe2: {  	[hbm4b:s12+s3] =	stream.linear.scatter [tilespmem:s5], [sflag:$0x2], $0xC800, $0x38;
	[tilespmem:$0xC990] =	vst v63  }
0xe3: {  	s14 =	sadd.s32 $0x1900, s0;
	_ =	swait.ge [sflag:s4], $0xC800  }
0xe4: {  	s13 =	sshrl.u32 s14, $0x3;
	[sflag:s4] =	ssyncset.done $0x0  }
0xe5: {  	s13 =	sadd.s32 s30, s13;
	[sflag:s4] =	ssyncadd.s32 $0xFFFF3800  }
0xe6: {  	[tilespmem:s3], [sflag:$0x2] =	stream.linear.gather [hbm4b:s13+s3], $0x190, $0x38;
	[tilespmem:$0xC990] =	vst v63  }
0xe7: {  	_ =	swait.ge [sflag:s4], $0x190  }
0xe8: {  	[sflag:s4] =	ssyncset.done $0x0  }
0xe9: {  	[sflag:s4] =	ssyncadd.s32 $0xFFFFFE70  }
0xea: {  	[tilespmem:s5], [sflag:$0x1] =	stream.indirect.gather [hbm4b:s2+s5], $0x80, s3, s5, $0xb8;
	[tilespmem:$0xC990] =	vst v63  }
0xeb: {  	_ =	swait.ge [sflag:s6], $0xC800  }
0xec: {  	s14 =	sshll.u32 s14, $0x4;
	[sflag:s6] =	ssyncset.done $0x0  }
0xed: {  	s14 =	sadd.s32 s1, s14;
	[sflag:s6] =	ssyncadd.s32 $0xFFFF3800  }
0xee: {  	[hbm4b:s14+s3] =	stream.linear.scatter [tilespmem:s5], [sflag:$0x2], $0xC800, $0x38;
	[tilespmem:$0xC990] =	vst v63  }
0xef: {  	s16 =	sadd.s32 $0x1A90, s0;
	_ =	swait.ge [sflag:s4], $0xC800  }
0xf0: {  	s15 =	sshrl.u32 s16, $0x3;
	[sflag:s4] =	ssyncset.done $0x0  }
0xf1: {  	s15 =	sadd.s32 s30, s15;
	[sflag:s4] =	ssyncadd.s32 $0xFFFF3800  }
0xf2: {  	[tilespmem:s3], [sflag:$0x2] =	stream.linear.gather [hbm4b:s15+s3], $0x190, $0x38;
	[tilespmem:$0xC990] =	vst v63  }
0xf3: {  	_ =	swait.ge [sflag:s4], $0x190  }
0xf4: {  	[sflag:s4] =	ssyncset.done $0x0  }
0xf5: {  	[sflag:s4] =	ssyncadd.s32 $0xFFFFFE70  }
0xf6: {  	[tilespmem:s5], [sflag:$0x1] =	stream.indirect.gather [hbm4b:s2+s5], $0x80, s3, s5, $0xb8;
	[tilespmem:$0xC990] =	vst v63  }
0xf7: {  	_ =	swait.ge [sflag:s6], $0xC800  }
0xf8: {  	s16 =	sshll.u32 s16, $0x4;
	[sflag:s6] =	ssyncset.done $0x0  }
0xf9: {  	s16 =	sadd.s32 s1, s16;
	[sflag:s6] =	ssyncadd.s32 $0xFFFF3800  }
0xfa: {  	[hbm4b:s16+s3] =	stream.linear.scatter [tilespmem:s5], [sflag:$0x2], $0xC800, $0x38;
	[tilespmem:$0xC990] =	vst v63  }
0xfb: {  	s18 =	sadd.s32 $0x1C20, s0;
	_ =	swait.ge [sflag:s4], $0xC800  }
0xfc: {  	s17 =	sshrl.u32 s18, $0x3;
	[sflag:s4] =	ssyncset.done $0x0  }
0xfd: {  	s17 =	sadd.s32 s30, s17;
	[sflag:s4] =	ssyncadd.s32 $0xFFFF3800  }
0xfe: {  	[tilespmem:s3], [sflag:$0x2] =	stream.linear.gather [hbm4b:s17+s3], $0x190, $0x38;
	[tilespmem:$0xC990] =	vst v63  }
0xff: {  	_ =	swait.ge [sflag:s4], $0x190  }
0x100: {  	[sflag:s4] =	ssyncset.done $0x0  }
0x101: {  	[sflag:s4] =	ssyncadd.s32 $0xFFFFFE70  }
0x102: {  	[tilespmem:s5], [sflag:$0x1] =	stream.indirect.gather [hbm4b:s2+s5], $0x80, s3, s5, $0xb8;
	[tilespmem:$0xC990] =	vst v63  }
0x103: {  	_ =	swait.ge [sflag:s6], $0xC800  }
0x104: {  	s18 =	sshll.u32 s18, $0x4;
	[sflag:s6] =	ssyncset.done $0x0  }
0x105: {  	s18 =	sadd.s32 s1, s18;
	[sflag:s6] =	ssyncadd.s32 $0xFFFF3800  }
0x106: {  	[hbm4b:s18+s3] =	stream.linear.scatter [tilespmem:s5], [sflag:$0x2], $0xC800, $0x38;
	[tilespmem:$0xC990] =	vst v63  }
0x107: {  	s20 =	sadd.s32 $0x1DB0, s0;
	_ =	swait.ge [sflag:s4], $0xC800  }
0x108: {  	s19 =	sshrl.u32 s20, $0x3;
	[sflag:s4] =	ssyncset.done $0x0  }
0x109: {  	s19 =	sadd.s32 s30, s19;
	[sflag:s4] =	ssyncadd.s32 $0xFFFF3800  }
0x10a: {  	[tilespmem:s3], [sflag:$0x2] =	stream.linear.gather [hbm4b:s19+s3], $0x190, $0x38;
	[tilespmem:$0xC990] =	vst v63  }
0x10b: {  	_ =	swait.ge [sflag:s4], $0x190  }
0x10c: {  	[sflag:s4] =	ssyncset.done $0x0  }
0x10d: {  	[sflag:s4] =	ssyncadd.s32 $0xFFFFFE70  }
0x10e: {  	[tilespmem:s5], [sflag:$0x1] =	stream.indirect.gather [hbm4b:s2+s5], $0x80, s3, s5, $0xb8;
	[tilespmem:$0xC990] =	vst v63  }
0x10f: {  	_ =	swait.ge [sflag:s6], $0xC800  }
0x110: {  	s20 =	sshll.u32 s20, $0x4;
	[sflag:s6] =	ssyncset.done $0x0  }
0x111: {  	s20 =	sadd.s32 s1, s20;
	[sflag:s6] =	ssyncadd.s32 $0xFFFF3800  }
0x112: {  	[hbm4b:s20+s3] =	stream.linear.scatter [tilespmem:s5], [sflag:$0x2], $0xC800, $0x38;
	[tilespmem:$0xC990] =	vst v63  }
0x113: {  	s22 =	sadd.s32 $0x1F40, s0;
	_ =	swait.ge [sflag:s4], $0xC800  }
0x114: {  	s21 =	sshrl.u32 s22, $0x3;
	[sflag:s4] =	ssyncset.done $0x0  }
0x115: {  	s21 =	sadd.s32 s30, s21;
	[sflag:s4] =	ssyncadd.s32 $0xFFFF3800  }
0x116: {  	[tilespmem:s3], [sflag:$0x2] =	stream.linear.gather [hbm4b:s21+s3], $0x190, $0x38;
	[tilespmem:$0xC990] =	vst v63  }
0x117: {  	_ =	swait.ge [sflag:s4], $0x190  }
0x118: {  	[sflag:s4] =	ssyncset.done $0x0  }
0x119: {  	[sflag:s4] =	ssyncadd.s32 $0xFFFFFE70  }
0x11a: {  	[tilespmem:s5], [sflag:$0x1] =	stream.indirect.gather [hbm4b:s2+s5], $0x80, s3, s5, $0xb8;
	[tilespmem:$0xC990] =	vst v63  }
0x11b: {  	_ =	swait.ge [sflag:s6], $0xC800  }
0x11c: {  	s22 =	sshll.u32 s22, $0x4;
	[sflag:s6] =	ssyncset.done $0x0  }
0x11d: {  	s22 =	sadd.s32 s1, s22;
	[sflag:s6] =	ssyncadd.s32 $0xFFFF3800  }
0x11e: {  	[hbm4b:s22+s3] =	stream.linear.scatter [tilespmem:s5], [sflag:$0x2], $0xC800, $0x38;
	[tilespmem:$0xC990] =	vst v63  }
0x11f: {  	s24 =	sadd.s32 $0x20D0, s0;
	_ =	swait.ge [sflag:s4], $0xC800  }
0x120: {  	s23 =	sshrl.u32 s24, $0x3;
	[sflag:s4] =	ssyncset.done $0x0  }
0x121: {  	s23 =	sadd.s32 s30, s23;
	[sflag:s4] =	ssyncadd.s32 $0xFFFF3800  }
0x122: {  	[tilespmem:s3], [sflag:$0x2] =	stream.linear.gather [hbm4b:s23+s3], $0x190, $0x38;
	[tilespmem:$0xC990] =	vst v63  }
0x123: {  	_ =	swait.ge [sflag:s4], $0x190  }
0x124: {  	[sflag:s4] =	ssyncset.done $0x0  }
0x125: {  	[sflag:s4] =	ssyncadd.s32 $0xFFFFFE70  }
0x126: {  	[tilespmem:s5], [sflag:$0x1] =	stream.indirect.gather [hbm4b:s2+s5], $0x80, s3, s5, $0xb8;
	[tilespmem:$0xC990] =	vst v63  }
0x127: {  	_ =	swait.ge [sflag:s6], $0xC800  }
0x128: {  	s24 =	sshll.u32 s24, $0x4;
	[sflag:s6] =	ssyncset.done $0x0  }
0x129: {  	s24 =	sadd.s32 s1, s24;
	[sflag:s6] =	ssyncadd.s32 $0xFFFF3800  }
0x12a: {  	[hbm4b:s24+s3] =	stream.linear.scatter [tilespmem:s5], [sflag:$0x2], $0xC800, $0x38;
	[tilespmem:$0xC990] =	vst v63  }
0x12b: {  	s26 =	sadd.s32 $0x2260, s0;
	_ =	swait.ge [sflag:s4], $0xC800  }
0x12c: {  	s25 =	sshrl.u32 s26, $0x3;
	[sflag:s4] =	ssyncset.done $0x0  }
0x12d: {  	s25 =	sadd.s32 s30, s25;
	[sflag:s4] =	ssyncadd.s32 $0xFFFF3800  }
0x12e: {  	[tilespmem:s3], [sflag:$0x2] =	stream.linear.gather [hbm4b:s25+s3], $0x190, $0x38;
	[tilespmem:$0xC990] =	vst v63  }
0x12f: {  	_ =	swait.ge [sflag:s4], $0x190  }
0x130: {  	[sflag:s4] =	ssyncset.done $0x0  }
0x131: {  	[sflag:s4] =	ssyncadd.s32 $0xFFFFFE70  }
0x132: {  	[tilespmem:s5], [sflag:$0x1] =	stream.indirect.gather [hbm4b:s2+s5], $0x80, s3, s5, $0xb8;
	[tilespmem:$0xC990] =	vst v63  }
0x133: {  	_ =	swait.ge [sflag:s6], $0xC800  }
0x134: {  	s26 =	sshll.u32 s26, $0x4;
	[sflag:s6] =	ssyncset.done $0x0  }
0x135: {  	s26 =	sadd.s32 s1, s26;
	[dreg:$0x1d] =	wrdreg s1;
	[sflag:s6] =	ssyncadd.s32 $0xFFFF3800  }
0x136: {  	[hbm4b:s26+s3] =	stream.linear.scatter [tilespmem:s5], [sflag:$0x2], $0xC800, $0x38;
	[tilespmem:$0xC990] =	vst v63  }
0x137: {  	s29 =	sadd.s32 $0x23F0, s0;
	_ =	swait.ge [sflag:s4], $0xC800  }
0x138: {  	s28 =	sshrl.u32 s29, $0x3;
	[sflag:s4] =	ssyncset.done $0x0  }
0x139: {  	s28 =	sadd.s32 s30, s28;
	[sflag:s4] =	ssyncadd.s32 $0xFFFF3800  }
0x13a: {  	[tilespmem:s3], [sflag:$0x2] =	stream.linear.gather [hbm4b:s28+s3], $0x190, $0x38;
	[tilespmem:$0xC990] =	vst v63  }
0x13b: {  	_ =	swait.ge [sflag:s4], $0x190  }
0x13c: {  	[sflag:s4] =	ssyncset.done $0x0  }
0x13d: {  	[sflag:s4] =	ssyncadd.s32 $0xFFFFFE70  }
0x13e: {  	[tilespmem:s5], [sflag:$0x1] =	stream.indirect.gather [hbm4b:s2+s5], $0x80, s3, s5, $0xb8;
	[tilespmem:$0xC990] =	vst v63  }
0x13f: {  	_ =	swait.ge [sflag:s6], $0xC800  }
0x140: {  	s29 =	sshll.u32 s29, $0x4;
	[sflag:s6] =	ssyncset.done $0x0  }
0x141: {  	s29 =	sadd.s32 s1, s29;
	s0 =	sadd.s32 $0x2580, s0;
	[sflag:s6] =	ssyncadd.s32 $0xFFFF3800  }
0x142: {  	[hbm4b:s29+s3] =	stream.linear.scatter [tilespmem:s5], [sflag:$0x2], $0xC800, $0x38;
	[tilespmem:$0xC990] =	vst v63  }
0x143: {  	s1 =	sshrl.u32 s0, $0x3;
	_ =	swait.ge [sflag:s4], $0xC800  }
0x144: {  	s30 =	sadd.s32 s30, s1;
	s1 =	ssub.s32 $0x2, s31;
	[sflag:s4] =	ssyncset.done $0x0  }
0x145: {  	s31 =	sshrl.u32 s1, $0x1;
	[sflag:s4] =	ssyncadd.s32 $0xFFFF3800  }
0x146: {  	[tilespmem:s3], [sflag:$0x2] =	stream.linear.gather [hbm4b:s30+s3], $0x190, $0x38;
	[tilespmem:$0xC990] =	vst v63  }
0x147: {  	s1 =	ssub.s32 s1, s31;
	_ =	swait.ge [sflag:s4], $0x190  }
0x148: {  	s1 =	smax.u32 s1, $0x1;
	[sflag:s4] =	ssyncset.done $0x0  }
0x149: {  	p0 =	sne.s32 s1, $0x1;
	[sflag:s4] =	ssyncadd.s32 $0xFFFFFE70  }
0x14a: {  	[tilespmem:s5], [sflag:$0x1] =	stream.indirect.gather [hbm4b:s2+s5], $0x80, s3, s5, $0xb8;
	[tilespmem:$0xC990] =	vst v63  }
.Ltmp0:
0x14b: {  	_ =	swait.ge [sflag:s6], $0xC800;
	(pc) =	sbr.rel @!p0 .LBB2_2-.Ltmp0, $4  }
0x14c: {  	s0 =	sshll.u32 s0, $0x4;
	[sflag:s6] =	ssyncset.done $0x0;
	s31 =	rddreg [dreg:$0x1d]  }
0x14d: {  	s31 =	sadd.s32 s31, s0;
	[sflag:s6] =	ssyncadd.s32 $0xFFFF3800  }
0x14e: {  	[hbm4b:s31+s3] =	stream.linear.scatter [tilespmem:s5], [sflag:$0x2], $0xC800, $0x38;
	[tilespmem:$0xC990] =	vst v63  }
0x14f: {  	s1 =	sadd.s32 $0xFFFFFFFF, s1;
	_ =	swait.ge [sflag:s4], $0xC800  }
.LBB2_1:
0x150: {  	[sflag:s4] =	ssyncset.done $0x0  }
0x151: {  	s0 =	rddreg [dreg:$0x3];
	[sflag:s4] =	ssyncadd.s32 $0xFFFF3800  }
0x152: {  	[tilespmem:s3], [sflag:$0x2] =	stream.linear.gather [hbm4b:s0+s3], $0x190, $0x38;
	[tilespmem:$0xC990] =	vst v63  }
0x153: {  	_ =	swait.ge [sflag:s4], $0x190  }
0x154: {  	[sflag:s4] =	ssyncset.done $0x0  }
0x155: {  	[sflag:s4] =	ssyncadd.s32 $0xFFFFFE70  }
0x156: {  	[tilespmem:s5], [sflag:$0x1] =	stream.indirect.gather [hbm4b:s2+s5], $0x80, s3, s5, $0xb8;
	[tilespmem:$0xC990] =	vst v63  }
0x157: {  	_ =	swait.ge [sflag:s6], $0xC800  }
0x158: {  	[sflag:s6] =	ssyncset.done $0x0  }
0x159: {  	s0 =	rddreg [dreg:$0x4];
	[sflag:s6] =	ssyncadd.s32 $0xFFFF3800  }
0x15a: {  	[hbm4b:s0+s3] =	stream.linear.scatter [tilespmem:s5], [sflag:$0x2], $0xC800, $0x38;
	[tilespmem:$0xC990] =	vst v63  }
0x15b: {  	_ =	swait.ge [sflag:s4], $0xC800  }
0x15c: {  	[sflag:s4] =	ssyncset.done $0x0  }
0x15d: {  	s0 =	rddreg [dreg:$0x5];
	[sflag:s4] =	ssyncadd.s32 $0xFFFF3800  }
0x15e: {  	[tilespmem:s3], [sflag:$0x2] =	stream.linear.gather [hbm4b:s0+s3], $0x190, $0x38;
	[tilespmem:$0xC990] =	vst v63  }
0x15f: {  	_ =	swait.ge [sflag:s4], $0x190  }
0x160: {  	[sflag:s4] =	ssyncset.done $0x0  }
0x161: {  	[sflag:s4] =	ssyncadd.s32 $0xFFFFFE70  }
0x162: {  	[tilespmem:s5], [sflag:$0x1] =	stream.indirect.gather [hbm4b:s2+s5], $0x80, s3, s5, $0xb8;
	[tilespmem:$0xC990] =	vst v63  }
0x163: {  	_ =	swait.ge [sflag:s6], $0xC800  }
0x164: {  	[sflag:s6] =	ssyncset.done $0x0  }
0x165: {  	s0 =	rddreg [dreg:$0x6];
	[sflag:s6] =	ssyncadd.s32 $0xFFFF3800  }
0x166: {  	[hbm4b:s0+s3] =	stream.linear.scatter [tilespmem:s5], [sflag:$0x2], $0xC800, $0x38;
	[tilespmem:$0xC990] =	vst v63  }
0x167: {  	_ =	swait.ge [sflag:s4], $0xC800  }
0x168: {  	[sflag:s4] =	ssyncset.done $0x0  }
0x169: {  	s0 =	rddreg [dreg:$0x7];
	[sflag:s4] =	ssyncadd.s32 $0xFFFF3800  }
0x16a: {  	[tilespmem:s3], [sflag:$0x2] =	stream.linear.gather [hbm4b:s0+s3], $0x190, $0x38;
	[tilespmem:$0xC990] =	vst v63  }
0x16b: {  	_ =	swait.ge [sflag:s4], $0x190  }
0x16c: {  	[sflag:s4] =	ssyncset.done $0x0  }
0x16d: {  	[sflag:s4] =	ssyncadd.s32 $0xFFFFFE70  }
0x16e: {  	[tilespmem:s5], [sflag:$0x1] =	stream.indirect.gather [hbm4b:s2+s5], $0x80, s3, s5, $0xb8;
	[tilespmem:$0xC990] =	vst v63  }
0x16f: {  	_ =	swait.ge [sflag:s6], $0xC800  }
0x170: {  	[sflag:s6] =	ssyncset.done $0x0  }
0x171: {  	s0 =	rddreg [dreg:$0x8];
	[sflag:s6] =	ssyncadd.s32 $0xFFFF3800  }
0x172: {  	[hbm4b:s0+s3] =	stream.linear.scatter [tilespmem:s5], [sflag:$0x2], $0xC800, $0x38;
	[tilespmem:$0xC990] =	vst v63  }
0x173: {  	_ =	swait.ge [sflag:s4], $0xC800  }
0x174: {  	[sflag:s4] =	ssyncset.done $0x0  }
0x175: {  	s0 =	rddreg [dreg:$0x9];
	[sflag:s4] =	ssyncadd.s32 $0xFFFF3800  }
0x176: {  	[tilespmem:s3], [sflag:$0x2] =	stream.linear.gather [hbm4b:s0+s3], $0x190, $0x38;
	[tilespmem:$0xC990] =	vst v63  }
0x177: {  	_ =	swait.ge [sflag:s4], $0x190  }
0x178: {  	[sflag:s4] =	ssyncset.done $0x0  }
0x179: {  	[sflag:s4] =	ssyncadd.s32 $0xFFFFFE70  }
0x17a: {  	[tilespmem:s5], [sflag:$0x1] =	stream.indirect.gather [hbm4b:s2+s5], $0x80, s3, s5, $0xb8;
	[tilespmem:$0xC990] =	vst v63  }
0x17b: {  	_ =	swait.ge [sflag:s6], $0xC800  }
0x17c: {  	[sflag:s6] =	ssyncset.done $0x0  }
0x17d: {  	s0 =	rddreg [dreg:$0xa];
	[sflag:s6] =	ssyncadd.s32 $0xFFFF3800  }
0x17e: {  	[hbm4b:s0+s3] =	stream.linear.scatter [tilespmem:s5], [sflag:$0x2], $0xC800, $0x38;
	[tilespmem:$0xC990] =	vst v63  }
0x17f: {  	_ =	swait.ge [sflag:s4], $0xC800  }
0x180: {  	[sflag:s4] =	ssyncset.done $0x0  }
0x181: {  	s0 =	rddreg [dreg:$0xb];
	[sflag:s4] =	ssyncadd.s32 $0xFFFF3800  }
0x182: {  	[tilespmem:s3], [sflag:$0x2] =	stream.linear.gather [hbm4b:s0+s3], $0x190, $0x38;
	[tilespmem:$0xC990] =	vst v63  }
0x183: {  	_ =	swait.ge [sflag:s4], $0x190  }
0x184: {  	[sflag:s4] =	ssyncset.done $0x0  }
0x185: {  	[sflag:s4] =	ssyncadd.s32 $0xFFFFFE70  }
0x186: {  	[tilespmem:s5], [sflag:$0x1] =	stream.indirect.gather [hbm4b:s2+s5], $0x80, s3, s5, $0xb8;
	[tilespmem:$0xC990] =	vst v63  }
0x187: {  	_ =	swait.ge [sflag:s6], $0xC800  }
0x188: {  	[sflag:s6] =	ssyncset.done $0x0  }
0x189: {  	s0 =	rddreg [dreg:$0xc];
	[sflag:s6] =	ssyncadd.s32 $0xFFFF3800  }
0x18a: {  	[hbm4b:s0+s3] =	stream.linear.scatter [tilespmem:s5], [sflag:$0x2], $0xC800, $0x38;
	[tilespmem:$0xC990] =	vst v63  }
0x18b: {  	_ =	swait.ge [sflag:s4], $0xC800  }
0x18c: {  	[sflag:s4] =	ssyncset.done $0x0  }
0x18d: {  	s0 =	rddreg [dreg:$0xd];
	[sflag:s4] =	ssyncadd.s32 $0xFFFF3800  }
0x18e: {  	[tilespmem:s3], [sflag:$0x2] =	stream.linear.gather [hbm4b:s0+s3], $0x190, $0x38;
	[tilespmem:$0xC990] =	vst v63  }
0x18f: {  	_ =	swait.ge [sflag:s4], $0x190  }
0x190: {  	[sflag:s4] =	ssyncset.done $0x0  }
0x191: {  	[sflag:s4] =	ssyncadd.s32 $0xFFFFFE70  }
0x192: {  	[tilespmem:s5], [sflag:$0x1] =	stream.indirect.gather [hbm4b:s2+s5], $0x80, s3, s5, $0xb8;
	[tilespmem:$0xC990] =	vst v63  }
0x193: {  	_ =	swait.ge [sflag:s6], $0xC800  }
0x194: {  	[sflag:s6] =	ssyncset.done $0x0  }
0x195: {  	s0 =	rddreg [dreg:$0xe];
	[sflag:s6] =	ssyncadd.s32 $0xFFFF3800  }
0x196: {  	[hbm4b:s0+s3] =	stream.linear.scatter [tilespmem:s5], [sflag:$0x2], $0xC800, $0x38;
	[tilespmem:$0xC990] =	vst v63  }
0x197: {  	_ =	swait.ge [sflag:s4], $0xC800  }
0x198: {  	[sflag:s4] =	ssyncset.done $0x0  }
0x199: {  	s0 =	rddreg [dreg:$0xf];
	[sflag:s4] =	ssyncadd.s32 $0xFFFF3800  }
0x19a: {  	[tilespmem:s3], [sflag:$0x2] =	stream.linear.gather [hbm4b:s0+s3], $0x190, $0x38;
	[tilespmem:$0xC990] =	vst v63  }
0x19b: {  	_ =	swait.ge [sflag:s4], $0x190  }
0x19c: {  	[sflag:s4] =	ssyncset.done $0x0  }
0x19d: {  	[sflag:s4] =	ssyncadd.s32 $0xFFFFFE70  }
0x19e: {  	[tilespmem:s5], [sflag:$0x1] =	stream.indirect.gather [hbm4b:s2+s5], $0x80, s3, s5, $0xb8;
	[tilespmem:$0xC990] =	vst v63  }
0x19f: {  	_ =	swait.ge [sflag:s6], $0xC800  }
0x1a0: {  	[sflag:s6] =	ssyncset.done $0x0  }
0x1a1: {  	s0 =	rddreg [dreg:$0x10];
	[sflag:s6] =	ssyncadd.s32 $0xFFFF3800  }
0x1a2: {  	[hbm4b:s0+s3] =	stream.linear.scatter [tilespmem:s5], [sflag:$0x2], $0xC800, $0x38;
	[tilespmem:$0xC990] =	vst v63  }
0x1a3: {  	_ =	swait.ge [sflag:s4], $0xC800  }
0x1a4: {  	[sflag:s4] =	ssyncset.done $0x0  }
0x1a5: {  	s0 =	rddreg [dreg:$0x11];
	[sflag:s4] =	ssyncadd.s32 $0xFFFF3800  }
0x1a6: {  	[tilespmem:s3], [sflag:$0x2] =	stream.linear.gather [hbm4b:s0+s3], $0x190, $0x38;
	[tilespmem:$0xC990] =	vst v63  }
0x1a7: {  	_ =	swait.ge [sflag:s4], $0x190  }
0x1a8: {  	[sflag:s4] =	ssyncset.done $0x0  }
0x1a9: {  	[sflag:s4] =	ssyncadd.s32 $0xFFFFFE70  }
0x1aa: {  	[tilespmem:s5], [sflag:$0x1] =	stream.indirect.gather [hbm4b:s2+s5], $0x80, s3, s5, $0xb8;
	[tilespmem:$0xC990] =	vst v63  }
0x1ab: {  	_ =	swait.ge [sflag:s6], $0xC800  }
0x1ac: {  	[sflag:s6] =	ssyncset.done $0x0  }
0x1ad: {  	s0 =	rddreg [dreg:$0x12];
	[sflag:s6] =	ssyncadd.s32 $0xFFFF3800  }
0x1ae: {  	[hbm4b:s0+s3] =	stream.linear.scatter [tilespmem:s5], [sflag:$0x2], $0xC800, $0x38;
	[tilespmem:$0xC990] =	vst v63  }
0x1af: {  	_ =	swait.ge [sflag:s4], $0xC800  }
0x1b0: {  	[sflag:s4] =	ssyncset.done $0x0  }
0x1b1: {  	s0 =	rddreg [dreg:$0x13];
	[sflag:s4] =	ssyncadd.s32 $0xFFFF3800  }
0x1b2: {  	[tilespmem:s3], [sflag:$0x2] =	stream.linear.gather [hbm4b:s0+s3], $0x190, $0x38;
	[tilespmem:$0xC990] =	vst v63  }
0x1b3: {  	_ =	swait.ge [sflag:s4], $0x190  }
0x1b4: {  	[sflag:s4] =	ssyncset.done $0x0  }
0x1b5: {  	[sflag:s4] =	ssyncadd.s32 $0xFFFFFE70  }
0x1b6: {  	[tilespmem:s5], [sflag:$0x1] =	stream.indirect.gather [hbm4b:s2+s5], $0x80, s3, s5, $0xb8;
	[tilespmem:$0xC990] =	vst v63  }
0x1b7: {  	_ =	swait.ge [sflag:s6], $0xC800  }
0x1b8: {  	[sflag:s6] =	ssyncset.done $0x0  }
0x1b9: {  	s0 =	rddreg [dreg:$0x14];
	[sflag:s6] =	ssyncadd.s32 $0xFFFF3800  }
0x1ba: {  	[hbm4b:s0+s3] =	stream.linear.scatter [tilespmem:s5], [sflag:$0x2], $0xC800, $0x38;
	[tilespmem:$0xC990] =	vst v63  }
0x1bb: {  	_ =	swait.ge [sflag:s4], $0xC800  }
0x1bc: {  	[sflag:s4] =	ssyncset.done $0x0  }
0x1bd: {  	s0 =	rddreg [dreg:$0x15];
	[sflag:s4] =	ssyncadd.s32 $0xFFFF3800  }
0x1be: {  	[tilespmem:s3], [sflag:$0x2] =	stream.linear.gather [hbm4b:s0+s3], $0x190, $0x38;
	[tilespmem:$0xC990] =	vst v63  }
0x1bf: {  	_ =	swait.ge [sflag:s4], $0x190  }
0x1c0: {  	[sflag:s4] =	ssyncset.done $0x0  }
0x1c1: {  	[sflag:s4] =	ssyncadd.s32 $0xFFFFFE70  }
0x1c2: {  	[tilespmem:s5], [sflag:$0x1] =	stream.indirect.gather [hbm4b:s2+s5], $0x80, s3, s5, $0xb8;
	[tilespmem:$0xC990] =	vst v63  }
0x1c3: {  	_ =	swait.ge [sflag:s6], $0xC800  }
0x1c4: {  	[sflag:s6] =	ssyncset.done $0x0  }
0x1c5: {  	s0 =	rddreg [dreg:$0x16];
	[sflag:s6] =	ssyncadd.s32 $0xFFFF3800  }
0x1c6: {  	[hbm4b:s0+s3] =	stream.linear.scatter [tilespmem:s5], [sflag:$0x2], $0xC800, $0x38;
	[tilespmem:$0xC990] =	vst v63  }
0x1c7: {  	_ =	swait.ge [sflag:s4], $0xC800  }
0x1c8: {  	[sflag:s4] =	ssyncset.done $0x0  }
0x1c9: {  	s0 =	rddreg [dreg:$0x17];
	[sflag:s4] =	ssyncadd.s32 $0xFFFF3800  }
0x1ca: {  	[tilespmem:s3], [sflag:$0x2] =	stream.linear.gather [hbm4b:s0+s3], $0x190, $0x38;
	[tilespmem:$0xC990] =	vst v63  }
0x1cb: {  	_ =	swait.ge [sflag:s4], $0x190  }
0x1cc: {  	[sflag:s4] =	ssyncset.done $0x0  }
0x1cd: {  	[sflag:s4] =	ssyncadd.s32 $0xFFFFFE70  }
0x1ce: {  	[tilespmem:s5], [sflag:$0x1] =	stream.indirect.gather [hbm4b:s2+s5], $0x80, s3, s5, $0xb8;
	[tilespmem:$0xC990] =	vst v63  }
0x1cf: {  	_ =	swait.ge [sflag:s6], $0xC800  }
0x1d0: {  	[sflag:s6] =	ssyncset.done $0x0  }
0x1d1: {  	s0 =	rddreg [dreg:$0x18];
	[sflag:s6] =	ssyncadd.s32 $0xFFFF3800  }
0x1d2: {  	[hbm4b:s0+s3] =	stream.linear.scatter [tilespmem:s5], [sflag:$0x2], $0xC800, $0x38;
	[tilespmem:$0xC990] =	vst v63  }
0x1d3: {  	_ =	swait.ge [sflag:s4], $0xC800  }
0x1d4: {  	[sflag:s4] =	ssyncset.done $0x0  }
0x1d5: {  	s0 =	rddreg [dreg:$0x19];
	[sflag:s4] =	ssyncadd.s32 $0xFFFF3800  }
0x1d6: {  	[tilespmem:s3], [sflag:$0x2] =	stream.linear.gather [hbm4b:s0+s3], $0x190, $0x38;
	[tilespmem:$0xC990] =	vst v63  }
0x1d7: {  	_ =	swait.ge [sflag:s4], $0x190  }
0x1d8: {  	[sflag:s4] =	ssyncset.done $0x0  }
0x1d9: {  	[sflag:s4] =	ssyncadd.s32 $0xFFFFFE70  }
0x1da: {  	[tilespmem:s5], [sflag:$0x1] =	stream.indirect.gather [hbm4b:s2+s5], $0x80, s3, s5, $0xb8;
	[tilespmem:$0xC990] =	vst v63  }
0x1db: {  	_ =	swait.ge [sflag:s6], $0xC800  }
0x1dc: {  	[sflag:s6] =	ssyncset.done $0x0  }
0x1dd: {  	s0 =	rddreg [dreg:$0x1a];
	[sflag:s6] =	ssyncadd.s32 $0xFFFF3800  }
0x1de: {  	[hbm4b:s0+s3] =	stream.linear.scatter [tilespmem:s5], [sflag:$0x2], $0xC800, $0x38;
	[tilespmem:$0xC990] =	vst v63  }
0x1df: {  	_ =	swait.ge [sflag:s4], $0xC800  }
0x1e0: {  	[sflag:s4] =	ssyncset.done $0x0  }
0x1e1: {  	s0 =	rddreg [dreg:$0x1b];
	[sflag:s4] =	ssyncadd.s32 $0xFFFF3800  }
0x1e2: {  	[tilespmem:s3], [sflag:$0x2] =	stream.linear.gather [hbm4b:s0+s3], $0x190, $0x38;
	[tilespmem:$0xC990] =	vst v63  }
0x1e3: {  	_ =	swait.ge [sflag:s4], $0x190  }
0x1e4: {  	[sflag:s4] =	ssyncset.done $0x0  }
0x1e5: {  	[sflag:s4] =	ssyncadd.s32 $0xFFFFFE70  }
0x1e6: {  	[tilespmem:s5], [sflag:$0x1] =	stream.indirect.gather [hbm4b:s2+s5], $0x80, s3, s5, $0xb8;
	[tilespmem:$0xC990] =	vst v63  }
0x1e7: {  	_ =	swait.ge [sflag:s6], $0xC800  }
0x1e8: {  	[sflag:s6] =	ssyncset.done $0x0  }
0x1e9: {  	s0 =	rddreg [dreg:$0x1c];
	[sflag:s6] =	ssyncadd.s32 $0xFFFF3800  }
0x1ea: {  	[hbm4b:s0+s3] =	stream.linear.scatter [tilespmem:s5], [sflag:$0x2], $0xC800, $0x38;
	[tilespmem:$0xC990] =	vst v63  }
0x1eb: {  	_ =	swait.ge [sflag:s4], $0xC800  }
0x1ec: {  	[sflag:s4] =	ssyncset.done $0x0  }
0x1ed: {  	[sflag:s4] =	ssyncadd.s32 $0xFFFF3800  }
0x1ee: {  	[tilespmem:s3], [sflag:$0x2] =	stream.linear.gather [hbm4b:s7+s3], $0x190, $0x38;
	[tilespmem:$0xC990] =	vst v63  }
0x1ef: {  	_ =	swait.ge [sflag:s4], $0x190  }
0x1f0: {  	[sflag:s4] =	ssyncset.done $0x0  }
0x1f1: {  	[sflag:s4] =	ssyncadd.s32 $0xFFFFFE70  }
0x1f2: {  	[tilespmem:s5], [sflag:$0x1] =	stream.indirect.gather [hbm4b:s2+s5], $0x80, s3, s5, $0xb8;
	[tilespmem:$0xC990] =	vst v63  }
0x1f3: {  	_ =	swait.ge [sflag:s6], $0xC800  }
0x1f4: {  	[sflag:s6] =	ssyncset.done $0x0  }
0x1f5: {  	[sflag:s6] =	ssyncadd.s32 $0xFFFF3800  }
0x1f6: {  	[hbm4b:s8+s3] =	stream.linear.scatter [tilespmem:s5], [sflag:$0x2], $0xC800, $0x38;
	[tilespmem:$0xC990] =	vst v63  }
0x1f7: {  	_ =	swait.ge [sflag:s4], $0xC800  }
0x1f8: {  	[sflag:s4] =	ssyncset.done $0x0  }
0x1f9: {  	[sflag:s4] =	ssyncadd.s32 $0xFFFF3800  }
0x1fa: {  	[tilespmem:s3], [sflag:$0x2] =	stream.linear.gather [hbm4b:s9+s3], $0x190, $0x38;
	[tilespmem:$0xC990] =	vst v63  }
0x1fb: {  	_ =	swait.ge [sflag:s4], $0x190  }
0x1fc: {  	[sflag:s4] =	ssyncset.done $0x0  }
0x1fd: {  	[sflag:s4] =	ssyncadd.s32 $0xFFFFFE70  }
0x1fe: {  	[tilespmem:s5], [sflag:$0x1] =	stream.indirect.gather [hbm4b:s2+s5], $0x80, s3, s5, $0xb8;
	[tilespmem:$0xC990] =	vst v63  }
0x1ff: {  	_ =	swait.ge [sflag:s6], $0xC800  }
0x200: {  	[sflag:s6] =	ssyncset.done $0x0  }
0x201: {  	[sflag:s6] =	ssyncadd.s32 $0xFFFF3800  }
0x202: {  	[hbm4b:s10+s3] =	stream.linear.scatter [tilespmem:s5], [sflag:$0x2], $0xC800, $0x38;
	[tilespmem:$0xC990] =	vst v63  }
0x203: {  	_ =	swait.ge [sflag:s4], $0xC800  }
0x204: {  	[sflag:s4] =	ssyncset.done $0x0  }
0x205: {  	[sflag:s4] =	ssyncadd.s32 $0xFFFF3800  }
0x206: {  	[tilespmem:s3], [sflag:$0x2] =	stream.linear.gather [hbm4b:s11+s3], $0x190, $0x38;
	[tilespmem:$0xC990] =	vst v63  }
0x207: {  	_ =	swait.ge [sflag:s4], $0x190  }
0x208: {  	[sflag:s4] =	ssyncset.done $0x0  }
0x209: {  	[sflag:s4] =	ssyncadd.s32 $0xFFFFFE70  }
0x20a: {  	[tilespmem:s5], [sflag:$0x1] =	stream.indirect.gather [hbm4b:s2+s5], $0x80, s3, s5, $0xb8;
	[tilespmem:$0xC990] =	vst v63  }
0x20b: {  	_ =	swait.ge [sflag:s6], $0xC800  }
0x20c: {  	[sflag:s6] =	ssyncset.done $0x0  }
0x20d: {  	[sflag:s6] =	ssyncadd.s32 $0xFFFF3800  }
0x20e: {  	[hbm4b:s12+s3] =	stream.linear.scatter [tilespmem:s5], [sflag:$0x2], $0xC800, $0x38;
	[tilespmem:$0xC990] =	vst v63  }
0x20f: {  	_ =	swait.ge [sflag:s4], $0xC800  }
0x210: {  	[sflag:s4] =	ssyncset.done $0x0  }
0x211: {  	[sflag:s4] =	ssyncadd.s32 $0xFFFF3800  }
0x212: {  	[tilespmem:s3], [sflag:$0x2] =	stream.linear.gather [hbm4b:s13+s3], $0x190, $0x38;
	[tilespmem:$0xC990] =	vst v63  }
0x213: {  	_ =	swait.ge [sflag:s4], $0x190  }
0x214: {  	[sflag:s4] =	ssyncset.done $0x0  }
0x215: {  	[sflag:s4] =	ssyncadd.s32 $0xFFFFFE70  }
0x216: {  	[tilespmem:s5], [sflag:$0x1] =	stream.indirect.gather [hbm4b:s2+s5], $0x80, s3, s5, $0xb8;
	[tilespmem:$0xC990] =	vst v63  }
0x217: {  	_ =	swait.ge [sflag:s6], $0xC800  }
0x218: {  	[sflag:s6] =	ssyncset.done $0x0  }
0x219: {  	[sflag:s6] =	ssyncadd.s32 $0xFFFF3800  }
0x21a: {  	[hbm4b:s14+s3] =	stream.linear.scatter [tilespmem:s5], [sflag:$0x2], $0xC800, $0x38;
	[tilespmem:$0xC990] =	vst v63  }
0x21b: {  	_ =	swait.ge [sflag:s4], $0xC800  }
0x21c: {  	[sflag:s4] =	ssyncset.done $0x0  }
0x21d: {  	[sflag:s4] =	ssyncadd.s32 $0xFFFF3800  }
0x21e: {  	[tilespmem:s3], [sflag:$0x2] =	stream.linear.gather [hbm4b:s15+s3], $0x190, $0x38;
	[tilespmem:$0xC990] =	vst v63  }
0x21f: {  	_ =	swait.ge [sflag:s4], $0x190  }
0x220: {  	[sflag:s4] =	ssyncset.done $0x0  }
0x221: {  	[sflag:s4] =	ssyncadd.s32 $0xFFFFFE70  }
0x222: {  	[tilespmem:s5], [sflag:$0x1] =	stream.indirect.gather [hbm4b:s2+s5], $0x80, s3, s5, $0xb8;
	[tilespmem:$0xC990] =	vst v63  }
0x223: {  	_ =	swait.ge [sflag:s6], $0xC800  }
0x224: {  	[sflag:s6] =	ssyncset.done $0x0  }
0x225: {  	[sflag:s6] =	ssyncadd.s32 $0xFFFF3800  }
0x226: {  	[hbm4b:s16+s3] =	stream.linear.scatter [tilespmem:s5], [sflag:$0x2], $0xC800, $0x38;
	[tilespmem:$0xC990] =	vst v63  }
0x227: {  	_ =	swait.ge [sflag:s4], $0xC800  }
0x228: {  	[sflag:s4] =	ssyncset.done $0x0  }
0x229: {  	[sflag:s4] =	ssyncadd.s32 $0xFFFF3800  }
0x22a: {  	[tilespmem:s3], [sflag:$0x2] =	stream.linear.gather [hbm4b:s17+s3], $0x190, $0x38;
	[tilespmem:$0xC990] =	vst v63  }
0x22b: {  	_ =	swait.ge [sflag:s4], $0x190  }
0x22c: {  	[sflag:s4] =	ssyncset.done $0x0  }
0x22d: {  	[sflag:s4] =	ssyncadd.s32 $0xFFFFFE70  }
0x22e: {  	[tilespmem:s5], [sflag:$0x1] =	stream.indirect.gather [hbm4b:s2+s5], $0x80, s3, s5, $0xb8;
	[tilespmem:$0xC990] =	vst v63  }
0x22f: {  	_ =	swait.ge [sflag:s6], $0xC800  }
0x230: {  	[sflag:s6] =	ssyncset.done $0x0  }
0x231: {  	[sflag:s6] =	ssyncadd.s32 $0xFFFF3800  }
0x232: {  	[hbm4b:s18+s3] =	stream.linear.scatter [tilespmem:s5], [sflag:$0x2], $0xC800, $0x38;
	[tilespmem:$0xC990] =	vst v63  }
0x233: {  	_ =	swait.ge [sflag:s4], $0xC800  }
0x234: {  	[sflag:s4] =	ssyncset.done $0x0  }
0x235: {  	[sflag:s4] =	ssyncadd.s32 $0xFFFF3800  }
0x236: {  	[tilespmem:s3], [sflag:$0x2] =	stream.linear.gather [hbm4b:s19+s3], $0x190, $0x38;
	[tilespmem:$0xC990] =	vst v63  }
0x237: {  	_ =	swait.ge [sflag:s4], $0x190  }
0x238: {  	[sflag:s4] =	ssyncset.done $0x0  }
0x239: {  	[sflag:s4] =	ssyncadd.s32 $0xFFFFFE70  }
0x23a: {  	[tilespmem:s5], [sflag:$0x1] =	stream.indirect.gather [hbm4b:s2+s5], $0x80, s3, s5, $0xb8;
	[tilespmem:$0xC990] =	vst v63  }
0x23b: {  	_ =	swait.ge [sflag:s6], $0xC800  }
0x23c: {  	[sflag:s6] =	ssyncset.done $0x0  }
0x23d: {  	[sflag:s6] =	ssyncadd.s32 $0xFFFF3800  }
0x23e: {  	[hbm4b:s20+s3] =	stream.linear.scatter [tilespmem:s5], [sflag:$0x2], $0xC800, $0x38;
	[tilespmem:$0xC990] =	vst v63  }
0x23f: {  	_ =	swait.ge [sflag:s4], $0xC800  }
0x240: {  	[sflag:s4] =	ssyncset.done $0x0  }
0x241: {  	[sflag:s4] =	ssyncadd.s32 $0xFFFF3800  }
0x242: {  	[tilespmem:s3], [sflag:$0x2] =	stream.linear.gather [hbm4b:s21+s3], $0x190, $0x38;
	[tilespmem:$0xC990] =	vst v63  }
0x243: {  	_ =	swait.ge [sflag:s4], $0x190  }
0x244: {  	[sflag:s4] =	ssyncset.done $0x0  }
0x245: {  	[sflag:s4] =	ssyncadd.s32 $0xFFFFFE70  }
0x246: {  	[tilespmem:s5], [sflag:$0x1] =	stream.indirect.gather [hbm4b:s2+s5], $0x80, s3, s5, $0xb8;
	[tilespmem:$0xC990] =	vst v63  }
0x247: {  	_ =	swait.ge [sflag:s6], $0xC800  }
0x248: {  	[sflag:s6] =	ssyncset.done $0x0  }
0x249: {  	[sflag:s6] =	ssyncadd.s32 $0xFFFF3800  }
0x24a: {  	[hbm4b:s22+s3] =	stream.linear.scatter [tilespmem:s5], [sflag:$0x2], $0xC800, $0x38;
	[tilespmem:$0xC990] =	vst v63  }
0x24b: {  	_ =	swait.ge [sflag:s4], $0xC800  }
0x24c: {  	[sflag:s4] =	ssyncset.done $0x0  }
0x24d: {  	[sflag:s4] =	ssyncadd.s32 $0xFFFF3800  }
0x24e: {  	[tilespmem:s3], [sflag:$0x2] =	stream.linear.gather [hbm4b:s23+s3], $0x190, $0x38;
	[tilespmem:$0xC990] =	vst v63  }
0x24f: {  	_ =	swait.ge [sflag:s4], $0x190  }
0x250: {  	[sflag:s4] =	ssyncset.done $0x0  }
0x251: {  	[sflag:s4] =	ssyncadd.s32 $0xFFFFFE70  }
0x252: {  	[tilespmem:s5], [sflag:$0x1] =	stream.indirect.gather [hbm4b:s2+s5], $0x80, s3, s5, $0xb8;
	[tilespmem:$0xC990] =	vst v63  }
0x253: {  	_ =	swait.ge [sflag:s6], $0xC800  }
0x254: {  	[sflag:s6] =	ssyncset.done $0x0  }
0x255: {  	[sflag:s6] =	ssyncadd.s32 $0xFFFF3800  }
0x256: {  	[hbm4b:s24+s3] =	stream.linear.scatter [tilespmem:s5], [sflag:$0x2], $0xC800, $0x38;
	[tilespmem:$0xC990] =	vst v63  }
0x257: {  	_ =	swait.ge [sflag:s4], $0xC800  }
0x258: {  	[sflag:s4] =	ssyncset.done $0x0  }
0x259: {  	[sflag:s4] =	ssyncadd.s32 $0xFFFF3800  }
0x25a: {  	[tilespmem:s3], [sflag:$0x2] =	stream.linear.gather [hbm4b:s25+s3], $0x190, $0x38;
	[tilespmem:$0xC990] =	vst v63  }
0x25b: {  	_ =	swait.ge [sflag:s4], $0x190  }
0x25c: {  	[sflag:s4] =	ssyncset.done $0x0  }
0x25d: {  	[sflag:s4] =	ssyncadd.s32 $0xFFFFFE70  }
0x25e: {  	[tilespmem:s5], [sflag:$0x1] =	stream.indirect.gather [hbm4b:s2+s5], $0x80, s3, s5, $0xb8;
	[tilespmem:$0xC990] =	vst v63  }
0x25f: {  	_ =	swait.ge [sflag:s6], $0xC800  }
0x260: {  	[sflag:s6] =	ssyncset.done $0x0  }
0x261: {  	[sflag:s6] =	ssyncadd.s32 $0xFFFF3800  }
0x262: {  	[hbm4b:s26+s3] =	stream.linear.scatter [tilespmem:s5], [sflag:$0x2], $0xC800, $0x38;
	[tilespmem:$0xC990] =	vst v63  }
0x263: {  	_ =	swait.ge [sflag:s4], $0xC800  }
0x264: {  	[sflag:s4] =	ssyncset.done $0x0  }
0x265: {  	[sflag:s4] =	ssyncadd.s32 $0xFFFF3800  }
0x266: {  	[tilespmem:s3], [sflag:$0x2] =	stream.linear.gather [hbm4b:s28+s3], $0x190, $0x38;
	[tilespmem:$0xC990] =	vst v63  }
0x267: {  	_ =	swait.ge [sflag:s4], $0x190  }
0x268: {  	[sflag:s4] =	ssyncset.done $0x0  }
0x269: {  	[sflag:s4] =	ssyncadd.s32 $0xFFFFFE70  }
0x26a: {  	[tilespmem:s5], [sflag:$0x1] =	stream.indirect.gather [hbm4b:s2+s5], $0x80, s3, s5, $0xb8;
	[tilespmem:$0xC990] =	vst v63  }
0x26b: {  	_ =	swait.ge [sflag:s6], $0xC800  }
0x26c: {  	[sflag:s6] =	ssyncset.done $0x0  }
0x26d: {  	[sflag:s6] =	ssyncadd.s32 $0xFFFF3800  }
0x26e: {  	[hbm4b:s29+s3] =	stream.linear.scatter [tilespmem:s5], [sflag:$0x2], $0xC800, $0x38;
	[tilespmem:$0xC990] =	vst v63  }
0x26f: {  	_ =	swait.ge [sflag:s4], $0xC800  }
0x270: {  	[sflag:s4] =	ssyncset.done $0x0  }
0x271: {  	[sflag:s4] =	ssyncadd.s32 $0xFFFF3800  }
0x272: {  	[tilespmem:s3], [sflag:$0x2] =	stream.linear.gather [hbm4b:s30+s3], $0x190, $0x38;
	[tilespmem:$0xC990] =	vst v63  }
0x273: {  	_ =	swait.ge [sflag:s4], $0x190  }
0x274: {  	[sflag:s4] =	ssyncset.done $0x0  }
0x275: {  	p0 =	sne.s32 s1, $0x1;
	[sflag:s4] =	ssyncadd.s32 $0xFFFFFE70  }
0x276: {  	[tilespmem:s5], [sflag:$0x1] =	stream.indirect.gather [hbm4b:s2+s5], $0x80, s3, s5, $0xb8;
	[tilespmem:$0xC990] =	vst v63  }
.Ltmp1:
0x277: {  	_ =	swait.ge [sflag:s6], $0xC800;
	(pc) =	sbr.rel @p0 .LBB2_1-.Ltmp1, $4  }
0x278: {  	[sflag:s6] =	ssyncset.done $0x0  }
0x279: {  	[sflag:s6] =	ssyncadd.s32 $0xFFFF3800  }
0x27a: {  	[hbm4b:s31+s3] =	stream.linear.scatter [tilespmem:s5], [sflag:$0x2], $0xC800, $0x38;
	[tilespmem:$0xC990] =	vst v63  }
0x27b: {  	s1 =	sadd.s32 $0xFFFFFFFF, s1;
	_ =	swait.ge [sflag:s4], $0xC800  }
.LBB2_2:
0x27c: {  	[sflag:s4] =	ssyncset.done $0x0  }
0x27d: {  	[sflag:s4] =	ssyncadd.s32 $0xFFFF3800  }
0x27e: {  	_ =	sfence.sel $0x180000  }
0x27f: {  	[bflag:$0x0] =	sbarrier.arrive $0xFFFF  }
0x280: {  	_ =	strace $0x90000047  }
0x281: {  	s0 =	stileid.u32;
	[bflag:$0x2] =	sbarrier.arrive $0xFFFF  }
0x282: {  	p0 =	sne.s32 s0, $0x0;
	s0 =	rddreg [dreg:$0x2]  }
0x283: {  	s0 =	sadd.s32 @!p0 $0x100000, s0  }
0x284: {  	[sflag:s0] =	ssyncadd.tile.s32 @!p0 $0x1;
	_ =	shalt  }
.Lfunc_end2:
_tile_overlayer_lowered:
.L_overlay_start_2:
0x285: {  	(tag) =	ssettag $0x2  }
0x286: {  	s0 =	rddreg [dreg:$0x0];
	s2 =	stileid.u32  }
0x287: {  	s1 =	rddreg [dreg:$0x1];
	p0 =	sne.s32 s2, $0x0  }
0x288: {  	s3 =	rddreg [dreg:$0x2];
	[bflag:$0x3] =	sbarrier.arrive $0xFFFF;
	s2 =	simm.s32 @!p0 $0x1C02  }
0x289: {  	[timem:s3], [sflag:s2] =	dma.local @!p0 [hbm:s0], s1  }
0x28a: {  	s0 =	simm.s32 @!p0 $0x2  }
0x28b: {  	_ =	swait.ge @!p0 [sflag:s0], s1  }
0x28c: {  	s1 =	ssub.s32 @!p0 $0x0, s1;
	[sflag:s0] =	ssyncset.done @!p0 $0x0  }
0x28d: {  	[sflag:s0] =	ssyncadd.s32 @!p0 s1  }
0x28e: {  	[bflag:$0x3] =	sbarrier.arrive $0xFFFF  }
0x28f: {  	_ =	shalt  }

// kernel: kernel.16.cloned.1.call-start
scs
__scs_entry_jumppad:
0x0: {  	(pc) =	sbr.rel $0x88, $3  }
0x1: {  	(tag) =	ssettag $0x0;
	lr =	simm.s32 $0x1  }
0x2: {  	[smem:$0x3F76] =	sst lr;
	_ =	strace $0xD0000000  }
0x3: {  	_ = 	snop  }
0x4: {  	_ = 	snop  }
0x5: {  	_ = 	snop  }
0x6: {  	_ = 	snop  }
0x7: {  	_ = 	snop  }
__scs_overlays_trampoline_lowered:
0x8: {  	[smem:$0x3F85] =	sst s0  }
0x9: {  	[smem:$0x3F86] =	sst s1  }
0xa: {  	[smem:$0x3F87] =	sst s2  }
0xb: {  	[smem:$0x3F88] =	sst s3  }
0xc: {  	[smem:$0x3F89] =	sst s4  }
0xd: {  	[smem:$0x3F8A] =	sst s5  }
0xe: {  	[smem:$0x3F8B] =	sst s6  }
0xf: {  	[smem:$0x3F8C] =	sst s7  }
0x10: {  	[smem:$0x3F8D] =	sst s8  }
0x11: {  	[smem:$0x3F8E] =	sst s9;
	s0 =	simm.s32 @!p0 $0x0  }
0x12: {  	s1 =	sld [smem:$0x3F74];
	s0 =	simm.s32 @p0 $0x1  }
0x13: {  	[smem:$0x3F8F] =	sst s0;
	s0 =	simm.s32 @!p1 $0x0  }
0x14: {  	s2 =	sld [smem:$0x3F73];
	s0 =	simm.s32 @p1 $0x1  }
0x15: {  	[smem:$0x3F90] =	sst s0;
	s0 =	simm.s32 @!p2 $0x0  }
0x16: {  	s3 =	sld [smem:$0x3FDB];
	s0 =	simm.s32 @p2 $0x1  }
0x17: {  	s4 =	simm.s32 $0x1BF5;
	[smem:$0x3F92] =	sst s0  }
0x18: {  	s0 =	sld [smem:$0x3F75];
	_ =	swait.ge [sflag:s4], $0x0  }
0x19: {  	s7 =	sld [smem:$0x3F76]  }
0x1a: {  	s8 =	sadd.s32 $0xFFFFE003, lr  }
0x1b: {  	s9 =	sadd.s32 $0xFFFFFEF7, lr;
	s5 =	simm.s32 $0xFFFFFFFF;
	p2 =	slt.u32 s8, $0xFFFFF086  }
0x1c: {  	p1 =	slt.u32 s9, $0xF7A;
	s5 =	simm.s32 @!p2 $0x0  }
0x1d: {  	s5 =	simm.s32 @p1 $0x1;
	p0 =	seq.s32 s7, s2  }
0x1e: {  	s7 =	smul.u32 @!p0 $0xF7A, s2;
	p2 =	seq.s32 @!p0 s5, $0x0  }
0x1f: {  	s9 =	smul.u32 $0xF7A, s1;
	s8 =	simm.s32 @!p0 $0x1BF5;
	p2 =	por !p2, p0  }
0x20: {  	[sflag:s8] =	ssyncset.s32 @!p0 $0xFFFFF086;
	s6 =	sadd.s32 @!p0 s3, s7;
	s7 =	simm.s32 @!p0 $0x108  }
0x21: {  	s3 =	sadd.s32 s3, s9;
	s6 =	sadd.s32 @!p0 $0x88, s6;
	s7 =	simm.s32 @p2 $0x1082  }
0x22: {  	[simem:s7], [sflag:s8] =	dma.local @!p0 [hbm:s6], $0xF7A  }
0x23: {  	s9 =	sor.u32 $0xD0000000, s2;
	s6 =	simm.s32 $0x108;
	_ =	swait.ge @!p0 [sflag:s8], $0x0  }
0x24: {  	s3 =	sadd.s32 $0x88, s3;
	s6 =	simm.s32 @!p1 $0x1082;
	[sflag:s4] =	ssyncset.s32 $0xFFFFF086  }
0x25: {  	[simem:s6], [sflag:s4] =	dma.local [hbm:s3], $0xF7A  }
0x26: {  	[smem:$0x3F76] =	sst s1;
	(tag) =	ssettag s2;
	_ =	strace s9  }
0x27: {  	s1 =	sld [smem:$0x3F86]  }
0x28: {  	s2 =	sld [smem:$0x3F87]  }
0x29: {  	s4 =	sld [smem:$0x3F89]  }
0x2a: {  	p0 =	seq.s32 s5, $0x0;
	s5 =	sld [smem:$0x3F8A]  }
0x2b: {  	s6 =	sld [smem:$0x3F8B]  }
0x2c: {  	s7 =	sld [smem:$0x3F8C]  }
0x2d: {  	s3 =	simm.s32 $0x108;
	s8 =	sld [smem:$0x3F8D]  }
0x2e: {  	s3 =	simm.s32 @!p0 $0x1082;
	s9 =	sld [smem:$0x3F8E]  }
0x2f: {  	lr =	sadd.s32 s0, s3;
	s0 =	sld [smem:$0x3F85]  }
0x30: {  	s3 =	sld [smem:$0x3F88]  }
0x31: {  	[smem:$0x3F91] =	sst s10  }
0x32: {  	s10 =	sld [smem:$0x3F8F];
	_ =	sdelay $0x3  }
0x33: {  	p0 =	seq.s32 s10, $0x1;
	s10 =	sld [smem:$0x3F91];
	_ =	sdelay $0x3  }
0x34: {  	[smem:$0x3F91] =	sst s10  }
0x35: {  	s10 =	sld [smem:$0x3F90];
	_ =	sdelay $0x3  }
0x36: {  	p1 =	seq.s32 s10, $0x1;
	s10 =	sld [smem:$0x3F91];
	_ =	sdelay $0x3  }
0x37: {  	[smem:$0x3F91] =	sst s10  }
0x38: {  	s10 =	sld [smem:$0x3F92]  }
0x39: {  	_ = 	snop;
	(pc) =	sbr.ind lr, $3  }
0x3a: {  	_ = 	snop  }
0x3b: {  	_ = 	snop  }
0x3c: {  	p2 =	seq.s32 s10, $0x1;
	s10 =	sld [smem:$0x3F91]  }
0x3d: {  	_ =	shalt  }
0x3e: {  	_ =	shalt  }
0x3f: {  	_ =	shalt  }
0x40: {  	_ =	shalt  }
0x41: {  	_ =	shalt  }
0x42: {  	_ =	shalt  }
0x43: {  	_ =	shalt  }
0x44: {  	_ =	shalt  }
0x45: {  	_ =	shalt  }
0x46: {  	_ =	shalt  }
0x47: {  	_ =	shalt  }
0x48: {  	_ =	shalt  }
0x49: {  	_ =	shalt  }
0x4a: {  	_ =	shalt  }
0x4b: {  	_ =	shalt  }
0x4c: {  	_ =	shalt  }
0x4d: {  	_ =	shalt  }
0x4e: {  	_ =	shalt  }
0x4f: {  	_ =	shalt  }
0x50: {  	_ =	shalt  }
0x51: {  	_ =	shalt  }
0x52: {  	_ =	shalt  }
0x53: {  	_ =	shalt  }
0x54: {  	_ =	shalt  }
0x55: {  	_ =	shalt  }
0x56: {  	_ =	shalt  }
0x57: {  	_ =	shalt  }
0x58: {  	_ =	shalt  }
0x59: {  	_ =	shalt  }
0x5a: {  	_ =	shalt  }
0x5b: {  	_ =	shalt  }
0x5c: {  	_ =	shalt  }
0x5d: {  	_ =	shalt  }
0x5e: {  	_ =	shalt  }
0x5f: {  	_ =	shalt  }
0x60: {  	_ =	shalt  }
0x61: {  	_ =	shalt  }
0x62: {  	_ =	shalt  }
0x63: {  	_ =	shalt  }
0x64: {  	_ =	shalt  }
0x65: {  	_ =	shalt  }
0x66: {  	_ =	shalt  }
0x67: {  	_ =	shalt  }
0x68: {  	_ =	shalt  }
0x69: {  	_ =	shalt  }
0x6a: {  	_ =	shalt  }
0x6b: {  	_ =	shalt  }
0x6c: {  	_ =	shalt  }
0x6d: {  	_ =	shalt  }
0x6e: {  	_ =	shalt  }
0x6f: {  	_ =	shalt  }
0x70: {  	_ =	shalt  }
0x71: {  	_ =	shalt  }
0x72: {  	_ =	shalt  }
0x73: {  	_ =	shalt  }
0x74: {  	_ =	shalt  }
0x75: {  	_ =	shalt  }
0x76: {  	_ =	shalt  }
0x77: {  	_ =	shalt  }
0x78: {  	_ =	shalt  }
0x79: {  	_ =	shalt  }
0x7a: {  	_ =	shalt  }
0x7b: {  	_ =	shalt  }
0x7c: {  	_ =	shalt  }
0x7d: {  	_ =	shalt  }
0x7e: {  	_ =	shalt  }
0x7f: {  	_ =	shalt  }
0x80: {  	_ =	shalt  }
0x81: {  	_ =	shalt  }
0x82: {  	_ =	shalt  }
0x83: {  	_ =	shalt  }
0x84: {  	_ =	shalt  }
0x85: {  	_ =	shalt  }
0x86: {  	_ =	shalt  }
0x87: {  	_ =	shalt  }
.Lfunc_end0:
.L_simem_size_0:
called_computation.1_lowered:
.L_overlay_start_0:
0x88: {  	s2 =	sld [smem:$0x3FD9]  }
0x89: {  	s3 =	sld [smem:$0x3FFE];
	_ =	sdelay $0x1  }
0x8a: {  	s1 =	srdreg.scid  }
0x8b: {  	s0 =	sand.u32 $0x1, s1  }
0x8c: {  	s16 =	sshll.u32 s0, $0xA;
	s2 =	sadd.s32 s3, s2  }
0x8d: {  	s2 =	sadd.s32 s2, s16  }
0x8e: {  	[smem:$0x3F9D] =	sst s2  }
0x8f: {  	_ = 	snop  }
0x90: {  	(tm) =	ssettm $0x1  }
0x91: {  	s17 =	sld [smem:$0x3FFB];
	_ =	sdelay $0x3  }
0x92: {  	_ =	strace s17  }
0x93: {  	s2 =	sld [smem:$0x3FFC];
	_ =	sdelay $0x3  }
0x94: {  	_ =	strace s2  }
0x95: {  	s2 =	sld [smem:$0x3FFD];
	_ =	sdelay $0x3  }
0x96: {  	_ =	strace s2  }
0x97: {  	_ =	strace $0x8FFFFFFF  }
0x98: {  	s18 =	sld [smem:$0x3FDB];
	_ =	sdelay $0x1  }
0x99: {  	s19 =	simm.s32 $_scs_section_size  }
0x9a: {  	s4 =	simm.s32 $_size__tile_overlayer_lowered;
	s5 =	simm.s32 $_tile_overlayer_lowered  }
0x9b: {  	s22 =	simm.s32 $0x1BFF;
	s21 =	sshll.u32 s5, $0x1;
	s2 =	sadd.s32 s19, s18  }
0x9c: {  	s6 =	simm.s32 $0x0;
	s20 =	sshll.u32 s4, $0x1;
	s4 =	sadd.s32 s21, s2  }
0x9d: {  	[timem:s6], [sflag:s22] =	dma.local [hbm:s4], s20  }
0x9e: {  	_ =	swait.ge [sflag:s22], s20  }
0x9f: {  	s3 =	ssub.s32 $0x0, s20;
	[sflag:s22] =	ssyncset.done $0x0  }
0xa0: {  	[sflag:s22] =	ssyncadd.s32 s3;
	_ =	sdelay $0x1  }
0xa1: {  	s23 =	simm.s32 $0x1B8B  }
0xa2: {  	_ =	swait.ge [sflag:s23], $0x1  }
0xa3: {  	[sflag:s23] =	ssyncset.done $0x0  }
0xa4: {  	s25 =	simm.s32 $0x1B8E;
	s24 =	sld [smem:$0x3FFE];
	[sflag:s23] =	ssyncadd.s32 $0xFFFFFFFF  }
0xa5: {  	s26 =	simm.s32 $execute0_lowered;
	[smem:$0x3FD2] =	sst s25  }
0xa6: {  	s4 =	sshll.u32 s26, $0x1;
	_ =	strace $0x80000049;
	[dreg:$0x1] =	wrdreg $0xFFFFFFFF  }
0xa7: {  	s28 =	simm.s32 $_size_execute0_lowered;
	s2 =	sadd.s32 s2, s4;
	[dreg:$0x0] =	wrdreg $0x0  }
0xa8: {  	s4 =	sshll.u32 s28, $0x1;
	[dreg:$0x2] =	wrdreg s2  }
0xa9: {  	[dreg:$0x3] =	wrdreg s4  }
0xaa: {  	[dreg:$0x4] =	wrdreg $0xC0  }
0xab: {  	_ =	task [dreg:s6], $0x5FFFF  }
0xac: {  	[dreg:$0x1] =	wrdreg $0xFFFFFFFF  }
0xad: {  	[dreg:$0x0] =	wrdreg $0x60  }
0xae: {  	[dreg:$0x2] =	wrdreg s24  }
0xaf: {  	[dreg:$0x3] =	wrdreg $0x9  }
0xb0: {  	_ =	task.clear_ibuf [dreg:s6], $0x4FFFF;
	_ =	strace $0x90000049  }
0xb1: {  	s29 =	simm.s32 $0x9;
	_ =	strace $0x8000004B  }
0xb2: {  	_ =	swait.ge [sflag:s29], $0x1  }
0xb3: {  	[sflag:s29] =	ssyncadd.s32 $0xFFFFFFFF  }
0xb4: {  	_ =	strace $0x9000004B  }
0xb5: {  	_ =	sfence  }
0xb6: {  	s30 =	sld [smem:$0x0];
	_ =	sdelay $0x2  }
0xb7: {  	s31 =	sshll.u32 s1, $0xD;
	s1 =	sshrl.u32 s1, $0x2  }
0xb8: {  	s3 =	sand.u32 $0x4000, s31;
	s1 =	sadd.s32 s1, s30  }
0xb9: {  	s0 =	sor.u32 s3, s0;
	s1 =	sshll.u32 s1, $0x11  }
0xba: {  	s0 =	sor.u32 s1, s0  }
0xbb: {  	s0 =	sadd.s32 $0x8F2B, s0  }
0xbc: {  	[sflag:s0] =	ssyncadd.remote.s32 $0x1  }
0xbd: {  	_ =	sfence.sel $0xFFFF  }
0xbe: {  	[dreg:$0x0] =	wrdreg $0xFFFFFFFF;
	(pc) =	sbr.abs _section_cstart, $3  }
0xbf: {  	[dreg:$0x1] =	wrdreg $0xFFFFFFFF  }
0xc0: {  	_ =	task.clear_ibuf [dreg:s6], $0x2FFFF;
	_ =	strace $0x9FFFFFFF  }
0xc1: {  	(tm) =	ssettm $0x7FFFFFFF  }
tec
execute0_lowered:
.L_overlay_start_1:
0x0: {  	(tag) =	ssettag $0x1  }
0x1: {  	s0 =	srdreg.scid;
	s1 =	stileid.u32  }
0x2: {  	s31 =	sand.u32 $0x1, s0;
	s15 =	sshll.u32 s1, $0x1  }
0x3: {  	s3 =	sor.u32 s31, s15  }
0x4: {  	s4 =	rddreg [dreg:$0x0];
	s2 =	simm.s32 $0x0;
	s0 =	smul.u32 $0x2710, s3  }
0x5: {  	[smem:$0x7FF] =	sst s2;
	s30 =	sadd.s32 $0x9000, s4;
	s3 =	smul.u32 $0x27100, s3  }
0x6: {  	s1 =	sadd.s32 $0x51C400, s4;
	_ =	strace $0x8000004A  }
0x7: {  	s5 =	sshrl.u32 s0, $0x3;
	s6 =	sadd.s32 $0x190, s0;
	s3 =	sadd.s32 s1, s3  }
0x8: {  	s20 =	sadd.s32 $0x320, s0;
	s22 =	sadd.s32 $0x4B0, s0;
	s8 =	sadd.s32 $0x7D0, s0  }
0x9: {  	s14 =	sadd.s32 $0x960, s0;
	s5 =	sadd.s32 s30, s5;
	s16 =	sshrl.u32 s6, $0x3  }
0xa: {  	[dreg:$0x3] =	wrdreg s3;
	s18 =	sshll.u32 s6, $0x4;
	s21 =	sshrl.u32 s20, $0x3  }
0xb: {  	s24 =	sshrl.u32 s22, $0x3;
	s26 =	sshll.u32 s22, $0x4;
	s6 =	sadd.s32 $0x640, s0  }
0xc: {  	s10 =	sshrl.u32 s8, $0x3;
	[dreg:$0x2] =	wrdreg s5;
	s17 =	sadd.s32 s30, s16  }
0xd: {  	s12 =	sshll.u32 s8, $0x4;
	s19 =	sadd.s32 s1, s18;
	[dreg:$0x4] =	wrdreg s17  }
0xe: {  	s15 =	sshrl.u32 s14, $0x3;
	s3 =	sadd.s32 s30, s21;
	[dreg:$0x5] =	wrdreg s19  }
0xf: {  	s22 =	sadd.s32 $0xC80, s0;
	s25 =	sadd.s32 s30, s24;
	[dreg:$0x6] =	wrdreg s3  }
0x10: {  	s5 =	sshll.u32 s20, $0x4;
	s11 =	sadd.s32 s30, s10;
	[dreg:$0x8] =	wrdreg s25  }
0x11: {  	s7 =	sshrl.u32 s6, $0x3;
	s13 =	sadd.s32 s1, s12;
	[dreg:$0xc] =	wrdreg s11  }
0x12: {  	s16 =	sadd.s32 $0xAF0, s0;
	s23 =	sadd.s32 s1, s5;
	[dreg:$0xd] =	wrdreg s13  }
0x13: {  	s24 =	sadd.s32 $0xE10, s0;
	s5 =	sadd.s32 s1, s26;
	[dreg:$0x7] =	wrdreg s23  }
0x14: {  	s3 =	sadd.s32 s30, s7;
	s18 =	sshrl.u32 s16, $0x3;
	[dreg:$0x9] =	wrdreg s5  }
0x15: {  	s20 =	sshll.u32 s16, $0x4;
	[dreg:$0xa] =	wrdreg s3;
	s3 =	sadd.s32 s30, s15  }
0x16: {  	s26 =	sshrl.u32 s24, $0x3;
	s19 =	sadd.s32 s30, s18;
	[dreg:$0xe] =	wrdreg s3  }
0x17: {  	s7 =	sshll.u32 s24, $0x4;
	s21 =	sadd.s32 s1, s20;
	[dreg:$0x10] =	wrdreg s19  }
0x18: {  	s11 =	sadd.s32 $0x1130, s0;
	s8 =	sadd.s32 s1, s7;
	[dreg:$0x11] =	wrdreg s21  }
0x19: {  	s5 =	sshll.u32 s6, $0x4;
	s23 =	sshrl.u32 s22, $0x3;
	[dreg:$0x15] =	wrdreg s8  }
0x1a: {  	s13 =	sshrl.u32 s11, $0x3;
	s9 =	sadd.s32 s1, s5;
	s19 =	rddreg [dreg:$0x2]  }
0x1b: {  	s15 =	sshll.u32 s11, $0x4;
	s3 =	sadd.s32 s30, s23;
	[dreg:$0xb] =	wrdreg s9  }
0x1c: {  	s5 =	sshll.u32 s14, $0x4;
	s14 =	sadd.s32 s30, s13;
	[dreg:$0x12] =	wrdreg s3  }
0x1d: {  	s16 =	sadd.s32 s1, s15;
	s17 =	sadd.s32 s1, s5;
	[dreg:$0x18] =	wrdreg s14  }
0x1e: {  	s5 =	sshll.u32 s22, $0x4;
	s9 =	sadd.s32 $0xFA0, s0;
	[dreg:$0x19] =	wrdreg s16  }
0x1f: {  	[tilespmem:s2], [sflag:$0x2] =	stream.linear.gather [hbm4b:s19+s2], $0x190, $0x38;
	[tilespmem:$0xC990] =	vst v63  }
0x20: {  	[dreg:$0xf] =	wrdreg s17;
	s25 =	sadd.s32 s1, s5;
	s5 =	sadd.s32 s30, s26  }
0x21: {  	s10 =	sshrl.u32 s9, $0x3;
	s17 =	sadd.s32 $0x12C0, s0;
	[dreg:$0x13] =	wrdreg s25  }
0x22: {  	[dreg:$0x14] =	wrdreg s5;
	s3 =	sadd.s32 s30, s10;
	s5 =	sshll.u32 s9, $0x4  }
0x23: {  	s18 =	sshrl.u32 s17, $0x3;
	[dreg:$0x16] =	wrdreg s3;
	s12 =	sadd.s32 s1, s5  }
0x24: {  	s3 =	sadd.s32 s30, s18;
	s5 =	sshll.u32 s17, $0x4;
	[dreg:$0x17] =	wrdreg s12  }
0x25: {  	[dreg:$0x1a] =	wrdreg s3;
	s20 =	sadd.s32 s1, s5  }
0x26: {  	s3 =	simm.s32 $0x2;
	[dreg:$0x1b] =	wrdreg s20  }
0x27: {  	_ =	swait.ge [sflag:s3], $0x190  }
0x28: {  	s4 =	sadd.s32 $0x3A000, s4;
	[sflag:s3] =	ssyncset.done $0x0  }
0x29: {  	s6 =	simm.s32 $0x1;
	s5 =	simm.s32 $0x190;
	[sflag:s3] =	ssyncadd.s32 $0xFFFFFE70  }
0x2a: {  	[tilespmem:s5], [sflag:$0x1] =	stream.indirect.gather [hbm4b:s4+s5], $0x80, s2, s5, $0xb8;
	[tilespmem:$0xC990] =	vst v63  }
0x2b: {  	_ =	swait.ge [sflag:s6], $0xC800  }
0x2c: {  	[sflag:s6] =	ssyncset.done $0x0  }
0x2d: {  	s7 =	rddreg [dreg:$0x3];
	[sflag:s6] =	ssyncadd.s32 $0xFFFF3800  }
0x2e: {  	[hbm4b:s7+s2] =	stream.linear.scatter [tilespmem:s5], [sflag:$0x2], $0xC800, $0x38;
	[tilespmem:$0xC990] =	vst v63  }
0x2f: {  	_ =	swait.ge [sflag:s3], $0xC800  }
0x30: {  	[sflag:s3] =	ssyncset.done $0x0  }
0x31: {  	s21 =	rddreg [dreg:$0x4];
	[sflag:s3] =	ssyncadd.s32 $0xFFFF3800  }
0x32: {  	[tilespmem:s2], [sflag:$0x2] =	stream.linear.gather [hbm4b:s21+s2], $0x190, $0x38;
	[tilespmem:$0xC990] =	vst v63  }
0x33: {  	_ =	swait.ge [sflag:s3], $0x190  }
0x34: {  	[sflag:s3] =	ssyncset.done $0x0  }
0x35: {  	[sflag:s3] =	ssyncadd.s32 $0xFFFFFE70  }
0x36: {  	[tilespmem:s5], [sflag:$0x1] =	stream.indirect.gather [hbm4b:s4+s5], $0x80, s2, s5, $0xb8;
	[tilespmem:$0xC990] =	vst v63  }
0x37: {  	_ =	swait.ge [sflag:s6], $0xC800  }
0x38: {  	[sflag:s6] =	ssyncset.done $0x0  }
0x39: {  	s22 =	rddreg [dreg:$0x5];
	[sflag:s6] =	ssyncadd.s32 $0xFFFF3800  }
0x3a: {  	[hbm4b:s22+s2] =	stream.linear.scatter [tilespmem:s5], [sflag:$0x2], $0xC800, $0x38;
	[tilespmem:$0xC990] =	vst v63  }
0x3b: {  	_ =	swait.ge [sflag:s3], $0xC800  }
0x3c: {  	[sflag:s3] =	ssyncset.done $0x0  }
0x3d: {  	s23 =	rddreg [dreg:$0x6];
	[sflag:s3] =	ssyncadd.s32 $0xFFFF3800  }
0x3e: {  	[tilespmem:s2], [sflag:$0x2] =	stream.linear.gather [hbm4b:s23+s2], $0x190, $0x38;
	[tilespmem:$0xC990] =	vst v63  }
0x3f: {  	_ =	swait.ge [sflag:s3], $0x190  }
0x40: {  	[sflag:s3] =	ssyncset.done $0x0  }
0x41: {  	[sflag:s3] =	ssyncadd.s32 $0xFFFFFE70  }
0x42: {  	[tilespmem:s5], [sflag:$0x1] =	stream.indirect.gather [hbm4b:s4+s5], $0x80, s2, s5, $0xb8;
	[tilespmem:$0xC990] =	vst v63  }
0x43: {  	_ =	swait.ge [sflag:s6], $0xC800  }
0x44: {  	[sflag:s6] =	ssyncset.done $0x0  }
0x45: {  	s24 =	rddreg [dreg:$0x7];
	[sflag:s6] =	ssyncadd.s32 $0xFFFF3800  }
0x46: {  	[hbm4b:s24+s2] =	stream.linear.scatter [tilespmem:s5], [sflag:$0x2], $0xC800, $0x38;
	[tilespmem:$0xC990] =	vst v63  }
0x47: {  	_ =	swait.ge [sflag:s3], $0xC800  }
0x48: {  	[sflag:s3] =	ssyncset.done $0x0  }
0x49: {  	s25 =	rddreg [dreg:$0x8];
	[sflag:s3] =	ssyncadd.s32 $0xFFFF3800  }
0x4a: {  	[tilespmem:s2], [sflag:$0x2] =	stream.linear.gather [hbm4b:s25+s2], $0x190, $0x38;
	[tilespmem:$0xC990] =	vst v63  }
0x4b: {  	_ =	swait.ge [sflag:s3], $0x190  }
0x4c: {  	[sflag:s3] =	ssyncset.done $0x0  }
0x4d: {  	[sflag:s3] =	ssyncadd.s32 $0xFFFFFE70  }
0x4e: {  	[tilespmem:s5], [sflag:$0x1] =	stream.indirect.gather [hbm4b:s4+s5], $0x80, s2, s5, $0xb8;
	[tilespmem:$0xC990] =	vst v63  }
0x4f: {  	_ =	swait.ge [sflag:s6], $0xC800  }
0x50: {  	[sflag:s6] =	ssyncset.done $0x0  }
0x51: {  	s26 =	rddreg [dreg:$0x9];
	[sflag:s6] =	ssyncadd.s32 $0xFFFF3800  }
0x52: {  	[hbm4b:s26+s2] =	stream.linear.scatter [tilespmem:s5], [sflag:$0x2], $0xC800, $0x38;
	[tilespmem:$0xC990] =	vst v63  }
0x53: {  	_ =	swait.ge [sflag:s3], $0xC800  }
0x54: {  	[sflag:s3] =	ssyncset.done $0x0  }
0x55: {  	s8 =	rddreg [dreg:$0xa];
	[sflag:s3] =	ssyncadd.s32 $0xFFFF3800  }
0x56: {  	[tilespmem:s2], [sflag:$0x2] =	stream.linear.gather [hbm4b:s8+s2], $0x190, $0x38;
	[tilespmem:$0xC990] =	vst v63  }
0x57: {  	_ =	swait.ge [sflag:s3], $0x190  }
0x58: {  	[sflag:s3] =	ssyncset.done $0x0  }
0x59: {  	[sflag:s3] =	ssyncadd.s32 $0xFFFFFE70  }
0x5a: {  	[tilespmem:s5], [sflag:$0x1] =	stream.indirect.gather [hbm4b:s4+s5], $0x80, s2, s5, $0xb8;
	[tilespmem:$0xC990] =	vst v63  }
0x5b: {  	_ =	swait.ge [sflag:s6], $0xC800  }
0x5c: {  	[sflag:s6] =	ssyncset.done $0x0  }
0x5d: {  	s9 =	rddreg [dreg:$0xb];
	[sflag:s6] =	ssyncadd.s32 $0xFFFF3800  }
0x5e: {  	[hbm4b:s9+s2] =	stream.linear.scatter [tilespmem:s5], [sflag:$0x2], $0xC800, $0x38;
	[tilespmem:$0xC990] =	vst v63  }
0x5f: {  	_ =	swait.ge [sflag:s3], $0xC800  }
0x60: {  	[sflag:s3] =	ssyncset.done $0x0  }
0x61: {  	s10 =	rddreg [dreg:$0xc];
	[sflag:s3] =	ssyncadd.s32 $0xFFFF3800  }
0x62: {  	[tilespmem:s2], [sflag:$0x2] =	stream.linear.gather [hbm4b:s10+s2], $0x190, $0x38;
	[tilespmem:$0xC990] =	vst v63  }
0x63: {  	_ =	swait.ge [sflag:s3], $0x190  }
0x64: {  	[sflag:s3] =	ssyncset.done $0x0  }
0x65: {  	[sflag:s3] =	ssyncadd.s32 $0xFFFFFE70  }
0x66: {  	[tilespmem:s5], [sflag:$0x1] =	stream.indirect.gather [hbm4b:s4+s5], $0x80, s2, s5, $0xb8;
	[tilespmem:$0xC990] =	vst v63  }
0x67: {  	_ =	swait.ge [sflag:s6], $0xC800  }
0x68: {  	[sflag:s6] =	ssyncset.done $0x0  }
0x69: {  	s11 =	rddreg [dreg:$0xd];
	[sflag:s6] =	ssyncadd.s32 $0xFFFF3800  }
0x6a: {  	[hbm4b:s11+s2] =	stream.linear.scatter [tilespmem:s5], [sflag:$0x2], $0xC800, $0x38;
	[tilespmem:$0xC990] =	vst v63  }
0x6b: {  	_ =	swait.ge [sflag:s3], $0xC800  }
0x6c: {  	[sflag:s3] =	ssyncset.done $0x0  }
0x6d: {  	s12 =	rddreg [dreg:$0xe];
	[sflag:s3] =	ssyncadd.s32 $0xFFFF3800  }
0x6e: {  	[tilespmem:s2], [sflag:$0x2] =	stream.linear.gather [hbm4b:s12+s2], $0x190, $0x38;
	[tilespmem:$0xC990] =	vst v63  }
0x6f: {  	_ =	swait.ge [sflag:s3], $0x190  }
0x70: {  	[sflag:s3] =	ssyncset.done $0x0  }
0x71: {  	[sflag:s3] =	ssyncadd.s32 $0xFFFFFE70  }
0x72: {  	[tilespmem:s5], [sflag:$0x1] =	stream.indirect.gather [hbm4b:s4+s5], $0x80, s2, s5, $0xb8;
	[tilespmem:$0xC990] =	vst v63  }
0x73: {  	_ =	swait.ge [sflag:s6], $0xC800  }
0x74: {  	[sflag:s6] =	ssyncset.done $0x0  }
0x75: {  	s13 =	rddreg [dreg:$0xf];
	[sflag:s6] =	ssyncadd.s32 $0xFFFF3800  }
0x76: {  	[hbm4b:s13+s2] =	stream.linear.scatter [tilespmem:s5], [sflag:$0x2], $0xC800, $0x38;
	[tilespmem:$0xC990] =	vst v63  }
0x77: {  	_ =	swait.ge [sflag:s3], $0xC800  }
0x78: {  	[sflag:s3] =	ssyncset.done $0x0  }
0x79: {  	s14 =	rddreg [dreg:$0x10];
	[sflag:s3] =	ssyncadd.s32 $0xFFFF3800  }
0x7a: {  	[tilespmem:s2], [sflag:$0x2] =	stream.linear.gather [hbm4b:s14+s2], $0x190, $0x38;
	[tilespmem:$0xC990] =	vst v63  }
0x7b: {  	_ =	swait.ge [sflag:s3], $0x190  }
0x7c: {  	[sflag:s3] =	ssyncset.done $0x0  }
0x7d: {  	[sflag:s3] =	ssyncadd.s32 $0xFFFFFE70  }
0x7e: {  	[tilespmem:s5], [sflag:$0x1] =	stream.indirect.gather [hbm4b:s4+s5], $0x80, s2, s5, $0xb8;
	[tilespmem:$0xC990] =	vst v63  }
0x7f: {  	_ =	swait.ge [sflag:s6], $0xC800  }
0x80: {  	[sflag:s6] =	ssyncset.done $0x0  }
0x81: {  	s15 =	rddreg [dreg:$0x11];
	[sflag:s6] =	ssyncadd.s32 $0xFFFF3800  }
0x82: {  	[hbm4b:s15+s2] =	stream.linear.scatter [tilespmem:s5], [sflag:$0x2], $0xC800, $0x38;
	[tilespmem:$0xC990] =	vst v63  }
0x83: {  	_ =	swait.ge [sflag:s3], $0xC800  }
0x84: {  	[sflag:s3] =	ssyncset.done $0x0  }
0x85: {  	s16 =	rddreg [dreg:$0x12];
	[sflag:s3] =	ssyncadd.s32 $0xFFFF3800  }
0x86: {  	[tilespmem:s2], [sflag:$0x2] =	stream.linear.gather [hbm4b:s16+s2], $0x190, $0x38;
	[tilespmem:$0xC990] =	vst v63  }
0x87: {  	_ =	swait.ge [sflag:s3], $0x190  }
0x88: {  	[sflag:s3] =	ssyncset.done $0x0  }
0x89: {  	[sflag:s3] =	ssyncadd.s32 $0xFFFFFE70  }
0x8a: {  	[tilespmem:s5], [sflag:$0x1] =	stream.indirect.gather [hbm4b:s4+s5], $0x80, s2, s5, $0xb8;
	[tilespmem:$0xC990] =	vst v63  }
0x8b: {  	_ =	swait.ge [sflag:s6], $0xC800  }
0x8c: {  	[sflag:s6] =	ssyncset.done $0x0  }
0x8d: {  	s17 =	rddreg [dreg:$0x13];
	[sflag:s6] =	ssyncadd.s32 $0xFFFF3800  }
0x8e: {  	[hbm4b:s17+s2] =	stream.linear.scatter [tilespmem:s5], [sflag:$0x2], $0xC800, $0x38;
	[tilespmem:$0xC990] =	vst v63  }
0x8f: {  	_ =	swait.ge [sflag:s3], $0xC800  }
0x90: {  	[sflag:s3] =	ssyncset.done $0x0  }
0x91: {  	s18 =	rddreg [dreg:$0x14];
	[sflag:s3] =	ssyncadd.s32 $0xFFFF3800  }
0x92: {  	[tilespmem:s2], [sflag:$0x2] =	stream.linear.gather [hbm4b:s18+s2], $0x190, $0x38;
	[tilespmem:$0xC990] =	vst v63  }
0x93: {  	_ =	swait.ge [sflag:s3], $0x190  }
0x94: {  	[sflag:s3] =	ssyncset.done $0x0  }
0x95: {  	[sflag:s3] =	ssyncadd.s32 $0xFFFFFE70  }
0x96: {  	[tilespmem:s5], [sflag:$0x1] =	stream.indirect.gather [hbm4b:s4+s5], $0x80, s2, s5, $0xb8;
	[tilespmem:$0xC990] =	vst v63  }
0x97: {  	_ =	swait.ge [sflag:s6], $0xC800  }
0x98: {  	[sflag:s6] =	ssyncset.done $0x0  }
0x99: {  	s19 =	rddreg [dreg:$0x15];
	[sflag:s6] =	ssyncadd.s32 $0xFFFF3800  }
0x9a: {  	[hbm4b:s19+s2] =	stream.linear.scatter [tilespmem:s5], [sflag:$0x2], $0xC800, $0x38;
	[tilespmem:$0xC990] =	vst v63  }
0x9b: {  	_ =	swait.ge [sflag:s3], $0xC800  }
0x9c: {  	[sflag:s3] =	ssyncset.done $0x0  }
0x9d: {  	s20 =	rddreg [dreg:$0x16];
	[sflag:s3] =	ssyncadd.s32 $0xFFFF3800  }
0x9e: {  	[tilespmem:s2], [sflag:$0x2] =	stream.linear.gather [hbm4b:s20+s2], $0x190, $0x38;
	[tilespmem:$0xC990] =	vst v63  }
0x9f: {  	_ =	swait.ge [sflag:s3], $0x190  }
0xa0: {  	[sflag:s3] =	ssyncset.done $0x0  }
0xa1: {  	[sflag:s3] =	ssyncadd.s32 $0xFFFFFE70  }
0xa2: {  	[tilespmem:s5], [sflag:$0x1] =	stream.indirect.gather [hbm4b:s4+s5], $0x80, s2, s5, $0xb8;
	[tilespmem:$0xC990] =	vst v63  }
0xa3: {  	_ =	swait.ge [sflag:s6], $0xC800  }
0xa4: {  	[sflag:s6] =	ssyncset.done $0x0  }
0xa5: {  	s21 =	rddreg [dreg:$0x17];
	[sflag:s6] =	ssyncadd.s32 $0xFFFF3800  }
0xa6: {  	[hbm4b:s21+s2] =	stream.linear.scatter [tilespmem:s5], [sflag:$0x2], $0xC800, $0x38;
	[tilespmem:$0xC990] =	vst v63  }
0xa7: {  	_ =	swait.ge [sflag:s3], $0xC800  }
0xa8: {  	[sflag:s3] =	ssyncset.done $0x0  }
0xa9: {  	s22 =	rddreg [dreg:$0x18];
	[sflag:s3] =	ssyncadd.s32 $0xFFFF3800  }
0xaa: {  	[tilespmem:s2], [sflag:$0x2] =	stream.linear.gather [hbm4b:s22+s2], $0x190, $0x38;
	[tilespmem:$0xC990] =	vst v63  }
0xab: {  	_ =	swait.ge [sflag:s3], $0x190  }
0xac: {  	[sflag:s3] =	ssyncset.done $0x0  }
0xad: {  	[sflag:s3] =	ssyncadd.s32 $0xFFFFFE70  }
0xae: {  	[tilespmem:s5], [sflag:$0x1] =	stream.indirect.gather [hbm4b:s4+s5], $0x80, s2, s5, $0xb8;
	[tilespmem:$0xC990] =	vst v63  }
0xaf: {  	_ =	swait.ge [sflag:s6], $0xC800  }
0xb0: {  	[sflag:s6] =	ssyncset.done $0x0  }
0xb1: {  	s23 =	rddreg [dreg:$0x19];
	[sflag:s6] =	ssyncadd.s32 $0xFFFF3800  }
0xb2: {  	[hbm4b:s23+s2] =	stream.linear.scatter [tilespmem:s5], [sflag:$0x2], $0xC800, $0x38;
	[tilespmem:$0xC990] =	vst v63  }
0xb3: {  	_ =	swait.ge [sflag:s3], $0xC800  }
0xb4: {  	[sflag:s3] =	ssyncset.done $0x0  }
0xb5: {  	s24 =	rddreg [dreg:$0x1a];
	[sflag:s3] =	ssyncadd.s32 $0xFFFF3800  }
0xb6: {  	[tilespmem:s2], [sflag:$0x2] =	stream.linear.gather [hbm4b:s24+s2], $0x190, $0x38;
	[tilespmem:$0xC990] =	vst v63  }
0xb7: {  	_ =	swait.ge [sflag:s3], $0x190  }
0xb8: {  	[sflag:s3] =	ssyncset.done $0x0  }
0xb9: {  	[sflag:s3] =	ssyncadd.s32 $0xFFFFFE70  }
0xba: {  	[tilespmem:s5], [sflag:$0x1] =	stream.indirect.gather [hbm4b:s4+s5], $0x80, s2, s5, $0xb8;
	[tilespmem:$0xC990] =	vst v63  }
0xbb: {  	_ =	swait.ge [sflag:s6], $0xC800  }
0xbc: {  	[sflag:s6] =	ssyncset.done $0x0  }
0xbd: {  	s25 =	rddreg [dreg:$0x1b];
	[sflag:s6] =	ssyncadd.s32 $0xFFFF3800  }
0xbe: {  	[hbm4b:s25+s2] =	stream.linear.scatter [tilespmem:s5], [sflag:$0x2], $0xC800, $0x38;
	[tilespmem:$0xC990] =	vst v63  }
0xbf: {  	s8 =	sadd.s32 $0x1450, s0;
	_ =	swait.ge [sflag:s3], $0xC800  }
0xc0: {  	s26 =	sshrl.u32 s8, $0x3;
	[sflag:s3] =	ssyncset.done $0x0  }
0xc1: {  	s7 =	sadd.s32 s30, s26;
	[sflag:s3] =	ssyncadd.s32 $0xFFFF3800  }
0xc2: {  	[tilespmem:s2], [sflag:$0x2] =	stream.linear.gather [hbm4b:s7+s2], $0x190, $0x38;
	[tilespmem:$0xC990] =	vst v63  }
0xc3: {  	_ =	swait.ge [sflag:s3], $0x190  }
0xc4: {  	[sflag:s3] =	ssyncset.done $0x0  }
0xc5: {  	[sflag:s3] =	ssyncadd.s32 $0xFFFFFE70  }
0xc6: {  	[tilespmem:s5], [sflag:$0x1] =	stream.indirect.gather [hbm4b:s4+s5], $0x80, s2, s5, $0xb8;
	[tilespmem:$0xC990] =	vst v63  }
0xc7: {  	_ =	swait.ge [sflag:s6], $0xC800  }
0xc8: {  	s8 =	sshll.u32 s8, $0x4;
	[sflag:s6] =	ssyncset.done $0x0  }
0xc9: {  	s8 =	sadd.s32 s1, s8;
	[sflag:s6] =	ssyncadd.s32 $0xFFFF3800  }
0xca: {  	[hbm4b:s8+s2] =	stream.linear.scatter [tilespmem:s5], [sflag:$0x2], $0xC800, $0x38;
	[tilespmem:$0xC990] =	vst v63  }
0xcb: {  	s10 =	sadd.s32 $0x15E0, s0;
	_ =	swait.ge [sflag:s3], $0xC800  }
0xcc: {  	s9 =	sshrl.u32 s10, $0x3;
	[sflag:s3] =	ssyncset.done $0x0  }
0xcd: {  	s9 =	sadd.s32 s30, s9;
	[sflag:s3] =	ssyncadd.s32 $0xFFFF3800  }
0xce: {  	[tilespmem:s2], [sflag:$0x2] =	stream.linear.gather [hbm4b:s9+s2], $0x190, $0x38;
	[tilespmem:$0xC990] =	vst v63  }
0xcf: {  	_ =	swait.ge [sflag:s3], $0x190  }
0xd0: {  	[sflag:s3] =	ssyncset.done $0x0  }
0xd1: {  	[sflag:s3] =	ssyncadd.s32 $0xFFFFFE70  }
0xd2: {  	[tilespmem:s5], [sflag:$0x1] =	stream.indirect.gather [hbm4b:s4+s5], $0x80, s2, s5, $0xb8;
	[tilespmem:$0xC990] =	vst v63  }
0xd3: {  	_ =	swait.ge [sflag:s6], $0xC800  }
0xd4: {  	s10 =	sshll.u32 s10, $0x4;
	[sflag:s6] =	ssyncset.done $0x0  }
0xd5: {  	s10 =	sadd.s32 s1, s10;
	[sflag:s6] =	ssyncadd.s32 $0xFFFF3800  }
0xd6: {  	[hbm4b:s10+s2] =	stream.linear.scatter [tilespmem:s5], [sflag:$0x2], $0xC800, $0x38;
	[tilespmem:$0xC990] =	vst v63  }
0xd7: {  	s12 =	sadd.s32 $0x1770, s0;
	_ =	swait.ge [sflag:s3], $0xC800  }
0xd8: {  	s11 =	sshrl.u32 s12, $0x3;
	[sflag:s3] =	ssyncset.done $0x0  }
0xd9: {  	s11 =	sadd.s32 s30, s11;
	[sflag:s3] =	ssyncadd.s32 $0xFFFF3800  }
0xda: {  	[tilespmem:s2], [sflag:$0x2] =	stream.linear.gather [hbm4b:s11+s2], $0x190, $0x38;
	[tilespmem:$0xC990] =	vst v63  }
0xdb: {  	_ =	swait.ge [sflag:s3], $0x190  }
0xdc: {  	[sflag:s3] =	ssyncset.done $0x0  }
0xdd: {  	[sflag:s3] =	ssyncadd.s32 $0xFFFFFE70  }
0xde: {  	[tilespmem:s5], [sflag:$0x1] =	stream.indirect.gather [hbm4b:s4+s5], $0x80, s2, s5, $0xb8;
	[tilespmem:$0xC990] =	vst v63  }
0xdf: {  	_ =	swait.ge [sflag:s6], $0xC800  }
0xe0: {  	s12 =	sshll.u32 s12, $0x4;
	[sflag:s6] =	ssyncset.done $0x0  }
0xe1: {  	s12 =	sadd.s32 s1, s12;
	[sflag:s6] =	ssyncadd.s32 $0xFFFF3800  }
0xe2: {  	[hbm4b:s12+s2] =	stream.linear.scatter [tilespmem:s5], [sflag:$0x2], $0xC800, $0x38;
	[tilespmem:$0xC990] =	vst v63  }
0xe3: {  	s14 =	sadd.s32 $0x1900, s0;
	_ =	swait.ge [sflag:s3], $0xC800  }
0xe4: {  	s13 =	sshrl.u32 s14, $0x3;
	[sflag:s3] =	ssyncset.done $0x0  }
0xe5: {  	s13 =	sadd.s32 s30, s13;
	[sflag:s3] =	ssyncadd.s32 $0xFFFF3800  }
0xe6: {  	[tilespmem:s2], [sflag:$0x2] =	stream.linear.gather [hbm4b:s13+s2], $0x190, $0x38;
	[tilespmem:$0xC990] =	vst v63  }
0xe7: {  	_ =	swait.ge [sflag:s3], $0x190  }
0xe8: {  	[sflag:s3] =	ssyncset.done $0x0  }
0xe9: {  	[sflag:s3] =	ssyncadd.s32 $0xFFFFFE70  }
0xea: {  	[tilespmem:s5], [sflag:$0x1] =	stream.indirect.gather [hbm4b:s4+s5], $0x80, s2, s5, $0xb8;
	[tilespmem:$0xC990] =	vst v63  }
0xeb: {  	_ =	swait.ge [sflag:s6], $0xC800  }
0xec: {  	s14 =	sshll.u32 s14, $0x4;
	[sflag:s6] =	ssyncset.done $0x0  }
0xed: {  	s14 =	sadd.s32 s1, s14;
	[sflag:s6] =	ssyncadd.s32 $0xFFFF3800  }
0xee: {  	[hbm4b:s14+s2] =	stream.linear.scatter [tilespmem:s5], [sflag:$0x2], $0xC800, $0x38;
	[tilespmem:$0xC990] =	vst v63  }
0xef: {  	s16 =	sadd.s32 $0x1A90, s0;
	_ =	swait.ge [sflag:s3], $0xC800  }
0xf0: {  	s15 =	sshrl.u32 s16, $0x3;
	[sflag:s3] =	ssyncset.done $0x0  }
0xf1: {  	s15 =	sadd.s32 s30, s15;
	[sflag:s3] =	ssyncadd.s32 $0xFFFF3800  }
0xf2: {  	[tilespmem:s2], [sflag:$0x2] =	stream.linear.gather [hbm4b:s15+s2], $0x190, $0x38;
	[tilespmem:$0xC990] =	vst v63  }
0xf3: {  	_ =	swait.ge [sflag:s3], $0x190  }
0xf4: {  	[sflag:s3] =	ssyncset.done $0x0  }
0xf5: {  	[sflag:s3] =	ssyncadd.s32 $0xFFFFFE70  }
0xf6: {  	[tilespmem:s5], [sflag:$0x1] =	stream.indirect.gather [hbm4b:s4+s5], $0x80, s2, s5, $0xb8;
	[tilespmem:$0xC990] =	vst v63  }
0xf7: {  	_ =	swait.ge [sflag:s6], $0xC800  }
0xf8: {  	s16 =	sshll.u32 s16, $0x4;
	[sflag:s6] =	ssyncset.done $0x0  }
0xf9: {  	s16 =	sadd.s32 s1, s16;
	[sflag:s6] =	ssyncadd.s32 $0xFFFF3800  }
0xfa: {  	[hbm4b:s16+s2] =	stream.linear.scatter [tilespmem:s5], [sflag:$0x2], $0xC800, $0x38;
	[tilespmem:$0xC990] =	vst v63  }
0xfb: {  	s18 =	sadd.s32 $0x1C20, s0;
	_ =	swait.ge [sflag:s3], $0xC800  }
0xfc: {  	s17 =	sshrl.u32 s18, $0x3;
	[sflag:s3] =	ssyncset.done $0x0  }
0xfd: {  	s17 =	sadd.s32 s30, s17;
	[sflag:s3] =	ssyncadd.s32 $0xFFFF3800  }
0xfe: {  	[tilespmem:s2], [sflag:$0x2] =	stream.linear.gather [hbm4b:s17+s2], $0x190, $0x38;
	[tilespmem:$0xC990] =	vst v63  }
0xff: {  	_ =	swait.ge [sflag:s3], $0x190  }
0x100: {  	[sflag:s3] =	ssyncset.done $0x0  }
0x101: {  	[sflag:s3] =	ssyncadd.s32 $0xFFFFFE70  }
0x102: {  	[tilespmem:s5], [sflag:$0x1] =	stream.indirect.gather [hbm4b:s4+s5], $0x80, s2, s5, $0xb8;
	[tilespmem:$0xC990] =	vst v63  }
0x103: {  	_ =	swait.ge [sflag:s6], $0xC800  }
0x104: {  	s18 =	sshll.u32 s18, $0x4;
	[sflag:s6] =	ssyncset.done $0x0  }
0x105: {  	s18 =	sadd.s32 s1, s18;
	[sflag:s6] =	ssyncadd.s32 $0xFFFF3800  }
0x106: {  	[hbm4b:s18+s2] =	stream.linear.scatter [tilespmem:s5], [sflag:$0x2], $0xC800, $0x38;
	[tilespmem:$0xC990] =	vst v63  }
0x107: {  	s20 =	sadd.s32 $0x1DB0, s0;
	_ =	swait.ge [sflag:s3], $0xC800  }
0x108: {  	s19 =	sshrl.u32 s20, $0x3;
	[sflag:s3] =	ssyncset.done $0x0  }
0x109: {  	s19 =	sadd.s32 s30, s19;
	[sflag:s3] =	ssyncadd.s32 $0xFFFF3800  }
0x10a: {  	[tilespmem:s2], [sflag:$0x2] =	stream.linear.gather [hbm4b:s19+s2], $0x190, $0x38;
	[tilespmem:$0xC990] =	vst v63  }
0x10b: {  	_ =	swait.ge [sflag:s3], $0x190  }
0x10c: {  	[sflag:s3] =	ssyncset.done $0x0  }
0x10d: {  	[sflag:s3] =	ssyncadd.s32 $0xFFFFFE70  }
0x10e: {  	[tilespmem:s5], [sflag:$0x1] =	stream.indirect.gather [hbm4b:s4+s5], $0x80, s2, s5, $0xb8;
	[tilespmem:$0xC990] =	vst v63  }
0x10f: {  	_ =	swait.ge [sflag:s6], $0xC800  }
0x110: {  	s20 =	sshll.u32 s20, $0x4;
	[sflag:s6] =	ssyncset.done $0x0  }
0x111: {  	s20 =	sadd.s32 s1, s20;
	[sflag:s6] =	ssyncadd.s32 $0xFFFF3800  }
0x112: {  	[hbm4b:s20+s2] =	stream.linear.scatter [tilespmem:s5], [sflag:$0x2], $0xC800, $0x38;
	[tilespmem:$0xC990] =	vst v63  }
0x113: {  	s22 =	sadd.s32 $0x1F40, s0;
	_ =	swait.ge [sflag:s3], $0xC800  }
0x114: {  	s21 =	sshrl.u32 s22, $0x3;
	[sflag:s3] =	ssyncset.done $0x0  }
0x115: {  	s21 =	sadd.s32 s30, s21;
	[sflag:s3] =	ssyncadd.s32 $0xFFFF3800  }
0x116: {  	[tilespmem:s2], [sflag:$0x2] =	stream.linear.gather [hbm4b:s21+s2], $0x190, $0x38;
	[tilespmem:$0xC990] =	vst v63  }
0x117: {  	_ =	swait.ge [sflag:s3], $0x190  }
0x118: {  	[sflag:s3] =	ssyncset.done $0x0  }
0x119: {  	[sflag:s3] =	ssyncadd.s32 $0xFFFFFE70  }
0x11a: {  	[tilespmem:s5], [sflag:$0x1] =	stream.indirect.gather [hbm4b:s4+s5], $0x80, s2, s5, $0xb8;
	[tilespmem:$0xC990] =	vst v63  }
0x11b: {  	_ =	swait.ge [sflag:s6], $0xC800  }
0x11c: {  	s22 =	sshll.u32 s22, $0x4;
	[sflag:s6] =	ssyncset.done $0x0  }
0x11d: {  	s22 =	sadd.s32 s1, s22;
	[sflag:s6] =	ssyncadd.s32 $0xFFFF3800  }
0x11e: {  	[hbm4b:s22+s2] =	stream.linear.scatter [tilespmem:s5], [sflag:$0x2], $0xC800, $0x38;
	[tilespmem:$0xC990] =	vst v63  }
0x11f: {  	s24 =	sadd.s32 $0x20D0, s0;
	_ =	swait.ge [sflag:s3], $0xC800  }
0x120: {  	s23 =	sshrl.u32 s24, $0x3;
	[sflag:s3] =	ssyncset.done $0x0  }
0x121: {  	s23 =	sadd.s32 s30, s23;
	[sflag:s3] =	ssyncadd.s32 $0xFFFF3800  }
0x122: {  	[tilespmem:s2], [sflag:$0x2] =	stream.linear.gather [hbm4b:s23+s2], $0x190, $0x38;
	[tilespmem:$0xC990] =	vst v63  }
0x123: {  	_ =	swait.ge [sflag:s3], $0x190  }
0x124: {  	[sflag:s3] =	ssyncset.done $0x0  }
0x125: {  	[sflag:s3] =	ssyncadd.s32 $0xFFFFFE70  }
0x126: {  	[tilespmem:s5], [sflag:$0x1] =	stream.indirect.gather [hbm4b:s4+s5], $0x80, s2, s5, $0xb8;
	[tilespmem:$0xC990] =	vst v63  }
0x127: {  	_ =	swait.ge [sflag:s6], $0xC800  }
0x128: {  	s24 =	sshll.u32 s24, $0x4;
	[sflag:s6] =	ssyncset.done $0x0  }
0x129: {  	s24 =	sadd.s32 s1, s24;
	[sflag:s6] =	ssyncadd.s32 $0xFFFF3800  }
0x12a: {  	[hbm4b:s24+s2] =	stream.linear.scatter [tilespmem:s5], [sflag:$0x2], $0xC800, $0x38;
	[tilespmem:$0xC990] =	vst v63  }
0x12b: {  	s26 =	sadd.s32 $0x2260, s0;
	_ =	swait.ge [sflag:s3], $0xC800  }
0x12c: {  	s25 =	sshrl.u32 s26, $0x3;
	[sflag:s3] =	ssyncset.done $0x0  }
0x12d: {  	s25 =	sadd.s32 s30, s25;
	[sflag:s3] =	ssyncadd.s32 $0xFFFF3800  }
0x12e: {  	[tilespmem:s2], [sflag:$0x2] =	stream.linear.gather [hbm4b:s25+s2], $0x190, $0x38;
	[tilespmem:$0xC990] =	vst v63  }
0x12f: {  	_ =	swait.ge [sflag:s3], $0x190  }
0x130: {  	[sflag:s3] =	ssyncset.done $0x0  }
0x131: {  	[sflag:s3] =	ssyncadd.s32 $0xFFFFFE70  }
0x132: {  	[tilespmem:s5], [sflag:$0x1] =	stream.indirect.gather [hbm4b:s4+s5], $0x80, s2, s5, $0xb8;
	[tilespmem:$0xC990] =	vst v63  }
0x133: {  	_ =	swait.ge [sflag:s6], $0xC800  }
0x134: {  	s26 =	sshll.u32 s26, $0x4;
	[sflag:s6] =	ssyncset.done $0x0  }
0x135: {  	s26 =	sadd.s32 s1, s26;
	[dreg:$0x1c] =	wrdreg s1;
	[sflag:s6] =	ssyncadd.s32 $0xFFFF3800  }
0x136: {  	[hbm4b:s26+s2] =	stream.linear.scatter [tilespmem:s5], [sflag:$0x2], $0xC800, $0x38;
	[tilespmem:$0xC990] =	vst v63  }
0x137: {  	s29 =	sadd.s32 $0x23F0, s0;
	_ =	swait.ge [sflag:s3], $0xC800  }
0x138: {  	s28 =	sshrl.u32 s29, $0x3;
	[sflag:s3] =	ssyncset.done $0x0  }
0x139: {  	s28 =	sadd.s32 s30, s28;
	[sflag:s3] =	ssyncadd.s32 $0xFFFF3800  }
0x13a: {  	[tilespmem:s2], [sflag:$0x2] =	stream.linear.gather [hbm4b:s28+s2], $0x190, $0x38;
	[tilespmem:$0xC990] =	vst v63  }
0x13b: {  	_ =	swait.ge [sflag:s3], $0x190  }
0x13c: {  	[sflag:s3] =	ssyncset.done $0x0  }
0x13d: {  	[sflag:s3] =	ssyncadd.s32 $0xFFFFFE70  }
0x13e: {  	[tilespmem:s5], [sflag:$0x1] =	stream.indirect.gather [hbm4b:s4+s5], $0x80, s2, s5, $0xb8;
	[tilespmem:$0xC990] =	vst v63  }
0x13f: {  	_ =	swait.ge [sflag:s6], $0xC800  }
0x140: {  	s29 =	sshll.u32 s29, $0x4;
	[sflag:s6] =	ssyncset.done $0x0  }
0x141: {  	s29 =	sadd.s32 s1, s29;
	s0 =	sadd.s32 $0x2580, s0;
	[sflag:s6] =	ssyncadd.s32 $0xFFFF3800  }
0x142: {  	[hbm4b:s29+s2] =	stream.linear.scatter [tilespmem:s5], [sflag:$0x2], $0xC800, $0x38;
	[tilespmem:$0xC990] =	vst v63  }
0x143: {  	s1 =	sshrl.u32 s0, $0x3;
	_ =	swait.ge [sflag:s3], $0xC800  }
0x144: {  	s30 =	sadd.s32 s30, s1;
	s1 =	ssub.s32 $0x2, s31;
	[sflag:s3] =	ssyncset.done $0x0  }
0x145: {  	s31 =	sshrl.u32 s1, $0x1;
	[sflag:s3] =	ssyncadd.s32 $0xFFFF3800  }
0x146: {  	[tilespmem:s2], [sflag:$0x2] =	stream.linear.gather [hbm4b:s30+s2], $0x190, $0x38;
	[tilespmem:$0xC990] =	vst v63  }
0x147: {  	s1 =	ssub.s32 s1, s31;
	_ =	swait.ge [sflag:s3], $0x190  }
0x148: {  	s1 =	smax.u32 s1, $0x1;
	[sflag:s3] =	ssyncset.done $0x0  }
0x149: {  	p0 =	sne.s32 s1, $0x1;
	[sflag:s3] =	ssyncadd.s32 $0xFFFFFE70  }
0x14a: {  	[tilespmem:s5], [sflag:$0x1] =	stream.indirect.gather [hbm4b:s4+s5], $0x80, s2, s5, $0xb8;
	[tilespmem:$0xC990] =	vst v63  }
.Ltmp0:
0x14b: {  	_ =	swait.ge [sflag:s6], $0xC800;
	(pc) =	sbr.rel @!p0 .LBB2_2-.Ltmp0, $4  }
0x14c: {  	s0 =	sshll.u32 s0, $0x4;
	[sflag:s6] =	ssyncset.done $0x0;
	s31 =	rddreg [dreg:$0x1c]  }
0x14d: {  	s31 =	sadd.s32 s31, s0;
	[sflag:s6] =	ssyncadd.s32 $0xFFFF3800  }
0x14e: {  	[hbm4b:s31+s2] =	stream.linear.scatter [tilespmem:s5], [sflag:$0x2], $0xC800, $0x38;
	[tilespmem:$0xC990] =	vst v63  }
0x14f: {  	s1 =	sadd.s32 $0xFFFFFFFF, s1;
	_ =	swait.ge [sflag:s3], $0xC800  }
.LBB2_1:
0x150: {  	[sflag:s3] =	ssyncset.done $0x0  }
0x151: {  	s0 =	rddreg [dreg:$0x2];
	[sflag:s3] =	ssyncadd.s32 $0xFFFF3800  }
0x152: {  	[tilespmem:s2], [sflag:$0x2] =	stream.linear.gather [hbm4b:s0+s2], $0x190, $0x38;
	[tilespmem:$0xC990] =	vst v63  }
0x153: {  	_ =	swait.ge [sflag:s3], $0x190  }
0x154: {  	[sflag:s3] =	ssyncset.done $0x0  }
0x155: {  	[sflag:s3] =	ssyncadd.s32 $0xFFFFFE70  }
0x156: {  	[tilespmem:s5], [sflag:$0x1] =	stream.indirect.gather [hbm4b:s4+s5], $0x80, s2, s5, $0xb8;
	[tilespmem:$0xC990] =	vst v63  }
0x157: {  	_ =	swait.ge [sflag:s6], $0xC800  }
0x158: {  	[sflag:s6] =	ssyncset.done $0x0  }
0x159: {  	s0 =	rddreg [dreg:$0x3];
	[sflag:s6] =	ssyncadd.s32 $0xFFFF3800  }
0x15a: {  	[hbm4b:s0+s2] =	stream.linear.scatter [tilespmem:s5], [sflag:$0x2], $0xC800, $0x38;
	[tilespmem:$0xC990] =	vst v63  }
0x15b: {  	_ =	swait.ge [sflag:s3], $0xC800  }
0x15c: {  	[sflag:s3] =	ssyncset.done $0x0  }
0x15d: {  	s0 =	rddreg [dreg:$0x4];
	[sflag:s3] =	ssyncadd.s32 $0xFFFF3800  }
0x15e: {  	[tilespmem:s2], [sflag:$0x2] =	stream.linear.gather [hbm4b:s0+s2], $0x190, $0x38;
	[tilespmem:$0xC990] =	vst v63  }
0x15f: {  	_ =	swait.ge [sflag:s3], $0x190  }
0x160: {  	[sflag:s3] =	ssyncset.done $0x0  }
0x161: {  	[sflag:s3] =	ssyncadd.s32 $0xFFFFFE70  }
0x162: {  	[tilespmem:s5], [sflag:$0x1] =	stream.indirect.gather [hbm4b:s4+s5], $0x80, s2, s5, $0xb8;
	[tilespmem:$0xC990] =	vst v63  }
0x163: {  	_ =	swait.ge [sflag:s6], $0xC800  }
0x164: {  	[sflag:s6] =	ssyncset.done $0x0  }
0x165: {  	s0 =	rddreg [dreg:$0x5];
	[sflag:s6] =	ssyncadd.s32 $0xFFFF3800  }
0x166: {  	[hbm4b:s0+s2] =	stream.linear.scatter [tilespmem:s5], [sflag:$0x2], $0xC800, $0x38;
	[tilespmem:$0xC990] =	vst v63  }
0x167: {  	_ =	swait.ge [sflag:s3], $0xC800  }
0x168: {  	[sflag:s3] =	ssyncset.done $0x0  }
0x169: {  	s0 =	rddreg [dreg:$0x6];
	[sflag:s3] =	ssyncadd.s32 $0xFFFF3800  }
0x16a: {  	[tilespmem:s2], [sflag:$0x2] =	stream.linear.gather [hbm4b:s0+s2], $0x190, $0x38;
	[tilespmem:$0xC990] =	vst v63  }
0x16b: {  	_ =	swait.ge [sflag:s3], $0x190  }
0x16c: {  	[sflag:s3] =	ssyncset.done $0x0  }
0x16d: {  	[sflag:s3] =	ssyncadd.s32 $0xFFFFFE70  }
0x16e: {  	[tilespmem:s5], [sflag:$0x1] =	stream.indirect.gather [hbm4b:s4+s5], $0x80, s2, s5, $0xb8;
	[tilespmem:$0xC990] =	vst v63  }
0x16f: {  	_ =	swait.ge [sflag:s6], $0xC800  }
0x170: {  	[sflag:s6] =	ssyncset.done $0x0  }
0x171: {  	s0 =	rddreg [dreg:$0x7];
	[sflag:s6] =	ssyncadd.s32 $0xFFFF3800  }
0x172: {  	[hbm4b:s0+s2] =	stream.linear.scatter [tilespmem:s5], [sflag:$0x2], $0xC800, $0x38;
	[tilespmem:$0xC990] =	vst v63  }
0x173: {  	_ =	swait.ge [sflag:s3], $0xC800  }
0x174: {  	[sflag:s3] =	ssyncset.done $0x0  }
0x175: {  	s0 =	rddreg [dreg:$0x8];
	[sflag:s3] =	ssyncadd.s32 $0xFFFF3800  }
0x176: {  	[tilespmem:s2], [sflag:$0x2] =	stream.linear.gather [hbm4b:s0+s2], $0x190, $0x38;
	[tilespmem:$0xC990] =	vst v63  }
0x177: {  	_ =	swait.ge [sflag:s3], $0x190  }
0x178: {  	[sflag:s3] =	ssyncset.done $0x0  }
0x179: {  	[sflag:s3] =	ssyncadd.s32 $0xFFFFFE70  }
0x17a: {  	[tilespmem:s5], [sflag:$0x1] =	stream.indirect.gather [hbm4b:s4+s5], $0x80, s2, s5, $0xb8;
	[tilespmem:$0xC990] =	vst v63  }
0x17b: {  	_ =	swait.ge [sflag:s6], $0xC800  }
0x17c: {  	[sflag:s6] =	ssyncset.done $0x0  }
0x17d: {  	s0 =	rddreg [dreg:$0x9];
	[sflag:s6] =	ssyncadd.s32 $0xFFFF3800  }
0x17e: {  	[hbm4b:s0+s2] =	stream.linear.scatter [tilespmem:s5], [sflag:$0x2], $0xC800, $0x38;
	[tilespmem:$0xC990] =	vst v63  }
0x17f: {  	_ =	swait.ge [sflag:s3], $0xC800  }
0x180: {  	[sflag:s3] =	ssyncset.done $0x0  }
0x181: {  	s0 =	rddreg [dreg:$0xa];
	[sflag:s3] =	ssyncadd.s32 $0xFFFF3800  }
0x182: {  	[tilespmem:s2], [sflag:$0x2] =	stream.linear.gather [hbm4b:s0+s2], $0x190, $0x38;
	[tilespmem:$0xC990] =	vst v63  }
0x183: {  	_ =	swait.ge [sflag:s3], $0x190  }
0x184: {  	[sflag:s3] =	ssyncset.done $0x0  }
0x185: {  	[sflag:s3] =	ssyncadd.s32 $0xFFFFFE70  }
0x186: {  	[tilespmem:s5], [sflag:$0x1] =	stream.indirect.gather [hbm4b:s4+s5], $0x80, s2, s5, $0xb8;
	[tilespmem:$0xC990] =	vst v63  }
0x187: {  	_ =	swait.ge [sflag:s6], $0xC800  }
0x188: {  	[sflag:s6] =	ssyncset.done $0x0  }
0x189: {  	s0 =	rddreg [dreg:$0xb];
	[sflag:s6] =	ssyncadd.s32 $0xFFFF3800  }
0x18a: {  	[hbm4b:s0+s2] =	stream.linear.scatter [tilespmem:s5], [sflag:$0x2], $0xC800, $0x38;
	[tilespmem:$0xC990] =	vst v63  }
0x18b: {  	_ =	swait.ge [sflag:s3], $0xC800  }
0x18c: {  	[sflag:s3] =	ssyncset.done $0x0  }
0x18d: {  	s0 =	rddreg [dreg:$0xc];
	[sflag:s3] =	ssyncadd.s32 $0xFFFF3800  }
0x18e: {  	[tilespmem:s2], [sflag:$0x2] =	stream.linear.gather [hbm4b:s0+s2], $0x190, $0x38;
	[tilespmem:$0xC990] =	vst v63  }
0x18f: {  	_ =	swait.ge [sflag:s3], $0x190  }
0x190: {  	[sflag:s3] =	ssyncset.done $0x0  }
0x191: {  	[sflag:s3] =	ssyncadd.s32 $0xFFFFFE70  }
0x192: {  	[tilespmem:s5], [sflag:$0x1] =	stream.indirect.gather [hbm4b:s4+s5], $0x80, s2, s5, $0xb8;
	[tilespmem:$0xC990] =	vst v63  }
0x193: {  	_ =	swait.ge [sflag:s6], $0xC800  }
0x194: {  	[sflag:s6] =	ssyncset.done $0x0  }
0x195: {  	s0 =	rddreg [dreg:$0xd];
	[sflag:s6] =	ssyncadd.s32 $0xFFFF3800  }
0x196: {  	[hbm4b:s0+s2] =	stream.linear.scatter [tilespmem:s5], [sflag:$0x2], $0xC800, $0x38;
	[tilespmem:$0xC990] =	vst v63  }
0x197: {  	_ =	swait.ge [sflag:s3], $0xC800  }
0x198: {  	[sflag:s3] =	ssyncset.done $0x0  }
0x199: {  	s0 =	rddreg [dreg:$0xe];
	[sflag:s3] =	ssyncadd.s32 $0xFFFF3800  }
0x19a: {  	[tilespmem:s2], [sflag:$0x2] =	stream.linear.gather [hbm4b:s0+s2], $0x190, $0x38;
	[tilespmem:$0xC990] =	vst v63  }
0x19b: {  	_ =	swait.ge [sflag:s3], $0x190  }
0x19c: {  	[sflag:s3] =	ssyncset.done $0x0  }
0x19d: {  	[sflag:s3] =	ssyncadd.s32 $0xFFFFFE70  }
0x19e: {  	[tilespmem:s5], [sflag:$0x1] =	stream.indirect.gather [hbm4b:s4+s5], $0x80, s2, s5, $0xb8;
	[tilespmem:$0xC990] =	vst v63  }
0x19f: {  	_ =	swait.ge [sflag:s6], $0xC800  }
0x1a0: {  	[sflag:s6] =	ssyncset.done $0x0  }
0x1a1: {  	s0 =	rddreg [dreg:$0xf];
	[sflag:s6] =	ssyncadd.s32 $0xFFFF3800  }
0x1a2: {  	[hbm4b:s0+s2] =	stream.linear.scatter [tilespmem:s5], [sflag:$0x2], $0xC800, $0x38;
	[tilespmem:$0xC990] =	vst v63  }
0x1a3: {  	_ =	swait.ge [sflag:s3], $0xC800  }
0x1a4: {  	[sflag:s3] =	ssyncset.done $0x0  }
0x1a5: {  	s0 =	rddreg [dreg:$0x10];
	[sflag:s3] =	ssyncadd.s32 $0xFFFF3800  }
0x1a6: {  	[tilespmem:s2], [sflag:$0x2] =	stream.linear.gather [hbm4b:s0+s2], $0x190, $0x38;
	[tilespmem:$0xC990] =	vst v63  }
0x1a7: {  	_ =	swait.ge [sflag:s3], $0x190  }
0x1a8: {  	[sflag:s3] =	ssyncset.done $0x0  }
0x1a9: {  	[sflag:s3] =	ssyncadd.s32 $0xFFFFFE70  }
0x1aa: {  	[tilespmem:s5], [sflag:$0x1] =	stream.indirect.gather [hbm4b:s4+s5], $0x80, s2, s5, $0xb8;
	[tilespmem:$0xC990] =	vst v63  }
0x1ab: {  	_ =	swait.ge [sflag:s6], $0xC800  }
0x1ac: {  	[sflag:s6] =	ssyncset.done $0x0  }
0x1ad: {  	s0 =	rddreg [dreg:$0x11];
	[sflag:s6] =	ssyncadd.s32 $0xFFFF3800  }
0x1ae: {  	[hbm4b:s0+s2] =	stream.linear.scatter [tilespmem:s5], [sflag:$0x2], $0xC800, $0x38;
	[tilespmem:$0xC990] =	vst v63  }
0x1af: {  	_ =	swait.ge [sflag:s3], $0xC800  }
0x1b0: {  	[sflag:s3] =	ssyncset.done $0x0  }
0x1b1: {  	s0 =	rddreg [dreg:$0x12];
	[sflag:s3] =	ssyncadd.s32 $0xFFFF3800  }
0x1b2: {  	[tilespmem:s2], [sflag:$0x2] =	stream.linear.gather [hbm4b:s0+s2], $0x190, $0x38;
	[tilespmem:$0xC990] =	vst v63  }
0x1b3: {  	_ =	swait.ge [sflag:s3], $0x190  }
0x1b4: {  	[sflag:s3] =	ssyncset.done $0x0  }
0x1b5: {  	[sflag:s3] =	ssyncadd.s32 $0xFFFFFE70  }
0x1b6: {  	[tilespmem:s5], [sflag:$0x1] =	stream.indirect.gather [hbm4b:s4+s5], $0x80, s2, s5, $0xb8;
	[tilespmem:$0xC990] =	vst v63  }
0x1b7: {  	_ =	swait.ge [sflag:s6], $0xC800  }
0x1b8: {  	[sflag:s6] =	ssyncset.done $0x0  }
0x1b9: {  	s0 =	rddreg [dreg:$0x13];
	[sflag:s6] =	ssyncadd.s32 $0xFFFF3800  }
0x1ba: {  	[hbm4b:s0+s2] =	stream.linear.scatter [tilespmem:s5], [sflag:$0x2], $0xC800, $0x38;
	[tilespmem:$0xC990] =	vst v63  }
0x1bb: {  	_ =	swait.ge [sflag:s3], $0xC800  }
0x1bc: {  	[sflag:s3] =	ssyncset.done $0x0  }
0x1bd: {  	s0 =	rddreg [dreg:$0x14];
	[sflag:s3] =	ssyncadd.s32 $0xFFFF3800  }
0x1be: {  	[tilespmem:s2], [sflag:$0x2] =	stream.linear.gather [hbm4b:s0+s2], $0x190, $0x38;
	[tilespmem:$0xC990] =	vst v63  }
0x1bf: {  	_ =	swait.ge [sflag:s3], $0x190  }
0x1c0: {  	[sflag:s3] =	ssyncset.done $0x0  }
0x1c1: {  	[sflag:s3] =	ssyncadd.s32 $0xFFFFFE70  }
0x1c2: {  	[tilespmem:s5], [sflag:$0x1] =	stream.indirect.gather [hbm4b:s4+s5], $0x80, s2, s5, $0xb8;
	[tilespmem:$0xC990] =	vst v63  }
0x1c3: {  	_ =	swait.ge [sflag:s6], $0xC800  }
0x1c4: {  	[sflag:s6] =	ssyncset.done $0x0  }
0x1c5: {  	s0 =	rddreg [dreg:$0x15];
	[sflag:s6] =	ssyncadd.s32 $0xFFFF3800  }
0x1c6: {  	[hbm4b:s0+s2] =	stream.linear.scatter [tilespmem:s5], [sflag:$0x2], $0xC800, $0x38;
	[tilespmem:$0xC990] =	vst v63  }
0x1c7: {  	_ =	swait.ge [sflag:s3], $0xC800  }
0x1c8: {  	[sflag:s3] =	ssyncset.done $0x0  }
0x1c9: {  	s0 =	rddreg [dreg:$0x16];
	[sflag:s3] =	ssyncadd.s32 $0xFFFF3800  }
0x1ca: {  	[tilespmem:s2], [sflag:$0x2] =	stream.linear.gather [hbm4b:s0+s2], $0x190, $0x38;
	[tilespmem:$0xC990] =	vst v63  }
0x1cb: {  	_ =	swait.ge [sflag:s3], $0x190  }
0x1cc: {  	[sflag:s3] =	ssyncset.done $0x0  }
0x1cd: {  	[sflag:s3] =	ssyncadd.s32 $0xFFFFFE70  }
0x1ce: {  	[tilespmem:s5], [sflag:$0x1] =	stream.indirect.gather [hbm4b:s4+s5], $0x80, s2, s5, $0xb8;
	[tilespmem:$0xC990] =	vst v63  }
0x1cf: {  	_ =	swait.ge [sflag:s6], $0xC800  }
0x1d0: {  	[sflag:s6] =	ssyncset.done $0x0  }
0x1d1: {  	s0 =	rddreg [dreg:$0x17];
	[sflag:s6] =	ssyncadd.s32 $0xFFFF3800  }
0x1d2: {  	[hbm4b:s0+s2] =	stream.linear.scatter [tilespmem:s5], [sflag:$0x2], $0xC800, $0x38;
	[tilespmem:$0xC990] =	vst v63  }
0x1d3: {  	_ =	swait.ge [sflag:s3], $0xC800  }
0x1d4: {  	[sflag:s3] =	ssyncset.done $0x0  }
0x1d5: {  	s0 =	rddreg [dreg:$0x18];
	[sflag:s3] =	ssyncadd.s32 $0xFFFF3800  }
0x1d6: {  	[tilespmem:s2], [sflag:$0x2] =	stream.linear.gather [hbm4b:s0+s2], $0x190, $0x38;
	[tilespmem:$0xC990] =	vst v63  }
0x1d7: {  	_ =	swait.ge [sflag:s3], $0x190  }
0x1d8: {  	[sflag:s3] =	ssyncset.done $0x0  }
0x1d9: {  	[sflag:s3] =	ssyncadd.s32 $0xFFFFFE70  }
0x1da: {  	[tilespmem:s5], [sflag:$0x1] =	stream.indirect.gather [hbm4b:s4+s5], $0x80, s2, s5, $0xb8;
	[tilespmem:$0xC990] =	vst v63  }
0x1db: {  	_ =	swait.ge [sflag:s6], $0xC800  }
0x1dc: {  	[sflag:s6] =	ssyncset.done $0x0  }
0x1dd: {  	s0 =	rddreg [dreg:$0x19];
	[sflag:s6] =	ssyncadd.s32 $0xFFFF3800  }
0x1de: {  	[hbm4b:s0+s2] =	stream.linear.scatter [tilespmem:s5], [sflag:$0x2], $0xC800, $0x38;
	[tilespmem:$0xC990] =	vst v63  }
0x1df: {  	_ =	swait.ge [sflag:s3], $0xC800  }
0x1e0: {  	[sflag:s3] =	ssyncset.done $0x0  }
0x1e1: {  	s0 =	rddreg [dreg:$0x1a];
	[sflag:s3] =	ssyncadd.s32 $0xFFFF3800  }
0x1e2: {  	[tilespmem:s2], [sflag:$0x2] =	stream.linear.gather [hbm4b:s0+s2], $0x190, $0x38;
	[tilespmem:$0xC990] =	vst v63  }
0x1e3: {  	_ =	swait.ge [sflag:s3], $0x190  }
0x1e4: {  	[sflag:s3] =	ssyncset.done $0x0  }
0x1e5: {  	[sflag:s3] =	ssyncadd.s32 $0xFFFFFE70  }
0x1e6: {  	[tilespmem:s5], [sflag:$0x1] =	stream.indirect.gather [hbm4b:s4+s5], $0x80, s2, s5, $0xb8;
	[tilespmem:$0xC990] =	vst v63  }
0x1e7: {  	_ =	swait.ge [sflag:s6], $0xC800  }
0x1e8: {  	[sflag:s6] =	ssyncset.done $0x0  }
0x1e9: {  	s0 =	rddreg [dreg:$0x1b];
	[sflag:s6] =	ssyncadd.s32 $0xFFFF3800  }
0x1ea: {  	[hbm4b:s0+s2] =	stream.linear.scatter [tilespmem:s5], [sflag:$0x2], $0xC800, $0x38;
	[tilespmem:$0xC990] =	vst v63  }
0x1eb: {  	_ =	swait.ge [sflag:s3], $0xC800  }
0x1ec: {  	[sflag:s3] =	ssyncset.done $0x0  }
0x1ed: {  	[sflag:s3] =	ssyncadd.s32 $0xFFFF3800  }
0x1ee: {  	[tilespmem:s2], [sflag:$0x2] =	stream.linear.gather [hbm4b:s7+s2], $0x190, $0x38;
	[tilespmem:$0xC990] =	vst v63  }
0x1ef: {  	_ =	swait.ge [sflag:s3], $0x190  }
0x1f0: {  	[sflag:s3] =	ssyncset.done $0x0  }
0x1f1: {  	[sflag:s3] =	ssyncadd.s32 $0xFFFFFE70  }
0x1f2: {  	[tilespmem:s5], [sflag:$0x1] =	stream.indirect.gather [hbm4b:s4+s5], $0x80, s2, s5, $0xb8;
	[tilespmem:$0xC990] =	vst v63  }
0x1f3: {  	_ =	swait.ge [sflag:s6], $0xC800  }
0x1f4: {  	[sflag:s6] =	ssyncset.done $0x0  }
0x1f5: {  	[sflag:s6] =	ssyncadd.s32 $0xFFFF3800  }
0x1f6: {  	[hbm4b:s8+s2] =	stream.linear.scatter [tilespmem:s5], [sflag:$0x2], $0xC800, $0x38;
	[tilespmem:$0xC990] =	vst v63  }
0x1f7: {  	_ =	swait.ge [sflag:s3], $0xC800  }
0x1f8: {  	[sflag:s3] =	ssyncset.done $0x0  }
0x1f9: {  	[sflag:s3] =	ssyncadd.s32 $0xFFFF3800  }
0x1fa: {  	[tilespmem:s2], [sflag:$0x2] =	stream.linear.gather [hbm4b:s9+s2], $0x190, $0x38;
	[tilespmem:$0xC990] =	vst v63  }
0x1fb: {  	_ =	swait.ge [sflag:s3], $0x190  }
0x1fc: {  	[sflag:s3] =	ssyncset.done $0x0  }
0x1fd: {  	[sflag:s3] =	ssyncadd.s32 $0xFFFFFE70  }
0x1fe: {  	[tilespmem:s5], [sflag:$0x1] =	stream.indirect.gather [hbm4b:s4+s5], $0x80, s2, s5, $0xb8;
	[tilespmem:$0xC990] =	vst v63  }
0x1ff: {  	_ =	swait.ge [sflag:s6], $0xC800  }
0x200: {  	[sflag:s6] =	ssyncset.done $0x0  }
0x201: {  	[sflag:s6] =	ssyncadd.s32 $0xFFFF3800  }
0x202: {  	[hbm4b:s10+s2] =	stream.linear.scatter [tilespmem:s5], [sflag:$0x2], $0xC800, $0x38;
	[tilespmem:$0xC990] =	vst v63  }
0x203: {  	_ =	swait.ge [sflag:s3], $0xC800  }
0x204: {  	[sflag:s3] =	ssyncset.done $0x0  }
0x205: {  	[sflag:s3] =	ssyncadd.s32 $0xFFFF3800  }
0x206: {  	[tilespmem:s2], [sflag:$0x2] =	stream.linear.gather [hbm4b:s11+s2], $0x190, $0x38;
	[tilespmem:$0xC990] =	vst v63  }
0x207: {  	_ =	swait.ge [sflag:s3], $0x190  }
0x208: {  	[sflag:s3] =	ssyncset.done $0x0  }
0x209: {  	[sflag:s3] =	ssyncadd.s32 $0xFFFFFE70  }
0x20a: {  	[tilespmem:s5], [sflag:$0x1] =	stream.indirect.gather [hbm4b:s4+s5], $0x80, s2, s5, $0xb8;
	[tilespmem:$0xC990] =	vst v63  }
0x20b: {  	_ =	swait.ge [sflag:s6], $0xC800  }
0x20c: {  	[sflag:s6] =	ssyncset.done $0x0  }
0x20d: {  	[sflag:s6] =	ssyncadd.s32 $0xFFFF3800  }
0x20e: {  	[hbm4b:s12+s2] =	stream.linear.scatter [tilespmem:s5], [sflag:$0x2], $0xC800, $0x38;
	[tilespmem:$0xC990] =	vst v63  }
0x20f: {  	_ =	swait.ge [sflag:s3], $0xC800  }
0x210: {  	[sflag:s3] =	ssyncset.done $0x0  }
0x211: {  	[sflag:s3] =	ssyncadd.s32 $0xFFFF3800  }
0x212: {  	[tilespmem:s2], [sflag:$0x2] =	stream.linear.gather [hbm4b:s13+s2], $0x190, $0x38;
	[tilespmem:$0xC990] =	vst v63  }
0x213: {  	_ =	swait.ge [sflag:s3], $0x190  }
0x214: {  	[sflag:s3] =	ssyncset.done $0x0  }
0x215: {  	[sflag:s3] =	ssyncadd.s32 $0xFFFFFE70  }
0x216: {  	[tilespmem:s5], [sflag:$0x1] =	stream.indirect.gather [hbm4b:s4+s5], $0x80, s2, s5, $0xb8;
	[tilespmem:$0xC990] =	vst v63  }
0x217: {  	_ =	swait.ge [sflag:s6], $0xC800  }
0x218: {  	[sflag:s6] =	ssyncset.done $0x0  }
0x219: {  	[sflag:s6] =	ssyncadd.s32 $0xFFFF3800  }
0x21a: {  	[hbm4b:s14+s2] =	stream.linear.scatter [tilespmem:s5], [sflag:$0x2], $0xC800, $0x38;
	[tilespmem:$0xC990] =	vst v63  }
0x21b: {  	_ =	swait.ge [sflag:s3], $0xC800  }
0x21c: {  	[sflag:s3] =	ssyncset.done $0x0  }
0x21d: {  	[sflag:s3] =	ssyncadd.s32 $0xFFFF3800  }
0x21e: {  	[tilespmem:s2], [sflag:$0x2] =	stream.linear.gather [hbm4b:s15+s2], $0x190, $0x38;
	[tilespmem:$0xC990] =	vst v63  }
0x21f: {  	_ =	swait.ge [sflag:s3], $0x190  }
0x220: {  	[sflag:s3] =	ssyncset.done $0x0  }
0x221: {  	[sflag:s3] =	ssyncadd.s32 $0xFFFFFE70  }
0x222: {  	[tilespmem:s5], [sflag:$0x1] =	stream.indirect.gather [hbm4b:s4+s5], $0x80, s2, s5, $0xb8;
	[tilespmem:$0xC990] =	vst v63  }
0x223: {  	_ =	swait.ge [sflag:s6], $0xC800  }
0x224: {  	[sflag:s6] =	ssyncset.done $0x0  }
0x225: {  	[sflag:s6] =	ssyncadd.s32 $0xFFFF3800  }
0x226: {  	[hbm4b:s16+s2] =	stream.linear.scatter [tilespmem:s5], [sflag:$0x2], $0xC800, $0x38;
	[tilespmem:$0xC990] =	vst v63  }
0x227: {  	_ =	swait.ge [sflag:s3], $0xC800  }
0x228: {  	[sflag:s3] =	ssyncset.done $0x0  }
0x229: {  	[sflag:s3] =	ssyncadd.s32 $0xFFFF3800  }
0x22a: {  	[tilespmem:s2], [sflag:$0x2] =	stream.linear.gather [hbm4b:s17+s2], $0x190, $0x38;
	[tilespmem:$0xC990] =	vst v63  }
0x22b: {  	_ =	swait.ge [sflag:s3], $0x190  }
0x22c: {  	[sflag:s3] =	ssyncset.done $0x0  }
0x22d: {  	[sflag:s3] =	ssyncadd.s32 $0xFFFFFE70  }
0x22e: {  	[tilespmem:s5], [sflag:$0x1] =	stream.indirect.gather [hbm4b:s4+s5], $0x80, s2, s5, $0xb8;
	[tilespmem:$0xC990] =	vst v63  }
0x22f: {  	_ =	swait.ge [sflag:s6], $0xC800  }
0x230: {  	[sflag:s6] =	ssyncset.done $0x0  }
0x231: {  	[sflag:s6] =	ssyncadd.s32 $0xFFFF3800  }
0x232: {  	[hbm4b:s18+s2] =	stream.linear.scatter [tilespmem:s5], [sflag:$0x2], $0xC800, $0x38;
	[tilespmem:$0xC990] =	vst v63  }
0x233: {  	_ =	swait.ge [sflag:s3], $0xC800  }
0x234: {  	[sflag:s3] =	ssyncset.done $0x0  }
0x235: {  	[sflag:s3] =	ssyncadd.s32 $0xFFFF3800  }
0x236: {  	[tilespmem:s2], [sflag:$0x2] =	stream.linear.gather [hbm4b:s19+s2], $0x190, $0x38;
	[tilespmem:$0xC990] =	vst v63  }
0x237: {  	_ =	swait.ge [sflag:s3], $0x190  }
0x238: {  	[sflag:s3] =	ssyncset.done $0x0  }
0x239: {  	[sflag:s3] =	ssyncadd.s32 $0xFFFFFE70  }
0x23a: {  	[tilespmem:s5], [sflag:$0x1] =	stream.indirect.gather [hbm4b:s4+s5], $0x80, s2, s5, $0xb8;
	[tilespmem:$0xC990] =	vst v63  }
0x23b: {  	_ =	swait.ge [sflag:s6], $0xC800  }
0x23c: {  	[sflag:s6] =	ssyncset.done $0x0  }
0x23d: {  	[sflag:s6] =	ssyncadd.s32 $0xFFFF3800  }
0x23e: {  	[hbm4b:s20+s2] =	stream.linear.scatter [tilespmem:s5], [sflag:$0x2], $0xC800, $0x38;
	[tilespmem:$0xC990] =	vst v63  }
0x23f: {  	_ =	swait.ge [sflag:s3], $0xC800  }
0x240: {  	[sflag:s3] =	ssyncset.done $0x0  }
0x241: {  	[sflag:s3] =	ssyncadd.s32 $0xFFFF3800  }
0x242: {  	[tilespmem:s2], [sflag:$0x2] =	stream.linear.gather [hbm4b:s21+s2], $0x190, $0x38;
	[tilespmem:$0xC990] =	vst v63  }
0x243: {  	_ =	swait.ge [sflag:s3], $0x190  }
0x244: {  	[sflag:s3] =	ssyncset.done $0x0  }
0x245: {  	[sflag:s3] =	ssyncadd.s32 $0xFFFFFE70  }
0x246: {  	[tilespmem:s5], [sflag:$0x1] =	stream.indirect.gather [hbm4b:s4+s5], $0x80, s2, s5, $0xb8;
	[tilespmem:$0xC990] =	vst v63  }
0x247: {  	_ =	swait.ge [sflag:s6], $0xC800  }
0x248: {  	[sflag:s6] =	ssyncset.done $0x0  }
0x249: {  	[sflag:s6] =	ssyncadd.s32 $0xFFFF3800  }
0x24a: {  	[hbm4b:s22+s2] =	stream.linear.scatter [tilespmem:s5], [sflag:$0x2], $0xC800, $0x38;
	[tilespmem:$0xC990] =	vst v63  }
0x24b: {  	_ =	swait.ge [sflag:s3], $0xC800  }
0x24c: {  	[sflag:s3] =	ssyncset.done $0x0  }
0x24d: {  	[sflag:s3] =	ssyncadd.s32 $0xFFFF3800  }
0x24e: {  	[tilespmem:s2], [sflag:$0x2] =	stream.linear.gather [hbm4b:s23+s2], $0x190, $0x38;
	[tilespmem:$0xC990] =	vst v63  }
0x24f: {  	_ =	swait.ge [sflag:s3], $0x190  }
0x250: {  	[sflag:s3] =	ssyncset.done $0x0  }
0x251: {  	[sflag:s3] =	ssyncadd.s32 $0xFFFFFE70  }
0x252: {  	[tilespmem:s5], [sflag:$0x1] =	stream.indirect.gather [hbm4b:s4+s5], $0x80, s2, s5, $0xb8;
	[tilespmem:$0xC990] =	vst v63  }
0x253: {  	_ =	swait.ge [sflag:s6], $0xC800  }
0x254: {  	[sflag:s6] =	ssyncset.done $0x0  }
0x255: {  	[sflag:s6] =	ssyncadd.s32 $0xFFFF3800  }
0x256: {  	[hbm4b:s24+s2] =	stream.linear.scatter [tilespmem:s5], [sflag:$0x2], $0xC800, $0x38;
	[tilespmem:$0xC990] =	vst v63  }
0x257: {  	_ =	swait.ge [sflag:s3], $0xC800  }
0x258: {  	[sflag:s3] =	ssyncset.done $0x0  }
0x259: {  	[sflag:s3] =	ssyncadd.s32 $0xFFFF3800  }
0x25a: {  	[tilespmem:s2], [sflag:$0x2] =	stream.linear.gather [hbm4b:s25+s2], $0x190, $0x38;
	[tilespmem:$0xC990] =	vst v63  }
0x25b: {  	_ =	swait.ge [sflag:s3], $0x190  }
0x25c: {  	[sflag:s3] =	ssyncset.done $0x0  }
0x25d: {  	[sflag:s3] =	ssyncadd.s32 $0xFFFFFE70  }
0x25e: {  	[tilespmem:s5], [sflag:$0x1] =	stream.indirect.gather [hbm4b:s4+s5], $0x80, s2, s5, $0xb8;
	[tilespmem:$0xC990] =	vst v63  }
0x25f: {  	_ =	swait.ge [sflag:s6], $0xC800  }
0x260: {  	[sflag:s6] =	ssyncset.done $0x0  }
0x261: {  	[sflag:s6] =	ssyncadd.s32 $0xFFFF3800  }
0x262: {  	[hbm4b:s26+s2] =	stream.linear.scatter [tilespmem:s5], [sflag:$0x2], $0xC800, $0x38;
	[tilespmem:$0xC990] =	vst v63  }
0x263: {  	_ =	swait.ge [sflag:s3], $0xC800  }
0x264: {  	[sflag:s3] =	ssyncset.done $0x0  }
0x265: {  	[sflag:s3] =	ssyncadd.s32 $0xFFFF3800  }
0x266: {  	[tilespmem:s2], [sflag:$0x2] =	stream.linear.gather [hbm4b:s28+s2], $0x190, $0x38;
	[tilespmem:$0xC990] =	vst v63  }
0x267: {  	_ =	swait.ge [sflag:s3], $0x190  }
0x268: {  	[sflag:s3] =	ssyncset.done $0x0  }
0x269: {  	[sflag:s3] =	ssyncadd.s32 $0xFFFFFE70  }
0x26a: {  	[tilespmem:s5], [sflag:$0x1] =	stream.indirect.gather [hbm4b:s4+s5], $0x80, s2, s5, $0xb8;
	[tilespmem:$0xC990] =	vst v63  }
0x26b: {  	_ =	swait.ge [sflag:s6], $0xC800  }
0x26c: {  	[sflag:s6] =	ssyncset.done $0x0  }
0x26d: {  	[sflag:s6] =	ssyncadd.s32 $0xFFFF3800  }
0x26e: {  	[hbm4b:s29+s2] =	stream.linear.scatter [tilespmem:s5], [sflag:$0x2], $0xC800, $0x38;
	[tilespmem:$0xC990] =	vst v63  }
0x26f: {  	_ =	swait.ge [sflag:s3], $0xC800  }
0x270: {  	[sflag:s3] =	ssyncset.done $0x0  }
0x271: {  	[sflag:s3] =	ssyncadd.s32 $0xFFFF3800  }
0x272: {  	[tilespmem:s2], [sflag:$0x2] =	stream.linear.gather [hbm4b:s30+s2], $0x190, $0x38;
	[tilespmem:$0xC990] =	vst v63  }
0x273: {  	_ =	swait.ge [sflag:s3], $0x190  }
0x274: {  	[sflag:s3] =	ssyncset.done $0x0  }
0x275: {  	p0 =	sne.s32 s1, $0x1;
	[sflag:s3] =	ssyncadd.s32 $0xFFFFFE70  }
0x276: {  	[tilespmem:s5], [sflag:$0x1] =	stream.indirect.gather [hbm4b:s4+s5], $0x80, s2, s5, $0xb8;
	[tilespmem:$0xC990] =	vst v63  }
.Ltmp1:
0x277: {  	_ =	swait.ge [sflag:s6], $0xC800;
	(pc) =	sbr.rel @p0 .LBB2_1-.Ltmp1, $4  }
0x278: {  	[sflag:s6] =	ssyncset.done $0x0  }
0x279: {  	[sflag:s6] =	ssyncadd.s32 $0xFFFF3800  }
0x27a: {  	[hbm4b:s31+s2] =	stream.linear.scatter [tilespmem:s5], [sflag:$0x2], $0xC800, $0x38;
	[tilespmem:$0xC990] =	vst v63  }
0x27b: {  	s1 =	sadd.s32 $0xFFFFFFFF, s1;
	_ =	swait.ge [sflag:s3], $0xC800  }
.LBB2_2:
0x27c: {  	[sflag:s3] =	ssyncset.done $0x0  }
0x27d: {  	[sflag:s3] =	ssyncadd.s32 $0xFFFF3800  }
0x27e: {  	_ =	sfence.sel $0x180000  }
0x27f: {  	[bflag:$0x0] =	sbarrier.arrive $0xFFFF  }
0x280: {  	_ =	strace $0x9000004A  }
0x281: {  	s0 =	stileid.u32;
	[bflag:$0x2] =	sbarrier.arrive $0xFFFF  }
0x282: {  	p0 =	sne.s32 s0, $0x0;
	s0 =	rddreg [dreg:$0x1]  }
0x283: {  	s0 =	sadd.s32 @!p0 $0x100000, s0  }
0x284: {  	[sflag:s0] =	ssyncadd.tile.s32 @!p0 $0x1;
	_ =	shalt  }
.Lfunc_end2:
_tile_overlayer_lowered:
.L_overlay_start_2:
0x285: {  	(tag) =	ssettag $0x2  }
0x286: {  	s0 =	rddreg [dreg:$0x0];
	s2 =	stileid.u32  }
0x287: {  	s1 =	rddreg [dreg:$0x1];
	p0 =	sne.s32 s2, $0x0  }
0x288: {  	s3 =	rddreg [dreg:$0x2];
	[bflag:$0x3] =	sbarrier.arrive $0xFFFF;
	s2 =	simm.s32 @!p0 $0x1C02  }
0x289: {  	[timem:s3], [sflag:s2] =	dma.local @!p0 [hbm:s0], s1  }
0x28a: {  	s0 =	simm.s32 @!p0 $0x2  }
0x28b: {  	_ =	swait.ge @!p0 [sflag:s0], s1  }
0x28c: {  	s1 =	ssub.s32 @!p0 $0x0, s1;
	[sflag:s0] =	ssyncset.done @!p0 $0x0  }
0x28d: {  	[sflag:s0] =	ssyncadd.s32 @!p0 s1  }
0x28e: {  	[bflag:$0x3] =	sbarrier.arrive $0xFFFF  }
0x28f: {  	_ =	shalt  }

</sc_bundles>
